<compile_context>
chip_gen: v7x
topology: tpu7x:2x2x1
jax: 0.10.2.dev20260603
libtpu: 0.0.44.dev20260713+nightly
codegen_flags: <defaults>
</compile_context>

<pallas_src>
import jax
import jax.numpy as jnp
from jax import lax
from jax.experimental import pallas as pl
from jax.experimental.pallas import tpu as pltpu
from jax.experimental.pallas import tpu_sc as plsc

NC = 2
NS = 16
LANE = 16
CHUNK = 64


def _round_up(x, m):
    return (x + m - 1) // m * m


def _sc_mesh():
    return plsc.VectorSubcoreMesh(
        core_axis_name="c", subcore_axis_name="s", num_cores=NC,
        num_subcores=NS)


def _deg_remap_call(src3, dst3, n_deg, trash):
    n_chunks = src3.shape[1]
    nz = n_deg // NS

    def body(src_hbm, dst_hbm, deg_hbm, rmp_hbm,
             src_v, dst_v, val_v, rmp_v, buf_v, dsem, deg_sp):
        c = lax.axis_index("c")
        s = lax.axis_index("s")
        t = c * NS + s
        pltpu.sync_copy(src_hbm.at[t], src_v)
        pltpu.sync_copy(dst_hbm.at[t], dst_v)

        def zstep(i, _):
            buf_v[pl.ds(i * LANE, LANE)] = jnp.zeros((LANE,), jnp.float32)
            return 0
        lax.fori_loop(0, nz // LANE, zstep, 0)
        pltpu.sync_copy(buf_v, deg_sp.at[pl.ds(s * nz, nz)])
        plsc.subcore_barrier()

        def cstep(j, _):
            for u in range(CHUNK // LANE):
                sj = src_v[j, pl.ds(u * LANE, LANE)]
                dj = dst_v[j, pl.ds(u * LANE, LANE)]
                m = sj != dj
                val_v[j, pl.ds(u * LANE, LANE)] = jnp.where(m, 1.0, 0.0)
                rmp_v[j, pl.ds(u * LANE, LANE)] = jnp.where(m, dj, trash)
            return 0
        lax.fori_loop(0, n_chunks, cstep, 0)

        def fire(j, _):
            pltpu.async_copy(val_v.at[j], deg_sp.at[src_v.at[j]], dsem,
                             add=True)
            return 0
        lax.fori_loop(0, n_chunks, fire, 0)

        def drain(j, _):
            pltpu.make_async_copy(val_v.at[j], deg_sp.at[src_v.at[j]],
                                  dsem).wait()
            return 0
        lax.fori_loop(0, n_chunks, drain, 0)
        plsc.subcore_barrier()

        pltpu.sync_copy(rmp_v, rmp_hbm.at[t])
        pltpu.sync_copy(deg_sp.at[pl.ds(s * nz, nz)], buf_v)
        pltpu.sync_copy(buf_v, deg_hbm.at[c, pl.ds(s * nz, nz)])

    f = pl.kernel(
        body,
        out_type=(
            jax.ShapeDtypeStruct((NC, n_deg), jnp.float32),
            jax.ShapeDtypeStruct(src3.shape, jnp.int32),
        ),
        mesh=_sc_mesh(),
        scratch_types=(
            pltpu.VMEM((n_chunks, CHUNK), jnp.int32),
            pltpu.VMEM((n_chunks, CHUNK), jnp.int32),
            pltpu.VMEM((n_chunks, CHUNK), jnp.float32),
            pltpu.VMEM((n_chunks, CHUNK), jnp.int32),
            pltpu.VMEM((nz,), jnp.float32),
            pltpu.SemaphoreType.DMA,
            pltpu.VMEM_SHARED((n_deg,), jnp.float32),
        ),
    )
    return f(src3, dst3)


def _prescale_call(degt, h, bn):
    n, d = h.shape
    dh = d // 2

    def body(deg_ref, h_ref, hs_ref):
        dsum = deg_ref[:, 0:1] + deg_ref[:, 1:2]
        dis = jnp.where(dsum > 0, lax.rsqrt(dsum), 0.0)
        hs = h_ref[...] * dis
        hs_ref[0] = hs[:, :dh]
        hs_ref[1] = hs[:, dh:]

    return pl.pallas_call(
        body,
        grid=(n // bn,),
        in_specs=[
            pl.BlockSpec((bn, 2), lambda i: (i, 0)),
            pl.BlockSpec((bn, d), lambda i: (i, 0)),
        ],
        out_specs=pl.BlockSpec((2, bn, dh), lambda i: (0, i, 0)),
        out_shape=jax.ShapeDtypeStruct((2, n, dh), jnp.float32),
    )(degt, h)


CHUNK2 = 32


def _edge_scatter_call(hs, src2, rmp3, acc_rows):
    tile_e = src2.shape[1]
    n_chunks = tile_e // CHUNK2
    n_pairs = n_chunks // 2
    dh = hs.shape[2]
    nz = acc_rows // NS

    def body(hs_hbm, src_hbm, rmp_hbm, out_hbm,
             src_v, rmp_v, row_a, row_b, row_c, row_d,
             gsa, gsb, gsc, gsd, ssa, ssb, ssc, ssd, acc_sp):
        c = lax.axis_index("c")
        s = lax.axis_index("s")
        table = hs_hbm.at[c]
        pltpu.sync_copy(src_hbm.at[s], src_v)
        pltpu.sync_copy(rmp_hbm.at[s], rmp_v)

        def sidx(j):
            return rmp_v.at[pl.ds(j * CHUNK2, CHUNK2)]

        def zstep(r, _):
            for u in range(dh // LANE):
                row_a[r, pl.ds(u * LANE, LANE)] = jnp.zeros((LANE,),
                                                            jnp.float32)
            return 0
        lax.fori_loop(0, CHUNK2, zstep, 0)
        off = 0
        while off < nz:
            sz = min(CHUNK2, nz - off)
            pltpu.sync_copy(row_a.at[pl.ds(0, sz)],
                            acc_sp.at[pl.ds(s * nz + off, sz)])
            off += sz
        plsc.subcore_barrier()

        def gidx(j):
            return src_v.at[pl.ds(j * CHUNK2, CHUNK2)]

        pltpu.async_copy(table.at[gidx(0)], row_a, gsa)
        pltpu.async_copy(table.at[gidx(1)], row_b, gsb)
        pltpu.async_copy(table.at[gidx(2)], row_c, gsc)
        ring = ((row_a, gsa, ssa), (row_b, gsb, ssb),
                (row_c, gsc, ssc), (row_d, gsd, ssd))

        def step(q, _):
            j0 = 4 * q
            for k in range(4):
                j = j0 + k
                buf, gsem, ssem = ring[k]
                pbuf, pgsem, pssem = ring[(k + 3) % 4]
                pltpu.make_async_copy(table.at[gidx(j)], buf, gsem).wait()
                pltpu.async_copy(buf, acc_sp.at[sidx(j)], ssem, add=True)

                @pl.when(j >= 1)
                def _():
                    pltpu.make_async_copy(pbuf, acc_sp.at[sidx(j - 1)],
                                          pssem).wait()

                @pl.when(j + 3 < n_chunks)
                def _():
                    pltpu.async_copy(table.at[gidx(j + 3)], pbuf, pgsem)
            return 0
        lax.fori_loop(0, n_chunks // 4, step, 0)
        pltpu.make_async_copy(row_d, acc_sp.at[sidx(n_chunks - 1)],
                              ssd).wait()
        plsc.subcore_barrier()

        off = 0
        while off < nz:
            sz = min(CHUNK2, nz - off)
            pltpu.sync_copy(acc_sp.at[pl.ds(s * nz + off, sz)],
                            row_a.at[pl.ds(0, sz)])
            pltpu.sync_copy(row_a.at[pl.ds(0, sz)],
                            out_hbm.at[c, pl.ds(s * nz + off, sz)])
            off += sz

    f = pl.kernel(
        body,
        out_type=jax.ShapeDtypeStruct((NC, acc_rows, dh), jnp.float32),
        mesh=_sc_mesh(),
        scratch_types=(
            pltpu.VMEM((tile_e,), jnp.int32),
            pltpu.VMEM((tile_e,), jnp.int32),
            pltpu.VMEM((CHUNK2, dh), jnp.float32),
            pltpu.VMEM((CHUNK2, dh), jnp.float32),
            pltpu.VMEM((CHUNK2, dh), jnp.float32),
            pltpu.VMEM((CHUNK2, dh), jnp.float32),
            pltpu.SemaphoreType.DMA,
            pltpu.SemaphoreType.DMA,
            pltpu.SemaphoreType.DMA,
            pltpu.SemaphoreType.DMA,
            pltpu.SemaphoreType.DMA,
            pltpu.SemaphoreType.DMA,
            pltpu.SemaphoreType.DMA,
            pltpu.SemaphoreType.DMA,
            pltpu.VMEM_SHARED((acc_rows, dh), jnp.float32),
        ),
    )
    return f(hs, src2, rmp3)


def _dense_call(degt, nf, h, c, acc2, Wcat, T0cat, T1cat, bias, wc3,
                Wl, bl, bn):
    n, d = nf.shape
    d4 = 4 * d
    dh = d // 2

    def body(deg_ref, nf_ref, h_ref, c_ref, a_ref, wc_ref, t0_ref,
             t1_ref, bias_ref, wc3_ref, wl_ref, bl_ref,
             z_ref, hn_ref, cn_ref):
        dsum = deg_ref[:, 0:1] + deg_ref[:, 1:2]
        dis = jnp.where(dsum > 0, lax.rsqrt(dsum), 0.0)
        acc = jnp.concatenate([a_ref[0], a_ref[1]], axis=1)
        tx1 = acc * (-dis)
        P = jnp.dot(nf_ref[...], wc_ref[...],
                    preferred_element_type=jnp.float32)
        P = P + jnp.dot(h_ref[...], t0_ref[...],
                        preferred_element_type=jnp.float32)
        P = P + jnp.dot(tx1, t1_ref[...], preferred_element_type=jnp.float32)
        P = P + bias_ref[...]
        cb = c_ref[...]
        I = jax.nn.sigmoid(P[:, 0:d] + wc3_ref[0:1, :] * cb)
        F = jax.nn.sigmoid(P[:, d:2 * d] + wc3_ref[1:2, :] * cb)
        T = jnp.tanh(P[:, 2 * d:3 * d])
        Cn = F * cb + I * T
        O = jax.nn.sigmoid(P[:, 3 * d:4 * d] + wc3_ref[2:3, :] * Cn)
        Hn = O * jnp.tanh(Cn)
        z_ref[...] = jnp.dot(jnp.maximum(Hn, 0.0), wl_ref[...],
                             preferred_element_type=jnp.float32) + bl_ref[...]
        hn_ref[...] = Hn
        cn_ref[...] = Cn

    return pl.pallas_call(
        body,
        grid=(n // bn,),
        in_specs=[
            pl.BlockSpec((bn, 2), lambda i: (i, 0)),
            pl.BlockSpec((bn, d), lambda i: (i, 0)),
            pl.BlockSpec((bn, d), lambda i: (i, 0)),
            pl.BlockSpec((bn, d), lambda i: (i, 0)),
            pl.BlockSpec((2, bn, dh), lambda i: (0, i, 0)),
            pl.BlockSpec((d, d4), lambda i: (0, 0)),
            pl.BlockSpec((d, d4), lambda i: (0, 0)),
            pl.BlockSpec((d, d4), lambda i: (0, 0)),
            pl.BlockSpec((1, d4), lambda i: (0, 0)),
            pl.BlockSpec((3, d), lambda i: (0, 0)),
            pl.BlockSpec((d, d), lambda i: (0, 0)),
            pl.BlockSpec((1, d), lambda i: (0, 0)),
        ],
        out_specs=[pl.BlockSpec((bn, d), lambda i: (i, 0))] * 3,
        out_shape=[jax.ShapeDtypeStruct((n, d), jnp.float32)] * 3,
    )(degt, nf, h, c, acc2, Wcat, T0cat, T1cat, bias, wc3, Wl, bl)


def kernel(node_feat, src, dst, h, c, params):
    n, d = node_feat.shape
    e = src.shape[0]
    p = params

    e_pad = _round_up(e, NC * NS * CHUNK)
    pad = e_pad - e
    srcp = jnp.concatenate([src.astype(jnp.int32),
                            jnp.zeros((pad,), jnp.int32)])
    dstp = jnp.concatenate([dst.astype(jnp.int32),
                            jnp.zeros((pad,), jnp.int32)])
    src1 = srcp.reshape(NC * NS, -1, CHUNK)
    dst1 = dstp.reshape(NC * NS, -1, CHUNK)

    n_deg = _round_up(n, NS * LANE)
    acc_rows = _round_up(n + 1, NS * 8)
    trash = n

    deg_part, rmp1 = _deg_remap_call(src1, dst1, n_deg, trash)
    degt = deg_part.T

    bn = 1000
    hs = _prescale_call(degt, h, bn)

    src2 = srcp.reshape(NS, -1)
    rmp2 = rmp1.reshape(NS, -1)
    acc2 = _edge_scatter_call(hs, src2, rmp2, acc_rows)

    Wcat = jnp.concatenate([p["W_" + g] for g in "ifco"], axis=1)
    T0cat = jnp.concatenate([p["T0_" + g] for g in "ifco"], axis=1)
    T1cat = jnp.concatenate([p["T1_" + g] for g in "ifco"], axis=1)
    bias = jnp.concatenate([p["bc_" + g] + p["b_" + g][0]
                            for g in "ifco"])[None, :]
    wc3 = jnp.concatenate([p["wc_i"], p["wc_f"], p["wc_o"]], axis=0)
    bl = p["b_lin"][None, :]

    return _dense_call(degt, node_feat, h, c, acc2, Wcat, T0cat, T1cat,
                       bias, wc3, p["W_lin"], bl, bn)

# --- scband reference (transcript-rebuilt; emitter-appended) ---
"""Pipeline reference for scband-recurrent-gcn-31447750541750 (READ-ONLY COPY).

The authoritative reference and input builder live on the scoring server;
editing this copy changes nothing except your own understanding.
"""

import jax, jax.numpy as jnp
import numpy as np

N = 10000
E = 160000
D = 256


def setup_inputs(seed: int = 0) -> dict:
    key = jax.random.key(seed)
    ks = jax.random.split(key, 64)
    it = iter(range(64))

    def nrm(shape, scale=1.0):
        return jax.random.normal(ks[next(it)], shape, dtype=jnp.float32) * scale

    node_feat = nrm((N, D))
    src = jax.random.randint(ks[next(it)], (E,), 0, N)
    dst = jax.random.randint(ks[next(it)], (E,), 0, N)
    h = nrm((N, D))
    c = nrm((N, D))
    params = {}
    for g in ["i", "f", "c", "o"]:
        params["W_" + g] = nrm((D, D), 0.05)
        params["b_" + g] = nrm((1, D), 0.05)
        params["T0_" + g] = nrm((D, D), 0.05)
        params["T1_" + g] = nrm((D, D), 0.05)
        params["bc_" + g] = nrm((D,), 0.05)
    for g in ["i", "f", "o"]:
        params["wc_" + g] = nrm((1, D), 0.05)
    params["W_lin"] = nrm((D, D), 0.05)
    params["b_lin"] = nrm((D,), 0.05)
    return {"node_feat": node_feat, "src": src, "dst": dst, "h": h, "c": c, "params": params}


def _cheb_norm(src, dst, n):
    # ChebConv K=2 normalization, sym laplacian, lambda_max=2, no edge weights.
    # remove_self_loops -> get_laplacian(sym) -> scale 2/lambda_max -> subtract 1 on diag
    # Net effect: edge (u->v, u!=v) has norm = -deg^-1/2[u] * deg^-1/2[v]; diagonal is 0.
    mask = (src != dst).astype(jnp.float32)
    deg = jax.ops.segment_sum(mask, src, num_segments=n)
    dis = jnp.where(deg > 0, 1.0 / jnp.sqrt(deg), 0.0)
    return -(dis[src] * dis[dst]) * mask


def _cheb_conv(H, src, dst, norm, T0, T1, b):
    # out = Tx_0 @ Theta_0 + Tx_1 @ Theta_1 + bias, Tx_0 = H, Tx_1 = L_hat @ H
    out = H @ T0
    Tx1 = jax.ops.segment_sum(norm[:, None] * H[src], dst, num_segments=H.shape[0])
    return out + Tx1 @ T1 + b


def reference(node_feat, src, dst, h, c, params):
    n = node_feat.shape[0]
    norm = _cheb_norm(src, dst, n)
    p = params
    I = jax.nn.sigmoid(node_feat @ p["W_i"] + _cheb_conv(h, src, dst, norm, p["T0_i"], p["T1_i"], p["bc_i"]) + p["wc_i"] * c + p["b_i"])
    F = jax.nn.sigmoid(node_feat @ p["W_f"] + _cheb_conv(h, src, dst, norm, p["T0_f"], p["T1_f"], p["bc_f"]) + p["wc_f"] * c + p["b_f"])
    T = jnp.tanh(node_feat @ p["W_c"] + _cheb_conv(h, src, dst, norm, p["T0_c"], p["T1_c"], p["bc_c"]) + p["b_c"])
    C_new = F * c + I * T
    O = jax.nn.sigmoid(node_feat @ p["W_o"] + _cheb_conv(h, src, dst, norm, p["T0_o"], p["T1_o"], p["bc_o"]) + p["wc_o"] * C_new + p["b_o"])
    H_new = O * jnp.tanh(C_new)
    z = jax.nn.relu(H_new) @ p["W_lin"] + p["b_lin"]
    return (z, H_new, C_new)

if __name__ == "__main__":
    import jax
    _d = setup_inputs()
    print(jax.jit(kernel)(*tuple(_d.values())))

</pallas_src>

<mosaic_0001>
#map = affine_map<(d0, d1) -> (0, 0, 0)>
#map1 = affine_map<(d0, d1) -> (0, 0)>
module attributes {stable_mosaic.version = 14 : i64} {
  func.func @body(%arg0: i32, %arg1: i32, %arg2: memref<32x79x64xi32, #tpu.memory_space<hbm>>, %arg3: memref<32x79x64xi32, #tpu.memory_space<hbm>>, %arg4: memref<2x10240xf32, #tpu.memory_space<hbm>>, %arg5: memref<32x79x64xi32, #tpu.memory_space<hbm>>, %arg6: memref<79x64xi32, #tpu.memory_space<vmem>>, %arg7: memref<79x64xi32, #tpu.memory_space<vmem>>, %arg8: memref<79x64xf32, #tpu.memory_space<vmem>>, %arg9: memref<79x64xi32, #tpu.memory_space<vmem>>, %arg10: memref<640xf32, #tpu.memory_space<vmem>>, %arg11: memref<!tpu.dma_semaphore, #tpu.memory_space<semaphore_mem>>, %arg12: memref<10240xf32, #tpu.memory_space<vmem_shared>>) attributes {dimension_semantics = [#tpu.dimension_semantics<core_parallel>, #tpu.dimension_semantics<subcore_parallel>], iteration_bounds = array<i64: 2, 16>, scalar_prefetch = 0 : i64, scratch_operands = 7 : i64, tpu.core_type = #tpu.core_type<sc_vector_subcore>, window_params = [{transform_indices = #map}, {transform_indices = #map}, {transform_indices = #map1}, {transform_indices = #map}]} {
    %mul3A = arith.constant 16 : i32
    %mul3A_0 = arith.muli %arg0, %mul3A : i32
    %add3A = arith.addi %mul3A_0, %arg1 : i32
    "tpu.region"() ({
      %run_scoped3A = tpu.sem_alloc : memref<!tpu.dma_semaphore, #tpu.memory_space<semaphore_mem>>
      %dma_start3A = arith.constant 0 : i32
      %dma_start3A_35 = arith.constant 0 : i32
      %dma_start3A_36 = tpu.memref_slice %arg2[%add3A, %dma_start3A, %dma_start3A_35] : memref<32x79x64xi32, #tpu.memory_space<hbm>> -> memref<1x79x64xi32, #tpu.memory_space<hbm>>
      %dma_start3A_37 = tpu.memref_squeeze %dma_start3A_36 : memref<1x79x64xi32, #tpu.memory_space<hbm>> -> memref<79x64xi32, #tpu.memory_space<hbm>>
      %dma_start3A_38 = arith.constant 0 : i32
      %dma_start3A_39 = arith.constant 0 : i32
      %dma_start3A_40 = tpu.memref_slice %arg2[%add3A, %dma_start3A_38, %dma_start3A_39] : memref<32x79x64xi32, #tpu.memory_space<hbm>> -> memref<1x79x64xi32, #tpu.memory_space<hbm>>
      %dma_start3A_41 = tpu.memref_squeeze %dma_start3A_40 : memref<1x79x64xi32, #tpu.memory_space<hbm>> -> memref<79x64xi32, #tpu.memory_space<hbm>>
      tpu.enqueue_dma source(%dma_start3A_41 : memref<79x64xi32, #tpu.memory_space<hbm>>) target(%arg6 : memref<79x64xi32, #tpu.memory_space<vmem>>) target_semaphore(%run_scoped3A : memref<!tpu.dma_semaphore, #tpu.memory_space<semaphore_mem>>)
      %dma_wait3A = arith.constant 0 : i32
      %dma_wait3A_42 = arith.constant 0 : i32
      %dma_wait3A_43 = tpu.memref_slice %arg2[%add3A, %dma_wait3A, %dma_wait3A_42] : memref<32x79x64xi32, #tpu.memory_space<hbm>> -> memref<1x79x64xi32, #tpu.memory_space<hbm>>
      %dma_wait3A_44 = tpu.memref_squeeze %dma_wait3A_43 : memref<1x79x64xi32, #tpu.memory_space<hbm>> -> memref<79x64xi32, #tpu.memory_space<hbm>>
      %dma_wait3A_45 = arith.constant 0 : i32
      %dma_wait3A_46 = arith.constant 0 : i32
      %dma_wait3A_47 = tpu.memref_slice %arg2[%add3A, %dma_wait3A_45, %dma_wait3A_46] : memref<32x79x64xi32, #tpu.memory_space<hbm>> -> memref<1x79x64xi32, #tpu.memory_space<hbm>>
      %dma_wait3A_48 = tpu.memref_squeeze %dma_wait3A_47 : memref<1x79x64xi32, #tpu.memory_space<hbm>> -> memref<79x64xi32, #tpu.memory_space<hbm>>
      tpu.wait_dma2 semaphore(%run_scoped3A : memref<!tpu.dma_semaphore, #tpu.memory_space<semaphore_mem>>) src(%dma_wait3A_48 : memref<79x64xi32, #tpu.memory_space<hbm>>) dst(%arg6 : memref<79x64xi32, #tpu.memory_space<vmem>>)
      tpu.yield
    }) : () -> ()
    "tpu.region"() ({
      %run_scoped3A = tpu.sem_alloc : memref<!tpu.dma_semaphore, #tpu.memory_space<semaphore_mem>>
      %dma_start3A = arith.constant 0 : i32
      %dma_start3A_35 = arith.constant 0 : i32
      %dma_start3A_36 = tpu.memref_slice %arg3[%add3A, %dma_start3A, %dma_start3A_35] : memref<32x79x64xi32, #tpu.memory_space<hbm>> -> memref<1x79x64xi32, #tpu.memory_space<hbm>>
      %dma_start3A_37 = tpu.memref_squeeze %dma_start3A_36 : memref<1x79x64xi32, #tpu.memory_space<hbm>> -> memref<79x64xi32, #tpu.memory_space<hbm>>
      %dma_start3A_38 = arith.constant 0 : i32
      %dma_start3A_39 = arith.constant 0 : i32
      %dma_start3A_40 = tpu.memref_slice %arg3[%add3A, %dma_start3A_38, %dma_start3A_39] : memref<32x79x64xi32, #tpu.memory_space<hbm>> -> memref<1x79x64xi32, #tpu.memory_space<hbm>>
      %dma_start3A_41 = tpu.memref_squeeze %dma_start3A_40 : memref<1x79x64xi32, #tpu.memory_space<hbm>> -> memref<79x64xi32, #tpu.memory_space<hbm>>
      tpu.enqueue_dma source(%dma_start3A_41 : memref<79x64xi32, #tpu.memory_space<hbm>>) target(%arg7 : memref<79x64xi32, #tpu.memory_space<vmem>>) target_semaphore(%run_scoped3A : memref<!tpu.dma_semaphore, #tpu.memory_space<semaphore_mem>>)
      %dma_wait3A = arith.constant 0 : i32
      %dma_wait3A_42 = arith.constant 0 : i32
      %dma_wait3A_43 = tpu.memref_slice %arg3[%add3A, %dma_wait3A, %dma_wait3A_42] : memref<32x79x64xi32, #tpu.memory_space<hbm>> -> memref<1x79x64xi32, #tpu.memory_space<hbm>>
      %dma_wait3A_44 = tpu.memref_squeeze %dma_wait3A_43 : memref<1x79x64xi32, #tpu.memory_space<hbm>> -> memref<79x64xi32, #tpu.memory_space<hbm>>
      %dma_wait3A_45 = arith.constant 0 : i32
      %dma_wait3A_46 = arith.constant 0 : i32
      %dma_wait3A_47 = tpu.memref_slice %arg3[%add3A, %dma_wait3A_45, %dma_wait3A_46] : memref<32x79x64xi32, #tpu.memory_space<hbm>> -> memref<1x79x64xi32, #tpu.memory_space<hbm>>
      %dma_wait3A_48 = tpu.memref_squeeze %dma_wait3A_47 : memref<1x79x64xi32, #tpu.memory_space<hbm>> -> memref<79x64xi32, #tpu.memory_space<hbm>>
      tpu.wait_dma2 semaphore(%run_scoped3A : memref<!tpu.dma_semaphore, #tpu.memory_space<semaphore_mem>>) src(%dma_wait3A_48 : memref<79x64xi32, #tpu.memory_space<hbm>>) dst(%arg7 : memref<79x64xi32, #tpu.memory_space<vmem>>)
      tpu.yield
    }) : () -> ()
    %scan3A = arith.constant 0 : i32
    %scan3A_1 = arith.constant 0 : i32
    %scan3A_2 = arith.constant 40 : i32
    %scan3A_3 = arith.addi %scan3A_1, %scan3A_2 : i32
    %scan3A_4 = arith.constant 1 : i32
    %scan3A_5 = scf.for %scan3A_35 = %scan3A_1 to %scan3A_3 step %scan3A_4 iter_args(%scan3A_36 = %scan3A) -> (i32)  : i32 {
      %broadcast_in_dim3A = arith.constant 0.000000e+00 : f32
      %broadcast_in_dim3A_37 = vector.broadcast %broadcast_in_dim3A : f32 to vector<16xf32>
      %mul3A_38 = arith.constant 16 : i32
      %mul3A_39 = arith.muli %scan3A_35, %mul3A_38 : i32
      %swap3A = arith.index_cast %mul3A_39 : i32 to index
      %swap3A_40 = tpu.vector_load %arg10[%swap3A] {strides = array<i32>} : memref<640xf32, #tpu.memory_space<vmem>>, vector<16xf32>,
      %swap3A_41 = vector.shape_cast %swap3A_40 : vector<16xf32> to vector<16xf32>
      %swap3A_42 = vector.shape_cast %broadcast_in_dim3A_37 : vector<16xf32> to vector<16xf32>
      tpu.vector_store %arg10[%swap3A], %swap3A_42 {strides = array<i32>} : memref<640xf32, #tpu.memory_space<vmem>>, vector<16xf32>,
      %scan3A_43 = arith.constant 0 : i32
      scf.yield %scan3A_43 : i32
    }
    %scan3A_6 = arith.constant 40 : i32
    %mul3A_7 = arith.constant 640 : i32
    %mul3A_8 = arith.muli %arg1, %mul3A_7 : i32
    "tpu.region"() ({
      %run_scoped3A = tpu.sem_alloc : memref<!tpu.dma_semaphore, #tpu.memory_space<semaphore_mem>>
      %dma_start3A = tpu.memref_slice %arg12[%mul3A_8] : memref<10240xf32, #tpu.memory_space<vmem_shared>> -> memref<640xf32, #tpu.memory_space<vmem_shared>>
      %dma_start3A_35 = tpu.memref_slice %arg12[%mul3A_8] : memref<10240xf32, #tpu.memory_space<vmem_shared>> -> memref<640xf32, #tpu.memory_space<vmem_shared>>
      tpu.enqueue_dma source(%arg10 : memref<640xf32, #tpu.memory_space<vmem>>) target(%dma_start3A_35 : memref<640xf32, #tpu.memory_space<vmem_shared>>) target_semaphore(%run_scoped3A : memref<!tpu.dma_semaphore, #tpu.memory_space<semaphore_mem>>)
      %dma_wait3A = tpu.memref_slice %arg12[%mul3A_8] : memref<10240xf32, #tpu.memory_space<vmem_shared>> -> memref<640xf32, #tpu.memory_space<vmem_shared>>
      %dma_wait3A_36 = tpu.memref_slice %arg12[%mul3A_8] : memref<10240xf32, #tpu.memory_space<vmem_shared>> -> memref<640xf32, #tpu.memory_space<vmem_shared>>
      tpu.wait_dma2 semaphore(%run_scoped3A : memref<!tpu.dma_semaphore, #tpu.memory_space<semaphore_mem>>) src(%arg10 : memref<640xf32, #tpu.memory_space<vmem>>) dst(%dma_wait3A_36 : memref<640xf32, #tpu.memory_space<vmem_shared>>)
      tpu.yield
    }) : () -> ()
    %barrier3A = arith.constant 0 : index
    tpu.barrier barrier_id(%barrier3A)
    %scan3A_9 = arith.constant 0 : i32
    %scan3A_10 = arith.constant 0 : i32
    %scan3A_11 = arith.constant 79 : i32
    %scan3A_12 = arith.addi %scan3A_10, %scan3A_11 : i32
    %scan3A_13 = arith.constant 1 : i32
    %scan3A_14 = scf.for %scan3A_35 = %scan3A_10 to %scan3A_12 step %scan3A_13 iter_args(%scan3A_36 = %scan3A_9) -> (i32)  : i32 {
      %get3A = arith.index_cast %scan3A_35 : i32 to index
      %get3A_37 = arith.constant 0 : index
      %get3A_38 = tpu.vector_load %arg6[%get3A, %get3A_37] {strides = array<i32>} : memref<79x64xi32, #tpu.memory_space<vmem>>, vector<1x16xi32>,
      %get3A_39 = vector.shape_cast %get3A_38 : vector<1x16xi32> to vector<16xi32>
      %get3A_40 = arith.index_cast %scan3A_35 : i32 to index
      %get3A_41 = arith.constant 0 : index
      %get3A_42 = tpu.vector_load %arg7[%get3A_40, %get3A_41] {strides = array<i32>} : memref<79x64xi32, #tpu.memory_space<vmem>>, vector<1x16xi32>,
      %get3A_43 = vector.shape_cast %get3A_42 : vector<1x16xi32> to vector<16xi32>
      %ne3A = arith.cmpi ne, %get3A_39, %get3A_43 : vector<16xi32>
      %jit3A = arith.constant 1.000000e+00 : f32
      %jit3A_44 = arith.constant 0.000000e+00 : f32
      %broadcast_in_dim3A = vector.broadcast %jit3A : f32 to vector<16xf32>
      %broadcast_in_dim3A_45 = vector.broadcast %jit3A_44 : f32 to vector<16xf32>
      %select_n3A = arith.select %ne3A, %broadcast_in_dim3A, %broadcast_in_dim3A_45 : vector<16xi1>, vector<16xf32>
      %swap3A = arith.index_cast %scan3A_35 : i32 to index
      %swap3A_46 = arith.constant 0 : index
      %swap3A_47 = tpu.vector_load %arg8[%swap3A, %swap3A_46] {strides = array<i32>} : memref<79x64xf32, #tpu.memory_space<vmem>>, vector<1x16xf32>,
      %swap3A_48 = vector.shape_cast %swap3A_47 : vector<1x16xf32> to vector<16xf32>
      %swap3A_49 = vector.shape_cast %select_n3A : vector<16xf32> to vector<1x16xf32>
      tpu.vector_store %arg8[%swap3A, %swap3A_46], %swap3A_49 {strides = array<i32>} : memref<79x64xf32, #tpu.memory_space<vmem>>, vector<1x16xf32>,
      %jit3A_50 = arith.constant 10000 : i32
      %broadcast_in_dim3A_51 = vector.broadcast %jit3A_50 : i32 to vector<16xi32>
      %select_n3A_52 = arith.select %ne3A, %get3A_43, %broadcast_in_dim3A_51 : vector<16xi1>, vector<16xi32>
      %swap3A_53 = arith.index_cast %scan3A_35 : i32 to index
      %swap3A_54 = arith.constant 0 : index
      %swap3A_55 = tpu.vector_load %arg9[%swap3A_53, %swap3A_54] {strides = array<i32>} : memref<79x64xi32, #tpu.memory_space<vmem>>, vector<1x16xi32>,
      %swap3A_56 = vector.shape_cast %swap3A_55 : vector<1x16xi32> to vector<16xi32>
      %swap3A_57 = vector.shape_cast %select_n3A_52 : vector<16xi32> to vector<1x16xi32>
      tpu.vector_store %arg9[%swap3A_53, %swap3A_54], %swap3A_57 {strides = array<i32>} : memref<79x64xi32, #tpu.memory_space<vmem>>, vector<1x16xi32>,
      %get3A_58 = arith.index_cast %scan3A_35 : i32 to index
      %get3A_59 = arith.constant 16 : index
      %get3A_60 = tpu.vector_load %arg6[%get3A_58, %get3A_59] {strides = array<i32>} : memref<79x64xi32, #tpu.memory_space<vmem>>, vector<1x16xi32>,
      %get3A_61 = vector.shape_cast %get3A_60 : vector<1x16xi32> to vector<16xi32>
      %get3A_62 = arith.index_cast %scan3A_35 : i32 to index
      %get3A_63 = arith.constant 16 : index
      %get3A_64 = tpu.vector_load %arg7[%get3A_62, %get3A_63] {strides = array<i32>} : memref<79x64xi32, #tpu.memory_space<vmem>>, vector<1x16xi32>,
      %get3A_65 = vector.shape_cast %get3A_64 : vector<1x16xi32> to vector<16xi32>
      %ne3A_66 = arith.cmpi ne, %get3A_61, %get3A_65 : vector<16xi32>
      %jit3A_67 = arith.constant 1.000000e+00 : f32
      %jit3A_68 = arith.constant 0.000000e+00 : f32
      %broadcast_in_dim3A_69 = vector.broadcast %jit3A_67 : f32 to vector<16xf32>
      %broadcast_in_dim3A_70 = vector.broadcast %jit3A_68 : f32 to vector<16xf32>
      %select_n3A_71 = arith.select %ne3A_66, %broadcast_in_dim3A_69, %broadcast_in_dim3A_70 : vector<16xi1>, vector<16xf32>
      %swap3A_72 = arith.index_cast %scan3A_35 : i32 to index
      %swap3A_73 = arith.constant 16 : index
      %swap3A_74 = tpu.vector_load %arg8[%swap3A_72, %swap3A_73] {strides = array<i32>} : memref<79x64xf32, #tpu.memory_space<vmem>>, vector<1x16xf32>,
      %swap3A_75 = vector.shape_cast %swap3A_74 : vector<1x16xf32> to vector<16xf32>
      %swap3A_76 = vector.shape_cast %select_n3A_71 : vector<16xf32> to vector<1x16xf32>
      tpu.vector_store %arg8[%swap3A_72, %swap3A_73], %swap3A_76 {strides = array<i32>} : memref<79x64xf32, #tpu.memory_space<vmem>>, vector<1x16xf32>,
      %jit3A_77 = arith.constant 10000 : i32
      %broadcast_in_dim3A_78 = vector.broadcast %jit3A_77 : i32 to vector<16xi32>
      %select_n3A_79 = arith.select %ne3A_66, %get3A_65, %broadcast_in_dim3A_78 : vector<16xi1>, vector<16xi32>
      %swap3A_80 = arith.index_cast %scan3A_35 : i32 to index
      %swap3A_81 = arith.constant 16 : index
      %swap3A_82 = tpu.vector_load %arg9[%swap3A_80, %swap3A_81] {strides = array<i32>} : memref<79x64xi32, #tpu.memory_space<vmem>>, vector<1x16xi32>,
      %swap3A_83 = vector.shape_cast %swap3A_82 : vector<1x16xi32> to vector<16xi32>
      %swap3A_84 = vector.shape_cast %select_n3A_79 : vector<16xi32> to vector<1x16xi32>
      tpu.vector_store %arg9[%swap3A_80, %swap3A_81], %swap3A_84 {strides = array<i32>} : memref<79x64xi32, #tpu.memory_space<vmem>>, vector<1x16xi32>,
      %get3A_85 = arith.index_cast %scan3A_35 : i32 to index
      %get3A_86 = arith.constant 32 : index
      %get3A_87 = tpu.vector_load %arg6[%get3A_85, %get3A_86] {strides = array<i32>} : memref<79x64xi32, #tpu.memory_space<vmem>>, vector<1x16xi32>,
      %get3A_88 = vector.shape_cast %get3A_87 : vector<1x16xi32> to vector<16xi32>
      %get3A_89 = arith.index_cast %scan3A_35 : i32 to index
      %get3A_90 = arith.constant 32 : index
      %get3A_91 = tpu.vector_load %arg7[%get3A_89, %get3A_90] {strides = array<i32>} : memref<79x64xi32, #tpu.memory_space<vmem>>, vector<1x16xi32>,
      %get3A_92 = vector.shape_cast %get3A_91 : vector<1x16xi32> to vector<16xi32>
      %ne3A_93 = arith.cmpi ne, %get3A_88, %get3A_92 : vector<16xi32>
      %jit3A_94 = arith.constant 1.000000e+00 : f32
      %jit3A_95 = arith.constant 0.000000e+00 : f32
      %broadcast_in_dim3A_96 = vector.broadcast %jit3A_94 : f32 to vector<16xf32>
      %broadcast_in_dim3A_97 = vector.broadcast %jit3A_95 : f32 to vector<16xf32>
      %select_n3A_98 = arith.select %ne3A_93, %broadcast_in_dim3A_96, %broadcast_in_dim3A_97 : vector<16xi1>, vector<16xf32>
      %swap3A_99 = arith.index_cast %scan3A_35 : i32 to index
      %swap3A_100 = arith.constant 32 : index
      %swap3A_101 = tpu.vector_load %arg8[%swap3A_99, %swap3A_100] {strides = array<i32>} : memref<79x64xf32, #tpu.memory_space<vmem>>, vector<1x16xf32>,
      %swap3A_102 = vector.shape_cast %swap3A_101 : vector<1x16xf32> to vector<16xf32>
      %swap3A_103 = vector.shape_cast %select_n3A_98 : vector<16xf32> to vector<1x16xf32>
      tpu.vector_store %arg8[%swap3A_99, %swap3A_100], %swap3A_103 {strides = array<i32>} : memref<79x64xf32, #tpu.memory_space<vmem>>, vector<1x16xf32>,
      %jit3A_104 = arith.constant 10000 : i32
      %broadcast_in_dim3A_105 = vector.broadcast %jit3A_104 : i32 to vector<16xi32>
      %select_n3A_106 = arith.select %ne3A_93, %get3A_92, %broadcast_in_dim3A_105 : vector<16xi1>, vector<16xi32>
      %swap3A_107 = arith.index_cast %scan3A_35 : i32 to index
      %swap3A_108 = arith.constant 32 : index
      %swap3A_109 = tpu.vector_load %arg9[%swap3A_107, %swap3A_108] {strides = array<i32>} : memref<79x64xi32, #tpu.memory_space<vmem>>, vector<1x16xi32>,
      %swap3A_110 = vector.shape_cast %swap3A_109 : vector<1x16xi32> to vector<16xi32>
      %swap3A_111 = vector.shape_cast %select_n3A_106 : vector<16xi32> to vector<1x16xi32>
      tpu.vector_store %arg9[%swap3A_107, %swap3A_108], %swap3A_111 {strides = array<i32>} : memref<79x64xi32, #tpu.memory_space<vmem>>, vector<1x16xi32>,
      %get3A_112 = arith.index_cast %scan3A_35 : i32 to index
      %get3A_113 = arith.constant 48 : index
      %get3A_114 = tpu.vector_load %arg6[%get3A_112, %get3A_113] {strides = array<i32>} : memref<79x64xi32, #tpu.memory_space<vmem>>, vector<1x16xi32>,
      %get3A_115 = vector.shape_cast %get3A_114 : vector<1x16xi32> to vector<16xi32>
      %get3A_116 = arith.index_cast %scan3A_35 : i32 to index
      %get3A_117 = arith.constant 48 : index
      %get3A_118 = tpu.vector_load %arg7[%get3A_116, %get3A_117] {strides = array<i32>} : memref<79x64xi32, #tpu.memory_space<vmem>>, vector<1x16xi32>,
      %get3A_119 = vector.shape_cast %get3A_118 : vector<1x16xi32> to vector<16xi32>
      %ne3A_120 = arith.cmpi ne, %get3A_115, %get3A_119 : vector<16xi32>
      %jit3A_121 = arith.constant 1.000000e+00 : f32
      %jit3A_122 = arith.constant 0.000000e+00 : f32
      %broadcast_in_dim3A_123 = vector.broadcast %jit3A_121 : f32 to vector<16xf32>
      %broadcast_in_dim3A_124 = vector.broadcast %jit3A_122 : f32 to vector<16xf32>
      %select_n3A_125 = arith.select %ne3A_120, %broadcast_in_dim3A_123, %broadcast_in_dim3A_124 : vector<16xi1>, vector<16xf32>
      %swap3A_126 = arith.index_cast %scan3A_35 : i32 to index
      %swap3A_127 = arith.constant 48 : index
      %swap3A_128 = tpu.vector_load %arg8[%swap3A_126, %swap3A_127] {strides = array<i32>} : memref<79x64xf32, #tpu.memory_space<vmem>>, vector<1x16xf32>,
      %swap3A_129 = vector.shape_cast %swap3A_128 : vector<1x16xf32> to vector<16xf32>
      %swap3A_130 = vector.shape_cast %select_n3A_125 : vector<16xf32> to vector<1x16xf32>
      tpu.vector_store %arg8[%swap3A_126, %swap3A_127], %swap3A_130 {strides = array<i32>} : memref<79x64xf32, #tpu.memory_space<vmem>>, vector<1x16xf32>,
      %jit3A_131 = arith.constant 10000 : i32
      %broadcast_in_dim3A_132 = vector.broadcast %jit3A_131 : i32 to vector<16xi32>
      %select_n3A_133 = arith.select %ne3A_120, %get3A_119, %broadcast_in_dim3A_132 : vector<16xi1>, vector<16xi32>
      %swap3A_134 = arith.index_cast %scan3A_35 : i32 to index
      %swap3A_135 = arith.constant 48 : index
      %swap3A_136 = tpu.vector_load %arg9[%swap3A_134, %swap3A_135] {strides = array<i32>} : memref<79x64xi32, #tpu.memory_space<vmem>>, vector<1x16xi32>,
      %swap3A_137 = vector.shape_cast %swap3A_136 : vector<1x16xi32> to vector<16xi32>
      %swap3A_138 = vector.shape_cast %select_n3A_133 : vector<16xi32> to vector<1x16xi32>
      tpu.vector_store %arg9[%swap3A_134, %swap3A_135], %swap3A_138 {strides = array<i32>} : memref<79x64xi32, #tpu.memory_space<vmem>>, vector<1x16xi32>,
      %scan3A_139 = arith.constant 0 : i32
      scf.yield %scan3A_139 : i32
    }
    %scan3A_15 = arith.constant 79 : i32
    %scan3A_16 = arith.constant 0 : i32
    %scan3A_17 = arith.constant 0 : i32
    %scan3A_18 = arith.constant 79 : i32
    %scan3A_19 = arith.addi %scan3A_17, %scan3A_18 : i32
    %scan3A_20 = arith.constant 1 : i32
    %scan3A_21 = scf.for %scan3A_35 = %scan3A_17 to %scan3A_19 step %scan3A_20 iter_args(%scan3A_36 = %scan3A_16) -> (i32)  : i32 {
      %dma_start3A = arith.constant 0 : i32
      %dma_start3A_37 = tpu.memref_slice %arg8[%scan3A_35, %dma_start3A] : memref<79x64xf32, #tpu.memory_space<vmem>> -> memref<1x64xf32, #tpu.memory_space<vmem>>
      %dma_start3A_38 = tpu.memref_squeeze %dma_start3A_37 : memref<1x64xf32, #tpu.memory_space<vmem>> -> memref<64xf32, #tpu.memory_space<vmem>>
      %dma_start3A_39 = arith.constant 0 : i32
      %dma_start3A_40 = tpu.memref_slice %arg6[%scan3A_35, %dma_start3A_39] : memref<79x64xi32, #tpu.memory_space<vmem>> -> memref<1x64xi32, #tpu.memory_space<vmem>>
      %dma_start3A_41 = tpu.memref_squeeze %dma_start3A_40 : memref<1x64xi32, #tpu.memory_space<vmem>> -> memref<64xi32, #tpu.memory_space<vmem>>
      %dma_start3A_42 = arith.constant 0 : i32
      %dma_start3A_43 = tpu.memref_slice %arg12[%dma_start3A_42] : memref<10240xf32, #tpu.memory_space<vmem_shared>> -> memref<10240xf32, #tpu.memory_space<vmem_shared>>
      tpu.enqueue_indirect_dma source(%dma_start3A_38 : memref<64xf32, #tpu.memory_space<vmem>>) target(%dma_start3A_43 : memref<10240xf32, #tpu.memory_space<vmem_shared>>) offsets(%dma_start3A_41 : memref<64xi32, #tpu.memory_space<vmem>>) semaphore(%arg11 : memref<!tpu.dma_semaphore, #tpu.memory_space<semaphore_mem>>) {add = true}
      %scan3A_44 = arith.constant 0 : i32
      scf.yield %scan3A_44 : i32
    }
    %scan3A_22 = arith.constant 79 : i32
    %scan3A_23 = arith.constant 0 : i32
    %scan3A_24 = arith.constant 0 : i32
    %scan3A_25 = arith.constant 79 : i32
    %scan3A_26 = arith.addi %scan3A_24, %scan3A_25 : i32
    %scan3A_27 = arith.constant 1 : i32
    %scan3A_28 = scf.for %scan3A_35 = %scan3A_24 to %scan3A_26 step %scan3A_27 iter_args(%scan3A_36 = %scan3A_23) -> (i32)  : i32 {
      %dma_wait3A = arith.constant 0 : i32
      %dma_wait3A_37 = tpu.memref_slice %arg8[%scan3A_35, %dma_wait3A] : memref<79x64xf32, #tpu.memory_space<vmem>> -> memref<1x64xf32, #tpu.memory_space<vmem>>
      %dma_wait3A_38 = tpu.memref_squeeze %dma_wait3A_37 : memref<1x64xf32, #tpu.memory_space<vmem>> -> memref<64xf32, #tpu.memory_space<vmem>>
      %dma_wait3A_39 = arith.constant 0 : i32
      %dma_wait3A_40 = tpu.memref_slice %arg6[%scan3A_35, %dma_wait3A_39] : memref<79x64xi32, #tpu.memory_space<vmem>> -> memref<1x64xi32, #tpu.memory_space<vmem>>
      %dma_wait3A_41 = tpu.memref_squeeze %dma_wait3A_40 : memref<1x64xi32, #tpu.memory_space<vmem>> -> memref<64xi32, #tpu.memory_space<vmem>>
      %dma_wait3A_42 = arith.constant 0 : i32
      %dma_wait3A_43 = tpu.memref_slice %arg12[%dma_wait3A_42] : memref<10240xf32, #tpu.memory_space<vmem_shared>> -> memref<10240xf32, #tpu.memory_space<vmem_shared>>
      tpu.wait_indirect_dma semaphore(%arg11 : memref<!tpu.dma_semaphore, #tpu.memory_space<semaphore_mem>>) src(%dma_wait3A_38 : memref<64xf32, #tpu.memory_space<vmem>>) dst(%dma_wait3A_43 : memref<10240xf32, #tpu.memory_space<vmem_shared>>)
      %scan3A_44 = arith.constant 0 : i32
      scf.yield %scan3A_44 : i32
    }
    %scan3A_29 = arith.constant 79 : i32
    %barrier3A_30 = arith.constant 0 : index
    tpu.barrier barrier_id(%barrier3A_30)
    "tpu.region"() ({
      %run_scoped3A = tpu.sem_alloc : memref<!tpu.dma_semaphore, #tpu.memory_space<semaphore_mem>>
      %dma_start3A = arith.constant 0 : i32
      %dma_start3A_35 = arith.constant 0 : i32
      %dma_start3A_36 = tpu.memref_slice %arg5[%add3A, %dma_start3A, %dma_start3A_35] : memref<32x79x64xi32, #tpu.memory_space<hbm>> -> memref<1x79x64xi32, #tpu.memory_space<hbm>>
      %dma_start3A_37 = tpu.memref_squeeze %dma_start3A_36 : memref<1x79x64xi32, #tpu.memory_space<hbm>> -> memref<79x64xi32, #tpu.memory_space<hbm>>
      %dma_start3A_38 = arith.constant 0 : i32
      %dma_start3A_39 = arith.constant 0 : i32
      %dma_start3A_40 = tpu.memref_slice %arg5[%add3A, %dma_start3A_38, %dma_start3A_39] : memref<32x79x64xi32, #tpu.memory_space<hbm>> -> memref<1x79x64xi32, #tpu.memory_space<hbm>>
      %dma_start3A_41 = tpu.memref_squeeze %dma_start3A_40 : memref<1x79x64xi32, #tpu.memory_space<hbm>> -> memref<79x64xi32, #tpu.memory_space<hbm>>
      tpu.enqueue_dma source(%arg9 : memref<79x64xi32, #tpu.memory_space<vmem>>) target(%dma_start3A_41 : memref<79x64xi32, #tpu.memory_space<hbm>>) target_semaphore(%run_scoped3A : memref<!tpu.dma_semaphore, #tpu.memory_space<semaphore_mem>>)
      %dma_wait3A = arith.constant 0 : i32
      %dma_wait3A_42 = arith.constant 0 : i32
      %dma_wait3A_43 = tpu.memref_slice %arg5[%add3A, %dma_wait3A, %dma_wait3A_42] : memref<32x79x64xi32, #tpu.memory_space<hbm>> -> memref<1x79x64xi32, #tpu.memory_space<hbm>>
      %dma_wait3A_44 = tpu.memref_squeeze %dma_wait3A_43 : memref<1x79x64xi32, #tpu.memory_space<hbm>> -> memref<79x64xi32, #tpu.memory_space<hbm>>
      %dma_wait3A_45 = arith.constant 0 : i32
      %dma_wait3A_46 = arith.constant 0 : i32
      %dma_wait3A_47 = tpu.memref_slice %arg5[%add3A, %dma_wait3A_45, %dma_wait3A_46] : memref<32x79x64xi32, #tpu.memory_space<hbm>> -> memref<1x79x64xi32, #tpu.memory_space<hbm>>
      %dma_wait3A_48 = tpu.memref_squeeze %dma_wait3A_47 : memref<1x79x64xi32, #tpu.memory_space<hbm>> -> memref<79x64xi32, #tpu.memory_space<hbm>>
      tpu.wait_dma2 semaphore(%run_scoped3A : memref<!tpu.dma_semaphore, #tpu.memory_space<semaphore_mem>>) src(%arg9 : memref<79x64xi32, #tpu.memory_space<vmem>>) dst(%dma_wait3A_48 : memref<79x64xi32, #tpu.memory_space<hbm>>)
      tpu.yield
    }) : () -> ()
    %mul3A_31 = arith.constant 640 : i32
    %mul3A_32 = arith.muli %arg1, %mul3A_31 : i32
    "tpu.region"() ({
      %run_scoped3A = tpu.sem_alloc : memref<!tpu.dma_semaphore, #tpu.memory_space<semaphore_mem>>
      %dma_start3A = tpu.memref_slice %arg12[%mul3A_32] : memref<10240xf32, #tpu.memory_space<vmem_shared>> -> memref<640xf32, #tpu.memory_space<vmem_shared>>
      %dma_start3A_35 = tpu.memref_slice %arg12[%mul3A_32] : memref<10240xf32, #tpu.memory_space<vmem_shared>> -> memref<640xf32, #tpu.memory_space<vmem_shared>>
      tpu.enqueue_dma source(%dma_start3A_35 : memref<640xf32, #tpu.memory_space<vmem_shared>>) target(%arg10 : memref<640xf32, #tpu.memory_space<vmem>>) target_semaphore(%run_scoped3A : memref<!tpu.dma_semaphore, #tpu.memory_space<semaphore_mem>>)
      %dma_wait3A = tpu.memref_slice %arg12[%mul3A_32] : memref<10240xf32, #tpu.memory_space<vmem_shared>> -> memref<640xf32, #tpu.memory_space<vmem_shared>>
      %dma_wait3A_36 = tpu.memref_slice %arg12[%mul3A_32] : memref<10240xf32, #tpu.memory_space<vmem_shared>> -> memref<640xf32, #tpu.memory_space<vmem_shared>>
      tpu.wait_dma2 semaphore(%run_scoped3A : memref<!tpu.dma_semaphore, #tpu.memory_space<semaphore_mem>>) src(%dma_wait3A_36 : memref<640xf32, #tpu.memory_space<vmem_shared>>) dst(%arg10 : memref<640xf32, #tpu.memory_space<vmem>>)
      tpu.yield
    }) : () -> ()
    %mul3A_33 = arith.constant 640 : i32
    %mul3A_34 = arith.muli %arg1, %mul3A_33 : i32
    "tpu.region"() ({
      %run_scoped3A = tpu.sem_alloc : memref<!tpu.dma_semaphore, #tpu.memory_space<semaphore_mem>>
      %dma_start3A = tpu.memref_slice %arg4[%arg0, %mul3A_34] : memref<2x10240xf32, #tpu.memory_space<hbm>> -> memref<1x640xf32, #tpu.memory_space<hbm>>
      %dma_start3A_35 = tpu.memref_squeeze %dma_start3A : memref<1x640xf32, #tpu.memory_space<hbm>> -> memref<640xf32, #tpu.memory_space<hbm>>
      %dma_start3A_36 = tpu.memref_slice %arg4[%arg0, %mul3A_34] : memref<2x10240xf32, #tpu.memory_space<hbm>> -> memref<1x640xf32, #tpu.memory_space<hbm>>
      %dma_start3A_37 = tpu.memref_squeeze %dma_start3A_36 : memref<1x640xf32, #tpu.memory_space<hbm>> -> memref<640xf32, #tpu.memory_space<hbm>>
      tpu.enqueue_dma source(%arg10 : memref<640xf32, #tpu.memory_space<vmem>>) target(%dma_start3A_37 : memref<640xf32, #tpu.memory_space<hbm>>) target_semaphore(%run_scoped3A : memref<!tpu.dma_semaphore, #tpu.memory_space<semaphore_mem>>)
      %dma_wait3A = tpu.memref_slice %arg4[%arg0, %mul3A_34] : memref<2x10240xf32, #tpu.memory_space<hbm>> -> memref<1x640xf32, #tpu.memory_space<hbm>>
      %dma_wait3A_38 = tpu.memref_squeeze %dma_wait3A : memref<1x640xf32, #tpu.memory_space<hbm>> -> memref<640xf32, #tpu.memory_space<hbm>>
      %dma_wait3A_39 = tpu.memref_slice %arg4[%arg0, %mul3A_34] : memref<2x10240xf32, #tpu.memory_space<hbm>> -> memref<1x640xf32, #tpu.memory_space<hbm>>
      %dma_wait3A_40 = tpu.memref_squeeze %dma_wait3A_39 : memref<1x640xf32, #tpu.memory_space<hbm>> -> memref<640xf32, #tpu.memory_space<hbm>>
      tpu.wait_dma2 semaphore(%run_scoped3A : memref<!tpu.dma_semaphore, #tpu.memory_space<semaphore_mem>>) src(%arg10 : memref<640xf32, #tpu.memory_space<vmem>>) dst(%dma_wait3A_40 : memref<640xf32, #tpu.memory_space<hbm>>)
      tpu.yield
    }) : () -> ()
    return
  }
}

#map = affine_map<(d0, d1) -> (0, 0, 0)>
#map1 = affine_map<(d0, d1) -> (0, 0)>
module attributes {stable_mosaic.version = 14 : i64} {
  func.func @body(%arg0: i32, %arg1: i32, %arg2: memref<2x10000x128xf32, #tpu.memory_space<hbm>>, %arg3: memref<16x10112xi32, #tpu.memory_space<hbm>>, %arg4: memref<16x10112xi32, #tpu.memory_space<hbm>>, %arg5: memref<2x10112x128xf32, #tpu.memory_space<hbm>>, %arg6: memref<10112xi32, #tpu.memory_space<vmem>>, %arg7: memref<10112xi32, #tpu.memory_space<vmem>>, %arg8: memref<32x128xf32, #tpu.memory_space<vmem>>, %arg9: memref<32x128xf32, #tpu.memory_space<vmem>>, %arg10: memref<32x128xf32, #tpu.memory_space<vmem>>, %arg11: memref<32x128xf32, #tpu.memory_space<vmem>>, %arg12: memref<!tpu.dma_semaphore, #tpu.memory_space<semaphore_mem>>, %arg13: memref<!tpu.dma_semaphore, #tpu.memory_space<semaphore_mem>>, %arg14: memref<!tpu.dma_semaphore, #tpu.memory_space<semaphore_mem>>, %arg15: memref<!tpu.dma_semaphore, #tpu.memory_space<semaphore_mem>>, %arg16: memref<!tpu.dma_semaphore, #tpu.memory_space<semaphore_mem>>, %arg17: memref<!tpu.dma_semaphore, #tpu.memory_space<semaphore_mem>>, %arg18: memref<!tpu.dma_semaphore, #tpu.memory_space<semaphore_mem>>, %arg19: memref<!tpu.dma_semaphore, #tpu.memory_space<semaphore_mem>>, %arg20: memref<10112x128xf32, #tpu.memory_space<vmem_shared>>) attributes {dimension_semantics = [#tpu.dimension_semantics<core_parallel>, #tpu.dimension_semantics<subcore_parallel>], iteration_bounds = array<i64: 2, 16>, scalar_prefetch = 0 : i64, scratch_operands = 15 : i64, tpu.core_type = #tpu.core_type<sc_vector_subcore>, window_params = [{transform_indices = #map}, {transform_indices = #map1}, {transform_indices = #map1}, {transform_indices = #map}]} {
    "tpu.region"() ({
      %run_scoped3A = tpu.sem_alloc : memref<!tpu.dma_semaphore, #tpu.memory_space<semaphore_mem>>
      %dma_start3A_282 = arith.constant 0 : i32
      %dma_start3A_283 = tpu.memref_slice %arg3[%arg1, %dma_start3A_282] : memref<16x10112xi32, #tpu.memory_space<hbm>> -> memref<1x10112xi32, #tpu.memory_space<hbm>>
      %dma_start3A_284 = tpu.memref_squeeze %dma_start3A_283 : memref<1x10112xi32, #tpu.memory_space<hbm>> -> memref<10112xi32, #tpu.memory_space<hbm>>
      %dma_start3A_285 = arith.constant 0 : i32
      %dma_start3A_286 = tpu.memref_slice %arg3[%arg1, %dma_start3A_285] : memref<16x10112xi32, #tpu.memory_space<hbm>> -> memref<1x10112xi32, #tpu.memory_space<hbm>>
      %dma_start3A_287 = tpu.memref_squeeze %dma_start3A_286 : memref<1x10112xi32, #tpu.memory_space<hbm>> -> memref<10112xi32, #tpu.memory_space<hbm>>
      tpu.enqueue_dma source(%dma_start3A_287 : memref<10112xi32, #tpu.memory_space<hbm>>) target(%arg6 : memref<10112xi32, #tpu.memory_space<vmem>>) target_semaphore(%run_scoped3A : memref<!tpu.dma_semaphore, #tpu.memory_space<semaphore_mem>>)
      %dma_wait3A_288 = arith.constant 0 : i32
      %dma_wait3A_289 = tpu.memref_slice %arg3[%arg1, %dma_wait3A_288] : memref<16x10112xi32, #tpu.memory_space<hbm>> -> memref<1x10112xi32, #tpu.memory_space<hbm>>
      %dma_wait3A_290 = tpu.memref_squeeze %dma_wait3A_289 : memref<1x10112xi32, #tpu.memory_space<hbm>> -> memref<10112xi32, #tpu.memory_space<hbm>>
      %dma_wait3A_291 = arith.constant 0 : i32
      %dma_wait3A_292 = tpu.memref_slice %arg3[%arg1, %dma_wait3A_291] : memref<16x10112xi32, #tpu.memory_space<hbm>> -> memref<1x10112xi32, #tpu.memory_space<hbm>>
      %dma_wait3A_293 = tpu.memref_squeeze %dma_wait3A_292 : memref<1x10112xi32, #tpu.memory_space<hbm>> -> memref<10112xi32, #tpu.memory_space<hbm>>
      tpu.wait_dma2 semaphore(%run_scoped3A : memref<!tpu.dma_semaphore, #tpu.memory_space<semaphore_mem>>) src(%dma_wait3A_293 : memref<10112xi32, #tpu.memory_space<hbm>>) dst(%arg6 : memref<10112xi32, #tpu.memory_space<vmem>>)
      tpu.yield
    }) : () -> ()
    "tpu.region"() ({
      %run_scoped3A = tpu.sem_alloc : memref<!tpu.dma_semaphore, #tpu.memory_space<semaphore_mem>>
      %dma_start3A_282 = arith.constant 0 : i32
      %dma_start3A_283 = tpu.memref_slice %arg4[%arg1, %dma_start3A_282] : memref<16x10112xi32, #tpu.memory_space<hbm>> -> memref<1x10112xi32, #tpu.memory_space<hbm>>
      %dma_start3A_284 = tpu.memref_squeeze %dma_start3A_283 : memref<1x10112xi32, #tpu.memory_space<hbm>> -> memref<10112xi32, #tpu.memory_space<hbm>>
      %dma_start3A_285 = arith.constant 0 : i32
      %dma_start3A_286 = tpu.memref_slice %arg4[%arg1, %dma_start3A_285] : memref<16x10112xi32, #tpu.memory_space<hbm>> -> memref<1x10112xi32, #tpu.memory_space<hbm>>
      %dma_start3A_287 = tpu.memref_squeeze %dma_start3A_286 : memref<1x10112xi32, #tpu.memory_space<hbm>> -> memref<10112xi32, #tpu.memory_space<hbm>>
      tpu.enqueue_dma source(%dma_start3A_287 : memref<10112xi32, #tpu.memory_space<hbm>>) target(%arg7 : memref<10112xi32, #tpu.memory_space<vmem>>) target_semaphore(%run_scoped3A : memref<!tpu.dma_semaphore, #tpu.memory_space<semaphore_mem>>)
      %dma_wait3A_288 = arith.constant 0 : i32
      %dma_wait3A_289 = tpu.memref_slice %arg4[%arg1, %dma_wait3A_288] : memref<16x10112xi32, #tpu.memory_space<hbm>> -> memref<1x10112xi32, #tpu.memory_space<hbm>>
      %dma_wait3A_290 = tpu.memref_squeeze %dma_wait3A_289 : memref<1x10112xi32, #tpu.memory_space<hbm>> -> memref<10112xi32, #tpu.memory_space<hbm>>
      %dma_wait3A_291 = arith.constant 0 : i32
      %dma_wait3A_292 = tpu.memref_slice %arg4[%arg1, %dma_wait3A_291] : memref<16x10112xi32, #tpu.memory_space<hbm>> -> memref<1x10112xi32, #tpu.memory_space<hbm>>
      %dma_wait3A_293 = tpu.memref_squeeze %dma_wait3A_292 : memref<1x10112xi32, #tpu.memory_space<hbm>> -> memref<10112xi32, #tpu.memory_space<hbm>>
      tpu.wait_dma2 semaphore(%run_scoped3A : memref<!tpu.dma_semaphore, #tpu.memory_space<semaphore_mem>>) src(%dma_wait3A_293 : memref<10112xi32, #tpu.memory_space<hbm>>) dst(%arg7 : memref<10112xi32, #tpu.memory_space<vmem>>)
      tpu.yield
    }) : () -> ()
    %scan3A = arith.constant 0 : i32
    %scan3A_0 = arith.constant 0 : i32
    %scan3A_1 = arith.constant 32 : i32
    %scan3A_2 = arith.addi %scan3A_0, %scan3A_1 : i32
    %scan3A_3 = arith.constant 1 : i32
    %scan3A_4 = scf.for %scan3A_282 = %scan3A_0 to %scan3A_2 step %scan3A_3 iter_args(%scan3A_283 = %scan3A) -> (i32)  : i32 {
      %broadcast_in_dim3A = arith.constant 0.000000e+00 : f32
      %broadcast_in_dim3A_284 = vector.broadcast %broadcast_in_dim3A : f32 to vector<16xf32>
      %swap3A = arith.index_cast %scan3A_282 : i32 to index
      %swap3A_285 = arith.constant 0 : index
      %swap3A_286 = tpu.vector_load %arg8[%swap3A, %swap3A_285] {strides = array<i32>} : memref<32x128xf32, #tpu.memory_space<vmem>>, vector<1x16xf32>,
      %swap3A_287 = vector.shape_cast %swap3A_286 : vector<1x16xf32> to vector<16xf32>
      %swap3A_288 = vector.shape_cast %broadcast_in_dim3A_284 : vector<16xf32> to vector<1x16xf32>
      tpu.vector_store %arg8[%swap3A, %swap3A_285], %swap3A_288 {strides = array<i32>} : memref<32x128xf32, #tpu.memory_space<vmem>>, vector<1x16xf32>,
      %broadcast_in_dim3A_289 = arith.constant 0.000000e+00 : f32
      %broadcast_in_dim3A_290 = vector.broadcast %broadcast_in_dim3A_289 : f32 to vector<16xf32>
      %swap3A_291 = arith.index_cast %scan3A_282 : i32 to index
      %swap3A_292 = arith.constant 16 : index
      %swap3A_293 = tpu.vector_load %arg8[%swap3A_291, %swap3A_292] {strides = array<i32>} : memref<32x128xf32, #tpu.memory_space<vmem>>, vector<1x16xf32>,
      %swap3A_294 = vector.shape_cast %swap3A_293 : vector<1x16xf32> to vector<16xf32>
      %swap3A_295 = vector.shape_cast %broadcast_in_dim3A_290 : vector<16xf32> to vector<1x16xf32>
      tpu.vector_store %arg8[%swap3A_291, %swap3A_292], %swap3A_295 {strides = array<i32>} : memref<32x128xf32, #tpu.memory_space<vmem>>, vector<1x16xf32>,
      %broadcast_in_dim3A_296 = arith.constant 0.000000e+00 : f32
      %broadcast_in_dim3A_297 = vector.broadcast %broadcast_in_dim3A_296 : f32 to vector<16xf32>
      %swap3A_298 = arith.index_cast %scan3A_282 : i32 to index
      %swap3A_299 = arith.constant 32 : index
      %swap3A_300 = tpu.vector_load %arg8[%swap3A_298, %swap3A_299] {strides = array<i32>} : memref<32x128xf32, #tpu.memory_space<vmem>>, vector<1x16xf32>,
      %swap3A_301 = vector.shape_cast %swap3A_300 : vector<1x16xf32> to vector<16xf32>
      %swap3A_302 = vector.shape_cast %broadcast_in_dim3A_297 : vector<16xf32> to vector<1x16xf32>
      tpu.vector_store %arg8[%swap3A_298, %swap3A_299], %swap3A_302 {strides = array<i32>} : memref<32x128xf32, #tpu.memory_space<vmem>>, vector<1x16xf32>,
      %broadcast_in_dim3A_303 = arith.constant 0.000000e+00 : f32
      %broadcast_in_dim3A_304 = vector.broadcast %broadcast_in_dim3A_303 : f32 to vector<16xf32>
      %swap3A_305 = arith.index_cast %scan3A_282 : i32 to index
      %swap3A_306 = arith.constant 48 : index
      %swap3A_307 = tpu.vector_load %arg8[%swap3A_305, %swap3A_306] {strides = array<i32>} : memref<32x128xf32, #tpu.memory_space<vmem>>, vector<1x16xf32>,
      %swap3A_308 = vector.shape_cast %swap3A_307 : vector<1x16xf32> to vector<16xf32>
      %swap3A_309 = vector.shape_cast %broadcast_in_dim3A_304 : vector<16xf32> to vector<1x16xf32>
      tpu.vector_store %arg8[%swap3A_305, %swap3A_306], %swap3A_309 {strides = array<i32>} : memref<32x128xf32, #tpu.memory_space<vmem>>, vector<1x16xf32>,
      %broadcast_in_dim3A_310 = arith.constant 0.000000e+00 : f32
      %broadcast_in_dim3A_311 = vector.broadcast %broadcast_in_dim3A_310 : f32 to vector<16xf32>
      %swap3A_312 = arith.index_cast %scan3A_282 : i32 to index
      %swap3A_313 = arith.constant 64 : index
      %swap3A_314 = tpu.vector_load %arg8[%swap3A_312, %swap3A_313] {strides = array<i32>} : memref<32x128xf32, #tpu.memory_space<vmem>>, vector<1x16xf32>,
      %swap3A_315 = vector.shape_cast %swap3A_314 : vector<1x16xf32> to vector<16xf32>
      %swap3A_316 = vector.shape_cast %broadcast_in_dim3A_311 : vector<16xf32> to vector<1x16xf32>
      tpu.vector_store %arg8[%swap3A_312, %swap3A_313], %swap3A_316 {strides = array<i32>} : memref<32x128xf32, #tpu.memory_space<vmem>>, vector<1x16xf32>,
      %broadcast_in_dim3A_317 = arith.constant 0.000000e+00 : f32
      %broadcast_in_dim3A_318 = vector.broadcast %broadcast_in_dim3A_317 : f32 to vector<16xf32>
      %swap3A_319 = arith.index_cast %scan3A_282 : i32 to index
      %swap3A_320 = arith.constant 80 : index
      %swap3A_321 = tpu.vector_load %arg8[%swap3A_319, %swap3A_320] {strides = array<i32>} : memref<32x128xf32, #tpu.memory_space<vmem>>, vector<1x16xf32>,
      %swap3A_322 = vector.shape_cast %swap3A_321 : vector<1x16xf32> to vector<16xf32>
      %swap3A_323 = vector.shape_cast %broadcast_in_dim3A_318 : vector<16xf32> to vector<1x16xf32>
      tpu.vector_store %arg8[%swap3A_319, %swap3A_320], %swap3A_323 {strides = array<i32>} : memref<32x128xf32, #tpu.memory_space<vmem>>, vector<1x16xf32>,
      %broadcast_in_dim3A_324 = arith.constant 0.000000e+00 : f32
      %broadcast_in_dim3A_325 = vector.broadcast %broadcast_in_dim3A_324 : f32 to vector<16xf32>
      %swap3A_326 = arith.index_cast %scan3A_282 : i32 to index
      %swap3A_327 = arith.constant 96 : index
      %swap3A_328 = tpu.vector_load %arg8[%swap3A_326, %swap3A_327] {strides = array<i32>} : memref<32x128xf32, #tpu.memory_space<vmem>>, vector<1x16xf32>,
      %swap3A_329 = vector.shape_cast %swap3A_328 : vector<1x16xf32> to vector<16xf32>
      %swap3A_330 = vector.shape_cast %broadcast_in_dim3A_325 : vector<16xf32> to vector<1x16xf32>
      tpu.vector_store %arg8[%swap3A_326, %swap3A_327], %swap3A_330 {strides = array<i32>} : memref<32x128xf32, #tpu.memory_space<vmem>>, vector<1x16xf32>,
      %broadcast_in_dim3A_331 = arith.constant 0.000000e+00 : f32
      %broadcast_in_dim3A_332 = vector.broadcast %broadcast_in_dim3A_331 : f32 to vector<16xf32>
      %swap3A_333 = arith.index_cast %scan3A_282 : i32 to index
      %swap3A_334 = arith.constant 112 : index
      %swap3A_335 = tpu.vector_load %arg8[%swap3A_333, %swap3A_334] {strides = array<i32>} : memref<32x128xf32, #tpu.memory_space<vmem>>, vector<1x16xf32>,
      %swap3A_336 = vector.shape_cast %swap3A_335 : vector<1x16xf32> to vector<16xf32>
      %swap3A_337 = vector.shape_cast %broadcast_in_dim3A_332 : vector<16xf32> to vector<1x16xf32>
      tpu.vector_store %arg8[%swap3A_333, %swap3A_334], %swap3A_337 {strides = array<i32>} : memref<32x128xf32, #tpu.memory_space<vmem>>, vector<1x16xf32>,
      %scan3A_338 = arith.constant 0 : i32
      scf.yield %scan3A_338 : i32
    }
    %scan3A_5 = arith.constant 32 : i32
    %mul3A = arith.constant 632 : i32
    %mul3A_6 = arith.muli %arg1, %mul3A : i32
    %add3A = arith.constant 0 : i32
    %add3A_7 = arith.addi %mul3A_6, %add3A : i32
    "tpu.region"() ({
      %run_scoped3A = tpu.sem_alloc : memref<!tpu.dma_semaphore, #tpu.memory_space<semaphore_mem>>
      %dma_start3A_282 = arith.constant 0 : i32
      %dma_start3A_283 = arith.constant 0 : i32
      %dma_start3A_284 = tpu.memref_slice %arg8[%dma_start3A_282, %dma_start3A_283] : memref<32x128xf32, #tpu.memory_space<vmem>> -> memref<32x128xf32, #tpu.memory_space<vmem>>
      %dma_start3A_285 = arith.constant 0 : i32
      %dma_start3A_286 = tpu.memref_slice %arg20[%add3A_7, %dma_start3A_285] : memref<10112x128xf32, #tpu.memory_space<vmem_shared>> -> memref<32x128xf32, #tpu.memory_space<vmem_shared>>
      %dma_start3A_287 = arith.constant 0 : i32
      %dma_start3A_288 = tpu.memref_slice %arg20[%add3A_7, %dma_start3A_287] : memref<10112x128xf32, #tpu.memory_space<vmem_shared>> -> memref<32x128xf32, #tpu.memory_space<vmem_shared>>
      %dma_start3A_289 = arith.constant 0 : i32
      %dma_start3A_290 = arith.constant 0 : i32
      %dma_start3A_291 = tpu.memref_slice %arg8[%dma_start3A_289, %dma_start3A_290] : memref<32x128xf32, #tpu.memory_space<vmem>> -> memref<32x128xf32, #tpu.memory_space<vmem>>
      tpu.enqueue_dma source(%dma_start3A_291 : memref<32x128xf32, #tpu.memory_space<vmem>>) target(%dma_start3A_288 : memref<32x128xf32, #tpu.memory_space<vmem_shared>>) target_semaphore(%run_scoped3A : memref<!tpu.dma_semaphore, #tpu.memory_space<semaphore_mem>>)
      %dma_wait3A_292 = arith.constant 0 : i32
      %dma_wait3A_293 = arith.constant 0 : i32
      %dma_wait3A_294 = tpu.memref_slice %arg8[%dma_wait3A_292, %dma_wait3A_293] : memref<32x128xf32, #tpu.memory_space<vmem>> -> memref<32x128xf32, #tpu.memory_space<vmem>>
      %dma_wait3A_295 = arith.constant 0 : i32
      %dma_wait3A_296 = tpu.memref_slice %arg20[%add3A_7, %dma_wait3A_295] : memref<10112x128xf32, #tpu.memory_space<vmem_shared>> -> memref<32x128xf32, #tpu.memory_space<vmem_shared>>
      %dma_wait3A_297 = arith.constant 0 : i32
      %dma_wait3A_298 = tpu.memref_slice %arg20[%add3A_7, %dma_wait3A_297] : memref<10112x128xf32, #tpu.memory_space<vmem_shared>> -> memref<32x128xf32, #tpu.memory_space<vmem_shared>>
      %dma_wait3A_299 = arith.constant 0 : i32
      %dma_wait3A_300 = arith.constant 0 : i32
      %dma_wait3A_301 = tpu.memref_slice %arg8[%dma_wait3A_299, %dma_wait3A_300] : memref<32x128xf32, #tpu.memory_space<vmem>> -> memref<32x128xf32, #tpu.memory_space<vmem>>
      tpu.wait_dma2 semaphore(%run_scoped3A : memref<!tpu.dma_semaphore, #tpu.memory_space<semaphore_mem>>) src(%dma_wait3A_301 : memref<32x128xf32, #tpu.memory_space<vmem>>) dst(%dma_wait3A_298 : memref<32x128xf32, #tpu.memory_space<vmem_shared>>)
      tpu.yield
    }) : () -> ()
    %mul3A_8 = arith.constant 632 : i32
    %mul3A_9 = arith.muli %arg1, %mul3A_8 : i32
    %add3A_10 = arith.constant 32 : i32
    %add3A_11 = arith.addi %mul3A_9, %add3A_10 : i32
    "tpu.region"() ({
      %run_scoped3A = tpu.sem_alloc : memref<!tpu.dma_semaphore, #tpu.memory_space<semaphore_mem>>
      %dma_start3A_282 = arith.constant 0 : i32
      %dma_start3A_283 = arith.constant 0 : i32
      %dma_start3A_284 = tpu.memref_slice %arg8[%dma_start3A_282, %dma_start3A_283] : memref<32x128xf32, #tpu.memory_space<vmem>> -> memref<32x128xf32, #tpu.memory_space<vmem>>
      %dma_start3A_285 = arith.constant 0 : i32
      %dma_start3A_286 = tpu.memref_slice %arg20[%add3A_11, %dma_start3A_285] : memref<10112x128xf32, #tpu.memory_space<vmem_shared>> -> memref<32x128xf32, #tpu.memory_space<vmem_shared>>
      %dma_start3A_287 = arith.constant 0 : i32
      %dma_start3A_288 = tpu.memref_slice %arg20[%add3A_11, %dma_start3A_287] : memref<10112x128xf32, #tpu.memory_space<vmem_shared>> -> memref<32x128xf32, #tpu.memory_space<vmem_shared>>
      %dma_start3A_289 = arith.constant 0 : i32
      %dma_start3A_290 = arith.constant 0 : i32
      %dma_start3A_291 = tpu.memref_slice %arg8[%dma_start3A_289, %dma_start3A_290] : memref<32x128xf32, #tpu.memory_space<vmem>> -> memref<32x128xf32, #tpu.memory_space<vmem>>
      tpu.enqueue_dma source(%dma_start3A_291 : memref<32x128xf32, #tpu.memory_space<vmem>>) target(%dma_start3A_288 : memref<32x128xf32, #tpu.memory_space<vmem_shared>>) target_semaphore(%run_scoped3A : memref<!tpu.dma_semaphore, #tpu.memory_space<semaphore_mem>>)
      %dma_wait3A_292 = arith.constant 0 : i32
      %dma_wait3A_293 = arith.constant 0 : i32
      %dma_wait3A_294 = tpu.memref_slice %arg8[%dma_wait3A_292, %dma_wait3A_293] : memref<32x128xf32, #tpu.memory_space<vmem>> -> memref<32x128xf32, #tpu.memory_space<vmem>>
      %dma_wait3A_295 = arith.constant 0 : i32
      %dma_wait3A_296 = tpu.memref_slice %arg20[%add3A_11, %dma_wait3A_295] : memref<10112x128xf32, #tpu.memory_space<vmem_shared>> -> memref<32x128xf32, #tpu.memory_space<vmem_shared>>
      %dma_wait3A_297 = arith.constant 0 : i32
      %dma_wait3A_298 = tpu.memref_slice %arg20[%add3A_11, %dma_wait3A_297] : memref<10112x128xf32, #tpu.memory_space<vmem_shared>> -> memref<32x128xf32, #tpu.memory_space<vmem_shared>>
      %dma_wait3A_299 = arith.constant 0 : i32
      %dma_wait3A_300 = arith.constant 0 : i32
      %dma_wait3A_301 = tpu.memref_slice %arg8[%dma_wait3A_299, %dma_wait3A_300] : memref<32x128xf32, #tpu.memory_space<vmem>> -> memref<32x128xf32, #tpu.memory_space<vmem>>
      tpu.wait_dma2 semaphore(%run_scoped3A : memref<!tpu.dma_semaphore, #tpu.memory_space<semaphore_mem>>) src(%dma_wait3A_301 : memref<32x128xf32, #tpu.memory_space<vmem>>) dst(%dma_wait3A_298 : memref<32x128xf32, #tpu.memory_space<vmem_shared>>)
      tpu.yield
    }) : () -> ()
    %mul3A_12 = arith.constant 632 : i32
    %mul3A_13 = arith.muli %arg1, %mul3A_12 : i32
    %add3A_14 = arith.constant 64 : i32
    %add3A_15 = arith.addi %mul3A_13, %add3A_14 : i32
    "tpu.region"() ({
      %run_scoped3A = tpu.sem_alloc : memref<!tpu.dma_semaphore, #tpu.memory_space<semaphore_mem>>
      %dma_start3A_282 = arith.constant 0 : i32
      %dma_start3A_283 = arith.constant 0 : i32
      %dma_start3A_284 = tpu.memref_slice %arg8[%dma_start3A_282, %dma_start3A_283] : memref<32x128xf32, #tpu.memory_space<vmem>> -> memref<32x128xf32, #tpu.memory_space<vmem>>
      %dma_start3A_285 = arith.constant 0 : i32
      %dma_start3A_286 = tpu.memref_slice %arg20[%add3A_15, %dma_start3A_285] : memref<10112x128xf32, #tpu.memory_space<vmem_shared>> -> memref<32x128xf32, #tpu.memory_space<vmem_shared>>
      %dma_start3A_287 = arith.constant 0 : i32
      %dma_start3A_288 = tpu.memref_slice %arg20[%add3A_15, %dma_start3A_287] : memref<10112x128xf32, #tpu.memory_space<vmem_shared>> -> memref<32x128xf32, #tpu.memory_space<vmem_shared>>
      %dma_start3A_289 = arith.constant 0 : i32
      %dma_start3A_290 = arith.constant 0 : i32
      %dma_start3A_291 = tpu.memref_slice %arg8[%dma_start3A_289, %dma_start3A_290] : memref<32x128xf32, #tpu.memory_space<vmem>> -> memref<32x128xf32, #tpu.memory_space<vmem>>
      tpu.enqueue_dma source(%dma_start3A_291 : memref<32x128xf32, #tpu.memory_space<vmem>>) target(%dma_start3A_288 : memref<32x128xf32, #tpu.memory_space<vmem_shared>>) target_semaphore(%run_scoped3A : memref<!tpu.dma_semaphore, #tpu.memory_space<semaphore_mem>>)
      %dma_wait3A_292 = arith.constant 0 : i32
      %dma_wait3A_293 = arith.constant 0 : i32
      %dma_wait3A_294 = tpu.memref_slice %arg8[%dma_wait3A_292, %dma_wait3A_293] : memref<32x128xf32, #tpu.memory_space<vmem>> -> memref<32x128xf32, #tpu.memory_space<vmem>>
      %dma_wait3A_295 = arith.constant 0 : i32
      %dma_wait3A_296 = tpu.memref_slice %arg20[%add3A_15, %dma_wait3A_295] : memref<10112x128xf32, #tpu.memory_space<vmem_shared>> -> memref<32x128xf32, #tpu.memory_space<vmem_shared>>
      %dma_wait3A_297 = arith.constant 0 : i32
      %dma_wait3A_298 = tpu.memref_slice %arg20[%add3A_15, %dma_wait3A_297] : memref<10112x128xf32, #tpu.memory_space<vmem_shared>> -> memref<32x128xf32, #tpu.memory_space<vmem_shared>>
      %dma_wait3A_299 = arith.constant 0 : i32
      %dma_wait3A_300 = arith.constant 0 : i32
      %dma_wait3A_301 = tpu.memref_slice %arg8[%dma_wait3A_299, %dma_wait3A_300] : memref<32x128xf32, #tpu.memory_space<vmem>> -> memref<32x128xf32, #tpu.memory_space<vmem>>
      tpu.wait_dma2 semaphore(%run_scoped3A : memref<!tpu.dma_semaphore, #tpu.memory_space<semaphore_mem>>) src(%dma_wait3A_301 : memref<32x128xf32, #tpu.memory_space<vmem>>) dst(%dma_wait3A_298 : memref<32x128xf32, #tpu.memory_space<vmem_shared>>)
      tpu.yield
    }) : () -> ()
    %mul3A_16 = arith.constant 632 : i32
    %mul3A_17 = arith.muli %arg1, %mul3A_16 : i32
    %add3A_18 = arith.constant 96 : i32
    %add3A_19 = arith.addi %mul3A_17, %add3A_18 : i32
    "tpu.region"() ({
      %run_scoped3A = tpu.sem_alloc : memref<!tpu.dma_semaphore, #tpu.memory_space<semaphore_mem>>
      %dma_start3A_282 = arith.constant 0 : i32
      %dma_start3A_283 = arith.constant 0 : i32
      %dma_start3A_284 = tpu.memref_slice %arg8[%dma_start3A_282, %dma_start3A_283] : memref<32x128xf32, #tpu.memory_space<vmem>> -> memref<32x128xf32, #tpu.memory_space<vmem>>
      %dma_start3A_285 = arith.constant 0 : i32
      %dma_start3A_286 = tpu.memref_slice %arg20[%add3A_19, %dma_start3A_285] : memref<10112x128xf32, #tpu.memory_space<vmem_shared>> -> memref<32x128xf32, #tpu.memory_space<vmem_shared>>
      %dma_start3A_287 = arith.constant 0 : i32
      %dma_start3A_288 = tpu.memref_slice %arg20[%add3A_19, %dma_start3A_287] : memref<10112x128xf32, #tpu.memory_space<vmem_shared>> -> memref<32x128xf32, #tpu.memory_space<vmem_shared>>
      %dma_start3A_289 = arith.constant 0 : i32
      %dma_start3A_290 = arith.constant 0 : i32
      %dma_start3A_291 = tpu.memref_slice %arg8[%dma_start3A_289, %dma_start3A_290] : memref<32x128xf32, #tpu.memory_space<vmem>> -> memref<32x128xf32, #tpu.memory_space<vmem>>
      tpu.enqueue_dma source(%dma_start3A_291 : memref<32x128xf32, #tpu.memory_space<vmem>>) target(%dma_start3A_288 : memref<32x128xf32, #tpu.memory_space<vmem_shared>>) target_semaphore(%run_scoped3A : memref<!tpu.dma_semaphore, #tpu.memory_space<semaphore_mem>>)
      %dma_wait3A_292 = arith.constant 0 : i32
      %dma_wait3A_293 = arith.constant 0 : i32
      %dma_wait3A_294 = tpu.memref_slice %arg8[%dma_wait3A_292, %dma_wait3A_293] : memref<32x128xf32, #tpu.memory_space<vmem>> -> memref<32x128xf32, #tpu.memory_space<vmem>>
      %dma_wait3A_295 = arith.constant 0 : i32
      %dma_wait3A_296 = tpu.memref_slice %arg20[%add3A_19, %dma_wait3A_295] : memref<10112x128xf32, #tpu.memory_space<vmem_shared>> -> memref<32x128xf32, #tpu.memory_space<vmem_shared>>
      %dma_wait3A_297 = arith.constant 0 : i32
      %dma_wait3A_298 = tpu.memref_slice %arg20[%add3A_19, %dma_wait3A_297] : memref<10112x128xf32, #tpu.memory_space<vmem_shared>> -> memref<32x128xf32, #tpu.memory_space<vmem_shared>>
      %dma_wait3A_299 = arith.constant 0 : i32
      %dma_wait3A_300 = arith.constant 0 : i32
      %dma_wait3A_301 = tpu.memref_slice %arg8[%dma_wait3A_299, %dma_wait3A_300] : memref<32x128xf32, #tpu.memory_space<vmem>> -> memref<32x128xf32, #tpu.memory_space<vmem>>
      tpu.wait_dma2 semaphore(%run_scoped3A : memref<!tpu.dma_semaphore, #tpu.memory_space<semaphore_mem>>) src(%dma_wait3A_301 : memref<32x128xf32, #tpu.memory_space<vmem>>) dst(%dma_wait3A_298 : memref<32x128xf32, #tpu.memory_space<vmem_shared>>)
      tpu.yield
    }) : () -> ()
    %mul3A_20 = arith.constant 632 : i32
    %mul3A_21 = arith.muli %arg1, %mul3A_20 : i32
    %add3A_22 = arith.constant 128 : i32
    %add3A_23 = arith.addi %mul3A_21, %add3A_22 : i32
    "tpu.region"() ({
      %run_scoped3A = tpu.sem_alloc : memref<!tpu.dma_semaphore, #tpu.memory_space<semaphore_mem>>
      %dma_start3A_282 = arith.constant 0 : i32
      %dma_start3A_283 = arith.constant 0 : i32
      %dma_start3A_284 = tpu.memref_slice %arg8[%dma_start3A_282, %dma_start3A_283] : memref<32x128xf32, #tpu.memory_space<vmem>> -> memref<32x128xf32, #tpu.memory_space<vmem>>
      %dma_start3A_285 = arith.constant 0 : i32
      %dma_start3A_286 = tpu.memref_slice %arg20[%add3A_23, %dma_start3A_285] : memref<10112x128xf32, #tpu.memory_space<vmem_shared>> -> memref<32x128xf32, #tpu.memory_space<vmem_shared>>
      %dma_start3A_287 = arith.constant 0 : i32
      %dma_start3A_288 = tpu.memref_slice %arg20[%add3A_23, %dma_start3A_287] : memref<10112x128xf32, #tpu.memory_space<vmem_shared>> -> memref<32x128xf32, #tpu.memory_space<vmem_shared>>
      %dma_start3A_289 = arith.constant 0 : i32
      %dma_start3A_290 = arith.constant 0 : i32
      %dma_start3A_291 = tpu.memref_slice %arg8[%dma_start3A_289, %dma_start3A_290] : memref<32x128xf32, #tpu.memory_space<vmem>> -> memref<32x128xf32, #tpu.memory_space<vmem>>
      tpu.enqueue_dma source(%dma_start3A_291 : memref<32x128xf32, #tpu.memory_space<vmem>>) target(%dma_start3A_288 : memref<32x128xf32, #tpu.memory_space<vmem_shared>>) target_semaphore(%run_scoped3A : memref<!tpu.dma_semaphore, #tpu.memory_space<semaphore_mem>>)
      %dma_wait3A_292 = arith.constant 0 : i32
      %dma_wait3A_293 = arith.constant 0 : i32
      %dma_wait3A_294 = tpu.memref_slice %arg8[%dma_wait3A_292, %dma_wait3A_293] : memref<32x128xf32, #tpu.memory_space<vmem>> -> memref<32x128xf32, #tpu.memory_space<vmem>>
      %dma_wait3A_295 = arith.constant 0 : i32
      %dma_wait3A_296 = tpu.memref_slice %arg20[%add3A_23, %dma_wait3A_295] : memref<10112x128xf32, #tpu.memory_space<vmem_shared>> -> memref<32x128xf32, #tpu.memory_space<vmem_shared>>
      %dma_wait3A_297 = arith.constant 0 : i32
      %dma_wait3A_298 = tpu.memref_slice %arg20[%add3A_23, %dma_wait3A_297] : memref<10112x128xf32, #tpu.memory_space<vmem_shared>> -> memref<32x128xf32, #tpu.memory_space<vmem_shared>>
      %dma_wait3A_299 = arith.constant 0 : i32
      %dma_wait3A_300 = arith.constant 0 : i32
      %dma_wait3A_301 = tpu.memref_slice %arg8[%dma_wait3A_299, %dma_wait3A_300] : memref<32x128xf32, #tpu.memory_space<vmem>> -> memref<32x128xf32, #tpu.memory_space<vmem>>
      tpu.wait_dma2 semaphore(%run_scoped3A : memref<!tpu.dma_semaphore, #tpu.memory_space<semaphore_mem>>) src(%dma_wait3A_301 : memref<32x128xf32, #tpu.memory_space<vmem>>) dst(%dma_wait3A_298 : memref<32x128xf32, #tpu.memory_space<vmem_shared>>)
      tpu.yield
    }) : () -> ()
    %mul3A_24 = arith.constant 632 : i32
    %mul3A_25 = arith.muli %arg1, %mul3A_24 : i32
    %add3A_26 = arith.constant 160 : i32
    %add3A_27 = arith.addi %mul3A_25, %add3A_26 : i32
    "tpu.region"() ({
      %run_scoped3A = tpu.sem_alloc : memref<!tpu.dma_semaphore, #tpu.memory_space<semaphore_mem>>
      %dma_start3A_282 = arith.constant 0 : i32
      %dma_start3A_283 = arith.constant 0 : i32
      %dma_start3A_284 = tpu.memref_slice %arg8[%dma_start3A_282, %dma_start3A_283] : memref<32x128xf32, #tpu.memory_space<vmem>> -> memref<32x128xf32, #tpu.memory_space<vmem>>
      %dma_start3A_285 = arith.constant 0 : i32
      %dma_start3A_286 = tpu.memref_slice %arg20[%add3A_27, %dma_start3A_285] : memref<10112x128xf32, #tpu.memory_space<vmem_shared>> -> memref<32x128xf32, #tpu.memory_space<vmem_shared>>
      %dma_start3A_287 = arith.constant 0 : i32
      %dma_start3A_288 = tpu.memref_slice %arg20[%add3A_27, %dma_start3A_287] : memref<10112x128xf32, #tpu.memory_space<vmem_shared>> -> memref<32x128xf32, #tpu.memory_space<vmem_shared>>
      %dma_start3A_289 = arith.constant 0 : i32
      %dma_start3A_290 = arith.constant 0 : i32
      %dma_start3A_291 = tpu.memref_slice %arg8[%dma_start3A_289, %dma_start3A_290] : memref<32x128xf32, #tpu.memory_space<vmem>> -> memref<32x128xf32, #tpu.memory_space<vmem>>
      tpu.enqueue_dma source(%dma_start3A_291 : memref<32x128xf32, #tpu.memory_space<vmem>>) target(%dma_start3A_288 : memref<32x128xf32, #tpu.memory_space<vmem_shared>>) target_semaphore(%run_scoped3A : memref<!tpu.dma_semaphore, #tpu.memory_space<semaphore_mem>>)
      %dma_wait3A_292 = arith.constant 0 : i32
      %dma_wait3A_293 = arith.constant 0 : i32
      %dma_wait3A_294 = tpu.memref_slice %arg8[%dma_wait3A_292, %dma_wait3A_293] : memref<32x128xf32, #tpu.memory_space<vmem>> -> memref<32x128xf32, #tpu.memory_space<vmem>>
      %dma_wait3A_295 = arith.constant 0 : i32
      %dma_wait3A_296 = tpu.memref_slice %arg20[%add3A_27, %dma_wait3A_295] : memref<10112x128xf32, #tpu.memory_space<vmem_shared>> -> memref<32x128xf32, #tpu.memory_space<vmem_shared>>
      %dma_wait3A_297 = arith.constant 0 : i32
      %dma_wait3A_298 = tpu.memref_slice %arg20[%add3A_27, %dma_wait3A_297] : memref<10112x128xf32, #tpu.memory_space<vmem_shared>> -> memref<32x128xf32, #tpu.memory_space<vmem_shared>>
      %dma_wait3A_299 = arith.constant 0 : i32
      %dma_wait3A_300 = arith.constant 0 : i32
      %dma_wait3A_301 = tpu.memref_slice %arg8[%dma_wait3A_299, %dma_wait3A_300] : memref<32x128xf32, #tpu.memory_space<vmem>> -> memref<32x128xf32, #tpu.memory_space<vmem>>
      tpu.wait_dma2 semaphore(%run_scoped3A : memref<!tpu.dma_semaphore, #tpu.memory_space<semaphore_mem>>) src(%dma_wait3A_301 : memref<32x128xf32, #tpu.memory_space<vmem>>) dst(%dma_wait3A_298 : memref<32x128xf32, #tpu.memory_space<vmem_shared>>)
      tpu.yield
    }) : () -> ()
    %mul3A_28 = arith.constant 632 : i32
    %mul3A_29 = arith.muli %arg1, %mul3A_28 : i32
    %add3A_30 = arith.constant 192 : i32
    %add3A_31 = arith.addi %mul3A_29, %add3A_30 : i32
    "tpu.region"() ({
      %run_scoped3A = tpu.sem_alloc : memref<!tpu.dma_semaphore, #tpu.memory_space<semaphore_mem>>
      %dma_start3A_282 = arith.constant 0 : i32
      %dma_start3A_283 = arith.constant 0 : i32
      %dma_start3A_284 = tpu.memref_slice %arg8[%dma_start3A_282, %dma_start3A_283] : memref<32x128xf32, #tpu.memory_space<vmem>> -> memref<32x128xf32, #tpu.memory_space<vmem>>
      %dma_start3A_285 = arith.constant 0 : i32
      %dma_start3A_286 = tpu.memref_slice %arg20[%add3A_31, %dma_start3A_285] : memref<10112x128xf32, #tpu.memory_space<vmem_shared>> -> memref<32x128xf32, #tpu.memory_space<vmem_shared>>
      %dma_start3A_287 = arith.constant 0 : i32
      %dma_start3A_288 = tpu.memref_slice %arg20[%add3A_31, %dma_start3A_287] : memref<10112x128xf32, #tpu.memory_space<vmem_shared>> -> memref<32x128xf32, #tpu.memory_space<vmem_shared>>
      %dma_start3A_289 = arith.constant 0 : i32
      %dma_start3A_290 = arith.constant 0 : i32
      %dma_start3A_291 = tpu.memref_slice %arg8[%dma_start3A_289, %dma_start3A_290] : memref<32x128xf32, #tpu.memory_space<vmem>> -> memref<32x128xf32, #tpu.memory_space<vmem>>
      tpu.enqueue_dma source(%dma_start3A_291 : memref<32x128xf32, #tpu.memory_space<vmem>>) target(%dma_start3A_288 : memref<32x128xf32, #tpu.memory_space<vmem_shared>>) target_semaphore(%run_scoped3A : memref<!tpu.dma_semaphore, #tpu.memory_space<semaphore_mem>>)
      %dma_wait3A_292 = arith.constant 0 : i32
      %dma_wait3A_293 = arith.constant 0 : i32
      %dma_wait3A_294 = tpu.memref_slice %arg8[%dma_wait3A_292, %dma_wait3A_293] : memref<32x128xf32, #tpu.memory_space<vmem>> -> memref<32x128xf32, #tpu.memory_space<vmem>>
      %dma_wait3A_295 = arith.constant 0 : i32
      %dma_wait3A_296 = tpu.memref_slice %arg20[%add3A_31, %dma_wait3A_295] : memref<10112x128xf32, #tpu.memory_space<vmem_shared>> -> memref<32x128xf32, #tpu.memory_space<vmem_shared>>
      %dma_wait3A_297 = arith.constant 0 : i32
      %dma_wait3A_298 = tpu.memref_slice %arg20[%add3A_31, %dma_wait3A_297] : memref<10112x128xf32, #tpu.memory_space<vmem_shared>> -> memref<32x128xf32, #tpu.memory_space<vmem_shared>>
      %dma_wait3A_299 = arith.constant 0 : i32
      %dma_wait3A_300 = arith.constant 0 : i32
      %dma_wait3A_301 = tpu.memref_slice %arg8[%dma_wait3A_299, %dma_wait3A_300] : memref<32x128xf32, #tpu.memory_space<vmem>> -> memref<32x128xf32, #tpu.memory_space<vmem>>
      tpu.wait_dma2 semaphore(%run_scoped3A : memref<!tpu.dma_semaphore, #tpu.memory_space<semaphore_mem>>) src(%dma_wait3A_301 : memref<32x128xf32, #tpu.memory_space<vmem>>) dst(%dma_wait3A_298 : memref<32x128xf32, #tpu.memory_space<vmem_shared>>)
      tpu.yield
    }) : () -> ()
    %mul3A_32 = arith.constant 632 : i32
    %mul3A_33 = arith.muli %arg1, %mul3A_32 : i32
    %add3A_34 = arith.constant 224 : i32
    %add3A_35 = arith.addi %mul3A_33, %add3A_34 : i32
    "tpu.region"() ({
      %run_scoped3A = tpu.sem_alloc : memref<!tpu.dma_semaphore, #tpu.memory_space<semaphore_mem>>
      %dma_start3A_282 = arith.constant 0 : i32
      %dma_start3A_283 = arith.constant 0 : i32
      %dma_start3A_284 = tpu.memref_slice %arg8[%dma_start3A_282, %dma_start3A_283] : memref<32x128xf32, #tpu.memory_space<vmem>> -> memref<32x128xf32, #tpu.memory_space<vmem>>
      %dma_start3A_285 = arith.constant 0 : i32
      %dma_start3A_286 = tpu.memref_slice %arg20[%add3A_35, %dma_start3A_285] : memref<10112x128xf32, #tpu.memory_space<vmem_shared>> -> memref<32x128xf32, #tpu.memory_space<vmem_shared>>
      %dma_start3A_287 = arith.constant 0 : i32
      %dma_start3A_288 = tpu.memref_slice %arg20[%add3A_35, %dma_start3A_287] : memref<10112x128xf32, #tpu.memory_space<vmem_shared>> -> memref<32x128xf32, #tpu.memory_space<vmem_shared>>
      %dma_start3A_289 = arith.constant 0 : i32
      %dma_start3A_290 = arith.constant 0 : i32
      %dma_start3A_291 = tpu.memref_slice %arg8[%dma_start3A_289, %dma_start3A_290] : memref<32x128xf32, #tpu.memory_space<vmem>> -> memref<32x128xf32, #tpu.memory_space<vmem>>
      tpu.enqueue_dma source(%dma_start3A_291 : memref<32x128xf32, #tpu.memory_space<vmem>>) target(%dma_start3A_288 : memref<32x128xf32, #tpu.memory_space<vmem_shared>>) target_semaphore(%run_scoped3A : memref<!tpu.dma_semaphore, #tpu.memory_space<semaphore_mem>>)
      %dma_wait3A_292 = arith.constant 0 : i32
      %dma_wait3A_293 = arith.constant 0 : i32
      %dma_wait3A_294 = tpu.memref_slice %arg8[%dma_wait3A_292, %dma_wait3A_293] : memref<32x128xf32, #tpu.memory_space<vmem>> -> memref<32x128xf32, #tpu.memory_space<vmem>>
      %dma_wait3A_295 = arith.constant 0 : i32
      %dma_wait3A_296 = tpu.memref_slice %arg20[%add3A_35, %dma_wait3A_295] : memref<10112x128xf32, #tpu.memory_space<vmem_shared>> -> memref<32x128xf32, #tpu.memory_space<vmem_shared>>
      %dma_wait3A_297 = arith.constant 0 : i32
      %dma_wait3A_298 = tpu.memref_slice %arg20[%add3A_35, %dma_wait3A_297] : memref<10112x128xf32, #tpu.memory_space<vmem_shared>> -> memref<32x128xf32, #tpu.memory_space<vmem_shared>>
      %dma_wait3A_299 = arith.constant 0 : i32
      %dma_wait3A_300 = arith.constant 0 : i32
      %dma_wait3A_301 = tpu.memref_slice %arg8[%dma_wait3A_299, %dma_wait3A_300] : memref<32x128xf32, #tpu.memory_space<vmem>> -> memref<32x128xf32, #tpu.memory_space<vmem>>
      tpu.wait_dma2 semaphore(%run_scoped3A : memref<!tpu.dma_semaphore, #tpu.memory_space<semaphore_mem>>) src(%dma_wait3A_301 : memref<32x128xf32, #tpu.memory_space<vmem>>) dst(%dma_wait3A_298 : memref<32x128xf32, #tpu.memory_space<vmem_shared>>)
      tpu.yield
    }) : () -> ()
    %mul3A_36 = arith.constant 632 : i32
    %mul3A_37 = arith.muli %arg1, %mul3A_36 : i32
    %add3A_38 = arith.constant 256 : i32
    %add3A_39 = arith.addi %mul3A_37, %add3A_38 : i32
    "tpu.region"() ({
      %run_scoped3A = tpu.sem_alloc : memref<!tpu.dma_semaphore, #tpu.memory_space<semaphore_mem>>
      %dma_start3A_282 = arith.constant 0 : i32
      %dma_start3A_283 = arith.constant 0 : i32
      %dma_start3A_284 = tpu.memref_slice %arg8[%dma_start3A_282, %dma_start3A_283] : memref<32x128xf32, #tpu.memory_space<vmem>> -> memref<32x128xf32, #tpu.memory_space<vmem>>
      %dma_start3A_285 = arith.constant 0 : i32
      %dma_start3A_286 = tpu.memref_slice %arg20[%add3A_39, %dma_start3A_285] : memref<10112x128xf32, #tpu.memory_space<vmem_shared>> -> memref<32x128xf32, #tpu.memory_space<vmem_shared>>
      %dma_start3A_287 = arith.constant 0 : i32
      %dma_start3A_288 = tpu.memref_slice %arg20[%add3A_39, %dma_start3A_287] : memref<10112x128xf32, #tpu.memory_space<vmem_shared>> -> memref<32x128xf32, #tpu.memory_space<vmem_shared>>
      %dma_start3A_289 = arith.constant 0 : i32
      %dma_start3A_290 = arith.constant 0 : i32
      %dma_start3A_291 = tpu.memref_slice %arg8[%dma_start3A_289, %dma_start3A_290] : memref<32x128xf32, #tpu.memory_space<vmem>> -> memref<32x128xf32, #tpu.memory_space<vmem>>
      tpu.enqueue_dma source(%dma_start3A_291 : memref<32x128xf32, #tpu.memory_space<vmem>>) target(%dma_start3A_288 : memref<32x128xf32, #tpu.memory_space<vmem_shared>>) target_semaphore(%run_scoped3A : memref<!tpu.dma_semaphore, #tpu.memory_space<semaphore_mem>>)
      %dma_wait3A_292 = arith.constant 0 : i32
      %dma_wait3A_293 = arith.constant 0 : i32
      %dma_wait3A_294 = tpu.memref_slice %arg8[%dma_wait3A_292, %dma_wait3A_293] : memref<32x128xf32, #tpu.memory_space<vmem>> -> memref<32x128xf32, #tpu.memory_space<vmem>>
      %dma_wait3A_295 = arith.constant 0 : i32
      %dma_wait3A_296 = tpu.memref_slice %arg20[%add3A_39, %dma_wait3A_295] : memref<10112x128xf32, #tpu.memory_space<vmem_shared>> -> memref<32x128xf32, #tpu.memory_space<vmem_shared>>
      %dma_wait3A_297 = arith.constant 0 : i32
      %dma_wait3A_298 = tpu.memref_slice %arg20[%add3A_39, %dma_wait3A_297] : memref<10112x128xf32, #tpu.memory_space<vmem_shared>> -> memref<32x128xf32, #tpu.memory_space<vmem_shared>>
      %dma_wait3A_299 = arith.constant 0 : i32
      %dma_wait3A_300 = arith.constant 0 : i32
      %dma_wait3A_301 = tpu.memref_slice %arg8[%dma_wait3A_299, %dma_wait3A_300] : memref<32x128xf32, #tpu.memory_space<vmem>> -> memref<32x128xf32, #tpu.memory_space<vmem>>
      tpu.wait_dma2 semaphore(%run_scoped3A : memref<!tpu.dma_semaphore, #tpu.memory_space<semaphore_mem>>) src(%dma_wait3A_301 : memref<32x128xf32, #tpu.memory_space<vmem>>) dst(%dma_wait3A_298 : memref<32x128xf32, #tpu.memory_space<vmem_shared>>)
      tpu.yield
    }) : () -> ()
    %mul3A_40 = arith.constant 632 : i32
    %mul3A_41 = arith.muli %arg1, %mul3A_40 : i32
    %add3A_42 = arith.constant 288 : i32
    %add3A_43 = arith.addi %mul3A_41, %add3A_42 : i32
    "tpu.region"() ({
      %run_scoped3A = tpu.sem_alloc : memref<!tpu.dma_semaphore, #tpu.memory_space<semaphore_mem>>
      %dma_start3A_282 = arith.constant 0 : i32
      %dma_start3A_283 = arith.constant 0 : i32
      %dma_start3A_284 = tpu.memref_slice %arg8[%dma_start3A_282, %dma_start3A_283] : memref<32x128xf32, #tpu.memory_space<vmem>> -> memref<32x128xf32, #tpu.memory_space<vmem>>
      %dma_start3A_285 = arith.constant 0 : i32
      %dma_start3A_286 = tpu.memref_slice %arg20[%add3A_43, %dma_start3A_285] : memref<10112x128xf32, #tpu.memory_space<vmem_shared>> -> memref<32x128xf32, #tpu.memory_space<vmem_shared>>
      %dma_start3A_287 = arith.constant 0 : i32
      %dma_start3A_288 = tpu.memref_slice %arg20[%add3A_43, %dma_start3A_287] : memref<10112x128xf32, #tpu.memory_space<vmem_shared>> -> memref<32x128xf32, #tpu.memory_space<vmem_shared>>
      %dma_start3A_289 = arith.constant 0 : i32
      %dma_start3A_290 = arith.constant 0 : i32
      %dma_start3A_291 = tpu.memref_slice %arg8[%dma_start3A_289, %dma_start3A_290] : memref<32x128xf32, #tpu.memory_space<vmem>> -> memref<32x128xf32, #tpu.memory_space<vmem>>
      tpu.enqueue_dma source(%dma_start3A_291 : memref<32x128xf32, #tpu.memory_space<vmem>>) target(%dma_start3A_288 : memref<32x128xf32, #tpu.memory_space<vmem_shared>>) target_semaphore(%run_scoped3A : memref<!tpu.dma_semaphore, #tpu.memory_space<semaphore_mem>>)
      %dma_wait3A_292 = arith.constant 0 : i32
      %dma_wait3A_293 = arith.constant 0 : i32
      %dma_wait3A_294 = tpu.memref_slice %arg8[%dma_wait3A_292, %dma_wait3A_293] : memref<32x128xf32, #tpu.memory_space<vmem>> -> memref<32x128xf32, #tpu.memory_space<vmem>>
      %dma_wait3A_295 = arith.constant 0 : i32
      %dma_wait3A_296 = tpu.memref_slice %arg20[%add3A_43, %dma_wait3A_295] : memref<10112x128xf32, #tpu.memory_space<vmem_shared>> -> memref<32x128xf32, #tpu.memory_space<vmem_shared>>
      %dma_wait3A_297 = arith.constant 0 : i32
      %dma_wait3A_298 = tpu.memref_slice %arg20[%add3A_43, %dma_wait3A_297] : memref<10112x128xf32, #tpu.memory_space<vmem_shared>> -> memref<32x128xf32, #tpu.memory_space<vmem_shared>>
      %dma_wait3A_299 = arith.constant 0 : i32
      %dma_wait3A_300 = arith.constant 0 : i32
      %dma_wait3A_301 = tpu.memref_slice %arg8[%dma_wait3A_299, %dma_wait3A_300] : memref<32x128xf32, #tpu.memory_space<vmem>> -> memref<32x128xf32, #tpu.memory_space<vmem>>
      tpu.wait_dma2 semaphore(%run_scoped3A : memref<!tpu.dma_semaphore, #tpu.memory_space<semaphore_mem>>) src(%dma_wait3A_301 : memref<32x128xf32, #tpu.memory_space<vmem>>) dst(%dma_wait3A_298 : memref<32x128xf32, #tpu.memory_space<vmem_shared>>)
      tpu.yield
    }) : () -> ()
    %mul3A_44 = arith.constant 632 : i32
    %mul3A_45 = arith.muli %arg1, %mul3A_44 : i32
    %add3A_46 = arith.constant 320 : i32
    %add3A_47 = arith.addi %mul3A_45, %add3A_46 : i32
    "tpu.region"() ({
      %run_scoped3A = tpu.sem_alloc : memref<!tpu.dma_semaphore, #tpu.memory_space<semaphore_mem>>
      %dma_start3A_282 = arith.constant 0 : i32
      %dma_start3A_283 = arith.constant 0 : i32
      %dma_start3A_284 = tpu.memref_slice %arg8[%dma_start3A_282, %dma_start3A_283] : memref<32x128xf32, #tpu.memory_space<vmem>> -> memref<32x128xf32, #tpu.memory_space<vmem>>
      %dma_start3A_285 = arith.constant 0 : i32
      %dma_start3A_286 = tpu.memref_slice %arg20[%add3A_47, %dma_start3A_285] : memref<10112x128xf32, #tpu.memory_space<vmem_shared>> -> memref<32x128xf32, #tpu.memory_space<vmem_shared>>
      %dma_start3A_287 = arith.constant 0 : i32
      %dma_start3A_288 = tpu.memref_slice %arg20[%add3A_47, %dma_start3A_287] : memref<10112x128xf32, #tpu.memory_space<vmem_shared>> -> memref<32x128xf32, #tpu.memory_space<vmem_shared>>
      %dma_start3A_289 = arith.constant 0 : i32
      %dma_start3A_290 = arith.constant 0 : i32
      %dma_start3A_291 = tpu.memref_slice %arg8[%dma_start3A_289, %dma_start3A_290] : memref<32x128xf32, #tpu.memory_space<vmem>> -> memref<32x128xf32, #tpu.memory_space<vmem>>
      tpu.enqueue_dma source(%dma_start3A_291 : memref<32x128xf32, #tpu.memory_space<vmem>>) target(%dma_start3A_288 : memref<32x128xf32, #tpu.memory_space<vmem_shared>>) target_semaphore(%run_scoped3A : memref<!tpu.dma_semaphore, #tpu.memory_space<semaphore_mem>>)
      %dma_wait3A_292 = arith.constant 0 : i32
      %dma_wait3A_293 = arith.constant 0 : i32
      %dma_wait3A_294 = tpu.memref_slice %arg8[%dma_wait3A_292, %dma_wait3A_293] : memref<32x128xf32, #tpu.memory_space<vmem>> -> memref<32x128xf32, #tpu.memory_space<vmem>>
      %dma_wait3A_295 = arith.constant 0 : i32
      %dma_wait3A_296 = tpu.memref_slice %arg20[%add3A_47, %dma_wait3A_295] : memref<10112x128xf32, #tpu.memory_space<vmem_shared>> -> memref<32x128xf32, #tpu.memory_space<vmem_shared>>
      %dma_wait3A_297 = arith.constant 0 : i32
      %dma_wait3A_298 = tpu.memref_slice %arg20[%add3A_47, %dma_wait3A_297] : memref<10112x128xf32, #tpu.memory_space<vmem_shared>> -> memref<32x128xf32, #tpu.memory_space<vmem_shared>>
      %dma_wait3A_299 = arith.constant 0 : i32
      %dma_wait3A_300 = arith.constant 0 : i32
      %dma_wait3A_301 = tpu.memref_slice %arg8[%dma_wait3A_299, %dma_wait3A_300] : memref<32x128xf32, #tpu.memory_space<vmem>> -> memref<32x128xf32, #tpu.memory_space<vmem>>
      tpu.wait_dma2 semaphore(%run_scoped3A : memref<!tpu.dma_semaphore, #tpu.memory_space<semaphore_mem>>) src(%dma_wait3A_301 : memref<32x128xf32, #tpu.memory_space<vmem>>) dst(%dma_wait3A_298 : memref<32x128xf32, #tpu.memory_space<vmem_shared>>)
      tpu.yield
    }) : () -> ()
    %mul3A_48 = arith.constant 632 : i32
    %mul3A_49 = arith.muli %arg1, %mul3A_48 : i32
    %add3A_50 = arith.constant 352 : i32
    %add3A_51 = arith.addi %mul3A_49, %add3A_50 : i32
    "tpu.region"() ({
      %run_scoped3A = tpu.sem_alloc : memref<!tpu.dma_semaphore, #tpu.memory_space<semaphore_mem>>
      %dma_start3A_282 = arith.constant 0 : i32
      %dma_start3A_283 = arith.constant 0 : i32
      %dma_start3A_284 = tpu.memref_slice %arg8[%dma_start3A_282, %dma_start3A_283] : memref<32x128xf32, #tpu.memory_space<vmem>> -> memref<32x128xf32, #tpu.memory_space<vmem>>
      %dma_start3A_285 = arith.constant 0 : i32
      %dma_start3A_286 = tpu.memref_slice %arg20[%add3A_51, %dma_start3A_285] : memref<10112x128xf32, #tpu.memory_space<vmem_shared>> -> memref<32x128xf32, #tpu.memory_space<vmem_shared>>
      %dma_start3A_287 = arith.constant 0 : i32
      %dma_start3A_288 = tpu.memref_slice %arg20[%add3A_51, %dma_start3A_287] : memref<10112x128xf32, #tpu.memory_space<vmem_shared>> -> memref<32x128xf32, #tpu.memory_space<vmem_shared>>
      %dma_start3A_289 = arith.constant 0 : i32
      %dma_start3A_290 = arith.constant 0 : i32
      %dma_start3A_291 = tpu.memref_slice %arg8[%dma_start3A_289, %dma_start3A_290] : memref<32x128xf32, #tpu.memory_space<vmem>> -> memref<32x128xf32, #tpu.memory_space<vmem>>
      tpu.enqueue_dma source(%dma_start3A_291 : memref<32x128xf32, #tpu.memory_space<vmem>>) target(%dma_start3A_288 : memref<32x128xf32, #tpu.memory_space<vmem_shared>>) target_semaphore(%run_scoped3A : memref<!tpu.dma_semaphore, #tpu.memory_space<semaphore_mem>>)
      %dma_wait3A_292 = arith.constant 0 : i32
      %dma_wait3A_293 = arith.constant 0 : i32
      %dma_wait3A_294 = tpu.memref_slice %arg8[%dma_wait3A_292, %dma_wait3A_293] : memref<32x128xf32, #tpu.memory_space<vmem>> -> memref<32x128xf32, #tpu.memory_space<vmem>>
      %dma_wait3A_295 = arith.constant 0 : i32
      %dma_wait3A_296 = tpu.memref_slice %arg20[%add3A_51, %dma_wait3A_295] : memref<10112x128xf32, #tpu.memory_space<vmem_shared>> -> memref<32x128xf32, #tpu.memory_space<vmem_shared>>
      %dma_wait3A_297 = arith.constant 0 : i32
      %dma_wait3A_298 = tpu.memref_slice %arg20[%add3A_51, %dma_wait3A_297] : memref<10112x128xf32, #tpu.memory_space<vmem_shared>> -> memref<32x128xf32, #tpu.memory_space<vmem_shared>>
      %dma_wait3A_299 = arith.constant 0 : i32
      %dma_wait3A_300 = arith.constant 0 : i32
      %dma_wait3A_301 = tpu.memref_slice %arg8[%dma_wait3A_299, %dma_wait3A_300] : memref<32x128xf32, #tpu.memory_space<vmem>> -> memref<32x128xf32, #tpu.memory_space<vmem>>
      tpu.wait_dma2 semaphore(%run_scoped3A : memref<!tpu.dma_semaphore, #tpu.memory_space<semaphore_mem>>) src(%dma_wait3A_301 : memref<32x128xf32, #tpu.memory_space<vmem>>) dst(%dma_wait3A_298 : memref<32x128xf32, #tpu.memory_space<vmem_shared>>)
      tpu.yield
    }) : () -> ()
    %mul3A_52 = arith.constant 632 : i32
    %mul3A_53 = arith.muli %arg1, %mul3A_52 : i32
    %add3A_54 = arith.constant 384 : i32
    %add3A_55 = arith.addi %mul3A_53, %add3A_54 : i32
    "tpu.region"() ({
      %run_scoped3A = tpu.sem_alloc : memref<!tpu.dma_semaphore, #tpu.memory_space<semaphore_mem>>
      %dma_start3A_282 = arith.constant 0 : i32
      %dma_start3A_283 = arith.constant 0 : i32
      %dma_start3A_284 = tpu.memref_slice %arg8[%dma_start3A_282, %dma_start3A_283] : memref<32x128xf32, #tpu.memory_space<vmem>> -> memref<32x128xf32, #tpu.memory_space<vmem>>
      %dma_start3A_285 = arith.constant 0 : i32
      %dma_start3A_286 = tpu.memref_slice %arg20[%add3A_55, %dma_start3A_285] : memref<10112x128xf32, #tpu.memory_space<vmem_shared>> -> memref<32x128xf32, #tpu.memory_space<vmem_shared>>
      %dma_start3A_287 = arith.constant 0 : i32
      %dma_start3A_288 = tpu.memref_slice %arg20[%add3A_55, %dma_start3A_287] : memref<10112x128xf32, #tpu.memory_space<vmem_shared>> -> memref<32x128xf32, #tpu.memory_space<vmem_shared>>
      %dma_start3A_289 = arith.constant 0 : i32
      %dma_start3A_290 = arith.constant 0 : i32
      %dma_start3A_291 = tpu.memref_slice %arg8[%dma_start3A_289, %dma_start3A_290] : memref<32x128xf32, #tpu.memory_space<vmem>> -> memref<32x128xf32, #tpu.memory_space<vmem>>
      tpu.enqueue_dma source(%dma_start3A_291 : memref<32x128xf32, #tpu.memory_space<vmem>>) target(%dma_start3A_288 : memref<32x128xf32, #tpu.memory_space<vmem_shared>>) target_semaphore(%run_scoped3A : memref<!tpu.dma_semaphore, #tpu.memory_space<semaphore_mem>>)
      %dma_wait3A_292 = arith.constant 0 : i32
      %dma_wait3A_293 = arith.constant 0 : i32
      %dma_wait3A_294 = tpu.memref_slice %arg8[%dma_wait3A_292, %dma_wait3A_293] : memref<32x128xf32, #tpu.memory_space<vmem>> -> memref<32x128xf32, #tpu.memory_space<vmem>>
      %dma_wait3A_295 = arith.constant 0 : i32
      %dma_wait3A_296 = tpu.memref_slice %arg20[%add3A_55, %dma_wait3A_295] : memref<10112x128xf32, #tpu.memory_space<vmem_shared>> -> memref<32x128xf32, #tpu.memory_space<vmem_shared>>
      %dma_wait3A_297 = arith.constant 0 : i32
      %dma_wait3A_298 = tpu.memref_slice %arg20[%add3A_55, %dma_wait3A_297] : memref<10112x128xf32, #tpu.memory_space<vmem_shared>> -> memref<32x128xf32, #tpu.memory_space<vmem_shared>>
      %dma_wait3A_299 = arith.constant 0 : i32
      %dma_wait3A_300 = arith.constant 0 : i32
      %dma_wait3A_301 = tpu.memref_slice %arg8[%dma_wait3A_299, %dma_wait3A_300] : memref<32x128xf32, #tpu.memory_space<vmem>> -> memref<32x128xf32, #tpu.memory_space<vmem>>
      tpu.wait_dma2 semaphore(%run_scoped3A : memref<!tpu.dma_semaphore, #tpu.memory_space<semaphore_mem>>) src(%dma_wait3A_301 : memref<32x128xf32, #tpu.memory_space<vmem>>) dst(%dma_wait3A_298 : memref<32x128xf32, #tpu.memory_space<vmem_shared>>)
      tpu.yield
    }) : () -> ()
    %mul3A_56 = arith.constant 632 : i32
    %mul3A_57 = arith.muli %arg1, %mul3A_56 : i32
    %add3A_58 = arith.constant 416 : i32
    %add3A_59 = arith.addi %mul3A_57, %add3A_58 : i32
    "tpu.region"() ({
      %run_scoped3A = tpu.sem_alloc : memref<!tpu.dma_semaphore, #tpu.memory_space<semaphore_mem>>
      %dma_start3A_282 = arith.constant 0 : i32
      %dma_start3A_283 = arith.constant 0 : i32
      %dma_start3A_284 = tpu.memref_slice %arg8[%dma_start3A_282, %dma_start3A_283] : memref<32x128xf32, #tpu.memory_space<vmem>> -> memref<32x128xf32, #tpu.memory_space<vmem>>
      %dma_start3A_285 = arith.constant 0 : i32
      %dma_start3A_286 = tpu.memref_slice %arg20[%add3A_59, %dma_start3A_285] : memref<10112x128xf32, #tpu.memory_space<vmem_shared>> -> memref<32x128xf32, #tpu.memory_space<vmem_shared>>
      %dma_start3A_287 = arith.constant 0 : i32
      %dma_start3A_288 = tpu.memref_slice %arg20[%add3A_59, %dma_start3A_287] : memref<10112x128xf32, #tpu.memory_space<vmem_shared>> -> memref<32x128xf32, #tpu.memory_space<vmem_shared>>
      %dma_start3A_289 = arith.constant 0 : i32
      %dma_start3A_290 = arith.constant 0 : i32
      %dma_start3A_291 = tpu.memref_slice %arg8[%dma_start3A_289, %dma_start3A_290] : memref<32x128xf32, #tpu.memory_space<vmem>> -> memref<32x128xf32, #tpu.memory_space<vmem>>
      tpu.enqueue_dma source(%dma_start3A_291 : memref<32x128xf32, #tpu.memory_space<vmem>>) target(%dma_start3A_288 : memref<32x128xf32, #tpu.memory_space<vmem_shared>>) target_semaphore(%run_scoped3A : memref<!tpu.dma_semaphore, #tpu.memory_space<semaphore_mem>>)
      %dma_wait3A_292 = arith.constant 0 : i32
      %dma_wait3A_293 = arith.constant 0 : i32
      %dma_wait3A_294 = tpu.memref_slice %arg8[%dma_wait3A_292, %dma_wait3A_293] : memref<32x128xf32, #tpu.memory_space<vmem>> -> memref<32x128xf32, #tpu.memory_space<vmem>>
      %dma_wait3A_295 = arith.constant 0 : i32
      %dma_wait3A_296 = tpu.memref_slice %arg20[%add3A_59, %dma_wait3A_295] : memref<10112x128xf32, #tpu.memory_space<vmem_shared>> -> memref<32x128xf32, #tpu.memory_space<vmem_shared>>
      %dma_wait3A_297 = arith.constant 0 : i32
      %dma_wait3A_298 = tpu.memref_slice %arg20[%add3A_59, %dma_wait3A_297] : memref<10112x128xf32, #tpu.memory_space<vmem_shared>> -> memref<32x128xf32, #tpu.memory_space<vmem_shared>>
      %dma_wait3A_299 = arith.constant 0 : i32
      %dma_wait3A_300 = arith.constant 0 : i32
      %dma_wait3A_301 = tpu.memref_slice %arg8[%dma_wait3A_299, %dma_wait3A_300] : memref<32x128xf32, #tpu.memory_space<vmem>> -> memref<32x128xf32, #tpu.memory_space<vmem>>
      tpu.wait_dma2 semaphore(%run_scoped3A : memref<!tpu.dma_semaphore, #tpu.memory_space<semaphore_mem>>) src(%dma_wait3A_301 : memref<32x128xf32, #tpu.memory_space<vmem>>) dst(%dma_wait3A_298 : memref<32x128xf32, #tpu.memory_space<vmem_shared>>)
      tpu.yield
    }) : () -> ()
    %mul3A_60 = arith.constant 632 : i32
    %mul3A_61 = arith.muli %arg1, %mul3A_60 : i32
    %add3A_62 = arith.constant 448 : i32
    %add3A_63 = arith.addi %mul3A_61, %add3A_62 : i32
    "tpu.region"() ({
      %run_scoped3A = tpu.sem_alloc : memref<!tpu.dma_semaphore, #tpu.memory_space<semaphore_mem>>
      %dma_start3A_282 = arith.constant 0 : i32
      %dma_start3A_283 = arith.constant 0 : i32
      %dma_start3A_284 = tpu.memref_slice %arg8[%dma_start3A_282, %dma_start3A_283] : memref<32x128xf32, #tpu.memory_space<vmem>> -> memref<32x128xf32, #tpu.memory_space<vmem>>
      %dma_start3A_285 = arith.constant 0 : i32
      %dma_start3A_286 = tpu.memref_slice %arg20[%add3A_63, %dma_start3A_285] : memref<10112x128xf32, #tpu.memory_space<vmem_shared>> -> memref<32x128xf32, #tpu.memory_space<vmem_shared>>
      %dma_start3A_287 = arith.constant 0 : i32
      %dma_start3A_288 = tpu.memref_slice %arg20[%add3A_63, %dma_start3A_287] : memref<10112x128xf32, #tpu.memory_space<vmem_shared>> -> memref<32x128xf32, #tpu.memory_space<vmem_shared>>
      %dma_start3A_289 = arith.constant 0 : i32
      %dma_start3A_290 = arith.constant 0 : i32
      %dma_start3A_291 = tpu.memref_slice %arg8[%dma_start3A_289, %dma_start3A_290] : memref<32x128xf32, #tpu.memory_space<vmem>> -> memref<32x128xf32, #tpu.memory_space<vmem>>
      tpu.enqueue_dma source(%dma_start3A_291 : memref<32x128xf32, #tpu.memory_space<vmem>>) target(%dma_start3A_288 : memref<32x128xf32, #tpu.memory_space<vmem_shared>>) target_semaphore(%run_scoped3A : memref<!tpu.dma_semaphore, #tpu.memory_space<semaphore_mem>>)
      %dma_wait3A_292 = arith.constant 0 : i32
      %dma_wait3A_293 = arith.constant 0 : i32
      %dma_wait3A_294 = tpu.memref_slice %arg8[%dma_wait3A_292, %dma_wait3A_293] : memref<32x128xf32, #tpu.memory_space<vmem>> -> memref<32x128xf32, #tpu.memory_space<vmem>>
      %dma_wait3A_295 = arith.constant 0 : i32
      %dma_wait3A_296 = tpu.memref_slice %arg20[%add3A_63, %dma_wait3A_295] : memref<10112x128xf32, #tpu.memory_space<vmem_shared>> -> memref<32x128xf32, #tpu.memory_space<vmem_shared>>
      %dma_wait3A_297 = arith.constant 0 : i32
      %dma_wait3A_298 = tpu.memref_slice %arg20[%add3A_63, %dma_wait3A_297] : memref<10112x128xf32, #tpu.memory_space<vmem_shared>> -> memref<32x128xf32, #tpu.memory_space<vmem_shared>>
      %dma_wait3A_299 = arith.constant 0 : i32
      %dma_wait3A_300 = arith.constant 0 : i32
      %dma_wait3A_301 = tpu.memref_slice %arg8[%dma_wait3A_299, %dma_wait3A_300] : memref<32x128xf32, #tpu.memory_space<vmem>> -> memref<32x128xf32, #tpu.memory_space<vmem>>
      tpu.wait_dma2 semaphore(%run_scoped3A : memref<!tpu.dma_semaphore, #tpu.memory_space<semaphore_mem>>) src(%dma_wait3A_301 : memref<32x128xf32, #tpu.memory_space<vmem>>) dst(%dma_wait3A_298 : memref<32x128xf32, #tpu.memory_space<vmem_shared>>)
      tpu.yield
    }) : () -> ()
    %mul3A_64 = arith.constant 632 : i32
    %mul3A_65 = arith.muli %arg1, %mul3A_64 : i32
    %add3A_66 = arith.constant 480 : i32
    %add3A_67 = arith.addi %mul3A_65, %add3A_66 : i32
    "tpu.region"() ({
      %run_scoped3A = tpu.sem_alloc : memref<!tpu.dma_semaphore, #tpu.memory_space<semaphore_mem>>
      %dma_start3A_282 = arith.constant 0 : i32
      %dma_start3A_283 = arith.constant 0 : i32
      %dma_start3A_284 = tpu.memref_slice %arg8[%dma_start3A_282, %dma_start3A_283] : memref<32x128xf32, #tpu.memory_space<vmem>> -> memref<32x128xf32, #tpu.memory_space<vmem>>
      %dma_start3A_285 = arith.constant 0 : i32
      %dma_start3A_286 = tpu.memref_slice %arg20[%add3A_67, %dma_start3A_285] : memref<10112x128xf32, #tpu.memory_space<vmem_shared>> -> memref<32x128xf32, #tpu.memory_space<vmem_shared>>
      %dma_start3A_287 = arith.constant 0 : i32
      %dma_start3A_288 = tpu.memref_slice %arg20[%add3A_67, %dma_start3A_287] : memref<10112x128xf32, #tpu.memory_space<vmem_shared>> -> memref<32x128xf32, #tpu.memory_space<vmem_shared>>
      %dma_start3A_289 = arith.constant 0 : i32
      %dma_start3A_290 = arith.constant 0 : i32
      %dma_start3A_291 = tpu.memref_slice %arg8[%dma_start3A_289, %dma_start3A_290] : memref<32x128xf32, #tpu.memory_space<vmem>> -> memref<32x128xf32, #tpu.memory_space<vmem>>
      tpu.enqueue_dma source(%dma_start3A_291 : memref<32x128xf32, #tpu.memory_space<vmem>>) target(%dma_start3A_288 : memref<32x128xf32, #tpu.memory_space<vmem_shared>>) target_semaphore(%run_scoped3A : memref<!tpu.dma_semaphore, #tpu.memory_space<semaphore_mem>>)
      %dma_wait3A_292 = arith.constant 0 : i32
      %dma_wait3A_293 = arith.constant 0 : i32
      %dma_wait3A_294 = tpu.memref_slice %arg8[%dma_wait3A_292, %dma_wait3A_293] : memref<32x128xf32, #tpu.memory_space<vmem>> -> memref<32x128xf32, #tpu.memory_space<vmem>>
      %dma_wait3A_295 = arith.constant 0 : i32
      %dma_wait3A_296 = tpu.memref_slice %arg20[%add3A_67, %dma_wait3A_295] : memref<10112x128xf32, #tpu.memory_space<vmem_shared>> -> memref<32x128xf32, #tpu.memory_space<vmem_shared>>
      %dma_wait3A_297 = arith.constant 0 : i32
      %dma_wait3A_298 = tpu.memref_slice %arg20[%add3A_67, %dma_wait3A_297] : memref<10112x128xf32, #tpu.memory_space<vmem_shared>> -> memref<32x128xf32, #tpu.memory_space<vmem_shared>>
      %dma_wait3A_299 = arith.constant 0 : i32
      %dma_wait3A_300 = arith.constant 0 : i32
      %dma_wait3A_301 = tpu.memref_slice %arg8[%dma_wait3A_299, %dma_wait3A_300] : memref<32x128xf32, #tpu.memory_space<vmem>> -> memref<32x128xf32, #tpu.memory_space<vmem>>
      tpu.wait_dma2 semaphore(%run_scoped3A : memref<!tpu.dma_semaphore, #tpu.memory_space<semaphore_mem>>) src(%dma_wait3A_301 : memref<32x128xf32, #tpu.memory_space<vmem>>) dst(%dma_wait3A_298 : memref<32x128xf32, #tpu.memory_space<vmem_shared>>)
      tpu.yield
    }) : () -> ()
    %mul3A_68 = arith.constant 632 : i32
    %mul3A_69 = arith.muli %arg1, %mul3A_68 : i32
    %add3A_70 = arith.constant 512 : i32
    %add3A_71 = arith.addi %mul3A_69, %add3A_70 : i32
    "tpu.region"() ({
      %run_scoped3A = tpu.sem_alloc : memref<!tpu.dma_semaphore, #tpu.memory_space<semaphore_mem>>
      %dma_start3A_282 = arith.constant 0 : i32
      %dma_start3A_283 = arith.constant 0 : i32
      %dma_start3A_284 = tpu.memref_slice %arg8[%dma_start3A_282, %dma_start3A_283] : memref<32x128xf32, #tpu.memory_space<vmem>> -> memref<32x128xf32, #tpu.memory_space<vmem>>
      %dma_start3A_285 = arith.constant 0 : i32
      %dma_start3A_286 = tpu.memref_slice %arg20[%add3A_71, %dma_start3A_285] : memref<10112x128xf32, #tpu.memory_space<vmem_shared>> -> memref<32x128xf32, #tpu.memory_space<vmem_shared>>
      %dma_start3A_287 = arith.constant 0 : i32
      %dma_start3A_288 = tpu.memref_slice %arg20[%add3A_71, %dma_start3A_287] : memref<10112x128xf32, #tpu.memory_space<vmem_shared>> -> memref<32x128xf32, #tpu.memory_space<vmem_shared>>
      %dma_start3A_289 = arith.constant 0 : i32
      %dma_start3A_290 = arith.constant 0 : i32
      %dma_start3A_291 = tpu.memref_slice %arg8[%dma_start3A_289, %dma_start3A_290] : memref<32x128xf32, #tpu.memory_space<vmem>> -> memref<32x128xf32, #tpu.memory_space<vmem>>
      tpu.enqueue_dma source(%dma_start3A_291 : memref<32x128xf32, #tpu.memory_space<vmem>>) target(%dma_start3A_288 : memref<32x128xf32, #tpu.memory_space<vmem_shared>>) target_semaphore(%run_scoped3A : memref<!tpu.dma_semaphore, #tpu.memory_space<semaphore_mem>>)
      %dma_wait3A_292 = arith.constant 0 : i32
      %dma_wait3A_293 = arith.constant 0 : i32
      %dma_wait3A_294 = tpu.memref_slice %arg8[%dma_wait3A_292, %dma_wait3A_293] : memref<32x128xf32, #tpu.memory_space<vmem>> -> memref<32x128xf32, #tpu.memory_space<vmem>>
      %dma_wait3A_295 = arith.constant 0 : i32
      %dma_wait3A_296 = tpu.memref_slice %arg20[%add3A_71, %dma_wait3A_295] : memref<10112x128xf32, #tpu.memory_space<vmem_shared>> -> memref<32x128xf32, #tpu.memory_space<vmem_shared>>
      %dma_wait3A_297 = arith.constant 0 : i32
      %dma_wait3A_298 = tpu.memref_slice %arg20[%add3A_71, %dma_wait3A_297] : memref<10112x128xf32, #tpu.memory_space<vmem_shared>> -> memref<32x128xf32, #tpu.memory_space<vmem_shared>>
      %dma_wait3A_299 = arith.constant 0 : i32
      %dma_wait3A_300 = arith.constant 0 : i32
      %dma_wait3A_301 = tpu.memref_slice %arg8[%dma_wait3A_299, %dma_wait3A_300] : memref<32x128xf32, #tpu.memory_space<vmem>> -> memref<32x128xf32, #tpu.memory_space<vmem>>
      tpu.wait_dma2 semaphore(%run_scoped3A : memref<!tpu.dma_semaphore, #tpu.memory_space<semaphore_mem>>) src(%dma_wait3A_301 : memref<32x128xf32, #tpu.memory_space<vmem>>) dst(%dma_wait3A_298 : memref<32x128xf32, #tpu.memory_space<vmem_shared>>)
      tpu.yield
    }) : () -> ()
    %mul3A_72 = arith.constant 632 : i32
    %mul3A_73 = arith.muli %arg1, %mul3A_72 : i32
    %add3A_74 = arith.constant 544 : i32
    %add3A_75 = arith.addi %mul3A_73, %add3A_74 : i32
    "tpu.region"() ({
      %run_scoped3A = tpu.sem_alloc : memref<!tpu.dma_semaphore, #tpu.memory_space<semaphore_mem>>
      %dma_start3A_282 = arith.constant 0 : i32
      %dma_start3A_283 = arith.constant 0 : i32
      %dma_start3A_284 = tpu.memref_slice %arg8[%dma_start3A_282, %dma_start3A_283] : memref<32x128xf32, #tpu.memory_space<vmem>> -> memref<32x128xf32, #tpu.memory_space<vmem>>
      %dma_start3A_285 = arith.constant 0 : i32
      %dma_start3A_286 = tpu.memref_slice %arg20[%add3A_75, %dma_start3A_285] : memref<10112x128xf32, #tpu.memory_space<vmem_shared>> -> memref<32x128xf32, #tpu.memory_space<vmem_shared>>
      %dma_start3A_287 = arith.constant 0 : i32
      %dma_start3A_288 = tpu.memref_slice %arg20[%add3A_75, %dma_start3A_287] : memref<10112x128xf32, #tpu.memory_space<vmem_shared>> -> memref<32x128xf32, #tpu.memory_space<vmem_shared>>
      %dma_start3A_289 = arith.constant 0 : i32
      %dma_start3A_290 = arith.constant 0 : i32
      %dma_start3A_291 = tpu.memref_slice %arg8[%dma_start3A_289, %dma_start3A_290] : memref<32x128xf32, #tpu.memory_space<vmem>> -> memref<32x128xf32, #tpu.memory_space<vmem>>
      tpu.enqueue_dma source(%dma_start3A_291 : memref<32x128xf32, #tpu.memory_space<vmem>>) target(%dma_start3A_288 : memref<32x128xf32, #tpu.memory_space<vmem_shared>>) target_semaphore(%run_scoped3A : memref<!tpu.dma_semaphore, #tpu.memory_space<semaphore_mem>>)
      %dma_wait3A_292 = arith.constant 0 : i32
      %dma_wait3A_293 = arith.constant 0 : i32
      %dma_wait3A_294 = tpu.memref_slice %arg8[%dma_wait3A_292, %dma_wait3A_293] : memref<32x128xf32, #tpu.memory_space<vmem>> -> memref<32x128xf32, #tpu.memory_space<vmem>>
      %dma_wait3A_295 = arith.constant 0 : i32
      %dma_wait3A_296 = tpu.memref_slice %arg20[%add3A_75, %dma_wait3A_295] : memref<10112x128xf32, #tpu.memory_space<vmem_shared>> -> memref<32x128xf32, #tpu.memory_space<vmem_shared>>
      %dma_wait3A_297 = arith.constant 0 : i32
      %dma_wait3A_298 = tpu.memref_slice %arg20[%add3A_75, %dma_wait3A_297] : memref<10112x128xf32, #tpu.memory_space<vmem_shared>> -> memref<32x128xf32, #tpu.memory_space<vmem_shared>>
      %dma_wait3A_299 = arith.constant 0 : i32
      %dma_wait3A_300 = arith.constant 0 : i32
      %dma_wait3A_301 = tpu.memref_slice %arg8[%dma_wait3A_299, %dma_wait3A_300] : memref<32x128xf32, #tpu.memory_space<vmem>> -> memref<32x128xf32, #tpu.memory_space<vmem>>
      tpu.wait_dma2 semaphore(%run_scoped3A : memref<!tpu.dma_semaphore, #tpu.memory_space<semaphore_mem>>) src(%dma_wait3A_301 : memref<32x128xf32, #tpu.memory_space<vmem>>) dst(%dma_wait3A_298 : memref<32x128xf32, #tpu.memory_space<vmem_shared>>)
      tpu.yield
    }) : () -> ()
    %mul3A_76 = arith.constant 632 : i32
    %mul3A_77 = arith.muli %arg1, %mul3A_76 : i32
    %add3A_78 = arith.constant 576 : i32
    %add3A_79 = arith.addi %mul3A_77, %add3A_78 : i32
    "tpu.region"() ({
      %run_scoped3A = tpu.sem_alloc : memref<!tpu.dma_semaphore, #tpu.memory_space<semaphore_mem>>
      %dma_start3A_282 = arith.constant 0 : i32
      %dma_start3A_283 = arith.constant 0 : i32
      %dma_start3A_284 = tpu.memref_slice %arg8[%dma_start3A_282, %dma_start3A_283] : memref<32x128xf32, #tpu.memory_space<vmem>> -> memref<32x128xf32, #tpu.memory_space<vmem>>
      %dma_start3A_285 = arith.constant 0 : i32
      %dma_start3A_286 = tpu.memref_slice %arg20[%add3A_79, %dma_start3A_285] : memref<10112x128xf32, #tpu.memory_space<vmem_shared>> -> memref<32x128xf32, #tpu.memory_space<vmem_shared>>
      %dma_start3A_287 = arith.constant 0 : i32
      %dma_start3A_288 = tpu.memref_slice %arg20[%add3A_79, %dma_start3A_287] : memref<10112x128xf32, #tpu.memory_space<vmem_shared>> -> memref<32x128xf32, #tpu.memory_space<vmem_shared>>
      %dma_start3A_289 = arith.constant 0 : i32
      %dma_start3A_290 = arith.constant 0 : i32
      %dma_start3A_291 = tpu.memref_slice %arg8[%dma_start3A_289, %dma_start3A_290] : memref<32x128xf32, #tpu.memory_space<vmem>> -> memref<32x128xf32, #tpu.memory_space<vmem>>
      tpu.enqueue_dma source(%dma_start3A_291 : memref<32x128xf32, #tpu.memory_space<vmem>>) target(%dma_start3A_288 : memref<32x128xf32, #tpu.memory_space<vmem_shared>>) target_semaphore(%run_scoped3A : memref<!tpu.dma_semaphore, #tpu.memory_space<semaphore_mem>>)
      %dma_wait3A_292 = arith.constant 0 : i32
      %dma_wait3A_293 = arith.constant 0 : i32
      %dma_wait3A_294 = tpu.memref_slice %arg8[%dma_wait3A_292, %dma_wait3A_293] : memref<32x128xf32, #tpu.memory_space<vmem>> -> memref<32x128xf32, #tpu.memory_space<vmem>>
      %dma_wait3A_295 = arith.constant 0 : i32
      %dma_wait3A_296 = tpu.memref_slice %arg20[%add3A_79, %dma_wait3A_295] : memref<10112x128xf32, #tpu.memory_space<vmem_shared>> -> memref<32x128xf32, #tpu.memory_space<vmem_shared>>
      %dma_wait3A_297 = arith.constant 0 : i32
      %dma_wait3A_298 = tpu.memref_slice %arg20[%add3A_79, %dma_wait3A_297] : memref<10112x128xf32, #tpu.memory_space<vmem_shared>> -> memref<32x128xf32, #tpu.memory_space<vmem_shared>>
      %dma_wait3A_299 = arith.constant 0 : i32
      %dma_wait3A_300 = arith.constant 0 : i32
      %dma_wait3A_301 = tpu.memref_slice %arg8[%dma_wait3A_299, %dma_wait3A_300] : memref<32x128xf32, #tpu.memory_space<vmem>> -> memref<32x128xf32, #tpu.memory_space<vmem>>
      tpu.wait_dma2 semaphore(%run_scoped3A : memref<!tpu.dma_semaphore, #tpu.memory_space<semaphore_mem>>) src(%dma_wait3A_301 : memref<32x128xf32, #tpu.memory_space<vmem>>) dst(%dma_wait3A_298 : memref<32x128xf32, #tpu.memory_space<vmem_shared>>)
      tpu.yield
    }) : () -> ()
    %mul3A_80 = arith.constant 632 : i32
    %mul3A_81 = arith.muli %arg1, %mul3A_80 : i32
    %add3A_82 = arith.constant 608 : i32
    %add3A_83 = arith.addi %mul3A_81, %add3A_82 : i32
    "tpu.region"() ({
      %run_scoped3A = tpu.sem_alloc : memref<!tpu.dma_semaphore, #tpu.memory_space<semaphore_mem>>
      %dma_start3A_282 = arith.constant 0 : i32
      %dma_start3A_283 = arith.constant 0 : i32
      %dma_start3A_284 = tpu.memref_slice %arg8[%dma_start3A_282, %dma_start3A_283] : memref<32x128xf32, #tpu.memory_space<vmem>> -> memref<24x128xf32, #tpu.memory_space<vmem>>
      %dma_start3A_285 = arith.constant 0 : i32
      %dma_start3A_286 = tpu.memref_slice %arg20[%add3A_83, %dma_start3A_285] : memref<10112x128xf32, #tpu.memory_space<vmem_shared>> -> memref<24x128xf32, #tpu.memory_space<vmem_shared>>
      %dma_start3A_287 = arith.constant 0 : i32
      %dma_start3A_288 = tpu.memref_slice %arg20[%add3A_83, %dma_start3A_287] : memref<10112x128xf32, #tpu.memory_space<vmem_shared>> -> memref<24x128xf32, #tpu.memory_space<vmem_shared>>
      %dma_start3A_289 = arith.constant 0 : i32
      %dma_start3A_290 = arith.constant 0 : i32
      %dma_start3A_291 = tpu.memref_slice %arg8[%dma_start3A_289, %dma_start3A_290] : memref<32x128xf32, #tpu.memory_space<vmem>> -> memref<24x128xf32, #tpu.memory_space<vmem>>
      tpu.enqueue_dma source(%dma_start3A_291 : memref<24x128xf32, #tpu.memory_space<vmem>>) target(%dma_start3A_288 : memref<24x128xf32, #tpu.memory_space<vmem_shared>>) target_semaphore(%run_scoped3A : memref<!tpu.dma_semaphore, #tpu.memory_space<semaphore_mem>>)
      %dma_wait3A_292 = arith.constant 0 : i32
      %dma_wait3A_293 = arith.constant 0 : i32
      %dma_wait3A_294 = tpu.memref_slice %arg8[%dma_wait3A_292, %dma_wait3A_293] : memref<32x128xf32, #tpu.memory_space<vmem>> -> memref<24x128xf32, #tpu.memory_space<vmem>>
      %dma_wait3A_295 = arith.constant 0 : i32
      %dma_wait3A_296 = tpu.memref_slice %arg20[%add3A_83, %dma_wait3A_295] : memref<10112x128xf32, #tpu.memory_space<vmem_shared>> -> memref<24x128xf32, #tpu.memory_space<vmem_shared>>
      %dma_wait3A_297 = arith.constant 0 : i32
      %dma_wait3A_298 = tpu.memref_slice %arg20[%add3A_83, %dma_wait3A_297] : memref<10112x128xf32, #tpu.memory_space<vmem_shared>> -> memref<24x128xf32, #tpu.memory_space<vmem_shared>>
      %dma_wait3A_299 = arith.constant 0 : i32
      %dma_wait3A_300 = arith.constant 0 : i32
      %dma_wait3A_301 = tpu.memref_slice %arg8[%dma_wait3A_299, %dma_wait3A_300] : memref<32x128xf32, #tpu.memory_space<vmem>> -> memref<24x128xf32, #tpu.memory_space<vmem>>
      tpu.wait_dma2 semaphore(%run_scoped3A : memref<!tpu.dma_semaphore, #tpu.memory_space<semaphore_mem>>) src(%dma_wait3A_301 : memref<24x128xf32, #tpu.memory_space<vmem>>) dst(%dma_wait3A_298 : memref<24x128xf32, #tpu.memory_space<vmem_shared>>)
      tpu.yield
    }) : () -> ()
    %barrier3A = arith.constant 0 : index
    tpu.barrier barrier_id(%barrier3A)
    %dma_start3A = arith.constant 0 : i32
    %dma_start3A_84 = tpu.memref_slice %arg6[%dma_start3A] : memref<10112xi32, #tpu.memory_space<vmem>> -> memref<32xi32, #tpu.memory_space<vmem>>
    %dma_start3A_85 = arith.constant 0 : i32
    %dma_start3A_86 = arith.constant 0 : i32
    %dma_start3A_87 = tpu.memref_slice %arg2[%arg0, %dma_start3A_85, %dma_start3A_86] : memref<2x10000x128xf32, #tpu.memory_space<hbm>> -> memref<1x10000x128xf32, #tpu.memory_space<hbm>>
    %dma_start3A_88 = tpu.memref_squeeze %dma_start3A_87 : memref<1x10000x128xf32, #tpu.memory_space<hbm>> -> memref<10000x128xf32, #tpu.memory_space<hbm>>
    %dma_start3A_89 = arith.constant 0 : i32
    %dma_start3A_90 = arith.constant 0 : i32
    %dma_start3A_91 = tpu.memref_slice %dma_start3A_88[%dma_start3A_89, %dma_start3A_90] : memref<10000x128xf32, #tpu.memory_space<hbm>> -> memref<10000x128xf32, #tpu.memory_space<hbm>>
    tpu.enqueue_indirect_dma source(%dma_start3A_91 : memref<10000x128xf32, #tpu.memory_space<hbm>>) target(%arg8 : memref<32x128xf32, #tpu.memory_space<vmem>>) offsets(%dma_start3A_84 : memref<32xi32, #tpu.memory_space<vmem>>) semaphore(%arg12 : memref<!tpu.dma_semaphore, #tpu.memory_space<semaphore_mem>>)
    %dma_start3A_92 = arith.constant 32 : i32
    %dma_start3A_93 = tpu.memref_slice %arg6[%dma_start3A_92] : memref<10112xi32, #tpu.memory_space<vmem>> -> memref<32xi32, #tpu.memory_space<vmem>>
    %dma_start3A_94 = arith.constant 0 : i32
    %dma_start3A_95 = arith.constant 0 : i32
    %dma_start3A_96 = tpu.memref_slice %arg2[%arg0, %dma_start3A_94, %dma_start3A_95] : memref<2x10000x128xf32, #tpu.memory_space<hbm>> -> memref<1x10000x128xf32, #tpu.memory_space<hbm>>
    %dma_start3A_97 = tpu.memref_squeeze %dma_start3A_96 : memref<1x10000x128xf32, #tpu.memory_space<hbm>> -> memref<10000x128xf32, #tpu.memory_space<hbm>>
    %dma_start3A_98 = arith.constant 0 : i32
    %dma_start3A_99 = arith.constant 0 : i32
    %dma_start3A_100 = tpu.memref_slice %dma_start3A_97[%dma_start3A_98, %dma_start3A_99] : memref<10000x128xf32, #tpu.memory_space<hbm>> -> memref<10000x128xf32, #tpu.memory_space<hbm>>
    tpu.enqueue_indirect_dma source(%dma_start3A_100 : memref<10000x128xf32, #tpu.memory_space<hbm>>) target(%arg9 : memref<32x128xf32, #tpu.memory_space<vmem>>) offsets(%dma_start3A_93 : memref<32xi32, #tpu.memory_space<vmem>>) semaphore(%arg13 : memref<!tpu.dma_semaphore, #tpu.memory_space<semaphore_mem>>)
    %dma_start3A_101 = arith.constant 64 : i32
    %dma_start3A_102 = tpu.memref_slice %arg6[%dma_start3A_101] : memref<10112xi32, #tpu.memory_space<vmem>> -> memref<32xi32, #tpu.memory_space<vmem>>
    %dma_start3A_103 = arith.constant 0 : i32
    %dma_start3A_104 = arith.constant 0 : i32
    %dma_start3A_105 = tpu.memref_slice %arg2[%arg0, %dma_start3A_103, %dma_start3A_104] : memref<2x10000x128xf32, #tpu.memory_space<hbm>> -> memref<1x10000x128xf32, #tpu.memory_space<hbm>>
    %dma_start3A_106 = tpu.memref_squeeze %dma_start3A_105 : memref<1x10000x128xf32, #tpu.memory_space<hbm>> -> memref<10000x128xf32, #tpu.memory_space<hbm>>
    %dma_start3A_107 = arith.constant 0 : i32
    %dma_start3A_108 = arith.constant 0 : i32
    %dma_start3A_109 = tpu.memref_slice %dma_start3A_106[%dma_start3A_107, %dma_start3A_108] : memref<10000x128xf32, #tpu.memory_space<hbm>> -> memref<10000x128xf32, #tpu.memory_space<hbm>>
    tpu.enqueue_indirect_dma source(%dma_start3A_109 : memref<10000x128xf32, #tpu.memory_space<hbm>>) target(%arg10 : memref<32x128xf32, #tpu.memory_space<vmem>>) offsets(%dma_start3A_102 : memref<32xi32, #tpu.memory_space<vmem>>) semaphore(%arg14 : memref<!tpu.dma_semaphore, #tpu.memory_space<semaphore_mem>>)
    %scan3A_110 = arith.constant 0 : i32
    %scan3A_111 = arith.constant 0 : i32
    %scan3A_112 = arith.constant 79 : i32
    %scan3A_113 = arith.addi %scan3A_111, %scan3A_112 : i32
    %scan3A_114 = arith.constant 1 : i32
    %scan3A_115 = scf.for %scan3A_282 = %scan3A_111 to %scan3A_113 step %scan3A_114 iter_args(%scan3A_283 = %scan3A_110) -> (i32)  : i32 {
      %mul3A_284 = arith.constant 4 : i32
      %mul3A_285 = arith.muli %mul3A_284, %scan3A_282 : i32
      %add3A_286 = arith.constant 0 : i32
      %add3A_287 = arith.addi %mul3A_285, %add3A_286 : i32
      %mul3A_288 = arith.constant 32 : i32
      %mul3A_289 = arith.muli %add3A_287, %mul3A_288 : i32
      %dma_wait3A_290 = tpu.memref_slice %arg6[%mul3A_289] : memref<10112xi32, #tpu.memory_space<vmem>> -> memref<32xi32, #tpu.memory_space<vmem>>
      %dma_wait3A_291 = arith.constant 0 : i32
      %dma_wait3A_292 = arith.constant 0 : i32
      %dma_wait3A_293 = tpu.memref_slice %arg2[%arg0, %dma_wait3A_291, %dma_wait3A_292] : memref<2x10000x128xf32, #tpu.memory_space<hbm>> -> memref<1x10000x128xf32, #tpu.memory_space<hbm>>
      %dma_wait3A_294 = tpu.memref_squeeze %dma_wait3A_293 : memref<1x10000x128xf32, #tpu.memory_space<hbm>> -> memref<10000x128xf32, #tpu.memory_space<hbm>>
      %dma_wait3A_295 = arith.constant 0 : i32
      %dma_wait3A_296 = arith.constant 0 : i32
      %dma_wait3A_297 = tpu.memref_slice %dma_wait3A_294[%dma_wait3A_295, %dma_wait3A_296] : memref<10000x128xf32, #tpu.memory_space<hbm>> -> memref<10000x128xf32, #tpu.memory_space<hbm>>
      tpu.wait_indirect_dma semaphore(%arg12 : memref<!tpu.dma_semaphore, #tpu.memory_space<semaphore_mem>>) src(%dma_wait3A_297 : memref<10000x128xf32, #tpu.memory_space<hbm>>) dst(%arg8 : memref<32x128xf32, #tpu.memory_space<vmem>>)
      %mul3A_298 = arith.constant 32 : i32
      %mul3A_299 = arith.muli %add3A_287, %mul3A_298 : i32
      %dma_start3A_300 = tpu.memref_slice %arg7[%mul3A_299] : memref<10112xi32, #tpu.memory_space<vmem>> -> memref<32xi32, #tpu.memory_space<vmem>>
      %dma_start3A_301 = arith.constant 0 : i32
      %dma_start3A_302 = arith.constant 0 : i32
      %dma_start3A_303 = tpu.memref_slice %arg20[%dma_start3A_301, %dma_start3A_302] : memref<10112x128xf32, #tpu.memory_space<vmem_shared>> -> memref<10112x128xf32, #tpu.memory_space<vmem_shared>>
      tpu.enqueue_indirect_dma source(%arg8 : memref<32x128xf32, #tpu.memory_space<vmem>>) target(%dma_start3A_303 : memref<10112x128xf32, #tpu.memory_space<vmem_shared>>) offsets(%dma_start3A_300 : memref<32xi32, #tpu.memory_space<vmem>>) semaphore(%arg16 : memref<!tpu.dma_semaphore, #tpu.memory_space<semaphore_mem>>) {add = true}
      %ge3A = arith.constant 1 : i32
      %ge3A_304 = arith.cmpi sge, %add3A_287, %ge3A : i32
      %convert_element_type3A = arith.extui %ge3A_304 : i1 to i32
      %cond3A = arith.constant 0 : i32
      %cond3A_305 = arith.cmpi ne, %convert_element_type3A, %cond3A : i32
      scf.if %cond3A_305 {
        %sub3A = arith.constant 1 : i32
        %sub3A_403 = arith.subi %add3A_287, %sub3A : i32
        %mul3A_404 = arith.constant 32 : i32
        %mul3A_405 = arith.muli %sub3A_403, %mul3A_404 : i32
        %dma_wait3A_406 = tpu.memref_slice %arg7[%mul3A_405] : memref<10112xi32, #tpu.memory_space<vmem>> -> memref<32xi32, #tpu.memory_space<vmem>>
        %dma_wait3A_407 = arith.constant 0 : i32
        %dma_wait3A_408 = arith.constant 0 : i32
        %dma_wait3A_409 = tpu.memref_slice %arg20[%dma_wait3A_407, %dma_wait3A_408] : memref<10112x128xf32, #tpu.memory_space<vmem_shared>> -> memref<10112x128xf32, #tpu.memory_space<vmem_shared>>
        tpu.wait_indirect_dma semaphore(%arg19 : memref<!tpu.dma_semaphore, #tpu.memory_space<semaphore_mem>>) src(%arg11 : memref<32x128xf32, #tpu.memory_space<vmem>>) dst(%dma_wait3A_409 : memref<10112x128xf32, #tpu.memory_space<vmem_shared>>)
      } else {
      }
      %add3A_306 = arith.constant 3 : i32
      %add3A_307 = arith.addi %add3A_287, %add3A_306 : i32
      %lt3A = arith.constant 316 : i32
      %lt3A_308 = arith.cmpi slt, %add3A_307, %lt3A : i32
      %convert_element_type3A_309 = arith.extui %lt3A_308 : i1 to i32
      %cond3A_310 = arith.constant 0 : i32
      %cond3A_311 = arith.cmpi ne, %convert_element_type3A_309, %cond3A_310 : i32
      scf.if %cond3A_311 {
        %add3A_403 = arith.constant 3 : i32
        %add3A_404 = arith.addi %add3A_287, %add3A_403 : i32
        %mul3A_405 = arith.constant 32 : i32
        %mul3A_406 = arith.muli %add3A_404, %mul3A_405 : i32
        %dma_start3A_407 = tpu.memref_slice %arg6[%mul3A_406] : memref<10112xi32, #tpu.memory_space<vmem>> -> memref<32xi32, #tpu.memory_space<vmem>>
        %dma_start3A_408 = arith.constant 0 : i32
        %dma_start3A_409 = arith.constant 0 : i32
        %dma_start3A_410 = tpu.memref_slice %arg2[%arg0, %dma_start3A_408, %dma_start3A_409] : memref<2x10000x128xf32, #tpu.memory_space<hbm>> -> memref<1x10000x128xf32, #tpu.memory_space<hbm>>
        %dma_start3A_411 = tpu.memref_squeeze %dma_start3A_410 : memref<1x10000x128xf32, #tpu.memory_space<hbm>> -> memref<10000x128xf32, #tpu.memory_space<hbm>>
        %dma_start3A_412 = arith.constant 0 : i32
        %dma_start3A_413 = arith.constant 0 : i32
        %dma_start3A_414 = tpu.memref_slice %dma_start3A_411[%dma_start3A_412, %dma_start3A_413] : memref<10000x128xf32, #tpu.memory_space<hbm>> -> memref<10000x128xf32, #tpu.memory_space<hbm>>
        tpu.enqueue_indirect_dma source(%dma_start3A_414 : memref<10000x128xf32, #tpu.memory_space<hbm>>) target(%arg11 : memref<32x128xf32, #tpu.memory_space<vmem>>) offsets(%dma_start3A_407 : memref<32xi32, #tpu.memory_space<vmem>>) semaphore(%arg15 : memref<!tpu.dma_semaphore, #tpu.memory_space<semaphore_mem>>)
      } else {
      }
      %add3A_312 = arith.constant 1 : i32
      %add3A_313 = arith.addi %mul3A_285, %add3A_312 : i32
      %mul3A_314 = arith.constant 32 : i32
      %mul3A_315 = arith.muli %add3A_313, %mul3A_314 : i32
      %dma_wait3A_316 = tpu.memref_slice %arg6[%mul3A_315] : memref<10112xi32, #tpu.memory_space<vmem>> -> memref<32xi32, #tpu.memory_space<vmem>>
      %dma_wait3A_317 = arith.constant 0 : i32
      %dma_wait3A_318 = arith.constant 0 : i32
      %dma_wait3A_319 = tpu.memref_slice %arg2[%arg0, %dma_wait3A_317, %dma_wait3A_318] : memref<2x10000x128xf32, #tpu.memory_space<hbm>> -> memref<1x10000x128xf32, #tpu.memory_space<hbm>>
      %dma_wait3A_320 = tpu.memref_squeeze %dma_wait3A_319 : memref<1x10000x128xf32, #tpu.memory_space<hbm>> -> memref<10000x128xf32, #tpu.memory_space<hbm>>
      %dma_wait3A_321 = arith.constant 0 : i32
      %dma_wait3A_322 = arith.constant 0 : i32
      %dma_wait3A_323 = tpu.memref_slice %dma_wait3A_320[%dma_wait3A_321, %dma_wait3A_322] : memref<10000x128xf32, #tpu.memory_space<hbm>> -> memref<10000x128xf32, #tpu.memory_space<hbm>>
      tpu.wait_indirect_dma semaphore(%arg13 : memref<!tpu.dma_semaphore, #tpu.memory_space<semaphore_mem>>) src(%dma_wait3A_323 : memref<10000x128xf32, #tpu.memory_space<hbm>>) dst(%arg9 : memref<32x128xf32, #tpu.memory_space<vmem>>)
      %mul3A_324 = arith.constant 32 : i32
      %mul3A_325 = arith.muli %add3A_313, %mul3A_324 : i32
      %dma_start3A_326 = tpu.memref_slice %arg7[%mul3A_325] : memref<10112xi32, #tpu.memory_space<vmem>> -> memref<32xi32, #tpu.memory_space<vmem>>
      %dma_start3A_327 = arith.constant 0 : i32
      %dma_start3A_328 = arith.constant 0 : i32
      %dma_start3A_329 = tpu.memref_slice %arg20[%dma_start3A_327, %dma_start3A_328] : memref<10112x128xf32, #tpu.memory_space<vmem_shared>> -> memref<10112x128xf32, #tpu.memory_space<vmem_shared>>
      tpu.enqueue_indirect_dma source(%arg9 : memref<32x128xf32, #tpu.memory_space<vmem>>) target(%dma_start3A_329 : memref<10112x128xf32, #tpu.memory_space<vmem_shared>>) offsets(%dma_start3A_326 : memref<32xi32, #tpu.memory_space<vmem>>) semaphore(%arg17 : memref<!tpu.dma_semaphore, #tpu.memory_space<semaphore_mem>>) {add = true}
      %ge3A_330 = arith.constant 1 : i32
      %ge3A_331 = arith.cmpi sge, %add3A_313, %ge3A_330 : i32
      %convert_element_type3A_332 = arith.extui %ge3A_331 : i1 to i32
      %cond3A_333 = arith.constant 0 : i32
      %cond3A_334 = arith.cmpi ne, %convert_element_type3A_332, %cond3A_333 : i32
      scf.if %cond3A_334 {
        %sub3A = arith.constant 1 : i32
        %sub3A_403 = arith.subi %add3A_313, %sub3A : i32
        %mul3A_404 = arith.constant 32 : i32
        %mul3A_405 = arith.muli %sub3A_403, %mul3A_404 : i32
        %dma_wait3A_406 = tpu.memref_slice %arg7[%mul3A_405] : memref<10112xi32, #tpu.memory_space<vmem>> -> memref<32xi32, #tpu.memory_space<vmem>>
        %dma_wait3A_407 = arith.constant 0 : i32
        %dma_wait3A_408 = arith.constant 0 : i32
        %dma_wait3A_409 = tpu.memref_slice %arg20[%dma_wait3A_407, %dma_wait3A_408] : memref<10112x128xf32, #tpu.memory_space<vmem_shared>> -> memref<10112x128xf32, #tpu.memory_space<vmem_shared>>
        tpu.wait_indirect_dma semaphore(%arg16 : memref<!tpu.dma_semaphore, #tpu.memory_space<semaphore_mem>>) src(%arg8 : memref<32x128xf32, #tpu.memory_space<vmem>>) dst(%dma_wait3A_409 : memref<10112x128xf32, #tpu.memory_space<vmem_shared>>)
      } else {
      }
      %add3A_335 = arith.constant 3 : i32
      %add3A_336 = arith.addi %add3A_313, %add3A_335 : i32
      %lt3A_337 = arith.constant 316 : i32
      %lt3A_338 = arith.cmpi slt, %add3A_336, %lt3A_337 : i32
      %convert_element_type3A_339 = arith.extui %lt3A_338 : i1 to i32
      %cond3A_340 = arith.constant 0 : i32
      %cond3A_341 = arith.cmpi ne, %convert_element_type3A_339, %cond3A_340 : i32
      scf.if %cond3A_341 {
        %add3A_403 = arith.constant 3 : i32
        %add3A_404 = arith.addi %add3A_313, %add3A_403 : i32
        %mul3A_405 = arith.constant 32 : i32
        %mul3A_406 = arith.muli %add3A_404, %mul3A_405 : i32
        %dma_start3A_407 = tpu.memref_slice %arg6[%mul3A_406] : memref<10112xi32, #tpu.memory_space<vmem>> -> memref<32xi32, #tpu.memory_space<vmem>>
        %dma_start3A_408 = arith.constant 0 : i32
        %dma_start3A_409 = arith.constant 0 : i32
        %dma_start3A_410 = tpu.memref_slice %arg2[%arg0, %dma_start3A_408, %dma_start3A_409] : memref<2x10000x128xf32, #tpu.memory_space<hbm>> -> memref<1x10000x128xf32, #tpu.memory_space<hbm>>
        %dma_start3A_411 = tpu.memref_squeeze %dma_start3A_410 : memref<1x10000x128xf32, #tpu.memory_space<hbm>> -> memref<10000x128xf32, #tpu.memory_space<hbm>>
        %dma_start3A_412 = arith.constant 0 : i32
        %dma_start3A_413 = arith.constant 0 : i32
        %dma_start3A_414 = tpu.memref_slice %dma_start3A_411[%dma_start3A_412, %dma_start3A_413] : memref<10000x128xf32, #tpu.memory_space<hbm>> -> memref<10000x128xf32, #tpu.memory_space<hbm>>
        tpu.enqueue_indirect_dma source(%dma_start3A_414 : memref<10000x128xf32, #tpu.memory_space<hbm>>) target(%arg8 : memref<32x128xf32, #tpu.memory_space<vmem>>) offsets(%dma_start3A_407 : memref<32xi32, #tpu.memory_space<vmem>>) semaphore(%arg12 : memref<!tpu.dma_semaphore, #tpu.memory_space<semaphore_mem>>)
      } else {
      }
      %add3A_342 = arith.constant 2 : i32
      %add3A_343 = arith.addi %mul3A_285, %add3A_342 : i32
      %mul3A_344 = arith.constant 32 : i32
      %mul3A_345 = arith.muli %add3A_343, %mul3A_344 : i32
      %dma_wait3A_346 = tpu.memref_slice %arg6[%mul3A_345] : memref<10112xi32, #tpu.memory_space<vmem>> -> memref<32xi32, #tpu.memory_space<vmem>>
      %dma_wait3A_347 = arith.constant 0 : i32
      %dma_wait3A_348 = arith.constant 0 : i32
      %dma_wait3A_349 = tpu.memref_slice %arg2[%arg0, %dma_wait3A_347, %dma_wait3A_348] : memref<2x10000x128xf32, #tpu.memory_space<hbm>> -> memref<1x10000x128xf32, #tpu.memory_space<hbm>>
      %dma_wait3A_350 = tpu.memref_squeeze %dma_wait3A_349 : memref<1x10000x128xf32, #tpu.memory_space<hbm>> -> memref<10000x128xf32, #tpu.memory_space<hbm>>
      %dma_wait3A_351 = arith.constant 0 : i32
      %dma_wait3A_352 = arith.constant 0 : i32
      %dma_wait3A_353 = tpu.memref_slice %dma_wait3A_350[%dma_wait3A_351, %dma_wait3A_352] : memref<10000x128xf32, #tpu.memory_space<hbm>> -> memref<10000x128xf32, #tpu.memory_space<hbm>>
      tpu.wait_indirect_dma semaphore(%arg14 : memref<!tpu.dma_semaphore, #tpu.memory_space<semaphore_mem>>) src(%dma_wait3A_353 : memref<10000x128xf32, #tpu.memory_space<hbm>>) dst(%arg10 : memref<32x128xf32, #tpu.memory_space<vmem>>)
      %mul3A_354 = arith.constant 32 : i32
      %mul3A_355 = arith.muli %add3A_343, %mul3A_354 : i32
      %dma_start3A_356 = tpu.memref_slice %arg7[%mul3A_355] : memref<10112xi32, #tpu.memory_space<vmem>> -> memref<32xi32, #tpu.memory_space<vmem>>
      %dma_start3A_357 = arith.constant 0 : i32
      %dma_start3A_358 = arith.constant 0 : i32
      %dma_start3A_359 = tpu.memref_slice %arg20[%dma_start3A_357, %dma_start3A_358] : memref<10112x128xf32, #tpu.memory_space<vmem_shared>> -> memref<10112x128xf32, #tpu.memory_space<vmem_shared>>
      tpu.enqueue_indirect_dma source(%arg10 : memref<32x128xf32, #tpu.memory_space<vmem>>) target(%dma_start3A_359 : memref<10112x128xf32, #tpu.memory_space<vmem_shared>>) offsets(%dma_start3A_356 : memref<32xi32, #tpu.memory_space<vmem>>) semaphore(%arg18 : memref<!tpu.dma_semaphore, #tpu.memory_space<semaphore_mem>>) {add = true}
      %ge3A_360 = arith.constant 1 : i32
      %ge3A_361 = arith.cmpi sge, %add3A_343, %ge3A_360 : i32
      %convert_element_type3A_362 = arith.extui %ge3A_361 : i1 to i32
      %cond3A_363 = arith.constant 0 : i32
      %cond3A_364 = arith.cmpi ne, %convert_element_type3A_362, %cond3A_363 : i32
      scf.if %cond3A_364 {
        %sub3A = arith.constant 1 : i32
        %sub3A_403 = arith.subi %add3A_343, %sub3A : i32
        %mul3A_404 = arith.constant 32 : i32
        %mul3A_405 = arith.muli %sub3A_403, %mul3A_404 : i32
        %dma_wait3A_406 = tpu.memref_slice %arg7[%mul3A_405] : memref<10112xi32, #tpu.memory_space<vmem>> -> memref<32xi32, #tpu.memory_space<vmem>>
        %dma_wait3A_407 = arith.constant 0 : i32
        %dma_wait3A_408 = arith.constant 0 : i32
        %dma_wait3A_409 = tpu.memref_slice %arg20[%dma_wait3A_407, %dma_wait3A_408] : memref<10112x128xf32, #tpu.memory_space<vmem_shared>> -> memref<10112x128xf32, #tpu.memory_space<vmem_shared>>
        tpu.wait_indirect_dma semaphore(%arg17 : memref<!tpu.dma_semaphore, #tpu.memory_space<semaphore_mem>>) src(%arg9 : memref<32x128xf32, #tpu.memory_space<vmem>>) dst(%dma_wait3A_409 : memref<10112x128xf32, #tpu.memory_space<vmem_shared>>)
      } else {
      }
      %add3A_365 = arith.constant 3 : i32
      %add3A_366 = arith.addi %add3A_343, %add3A_365 : i32
      %lt3A_367 = arith.constant 316 : i32
      %lt3A_368 = arith.cmpi slt, %add3A_366, %lt3A_367 : i32
      %convert_element_type3A_369 = arith.extui %lt3A_368 : i1 to i32
      %cond3A_370 = arith.constant 0 : i32
      %cond3A_371 = arith.cmpi ne, %convert_element_type3A_369, %cond3A_370 : i32
      scf.if %cond3A_371 {
        %add3A_403 = arith.constant 3 : i32
        %add3A_404 = arith.addi %add3A_343, %add3A_403 : i32
        %mul3A_405 = arith.constant 32 : i32
        %mul3A_406 = arith.muli %add3A_404, %mul3A_405 : i32
        %dma_start3A_407 = tpu.memref_slice %arg6[%mul3A_406] : memref<10112xi32, #tpu.memory_space<vmem>> -> memref<32xi32, #tpu.memory_space<vmem>>
        %dma_start3A_408 = arith.constant 0 : i32
        %dma_start3A_409 = arith.constant 0 : i32
        %dma_start3A_410 = tpu.memref_slice %arg2[%arg0, %dma_start3A_408, %dma_start3A_409] : memref<2x10000x128xf32, #tpu.memory_space<hbm>> -> memref<1x10000x128xf32, #tpu.memory_space<hbm>>
        %dma_start3A_411 = tpu.memref_squeeze %dma_start3A_410 : memref<1x10000x128xf32, #tpu.memory_space<hbm>> -> memref<10000x128xf32, #tpu.memory_space<hbm>>
        %dma_start3A_412 = arith.constant 0 : i32
        %dma_start3A_413 = arith.constant 0 : i32
        %dma_start3A_414 = tpu.memref_slice %dma_start3A_411[%dma_start3A_412, %dma_start3A_413] : memref<10000x128xf32, #tpu.memory_space<hbm>> -> memref<10000x128xf32, #tpu.memory_space<hbm>>
        tpu.enqueue_indirect_dma source(%dma_start3A_414 : memref<10000x128xf32, #tpu.memory_space<hbm>>) target(%arg9 : memref<32x128xf32, #tpu.memory_space<vmem>>) offsets(%dma_start3A_407 : memref<32xi32, #tpu.memory_space<vmem>>) semaphore(%arg13 : memref<!tpu.dma_semaphore, #tpu.memory_space<semaphore_mem>>)
      } else {
      }
      %add3A_372 = arith.constant 3 : i32
      %add3A_373 = arith.addi %mul3A_285, %add3A_372 : i32
      %mul3A_374 = arith.constant 32 : i32
      %mul3A_375 = arith.muli %add3A_373, %mul3A_374 : i32
      %dma_wait3A_376 = tpu.memref_slice %arg6[%mul3A_375] : memref<10112xi32, #tpu.memory_space<vmem>> -> memref<32xi32, #tpu.memory_space<vmem>>
      %dma_wait3A_377 = arith.constant 0 : i32
      %dma_wait3A_378 = arith.constant 0 : i32
      %dma_wait3A_379 = tpu.memref_slice %arg2[%arg0, %dma_wait3A_377, %dma_wait3A_378] : memref<2x10000x128xf32, #tpu.memory_space<hbm>> -> memref<1x10000x128xf32, #tpu.memory_space<hbm>>
      %dma_wait3A_380 = tpu.memref_squeeze %dma_wait3A_379 : memref<1x10000x128xf32, #tpu.memory_space<hbm>> -> memref<10000x128xf32, #tpu.memory_space<hbm>>
      %dma_wait3A_381 = arith.constant 0 : i32
      %dma_wait3A_382 = arith.constant 0 : i32
      %dma_wait3A_383 = tpu.memref_slice %dma_wait3A_380[%dma_wait3A_381, %dma_wait3A_382] : memref<10000x128xf32, #tpu.memory_space<hbm>> -> memref<10000x128xf32, #tpu.memory_space<hbm>>
      tpu.wait_indirect_dma semaphore(%arg15 : memref<!tpu.dma_semaphore, #tpu.memory_space<semaphore_mem>>) src(%dma_wait3A_383 : memref<10000x128xf32, #tpu.memory_space<hbm>>) dst(%arg11 : memref<32x128xf32, #tpu.memory_space<vmem>>)
      %mul3A_384 = arith.constant 32 : i32
      %mul3A_385 = arith.muli %add3A_373, %mul3A_384 : i32
      %dma_start3A_386 = tpu.memref_slice %arg7[%mul3A_385] : memref<10112xi32, #tpu.memory_space<vmem>> -> memref<32xi32, #tpu.memory_space<vmem>>
      %dma_start3A_387 = arith.constant 0 : i32
      %dma_start3A_388 = arith.constant 0 : i32
      %dma_start3A_389 = tpu.memref_slice %arg20[%dma_start3A_387, %dma_start3A_388] : memref<10112x128xf32, #tpu.memory_space<vmem_shared>> -> memref<10112x128xf32, #tpu.memory_space<vmem_shared>>
      tpu.enqueue_indirect_dma source(%arg11 : memref<32x128xf32, #tpu.memory_space<vmem>>) target(%dma_start3A_389 : memref<10112x128xf32, #tpu.memory_space<vmem_shared>>) offsets(%dma_start3A_386 : memref<32xi32, #tpu.memory_space<vmem>>) semaphore(%arg19 : memref<!tpu.dma_semaphore, #tpu.memory_space<semaphore_mem>>) {add = true}
      %ge3A_390 = arith.constant 1 : i32
      %ge3A_391 = arith.cmpi sge, %add3A_373, %ge3A_390 : i32
      %convert_element_type3A_392 = arith.extui %ge3A_391 : i1 to i32
      %cond3A_393 = arith.constant 0 : i32
      %cond3A_394 = arith.cmpi ne, %convert_element_type3A_392, %cond3A_393 : i32
      scf.if %cond3A_394 {
        %sub3A = arith.constant 1 : i32
        %sub3A_403 = arith.subi %add3A_373, %sub3A : i32
        %mul3A_404 = arith.constant 32 : i32
        %mul3A_405 = arith.muli %sub3A_403, %mul3A_404 : i32
        %dma_wait3A_406 = tpu.memref_slice %arg7[%mul3A_405] : memref<10112xi32, #tpu.memory_space<vmem>> -> memref<32xi32, #tpu.memory_space<vmem>>
        %dma_wait3A_407 = arith.constant 0 : i32
        %dma_wait3A_408 = arith.constant 0 : i32
        %dma_wait3A_409 = tpu.memref_slice %arg20[%dma_wait3A_407, %dma_wait3A_408] : memref<10112x128xf32, #tpu.memory_space<vmem_shared>> -> memref<10112x128xf32, #tpu.memory_space<vmem_shared>>
        tpu.wait_indirect_dma semaphore(%arg18 : memref<!tpu.dma_semaphore, #tpu.memory_space<semaphore_mem>>) src(%arg10 : memref<32x128xf32, #tpu.memory_space<vmem>>) dst(%dma_wait3A_409 : memref<10112x128xf32, #tpu.memory_space<vmem_shared>>)
      } else {
      }
      %add3A_395 = arith.constant 3 : i32
      %add3A_396 = arith.addi %add3A_373, %add3A_395 : i32
      %lt3A_397 = arith.constant 316 : i32
      %lt3A_398 = arith.cmpi slt, %add3A_396, %lt3A_397 : i32
      %convert_element_type3A_399 = arith.extui %lt3A_398 : i1 to i32
      %cond3A_400 = arith.constant 0 : i32
      %cond3A_401 = arith.cmpi ne, %convert_element_type3A_399, %cond3A_400 : i32
      scf.if %cond3A_401 {
        %add3A_403 = arith.constant 3 : i32
        %add3A_404 = arith.addi %add3A_373, %add3A_403 : i32
        %mul3A_405 = arith.constant 32 : i32
        %mul3A_406 = arith.muli %add3A_404, %mul3A_405 : i32
        %dma_start3A_407 = tpu.memref_slice %arg6[%mul3A_406] : memref<10112xi32, #tpu.memory_space<vmem>> -> memref<32xi32, #tpu.memory_space<vmem>>
        %dma_start3A_408 = arith.constant 0 : i32
        %dma_start3A_409 = arith.constant 0 : i32
        %dma_start3A_410 = tpu.memref_slice %arg2[%arg0, %dma_start3A_408, %dma_start3A_409] : memref<2x10000x128xf32, #tpu.memory_space<hbm>> -> memref<1x10000x128xf32, #tpu.memory_space<hbm>>
        %dma_start3A_411 = tpu.memref_squeeze %dma_start3A_410 : memref<1x10000x128xf32, #tpu.memory_space<hbm>> -> memref<10000x128xf32, #tpu.memory_space<hbm>>
        %dma_start3A_412 = arith.constant 0 : i32
        %dma_start3A_413 = arith.constant 0 : i32
        %dma_start3A_414 = tpu.memref_slice %dma_start3A_411[%dma_start3A_412, %dma_start3A_413] : memref<10000x128xf32, #tpu.memory_space<hbm>> -> memref<10000x128xf32, #tpu.memory_space<hbm>>
        tpu.enqueue_indirect_dma source(%dma_start3A_414 : memref<10000x128xf32, #tpu.memory_space<hbm>>) target(%arg10 : memref<32x128xf32, #tpu.memory_space<vmem>>) offsets(%dma_start3A_407 : memref<32xi32, #tpu.memory_space<vmem>>) semaphore(%arg14 : memref<!tpu.dma_semaphore, #tpu.memory_space<semaphore_mem>>)
      } else {
      }
      %scan3A_402 = arith.constant 0 : i32
      scf.yield %scan3A_402 : i32
    }
    %scan3A_116 = arith.constant 79 : i32
    %dma_wait3A = arith.constant 10080 : i32
    %dma_wait3A_117 = tpu.memref_slice %arg7[%dma_wait3A] : memref<10112xi32, #tpu.memory_space<vmem>> -> memref<32xi32, #tpu.memory_space<vmem>>
    %dma_wait3A_118 = arith.constant 0 : i32
    %dma_wait3A_119 = arith.constant 0 : i32
    %dma_wait3A_120 = tpu.memref_slice %arg20[%dma_wait3A_118, %dma_wait3A_119] : memref<10112x128xf32, #tpu.memory_space<vmem_shared>> -> memref<10112x128xf32, #tpu.memory_space<vmem_shared>>
    tpu.wait_indirect_dma semaphore(%arg19 : memref<!tpu.dma_semaphore, #tpu.memory_space<semaphore_mem>>) src(%arg11 : memref<32x128xf32, #tpu.memory_space<vmem>>) dst(%dma_wait3A_120 : memref<10112x128xf32, #tpu.memory_space<vmem_shared>>)
    %barrier3A_121 = arith.constant 0 : index
    tpu.barrier barrier_id(%barrier3A_121)
    %mul3A_122 = arith.constant 632 : i32
    %mul3A_123 = arith.muli %arg1, %mul3A_122 : i32
    %add3A_124 = arith.constant 0 : i32
    %add3A_125 = arith.addi %mul3A_123, %add3A_124 : i32
    "tpu.region"() ({
      %run_scoped3A = tpu.sem_alloc : memref<!tpu.dma_semaphore, #tpu.memory_space<semaphore_mem>>
      %dma_start3A_282 = arith.constant 0 : i32
      %dma_start3A_283 = arith.constant 0 : i32
      %dma_start3A_284 = tpu.memref_slice %arg8[%dma_start3A_282, %dma_start3A_283] : memref<32x128xf32, #tpu.memory_space<vmem>> -> memref<32x128xf32, #tpu.memory_space<vmem>>
      %dma_start3A_285 = arith.constant 0 : i32
      %dma_start3A_286 = tpu.memref_slice %arg20[%add3A_125, %dma_start3A_285] : memref<10112x128xf32, #tpu.memory_space<vmem_shared>> -> memref<32x128xf32, #tpu.memory_space<vmem_shared>>
      %dma_start3A_287 = arith.constant 0 : i32
      %dma_start3A_288 = arith.constant 0 : i32
      %dma_start3A_289 = tpu.memref_slice %arg8[%dma_start3A_287, %dma_start3A_288] : memref<32x128xf32, #tpu.memory_space<vmem>> -> memref<32x128xf32, #tpu.memory_space<vmem>>
      %dma_start3A_290 = arith.constant 0 : i32
      %dma_start3A_291 = tpu.memref_slice %arg20[%add3A_125, %dma_start3A_290] : memref<10112x128xf32, #tpu.memory_space<vmem_shared>> -> memref<32x128xf32, #tpu.memory_space<vmem_shared>>
      tpu.enqueue_dma source(%dma_start3A_291 : memref<32x128xf32, #tpu.memory_space<vmem_shared>>) target(%dma_start3A_289 : memref<32x128xf32, #tpu.memory_space<vmem>>) target_semaphore(%run_scoped3A : memref<!tpu.dma_semaphore, #tpu.memory_space<semaphore_mem>>)
      %dma_wait3A_292 = arith.constant 0 : i32
      %dma_wait3A_293 = arith.constant 0 : i32
      %dma_wait3A_294 = tpu.memref_slice %arg8[%dma_wait3A_292, %dma_wait3A_293] : memref<32x128xf32, #tpu.memory_space<vmem>> -> memref<32x128xf32, #tpu.memory_space<vmem>>
      %dma_wait3A_295 = arith.constant 0 : i32
      %dma_wait3A_296 = tpu.memref_slice %arg20[%add3A_125, %dma_wait3A_295] : memref<10112x128xf32, #tpu.memory_space<vmem_shared>> -> memref<32x128xf32, #tpu.memory_space<vmem_shared>>
      %dma_wait3A_297 = arith.constant 0 : i32
      %dma_wait3A_298 = arith.constant 0 : i32
      %dma_wait3A_299 = tpu.memref_slice %arg8[%dma_wait3A_297, %dma_wait3A_298] : memref<32x128xf32, #tpu.memory_space<vmem>> -> memref<32x128xf32, #tpu.memory_space<vmem>>
      %dma_wait3A_300 = arith.constant 0 : i32
      %dma_wait3A_301 = tpu.memref_slice %arg20[%add3A_125, %dma_wait3A_300] : memref<10112x128xf32, #tpu.memory_space<vmem_shared>> -> memref<32x128xf32, #tpu.memory_space<vmem_shared>>
      tpu.wait_dma2 semaphore(%run_scoped3A : memref<!tpu.dma_semaphore, #tpu.memory_space<semaphore_mem>>) src(%dma_wait3A_301 : memref<32x128xf32, #tpu.memory_space<vmem_shared>>) dst(%dma_wait3A_299 : memref<32x128xf32, #tpu.memory_space<vmem>>)
      tpu.yield
    }) : () -> ()
    %mul3A_126 = arith.constant 632 : i32
    %mul3A_127 = arith.muli %arg1, %mul3A_126 : i32
    %add3A_128 = arith.constant 0 : i32
    %add3A_129 = arith.addi %mul3A_127, %add3A_128 : i32
    "tpu.region"() ({
      %run_scoped3A = tpu.sem_alloc : memref<!tpu.dma_semaphore, #tpu.memory_space<semaphore_mem>>
      %dma_start3A_282 = arith.constant 0 : i32
      %dma_start3A_283 = arith.constant 0 : i32
      %dma_start3A_284 = tpu.memref_slice %arg8[%dma_start3A_282, %dma_start3A_283] : memref<32x128xf32, #tpu.memory_space<vmem>> -> memref<32x128xf32, #tpu.memory_space<vmem>>
      %dma_start3A_285 = arith.constant 0 : i32
      %dma_start3A_286 = tpu.memref_slice %arg5[%arg0, %add3A_129, %dma_start3A_285] : memref<2x10112x128xf32, #tpu.memory_space<hbm>> -> memref<1x32x128xf32, #tpu.memory_space<hbm>>
      %dma_start3A_287 = tpu.memref_squeeze %dma_start3A_286 : memref<1x32x128xf32, #tpu.memory_space<hbm>> -> memref<32x128xf32, #tpu.memory_space<hbm>>
      %dma_start3A_288 = arith.constant 0 : i32
      %dma_start3A_289 = tpu.memref_slice %arg5[%arg0, %add3A_129, %dma_start3A_288] : memref<2x10112x128xf32, #tpu.memory_space<hbm>> -> memref<1x32x128xf32, #tpu.memory_space<hbm>>
      %dma_start3A_290 = tpu.memref_squeeze %dma_start3A_289 : memref<1x32x128xf32, #tpu.memory_space<hbm>> -> memref<32x128xf32, #tpu.memory_space<hbm>>
      %dma_start3A_291 = arith.constant 0 : i32
      %dma_start3A_292 = arith.constant 0 : i32
      %dma_start3A_293 = tpu.memref_slice %arg8[%dma_start3A_291, %dma_start3A_292] : memref<32x128xf32, #tpu.memory_space<vmem>> -> memref<32x128xf32, #tpu.memory_space<vmem>>
      tpu.enqueue_dma source(%dma_start3A_293 : memref<32x128xf32, #tpu.memory_space<vmem>>) target(%dma_start3A_290 : memref<32x128xf32, #tpu.memory_space<hbm>>) target_semaphore(%run_scoped3A : memref<!tpu.dma_semaphore, #tpu.memory_space<semaphore_mem>>)
      %dma_wait3A_294 = arith.constant 0 : i32
      %dma_wait3A_295 = arith.constant 0 : i32
      %dma_wait3A_296 = tpu.memref_slice %arg8[%dma_wait3A_294, %dma_wait3A_295] : memref<32x128xf32, #tpu.memory_space<vmem>> -> memref<32x128xf32, #tpu.memory_space<vmem>>
      %dma_wait3A_297 = arith.constant 0 : i32
      %dma_wait3A_298 = tpu.memref_slice %arg5[%arg0, %add3A_129, %dma_wait3A_297] : memref<2x10112x128xf32, #tpu.memory_space<hbm>> -> memref<1x32x128xf32, #tpu.memory_space<hbm>>
      %dma_wait3A_299 = tpu.memref_squeeze %dma_wait3A_298 : memref<1x32x128xf32, #tpu.memory_space<hbm>> -> memref<32x128xf32, #tpu.memory_space<hbm>>
      %dma_wait3A_300 = arith.constant 0 : i32
      %dma_wait3A_301 = tpu.memref_slice %arg5[%arg0, %add3A_129, %dma_wait3A_300] : memref<2x10112x128xf32, #tpu.memory_space<hbm>> -> memref<1x32x128xf32, #tpu.memory_space<hbm>>
      %dma_wait3A_302 = tpu.memref_squeeze %dma_wait3A_301 : memref<1x32x128xf32, #tpu.memory_space<hbm>> -> memref<32x128xf32, #tpu.memory_space<hbm>>
      %dma_wait3A_303 = arith.constant 0 : i32
      %dma_wait3A_304 = arith.constant 0 : i32
      %dma_wait3A_305 = tpu.memref_slice %arg8[%dma_wait3A_303, %dma_wait3A_304] : memref<32x128xf32, #tpu.memory_space<vmem>> -> memref<32x128xf32, #tpu.memory_space<vmem>>
      tpu.wait_dma2 semaphore(%run_scoped3A : memref<!tpu.dma_semaphore, #tpu.memory_space<semaphore_mem>>) src(%dma_wait3A_305 : memref<32x128xf32, #tpu.memory_space<vmem>>) dst(%dma_wait3A_302 : memref<32x128xf32, #tpu.memory_space<hbm>>)
      tpu.yield
    }) : () -> ()
    %mul3A_130 = arith.constant 632 : i32
    %mul3A_131 = arith.muli %arg1, %mul3A_130 : i32
    %add3A_132 = arith.constant 32 : i32
    %add3A_133 = arith.addi %mul3A_131, %add3A_132 : i32
    "tpu.region"() ({
      %run_scoped3A = tpu.sem_alloc : memref<!tpu.dma_semaphore, #tpu.memory_space<semaphore_mem>>
      %dma_start3A_282 = arith.constant 0 : i32
      %dma_start3A_283 = arith.constant 0 : i32
      %dma_start3A_284 = tpu.memref_slice %arg8[%dma_start3A_282, %dma_start3A_283] : memref<32x128xf32, #tpu.memory_space<vmem>> -> memref<32x128xf32, #tpu.memory_space<vmem>>
      %dma_start3A_285 = arith.constant 0 : i32
      %dma_start3A_286 = tpu.memref_slice %arg20[%add3A_133, %dma_start3A_285] : memref<10112x128xf32, #tpu.memory_space<vmem_shared>> -> memref<32x128xf32, #tpu.memory_space<vmem_shared>>
      %dma_start3A_287 = arith.constant 0 : i32
      %dma_start3A_288 = arith.constant 0 : i32
      %dma_start3A_289 = tpu.memref_slice %arg8[%dma_start3A_287, %dma_start3A_288] : memref<32x128xf32, #tpu.memory_space<vmem>> -> memref<32x128xf32, #tpu.memory_space<vmem>>
      %dma_start3A_290 = arith.constant 0 : i32
      %dma_start3A_291 = tpu.memref_slice %arg20[%add3A_133, %dma_start3A_290] : memref<10112x128xf32, #tpu.memory_space<vmem_shared>> -> memref<32x128xf32, #tpu.memory_space<vmem_shared>>
      tpu.enqueue_dma source(%dma_start3A_291 : memref<32x128xf32, #tpu.memory_space<vmem_shared>>) target(%dma_start3A_289 : memref<32x128xf32, #tpu.memory_space<vmem>>) target_semaphore(%run_scoped3A : memref<!tpu.dma_semaphore, #tpu.memory_space<semaphore_mem>>)
      %dma_wait3A_292 = arith.constant 0 : i32
      %dma_wait3A_293 = arith.constant 0 : i32
      %dma_wait3A_294 = tpu.memref_slice %arg8[%dma_wait3A_292, %dma_wait3A_293] : memref<32x128xf32, #tpu.memory_space<vmem>> -> memref<32x128xf32, #tpu.memory_space<vmem>>
      %dma_wait3A_295 = arith.constant 0 : i32
      %dma_wait3A_296 = tpu.memref_slice %arg20[%add3A_133, %dma_wait3A_295] : memref<10112x128xf32, #tpu.memory_space<vmem_shared>> -> memref<32x128xf32, #tpu.memory_space<vmem_shared>>
      %dma_wait3A_297 = arith.constant 0 : i32
      %dma_wait3A_298 = arith.constant 0 : i32
      %dma_wait3A_299 = tpu.memref_slice %arg8[%dma_wait3A_297, %dma_wait3A_298] : memref<32x128xf32, #tpu.memory_space<vmem>> -> memref<32x128xf32, #tpu.memory_space<vmem>>
      %dma_wait3A_300 = arith.constant 0 : i32
      %dma_wait3A_301 = tpu.memref_slice %arg20[%add3A_133, %dma_wait3A_300] : memref<10112x128xf32, #tpu.memory_space<vmem_shared>> -> memref<32x128xf32, #tpu.memory_space<vmem_shared>>
      tpu.wait_dma2 semaphore(%run_scoped3A : memref<!tpu.dma_semaphore, #tpu.memory_space<semaphore_mem>>) src(%dma_wait3A_301 : memref<32x128xf32, #tpu.memory_space<vmem_shared>>) dst(%dma_wait3A_299 : memref<32x128xf32, #tpu.memory_space<vmem>>)
      tpu.yield
    }) : () -> ()
    %mul3A_134 = arith.constant 632 : i32
    %mul3A_135 = arith.muli %arg1, %mul3A_134 : i32
    %add3A_136 = arith.constant 32 : i32
    %add3A_137 = arith.addi %mul3A_135, %add3A_136 : i32
    "tpu.region"() ({
      %run_scoped3A = tpu.sem_alloc : memref<!tpu.dma_semaphore, #tpu.memory_space<semaphore_mem>>
      %dma_start3A_282 = arith.constant 0 : i32
      %dma_start3A_283 = arith.constant 0 : i32
      %dma_start3A_284 = tpu.memref_slice %arg8[%dma_start3A_282, %dma_start3A_283] : memref<32x128xf32, #tpu.memory_space<vmem>> -> memref<32x128xf32, #tpu.memory_space<vmem>>
      %dma_start3A_285 = arith.constant 0 : i32
      %dma_start3A_286 = tpu.memref_slice %arg5[%arg0, %add3A_137, %dma_start3A_285] : memref<2x10112x128xf32, #tpu.memory_space<hbm>> -> memref<1x32x128xf32, #tpu.memory_space<hbm>>
      %dma_start3A_287 = tpu.memref_squeeze %dma_start3A_286 : memref<1x32x128xf32, #tpu.memory_space<hbm>> -> memref<32x128xf32, #tpu.memory_space<hbm>>
      %dma_start3A_288 = arith.constant 0 : i32
      %dma_start3A_289 = tpu.memref_slice %arg5[%arg0, %add3A_137, %dma_start3A_288] : memref<2x10112x128xf32, #tpu.memory_space<hbm>> -> memref<1x32x128xf32, #tpu.memory_space<hbm>>
      %dma_start3A_290 = tpu.memref_squeeze %dma_start3A_289 : memref<1x32x128xf32, #tpu.memory_space<hbm>> -> memref<32x128xf32, #tpu.memory_space<hbm>>
      %dma_start3A_291 = arith.constant 0 : i32
      %dma_start3A_292 = arith.constant 0 : i32
      %dma_start3A_293 = tpu.memref_slice %arg8[%dma_start3A_291, %dma_start3A_292] : memref<32x128xf32, #tpu.memory_space<vmem>> -> memref<32x128xf32, #tpu.memory_space<vmem>>
      tpu.enqueue_dma source(%dma_start3A_293 : memref<32x128xf32, #tpu.memory_space<vmem>>) target(%dma_start3A_290 : memref<32x128xf32, #tpu.memory_space<hbm>>) target_semaphore(%run_scoped3A : memref<!tpu.dma_semaphore, #tpu.memory_space<semaphore_mem>>)
      %dma_wait3A_294 = arith.constant 0 : i32
      %dma_wait3A_295 = arith.constant 0 : i32
      %dma_wait3A_296 = tpu.memref_slice %arg8[%dma_wait3A_294, %dma_wait3A_295] : memref<32x128xf32, #tpu.memory_space<vmem>> -> memref<32x128xf32, #tpu.memory_space<vmem>>
      %dma_wait3A_297 = arith.constant 0 : i32
      %dma_wait3A_298 = tpu.memref_slice %arg5[%arg0, %add3A_137, %dma_wait3A_297] : memref<2x10112x128xf32, #tpu.memory_space<hbm>> -> memref<1x32x128xf32, #tpu.memory_space<hbm>>
      %dma_wait3A_299 = tpu.memref_squeeze %dma_wait3A_298 : memref<1x32x128xf32, #tpu.memory_space<hbm>> -> memref<32x128xf32, #tpu.memory_space<hbm>>
      %dma_wait3A_300 = arith.constant 0 : i32
      %dma_wait3A_301 = tpu.memref_slice %arg5[%arg0, %add3A_137, %dma_wait3A_300] : memref<2x10112x128xf32, #tpu.memory_space<hbm>> -> memref<1x32x128xf32, #tpu.memory_space<hbm>>
      %dma_wait3A_302 = tpu.memref_squeeze %dma_wait3A_301 : memref<1x32x128xf32, #tpu.memory_space<hbm>> -> memref<32x128xf32, #tpu.memory_space<hbm>>
      %dma_wait3A_303 = arith.constant 0 : i32
      %dma_wait3A_304 = arith.constant 0 : i32
      %dma_wait3A_305 = tpu.memref_slice %arg8[%dma_wait3A_303, %dma_wait3A_304] : memref<32x128xf32, #tpu.memory_space<vmem>> -> memref<32x128xf32, #tpu.memory_space<vmem>>
      tpu.wait_dma2 semaphore(%run_scoped3A : memref<!tpu.dma_semaphore, #tpu.memory_space<semaphore_mem>>) src(%dma_wait3A_305 : memref<32x128xf32, #tpu.memory_space<vmem>>) dst(%dma_wait3A_302 : memref<32x128xf32, #tpu.memory_space<hbm>>)
      tpu.yield
    }) : () -> ()
    %mul3A_138 = arith.constant 632 : i32
    %mul3A_139 = arith.muli %arg1, %mul3A_138 : i32
    %add3A_140 = arith.constant 64 : i32
    %add3A_141 = arith.addi %mul3A_139, %add3A_140 : i32
    "tpu.region"() ({
      %run_scoped3A = tpu.sem_alloc : memref<!tpu.dma_semaphore, #tpu.memory_space<semaphore_mem>>
      %dma_start3A_282 = arith.constant 0 : i32
      %dma_start3A_283 = arith.constant 0 : i32
      %dma_start3A_284 = tpu.memref_slice %arg8[%dma_start3A_282, %dma_start3A_283] : memref<32x128xf32, #tpu.memory_space<vmem>> -> memref<32x128xf32, #tpu.memory_space<vmem>>
      %dma_start3A_285 = arith.constant 0 : i32
      %dma_start3A_286 = tpu.memref_slice %arg20[%add3A_141, %dma_start3A_285] : memref<10112x128xf32, #tpu.memory_space<vmem_shared>> -> memref<32x128xf32, #tpu.memory_space<vmem_shared>>
      %dma_start3A_287 = arith.constant 0 : i32
      %dma_start3A_288 = arith.constant 0 : i32
      %dma_start3A_289 = tpu.memref_slice %arg8[%dma_start3A_287, %dma_start3A_288] : memref<32x128xf32, #tpu.memory_space<vmem>> -> memref<32x128xf32, #tpu.memory_space<vmem>>
      %dma_start3A_290 = arith.constant 0 : i32
      %dma_start3A_291 = tpu.memref_slice %arg20[%add3A_141, %dma_start3A_290] : memref<10112x128xf32, #tpu.memory_space<vmem_shared>> -> memref<32x128xf32, #tpu.memory_space<vmem_shared>>
      tpu.enqueue_dma source(%dma_start3A_291 : memref<32x128xf32, #tpu.memory_space<vmem_shared>>) target(%dma_start3A_289 : memref<32x128xf32, #tpu.memory_space<vmem>>) target_semaphore(%run_scoped3A : memref<!tpu.dma_semaphore, #tpu.memory_space<semaphore_mem>>)
      %dma_wait3A_292 = arith.constant 0 : i32
      %dma_wait3A_293 = arith.constant 0 : i32
      %dma_wait3A_294 = tpu.memref_slice %arg8[%dma_wait3A_292, %dma_wait3A_293] : memref<32x128xf32, #tpu.memory_space<vmem>> -> memref<32x128xf32, #tpu.memory_space<vmem>>
      %dma_wait3A_295 = arith.constant 0 : i32
      %dma_wait3A_296 = tpu.memref_slice %arg20[%add3A_141, %dma_wait3A_295] : memref<10112x128xf32, #tpu.memory_space<vmem_shared>> -> memref<32x128xf32, #tpu.memory_space<vmem_shared>>
      %dma_wait3A_297 = arith.constant 0 : i32
      %dma_wait3A_298 = arith.constant 0 : i32
      %dma_wait3A_299 = tpu.memref_slice %arg8[%dma_wait3A_297, %dma_wait3A_298] : memref<32x128xf32, #tpu.memory_space<vmem>> -> memref<32x128xf32, #tpu.memory_space<vmem>>
      %dma_wait3A_300 = arith.constant 0 : i32
      %dma_wait3A_301 = tpu.memref_slice %arg20[%add3A_141, %dma_wait3A_300] : memref<10112x128xf32, #tpu.memory_space<vmem_shared>> -> memref<32x128xf32, #tpu.memory_space<vmem_shared>>
      tpu.wait_dma2 semaphore(%run_scoped3A : memref<!tpu.dma_semaphore, #tpu.memory_space<semaphore_mem>>) src(%dma_wait3A_301 : memref<32x128xf32, #tpu.memory_space<vmem_shared>>) dst(%dma_wait3A_299 : memref<32x128xf32, #tpu.memory_space<vmem>>)
      tpu.yield
    }) : () -> ()
    %mul3A_142 = arith.constant 632 : i32
    %mul3A_143 = arith.muli %arg1, %mul3A_142 : i32
    %add3A_144 = arith.constant 64 : i32
    %add3A_145 = arith.addi %mul3A_143, %add3A_144 : i32
    "tpu.region"() ({
      %run_scoped3A = tpu.sem_alloc : memref<!tpu.dma_semaphore, #tpu.memory_space<semaphore_mem>>
      %dma_start3A_282 = arith.constant 0 : i32
      %dma_start3A_283 = arith.constant 0 : i32
      %dma_start3A_284 = tpu.memref_slice %arg8[%dma_start3A_282, %dma_start3A_283] : memref<32x128xf32, #tpu.memory_space<vmem>> -> memref<32x128xf32, #tpu.memory_space<vmem>>
      %dma_start3A_285 = arith.constant 0 : i32
      %dma_start3A_286 = tpu.memref_slice %arg5[%arg0, %add3A_145, %dma_start3A_285] : memref<2x10112x128xf32, #tpu.memory_space<hbm>> -> memref<1x32x128xf32, #tpu.memory_space<hbm>>
      %dma_start3A_287 = tpu.memref_squeeze %dma_start3A_286 : memref<1x32x128xf32, #tpu.memory_space<hbm>> -> memref<32x128xf32, #tpu.memory_space<hbm>>
      %dma_start3A_288 = arith.constant 0 : i32
      %dma_start3A_289 = tpu.memref_slice %arg5[%arg0, %add3A_145, %dma_start3A_288] : memref<2x10112x128xf32, #tpu.memory_space<hbm>> -> memref<1x32x128xf32, #tpu.memory_space<hbm>>
      %dma_start3A_290 = tpu.memref_squeeze %dma_start3A_289 : memref<1x32x128xf32, #tpu.memory_space<hbm>> -> memref<32x128xf32, #tpu.memory_space<hbm>>
      %dma_start3A_291 = arith.constant 0 : i32
      %dma_start3A_292 = arith.constant 0 : i32
      %dma_start3A_293 = tpu.memref_slice %arg8[%dma_start3A_291, %dma_start3A_292] : memref<32x128xf32, #tpu.memory_space<vmem>> -> memref<32x128xf32, #tpu.memory_space<vmem>>
      tpu.enqueue_dma source(%dma_start3A_293 : memref<32x128xf32, #tpu.memory_space<vmem>>) target(%dma_start3A_290 : memref<32x128xf32, #tpu.memory_space<hbm>>) target_semaphore(%run_scoped3A : memref<!tpu.dma_semaphore, #tpu.memory_space<semaphore_mem>>)
      %dma_wait3A_294 = arith.constant 0 : i32
      %dma_wait3A_295 = arith.constant 0 : i32
      %dma_wait3A_296 = tpu.memref_slice %arg8[%dma_wait3A_294, %dma_wait3A_295] : memref<32x128xf32, #tpu.memory_space<vmem>> -> memref<32x128xf32, #tpu.memory_space<vmem>>
      %dma_wait3A_297 = arith.constant 0 : i32
      %dma_wait3A_298 = tpu.memref_slice %arg5[%arg0, %add3A_145, %dma_wait3A_297] : memref<2x10112x128xf32, #tpu.memory_space<hbm>> -> memref<1x32x128xf32, #tpu.memory_space<hbm>>
      %dma_wait3A_299 = tpu.memref_squeeze %dma_wait3A_298 : memref<1x32x128xf32, #tpu.memory_space<hbm>> -> memref<32x128xf32, #tpu.memory_space<hbm>>
      %dma_wait3A_300 = arith.constant 0 : i32
      %dma_wait3A_301 = tpu.memref_slice %arg5[%arg0, %add3A_145, %dma_wait3A_300] : memref<2x10112x128xf32, #tpu.memory_space<hbm>> -> memref<1x32x128xf32, #tpu.memory_space<hbm>>
      %dma_wait3A_302 = tpu.memref_squeeze %dma_wait3A_301 : memref<1x32x128xf32, #tpu.memory_space<hbm>> -> memref<32x128xf32, #tpu.memory_space<hbm>>
      %dma_wait3A_303 = arith.constant 0 : i32
      %dma_wait3A_304 = arith.constant 0 : i32
      %dma_wait3A_305 = tpu.memref_slice %arg8[%dma_wait3A_303, %dma_wait3A_304] : memref<32x128xf32, #tpu.memory_space<vmem>> -> memref<32x128xf32, #tpu.memory_space<vmem>>
      tpu.wait_dma2 semaphore(%run_scoped3A : memref<!tpu.dma_semaphore, #tpu.memory_space<semaphore_mem>>) src(%dma_wait3A_305 : memref<32x128xf32, #tpu.memory_space<vmem>>) dst(%dma_wait3A_302 : memref<32x128xf32, #tpu.memory_space<hbm>>)
      tpu.yield
    }) : () -> ()
    %mul3A_146 = arith.constant 632 : i32
    %mul3A_147 = arith.muli %arg1, %mul3A_146 : i32
    %add3A_148 = arith.constant 96 : i32
    %add3A_149 = arith.addi %mul3A_147, %add3A_148 : i32
    "tpu.region"() ({
      %run_scoped3A = tpu.sem_alloc : memref<!tpu.dma_semaphore, #tpu.memory_space<semaphore_mem>>
      %dma_start3A_282 = arith.constant 0 : i32
      %dma_start3A_283 = arith.constant 0 : i32
      %dma_start3A_284 = tpu.memref_slice %arg8[%dma_start3A_282, %dma_start3A_283] : memref<32x128xf32, #tpu.memory_space<vmem>> -> memref<32x128xf32, #tpu.memory_space<vmem>>
      %dma_start3A_285 = arith.constant 0 : i32
      %dma_start3A_286 = tpu.memref_slice %arg20[%add3A_149, %dma_start3A_285] : memref<10112x128xf32, #tpu.memory_space<vmem_shared>> -> memref<32x128xf32, #tpu.memory_space<vmem_shared>>
      %dma_start3A_287 = arith.constant 0 : i32
      %dma_start3A_288 = arith.constant 0 : i32
      %dma_start3A_289 = tpu.memref_slice %arg8[%dma_start3A_287, %dma_start3A_288] : memref<32x128xf32, #tpu.memory_space<vmem>> -> memref<32x128xf32, #tpu.memory_space<vmem>>
      %dma_start3A_290 = arith.constant 0 : i32
      %dma_start3A_291 = tpu.memref_slice %arg20[%add3A_149, %dma_start3A_290] : memref<10112x128xf32, #tpu.memory_space<vmem_shared>> -> memref<32x128xf32, #tpu.memory_space<vmem_shared>>
      tpu.enqueue_dma source(%dma_start3A_291 : memref<32x128xf32, #tpu.memory_space<vmem_shared>>) target(%dma_start3A_289 : memref<32x128xf32, #tpu.memory_space<vmem>>) target_semaphore(%run_scoped3A : memref<!tpu.dma_semaphore, #tpu.memory_space<semaphore_mem>>)
      %dma_wait3A_292 = arith.constant 0 : i32
      %dma_wait3A_293 = arith.constant 0 : i32
      %dma_wait3A_294 = tpu.memref_slice %arg8[%dma_wait3A_292, %dma_wait3A_293] : memref<32x128xf32, #tpu.memory_space<vmem>> -> memref<32x128xf32, #tpu.memory_space<vmem>>
      %dma_wait3A_295 = arith.constant 0 : i32
      %dma_wait3A_296 = tpu.memref_slice %arg20[%add3A_149, %dma_wait3A_295] : memref<10112x128xf32, #tpu.memory_space<vmem_shared>> -> memref<32x128xf32, #tpu.memory_space<vmem_shared>>
      %dma_wait3A_297 = arith.constant 0 : i32
      %dma_wait3A_298 = arith.constant 0 : i32
      %dma_wait3A_299 = tpu.memref_slice %arg8[%dma_wait3A_297, %dma_wait3A_298] : memref<32x128xf32, #tpu.memory_space<vmem>> -> memref<32x128xf32, #tpu.memory_space<vmem>>
      %dma_wait3A_300 = arith.constant 0 : i32
      %dma_wait3A_301 = tpu.memref_slice %arg20[%add3A_149, %dma_wait3A_300] : memref<10112x128xf32, #tpu.memory_space<vmem_shared>> -> memref<32x128xf32, #tpu.memory_space<vmem_shared>>
      tpu.wait_dma2 semaphore(%run_scoped3A : memref<!tpu.dma_semaphore, #tpu.memory_space<semaphore_mem>>) src(%dma_wait3A_301 : memref<32x128xf32, #tpu.memory_space<vmem_shared>>) dst(%dma_wait3A_299 : memref<32x128xf32, #tpu.memory_space<vmem>>)
      tpu.yield
    }) : () -> ()
    %mul3A_150 = arith.constant 632 : i32
    %mul3A_151 = arith.muli %arg1, %mul3A_150 : i32
    %add3A_152 = arith.constant 96 : i32
    %add3A_153 = arith.addi %mul3A_151, %add3A_152 : i32
    "tpu.region"() ({
      %run_scoped3A = tpu.sem_alloc : memref<!tpu.dma_semaphore, #tpu.memory_space<semaphore_mem>>
      %dma_start3A_282 = arith.constant 0 : i32
      %dma_start3A_283 = arith.constant 0 : i32
      %dma_start3A_284 = tpu.memref_slice %arg8[%dma_start3A_282, %dma_start3A_283] : memref<32x128xf32, #tpu.memory_space<vmem>> -> memref<32x128xf32, #tpu.memory_space<vmem>>
      %dma_start3A_285 = arith.constant 0 : i32
      %dma_start3A_286 = tpu.memref_slice %arg5[%arg0, %add3A_153, %dma_start3A_285] : memref<2x10112x128xf32, #tpu.memory_space<hbm>> -> memref<1x32x128xf32, #tpu.memory_space<hbm>>
      %dma_start3A_287 = tpu.memref_squeeze %dma_start3A_286 : memref<1x32x128xf32, #tpu.memory_space<hbm>> -> memref<32x128xf32, #tpu.memory_space<hbm>>
      %dma_start3A_288 = arith.constant 0 : i32
      %dma_start3A_289 = tpu.memref_slice %arg5[%arg0, %add3A_153, %dma_start3A_288] : memref<2x10112x128xf32, #tpu.memory_space<hbm>> -> memref<1x32x128xf32, #tpu.memory_space<hbm>>
      %dma_start3A_290 = tpu.memref_squeeze %dma_start3A_289 : memref<1x32x128xf32, #tpu.memory_space<hbm>> -> memref<32x128xf32, #tpu.memory_space<hbm>>
      %dma_start3A_291 = arith.constant 0 : i32
      %dma_start3A_292 = arith.constant 0 : i32
      %dma_start3A_293 = tpu.memref_slice %arg8[%dma_start3A_291, %dma_start3A_292] : memref<32x128xf32, #tpu.memory_space<vmem>> -> memref<32x128xf32, #tpu.memory_space<vmem>>
      tpu.enqueue_dma source(%dma_start3A_293 : memref<32x128xf32, #tpu.memory_space<vmem>>) target(%dma_start3A_290 : memref<32x128xf32, #tpu.memory_space<hbm>>) target_semaphore(%run_scoped3A : memref<!tpu.dma_semaphore, #tpu.memory_space<semaphore_mem>>)
      %dma_wait3A_294 = arith.constant 0 : i32
      %dma_wait3A_295 = arith.constant 0 : i32
      %dma_wait3A_296 = tpu.memref_slice %arg8[%dma_wait3A_294, %dma_wait3A_295] : memref<32x128xf32, #tpu.memory_space<vmem>> -> memref<32x128xf32, #tpu.memory_space<vmem>>
      %dma_wait3A_297 = arith.constant 0 : i32
      %dma_wait3A_298 = tpu.memref_slice %arg5[%arg0, %add3A_153, %dma_wait3A_297] : memref<2x10112x128xf32, #tpu.memory_space<hbm>> -> memref<1x32x128xf32, #tpu.memory_space<hbm>>
      %dma_wait3A_299 = tpu.memref_squeeze %dma_wait3A_298 : memref<1x32x128xf32, #tpu.memory_space<hbm>> -> memref<32x128xf32, #tpu.memory_space<hbm>>
      %dma_wait3A_300 = arith.constant 0 : i32
      %dma_wait3A_301 = tpu.memref_slice %arg5[%arg0, %add3A_153, %dma_wait3A_300] : memref<2x10112x128xf32, #tpu.memory_space<hbm>> -> memref<1x32x128xf32, #tpu.memory_space<hbm>>
      %dma_wait3A_302 = tpu.memref_squeeze %dma_wait3A_301 : memref<1x32x128xf32, #tpu.memory_space<hbm>> -> memref<32x128xf32, #tpu.memory_space<hbm>>
      %dma_wait3A_303 = arith.constant 0 : i32
      %dma_wait3A_304 = arith.constant 0 : i32
      %dma_wait3A_305 = tpu.memref_slice %arg8[%dma_wait3A_303, %dma_wait3A_304] : memref<32x128xf32, #tpu.memory_space<vmem>> -> memref<32x128xf32, #tpu.memory_space<vmem>>
      tpu.wait_dma2 semaphore(%run_scoped3A : memref<!tpu.dma_semaphore, #tpu.memory_space<semaphore_mem>>) src(%dma_wait3A_305 : memref<32x128xf32, #tpu.memory_space<vmem>>) dst(%dma_wait3A_302 : memref<32x128xf32, #tpu.memory_space<hbm>>)
      tpu.yield
    }) : () -> ()
    %mul3A_154 = arith.constant 632 : i32
    %mul3A_155 = arith.muli %arg1, %mul3A_154 : i32
    %add3A_156 = arith.constant 128 : i32
    %add3A_157 = arith.addi %mul3A_155, %add3A_156 : i32
    "tpu.region"() ({
      %run_scoped3A = tpu.sem_alloc : memref<!tpu.dma_semaphore, #tpu.memory_space<semaphore_mem>>
      %dma_start3A_282 = arith.constant 0 : i32
      %dma_start3A_283 = arith.constant 0 : i32
      %dma_start3A_284 = tpu.memref_slice %arg8[%dma_start3A_282, %dma_start3A_283] : memref<32x128xf32, #tpu.memory_space<vmem>> -> memref<32x128xf32, #tpu.memory_space<vmem>>
      %dma_start3A_285 = arith.constant 0 : i32
      %dma_start3A_286 = tpu.memref_slice %arg20[%add3A_157, %dma_start3A_285] : memref<10112x128xf32, #tpu.memory_space<vmem_shared>> -> memref<32x128xf32, #tpu.memory_space<vmem_shared>>
      %dma_start3A_287 = arith.constant 0 : i32
      %dma_start3A_288 = arith.constant 0 : i32
      %dma_start3A_289 = tpu.memref_slice %arg8[%dma_start3A_287, %dma_start3A_288] : memref<32x128xf32, #tpu.memory_space<vmem>> -> memref<32x128xf32, #tpu.memory_space<vmem>>
      %dma_start3A_290 = arith.constant 0 : i32
      %dma_start3A_291 = tpu.memref_slice %arg20[%add3A_157, %dma_start3A_290] : memref<10112x128xf32, #tpu.memory_space<vmem_shared>> -> memref<32x128xf32, #tpu.memory_space<vmem_shared>>
      tpu.enqueue_dma source(%dma_start3A_291 : memref<32x128xf32, #tpu.memory_space<vmem_shared>>) target(%dma_start3A_289 : memref<32x128xf32, #tpu.memory_space<vmem>>) target_semaphore(%run_scoped3A : memref<!tpu.dma_semaphore, #tpu.memory_space<semaphore_mem>>)
      %dma_wait3A_292 = arith.constant 0 : i32
      %dma_wait3A_293 = arith.constant 0 : i32
      %dma_wait3A_294 = tpu.memref_slice %arg8[%dma_wait3A_292, %dma_wait3A_293] : memref<32x128xf32, #tpu.memory_space<vmem>> -> memref<32x128xf32, #tpu.memory_space<vmem>>
      %dma_wait3A_295 = arith.constant 0 : i32
      %dma_wait3A_296 = tpu.memref_slice %arg20[%add3A_157, %dma_wait3A_295] : memref<10112x128xf32, #tpu.memory_space<vmem_shared>> -> memref<32x128xf32, #tpu.memory_space<vmem_shared>>
      %dma_wait3A_297 = arith.constant 0 : i32
      %dma_wait3A_298 = arith.constant 0 : i32
      %dma_wait3A_299 = tpu.memref_slice %arg8[%dma_wait3A_297, %dma_wait3A_298] : memref<32x128xf32, #tpu.memory_space<vmem>> -> memref<32x128xf32, #tpu.memory_space<vmem>>
      %dma_wait3A_300 = arith.constant 0 : i32
      %dma_wait3A_301 = tpu.memref_slice %arg20[%add3A_157, %dma_wait3A_300] : memref<10112x128xf32, #tpu.memory_space<vmem_shared>> -> memref<32x128xf32, #tpu.memory_space<vmem_shared>>
      tpu.wait_dma2 semaphore(%run_scoped3A : memref<!tpu.dma_semaphore, #tpu.memory_space<semaphore_mem>>) src(%dma_wait3A_301 : memref<32x128xf32, #tpu.memory_space<vmem_shared>>) dst(%dma_wait3A_299 : memref<32x128xf32, #tpu.memory_space<vmem>>)
      tpu.yield
    }) : () -> ()
    %mul3A_158 = arith.constant 632 : i32
    %mul3A_159 = arith.muli %arg1, %mul3A_158 : i32
    %add3A_160 = arith.constant 128 : i32
    %add3A_161 = arith.addi %mul3A_159, %add3A_160 : i32
    "tpu.region"() ({
      %run_scoped3A = tpu.sem_alloc : memref<!tpu.dma_semaphore, #tpu.memory_space<semaphore_mem>>
      %dma_start3A_282 = arith.constant 0 : i32
      %dma_start3A_283 = arith.constant 0 : i32
      %dma_start3A_284 = tpu.memref_slice %arg8[%dma_start3A_282, %dma_start3A_283] : memref<32x128xf32, #tpu.memory_space<vmem>> -> memref<32x128xf32, #tpu.memory_space<vmem>>
      %dma_start3A_285 = arith.constant 0 : i32
      %dma_start3A_286 = tpu.memref_slice %arg5[%arg0, %add3A_161, %dma_start3A_285] : memref<2x10112x128xf32, #tpu.memory_space<hbm>> -> memref<1x32x128xf32, #tpu.memory_space<hbm>>
      %dma_start3A_287 = tpu.memref_squeeze %dma_start3A_286 : memref<1x32x128xf32, #tpu.memory_space<hbm>> -> memref<32x128xf32, #tpu.memory_space<hbm>>
      %dma_start3A_288 = arith.constant 0 : i32
      %dma_start3A_289 = tpu.memref_slice %arg5[%arg0, %add3A_161, %dma_start3A_288] : memref<2x10112x128xf32, #tpu.memory_space<hbm>> -> memref<1x32x128xf32, #tpu.memory_space<hbm>>
      %dma_start3A_290 = tpu.memref_squeeze %dma_start3A_289 : memref<1x32x128xf32, #tpu.memory_space<hbm>> -> memref<32x128xf32, #tpu.memory_space<hbm>>
      %dma_start3A_291 = arith.constant 0 : i32
      %dma_start3A_292 = arith.constant 0 : i32
      %dma_start3A_293 = tpu.memref_slice %arg8[%dma_start3A_291, %dma_start3A_292] : memref<32x128xf32, #tpu.memory_space<vmem>> -> memref<32x128xf32, #tpu.memory_space<vmem>>
      tpu.enqueue_dma source(%dma_start3A_293 : memref<32x128xf32, #tpu.memory_space<vmem>>) target(%dma_start3A_290 : memref<32x128xf32, #tpu.memory_space<hbm>>) target_semaphore(%run_scoped3A : memref<!tpu.dma_semaphore, #tpu.memory_space<semaphore_mem>>)
      %dma_wait3A_294 = arith.constant 0 : i32
      %dma_wait3A_295 = arith.constant 0 : i32
      %dma_wait3A_296 = tpu.memref_slice %arg8[%dma_wait3A_294, %dma_wait3A_295] : memref<32x128xf32, #tpu.memory_space<vmem>> -> memref<32x128xf32, #tpu.memory_space<vmem>>
      %dma_wait3A_297 = arith.constant 0 : i32
      %dma_wait3A_298 = tpu.memref_slice %arg5[%arg0, %add3A_161, %dma_wait3A_297] : memref<2x10112x128xf32, #tpu.memory_space<hbm>> -> memref<1x32x128xf32, #tpu.memory_space<hbm>>
      %dma_wait3A_299 = tpu.memref_squeeze %dma_wait3A_298 : memref<1x32x128xf32, #tpu.memory_space<hbm>> -> memref<32x128xf32, #tpu.memory_space<hbm>>
      %dma_wait3A_300 = arith.constant 0 : i32
      %dma_wait3A_301 = tpu.memref_slice %arg5[%arg0, %add3A_161, %dma_wait3A_300] : memref<2x10112x128xf32, #tpu.memory_space<hbm>> -> memref<1x32x128xf32, #tpu.memory_space<hbm>>
      %dma_wait3A_302 = tpu.memref_squeeze %dma_wait3A_301 : memref<1x32x128xf32, #tpu.memory_space<hbm>> -> memref<32x128xf32, #tpu.memory_space<hbm>>
      %dma_wait3A_303 = arith.constant 0 : i32
      %dma_wait3A_304 = arith.constant 0 : i32
      %dma_wait3A_305 = tpu.memref_slice %arg8[%dma_wait3A_303, %dma_wait3A_304] : memref<32x128xf32, #tpu.memory_space<vmem>> -> memref<32x128xf32, #tpu.memory_space<vmem>>
      tpu.wait_dma2 semaphore(%run_scoped3A : memref<!tpu.dma_semaphore, #tpu.memory_space<semaphore_mem>>) src(%dma_wait3A_305 : memref<32x128xf32, #tpu.memory_space<vmem>>) dst(%dma_wait3A_302 : memref<32x128xf32, #tpu.memory_space<hbm>>)
      tpu.yield
    }) : () -> ()
    %mul3A_162 = arith.constant 632 : i32
    %mul3A_163 = arith.muli %arg1, %mul3A_162 : i32
    %add3A_164 = arith.constant 160 : i32
    %add3A_165 = arith.addi %mul3A_163, %add3A_164 : i32
    "tpu.region"() ({
      %run_scoped3A = tpu.sem_alloc : memref<!tpu.dma_semaphore, #tpu.memory_space<semaphore_mem>>
      %dma_start3A_282 = arith.constant 0 : i32
      %dma_start3A_283 = arith.constant 0 : i32
      %dma_start3A_284 = tpu.memref_slice %arg8[%dma_start3A_282, %dma_start3A_283] : memref<32x128xf32, #tpu.memory_space<vmem>> -> memref<32x128xf32, #tpu.memory_space<vmem>>
      %dma_start3A_285 = arith.constant 0 : i32
      %dma_start3A_286 = tpu.memref_slice %arg20[%add3A_165, %dma_start3A_285] : memref<10112x128xf32, #tpu.memory_space<vmem_shared>> -> memref<32x128xf32, #tpu.memory_space<vmem_shared>>
      %dma_start3A_287 = arith.constant 0 : i32
      %dma_start3A_288 = arith.constant 0 : i32
      %dma_start3A_289 = tpu.memref_slice %arg8[%dma_start3A_287, %dma_start3A_288] : memref<32x128xf32, #tpu.memory_space<vmem>> -> memref<32x128xf32, #tpu.memory_space<vmem>>
      %dma_start3A_290 = arith.constant 0 : i32
      %dma_start3A_291 = tpu.memref_slice %arg20[%add3A_165, %dma_start3A_290] : memref<10112x128xf32, #tpu.memory_space<vmem_shared>> -> memref<32x128xf32, #tpu.memory_space<vmem_shared>>
      tpu.enqueue_dma source(%dma_start3A_291 : memref<32x128xf32, #tpu.memory_space<vmem_shared>>) target(%dma_start3A_289 : memref<32x128xf32, #tpu.memory_space<vmem>>) target_semaphore(%run_scoped3A : memref<!tpu.dma_semaphore, #tpu.memory_space<semaphore_mem>>)
      %dma_wait3A_292 = arith.constant 0 : i32
      %dma_wait3A_293 = arith.constant 0 : i32
      %dma_wait3A_294 = tpu.memref_slice %arg8[%dma_wait3A_292, %dma_wait3A_293] : memref<32x128xf32, #tpu.memory_space<vmem>> -> memref<32x128xf32, #tpu.memory_space<vmem>>
      %dma_wait3A_295 = arith.constant 0 : i32
      %dma_wait3A_296 = tpu.memref_slice %arg20[%add3A_165, %dma_wait3A_295] : memref<10112x128xf32, #tpu.memory_space<vmem_shared>> -> memref<32x128xf32, #tpu.memory_space<vmem_shared>>
      %dma_wait3A_297 = arith.constant 0 : i32
      %dma_wait3A_298 = arith.constant 0 : i32
      %dma_wait3A_299 = tpu.memref_slice %arg8[%dma_wait3A_297, %dma_wait3A_298] : memref<32x128xf32, #tpu.memory_space<vmem>> -> memref<32x128xf32, #tpu.memory_space<vmem>>
      %dma_wait3A_300 = arith.constant 0 : i32
      %dma_wait3A_301 = tpu.memref_slice %arg20[%add3A_165, %dma_wait3A_300] : memref<10112x128xf32, #tpu.memory_space<vmem_shared>> -> memref<32x128xf32, #tpu.memory_space<vmem_shared>>
      tpu.wait_dma2 semaphore(%run_scoped3A : memref<!tpu.dma_semaphore, #tpu.memory_space<semaphore_mem>>) src(%dma_wait3A_301 : memref<32x128xf32, #tpu.memory_space<vmem_shared>>) dst(%dma_wait3A_299 : memref<32x128xf32, #tpu.memory_space<vmem>>)
      tpu.yield
    }) : () -> ()
    %mul3A_166 = arith.constant 632 : i32
    %mul3A_167 = arith.muli %arg1, %mul3A_166 : i32
    %add3A_168 = arith.constant 160 : i32
    %add3A_169 = arith.addi %mul3A_167, %add3A_168 : i32
    "tpu.region"() ({
      %run_scoped3A = tpu.sem_alloc : memref<!tpu.dma_semaphore, #tpu.memory_space<semaphore_mem>>
      %dma_start3A_282 = arith.constant 0 : i32
      %dma_start3A_283 = arith.constant 0 : i32
      %dma_start3A_284 = tpu.memref_slice %arg8[%dma_start3A_282, %dma_start3A_283] : memref<32x128xf32, #tpu.memory_space<vmem>> -> memref<32x128xf32, #tpu.memory_space<vmem>>
      %dma_start3A_285 = arith.constant 0 : i32
      %dma_start3A_286 = tpu.memref_slice %arg5[%arg0, %add3A_169, %dma_start3A_285] : memref<2x10112x128xf32, #tpu.memory_space<hbm>> -> memref<1x32x128xf32, #tpu.memory_space<hbm>>
      %dma_start3A_287 = tpu.memref_squeeze %dma_start3A_286 : memref<1x32x128xf32, #tpu.memory_space<hbm>> -> memref<32x128xf32, #tpu.memory_space<hbm>>
      %dma_start3A_288 = arith.constant 0 : i32
      %dma_start3A_289 = tpu.memref_slice %arg5[%arg0, %add3A_169, %dma_start3A_288] : memref<2x10112x128xf32, #tpu.memory_space<hbm>> -> memref<1x32x128xf32, #tpu.memory_space<hbm>>
      %dma_start3A_290 = tpu.memref_squeeze %dma_start3A_289 : memref<1x32x128xf32, #tpu.memory_space<hbm>> -> memref<32x128xf32, #tpu.memory_space<hbm>>
      %dma_start3A_291 = arith.constant 0 : i32
      %dma_start3A_292 = arith.constant 0 : i32
      %dma_start3A_293 = tpu.memref_slice %arg8[%dma_start3A_291, %dma_start3A_292] : memref<32x128xf32, #tpu.memory_space<vmem>> -> memref<32x128xf32, #tpu.memory_space<vmem>>
      tpu.enqueue_dma source(%dma_start3A_293 : memref<32x128xf32, #tpu.memory_space<vmem>>) target(%dma_start3A_290 : memref<32x128xf32, #tpu.memory_space<hbm>>) target_semaphore(%run_scoped3A : memref<!tpu.dma_semaphore, #tpu.memory_space<semaphore_mem>>)
      %dma_wait3A_294 = arith.constant 0 : i32
      %dma_wait3A_295 = arith.constant 0 : i32
      %dma_wait3A_296 = tpu.memref_slice %arg8[%dma_wait3A_294, %dma_wait3A_295] : memref<32x128xf32, #tpu.memory_space<vmem>> -> memref<32x128xf32, #tpu.memory_space<vmem>>
      %dma_wait3A_297 = arith.constant 0 : i32
      %dma_wait3A_298 = tpu.memref_slice %arg5[%arg0, %add3A_169, %dma_wait3A_297] : memref<2x10112x128xf32, #tpu.memory_space<hbm>> -> memref<1x32x128xf32, #tpu.memory_space<hbm>>
      %dma_wait3A_299 = tpu.memref_squeeze %dma_wait3A_298 : memref<1x32x128xf32, #tpu.memory_space<hbm>> -> memref<32x128xf32, #tpu.memory_space<hbm>>
      %dma_wait3A_300 = arith.constant 0 : i32
      %dma_wait3A_301 = tpu.memref_slice %arg5[%arg0, %add3A_169, %dma_wait3A_300] : memref<2x10112x128xf32, #tpu.memory_space<hbm>> -> memref<1x32x128xf32, #tpu.memory_space<hbm>>
      %dma_wait3A_302 = tpu.memref_squeeze %dma_wait3A_301 : memref<1x32x128xf32, #tpu.memory_space<hbm>> -> memref<32x128xf32, #tpu.memory_space<hbm>>
      %dma_wait3A_303 = arith.constant 0 : i32
      %dma_wait3A_304 = arith.constant 0 : i32
      %dma_wait3A_305 = tpu.memref_slice %arg8[%dma_wait3A_303, %dma_wait3A_304] : memref<32x128xf32, #tpu.memory_space<vmem>> -> memref<32x128xf32, #tpu.memory_space<vmem>>
      tpu.wait_dma2 semaphore(%run_scoped3A : memref<!tpu.dma_semaphore, #tpu.memory_space<semaphore_mem>>) src(%dma_wait3A_305 : memref<32x128xf32, #tpu.memory_space<vmem>>) dst(%dma_wait3A_302 : memref<32x128xf32, #tpu.memory_space<hbm>>)
      tpu.yield
    }) : () -> ()
    %mul3A_170 = arith.constant 632 : i32
    %mul3A_171 = arith.muli %arg1, %mul3A_170 : i32
    %add3A_172 = arith.constant 192 : i32
    %add3A_173 = arith.addi %mul3A_171, %add3A_172 : i32
    "tpu.region"() ({
      %run_scoped3A = tpu.sem_alloc : memref<!tpu.dma_semaphore, #tpu.memory_space<semaphore_mem>>
      %dma_start3A_282 = arith.constant 0 : i32
      %dma_start3A_283 = arith.constant 0 : i32
      %dma_start3A_284 = tpu.memref_slice %arg8[%dma_start3A_282, %dma_start3A_283] : memref<32x128xf32, #tpu.memory_space<vmem>> -> memref<32x128xf32, #tpu.memory_space<vmem>>
      %dma_start3A_285 = arith.constant 0 : i32
      %dma_start3A_286 = tpu.memref_slice %arg20[%add3A_173, %dma_start3A_285] : memref<10112x128xf32, #tpu.memory_space<vmem_shared>> -> memref<32x128xf32, #tpu.memory_space<vmem_shared>>
      %dma_start3A_287 = arith.constant 0 : i32
      %dma_start3A_288 = arith.constant 0 : i32
      %dma_start3A_289 = tpu.memref_slice %arg8[%dma_start3A_287, %dma_start3A_288] : memref<32x128xf32, #tpu.memory_space<vmem>> -> memref<32x128xf32, #tpu.memory_space<vmem>>
      %dma_start3A_290 = arith.constant 0 : i32
      %dma_start3A_291 = tpu.memref_slice %arg20[%add3A_173, %dma_start3A_290] : memref<10112x128xf32, #tpu.memory_space<vmem_shared>> -> memref<32x128xf32, #tpu.memory_space<vmem_shared>>
      tpu.enqueue_dma source(%dma_start3A_291 : memref<32x128xf32, #tpu.memory_space<vmem_shared>>) target(%dma_start3A_289 : memref<32x128xf32, #tpu.memory_space<vmem>>) target_semaphore(%run_scoped3A : memref<!tpu.dma_semaphore, #tpu.memory_space<semaphore_mem>>)
      %dma_wait3A_292 = arith.constant 0 : i32
      %dma_wait3A_293 = arith.constant 0 : i32
      %dma_wait3A_294 = tpu.memref_slice %arg8[%dma_wait3A_292, %dma_wait3A_293] : memref<32x128xf32, #tpu.memory_space<vmem>> -> memref<32x128xf32, #tpu.memory_space<vmem>>
      %dma_wait3A_295 = arith.constant 0 : i32
      %dma_wait3A_296 = tpu.memref_slice %arg20[%add3A_173, %dma_wait3A_295] : memref<10112x128xf32, #tpu.memory_space<vmem_shared>> -> memref<32x128xf32, #tpu.memory_space<vmem_shared>>
      %dma_wait3A_297 = arith.constant 0 : i32
      %dma_wait3A_298 = arith.constant 0 : i32
      %dma_wait3A_299 = tpu.memref_slice %arg8[%dma_wait3A_297, %dma_wait3A_298] : memref<32x128xf32, #tpu.memory_space<vmem>> -> memref<32x128xf32, #tpu.memory_space<vmem>>
      %dma_wait3A_300 = arith.constant 0 : i32
      %dma_wait3A_301 = tpu.memref_slice %arg20[%add3A_173, %dma_wait3A_300] : memref<10112x128xf32, #tpu.memory_space<vmem_shared>> -> memref<32x128xf32, #tpu.memory_space<vmem_shared>>
      tpu.wait_dma2 semaphore(%run_scoped3A : memref<!tpu.dma_semaphore, #tpu.memory_space<semaphore_mem>>) src(%dma_wait3A_301 : memref<32x128xf32, #tpu.memory_space<vmem_shared>>) dst(%dma_wait3A_299 : memref<32x128xf32, #tpu.memory_space<vmem>>)
      tpu.yield
    }) : () -> ()
    %mul3A_174 = arith.constant 632 : i32
    %mul3A_175 = arith.muli %arg1, %mul3A_174 : i32
    %add3A_176 = arith.constant 192 : i32
    %add3A_177 = arith.addi %mul3A_175, %add3A_176 : i32
    "tpu.region"() ({
      %run_scoped3A = tpu.sem_alloc : memref<!tpu.dma_semaphore, #tpu.memory_space<semaphore_mem>>
      %dma_start3A_282 = arith.constant 0 : i32
      %dma_start3A_283 = arith.constant 0 : i32
      %dma_start3A_284 = tpu.memref_slice %arg8[%dma_start3A_282, %dma_start3A_283] : memref<32x128xf32, #tpu.memory_space<vmem>> -> memref<32x128xf32, #tpu.memory_space<vmem>>
      %dma_start3A_285 = arith.constant 0 : i32
      %dma_start3A_286 = tpu.memref_slice %arg5[%arg0, %add3A_177, %dma_start3A_285] : memref<2x10112x128xf32, #tpu.memory_space<hbm>> -> memref<1x32x128xf32, #tpu.memory_space<hbm>>
      %dma_start3A_287 = tpu.memref_squeeze %dma_start3A_286 : memref<1x32x128xf32, #tpu.memory_space<hbm>> -> memref<32x128xf32, #tpu.memory_space<hbm>>
      %dma_start3A_288 = arith.constant 0 : i32
      %dma_start3A_289 = tpu.memref_slice %arg5[%arg0, %add3A_177, %dma_start3A_288] : memref<2x10112x128xf32, #tpu.memory_space<hbm>> -> memref<1x32x128xf32, #tpu.memory_space<hbm>>
      %dma_start3A_290 = tpu.memref_squeeze %dma_start3A_289 : memref<1x32x128xf32, #tpu.memory_space<hbm>> -> memref<32x128xf32, #tpu.memory_space<hbm>>
      %dma_start3A_291 = arith.constant 0 : i32
      %dma_start3A_292 = arith.constant 0 : i32
      %dma_start3A_293 = tpu.memref_slice %arg8[%dma_start3A_291, %dma_start3A_292] : memref<32x128xf32, #tpu.memory_space<vmem>> -> memref<32x128xf32, #tpu.memory_space<vmem>>
      tpu.enqueue_dma source(%dma_start3A_293 : memref<32x128xf32, #tpu.memory_space<vmem>>) target(%dma_start3A_290 : memref<32x128xf32, #tpu.memory_space<hbm>>) target_semaphore(%run_scoped3A : memref<!tpu.dma_semaphore, #tpu.memory_space<semaphore_mem>>)
      %dma_wait3A_294 = arith.constant 0 : i32
      %dma_wait3A_295 = arith.constant 0 : i32
      %dma_wait3A_296 = tpu.memref_slice %arg8[%dma_wait3A_294, %dma_wait3A_295] : memref<32x128xf32, #tpu.memory_space<vmem>> -> memref<32x128xf32, #tpu.memory_space<vmem>>
      %dma_wait3A_297 = arith.constant 0 : i32
      %dma_wait3A_298 = tpu.memref_slice %arg5[%arg0, %add3A_177, %dma_wait3A_297] : memref<2x10112x128xf32, #tpu.memory_space<hbm>> -> memref<1x32x128xf32, #tpu.memory_space<hbm>>
      %dma_wait3A_299 = tpu.memref_squeeze %dma_wait3A_298 : memref<1x32x128xf32, #tpu.memory_space<hbm>> -> memref<32x128xf32, #tpu.memory_space<hbm>>
      %dma_wait3A_300 = arith.constant 0 : i32
      %dma_wait3A_301 = tpu.memref_slice %arg5[%arg0, %add3A_177, %dma_wait3A_300] : memref<2x10112x128xf32, #tpu.memory_space<hbm>> -> memref<1x32x128xf32, #tpu.memory_space<hbm>>
      %dma_wait3A_302 = tpu.memref_squeeze %dma_wait3A_301 : memref<1x32x128xf32, #tpu.memory_space<hbm>> -> memref<32x128xf32, #tpu.memory_space<hbm>>
      %dma_wait3A_303 = arith.constant 0 : i32
      %dma_wait3A_304 = arith.constant 0 : i32
      %dma_wait3A_305 = tpu.memref_slice %arg8[%dma_wait3A_303, %dma_wait3A_304] : memref<32x128xf32, #tpu.memory_space<vmem>> -> memref<32x128xf32, #tpu.memory_space<vmem>>
      tpu.wait_dma2 semaphore(%run_scoped3A : memref<!tpu.dma_semaphore, #tpu.memory_space<semaphore_mem>>) src(%dma_wait3A_305 : memref<32x128xf32, #tpu.memory_space<vmem>>) dst(%dma_wait3A_302 : memref<32x128xf32, #tpu.memory_space<hbm>>)
      tpu.yield
    }) : () -> ()
    %mul3A_178 = arith.constant 632 : i32
    %mul3A_179 = arith.muli %arg1, %mul3A_178 : i32
    %add3A_180 = arith.constant 224 : i32
    %add3A_181 = arith.addi %mul3A_179, %add3A_180 : i32
    "tpu.region"() ({
      %run_scoped3A = tpu.sem_alloc : memref<!tpu.dma_semaphore, #tpu.memory_space<semaphore_mem>>
      %dma_start3A_282 = arith.constant 0 : i32
      %dma_start3A_283 = arith.constant 0 : i32
      %dma_start3A_284 = tpu.memref_slice %arg8[%dma_start3A_282, %dma_start3A_283] : memref<32x128xf32, #tpu.memory_space<vmem>> -> memref<32x128xf32, #tpu.memory_space<vmem>>
      %dma_start3A_285 = arith.constant 0 : i32
      %dma_start3A_286 = tpu.memref_slice %arg20[%add3A_181, %dma_start3A_285] : memref<10112x128xf32, #tpu.memory_space<vmem_shared>> -> memref<32x128xf32, #tpu.memory_space<vmem_shared>>
      %dma_start3A_287 = arith.constant 0 : i32
      %dma_start3A_288 = arith.constant 0 : i32
      %dma_start3A_289 = tpu.memref_slice %arg8[%dma_start3A_287, %dma_start3A_288] : memref<32x128xf32, #tpu.memory_space<vmem>> -> memref<32x128xf32, #tpu.memory_space<vmem>>
      %dma_start3A_290 = arith.constant 0 : i32
      %dma_start3A_291 = tpu.memref_slice %arg20[%add3A_181, %dma_start3A_290] : memref<10112x128xf32, #tpu.memory_space<vmem_shared>> -> memref<32x128xf32, #tpu.memory_space<vmem_shared>>
      tpu.enqueue_dma source(%dma_start3A_291 : memref<32x128xf32, #tpu.memory_space<vmem_shared>>) target(%dma_start3A_289 : memref<32x128xf32, #tpu.memory_space<vmem>>) target_semaphore(%run_scoped3A : memref<!tpu.dma_semaphore, #tpu.memory_space<semaphore_mem>>)
      %dma_wait3A_292 = arith.constant 0 : i32
      %dma_wait3A_293 = arith.constant 0 : i32
      %dma_wait3A_294 = tpu.memref_slice %arg8[%dma_wait3A_292, %dma_wait3A_293] : memref<32x128xf32, #tpu.memory_space<vmem>> -> memref<32x128xf32, #tpu.memory_space<vmem>>
      %dma_wait3A_295 = arith.constant 0 : i32
      %dma_wait3A_296 = tpu.memref_slice %arg20[%add3A_181, %dma_wait3A_295] : memref<10112x128xf32, #tpu.memory_space<vmem_shared>> -> memref<32x128xf32, #tpu.memory_space<vmem_shared>>
      %dma_wait3A_297 = arith.constant 0 : i32
      %dma_wait3A_298 = arith.constant 0 : i32
      %dma_wait3A_299 = tpu.memref_slice %arg8[%dma_wait3A_297, %dma_wait3A_298] : memref<32x128xf32, #tpu.memory_space<vmem>> -> memref<32x128xf32, #tpu.memory_space<vmem>>
      %dma_wait3A_300 = arith.constant 0 : i32
      %dma_wait3A_301 = tpu.memref_slice %arg20[%add3A_181, %dma_wait3A_300] : memref<10112x128xf32, #tpu.memory_space<vmem_shared>> -> memref<32x128xf32, #tpu.memory_space<vmem_shared>>
      tpu.wait_dma2 semaphore(%run_scoped3A : memref<!tpu.dma_semaphore, #tpu.memory_space<semaphore_mem>>) src(%dma_wait3A_301 : memref<32x128xf32, #tpu.memory_space<vmem_shared>>) dst(%dma_wait3A_299 : memref<32x128xf32, #tpu.memory_space<vmem>>)
      tpu.yield
    }) : () -> ()
    %mul3A_182 = arith.constant 632 : i32
    %mul3A_183 = arith.muli %arg1, %mul3A_182 : i32
    %add3A_184 = arith.constant 224 : i32
    %add3A_185 = arith.addi %mul3A_183, %add3A_184 : i32
    "tpu.region"() ({
      %run_scoped3A = tpu.sem_alloc : memref<!tpu.dma_semaphore, #tpu.memory_space<semaphore_mem>>
      %dma_start3A_282 = arith.constant 0 : i32
      %dma_start3A_283 = arith.constant 0 : i32
      %dma_start3A_284 = tpu.memref_slice %arg8[%dma_start3A_282, %dma_start3A_283] : memref<32x128xf32, #tpu.memory_space<vmem>> -> memref<32x128xf32, #tpu.memory_space<vmem>>
      %dma_start3A_285 = arith.constant 0 : i32
      %dma_start3A_286 = tpu.memref_slice %arg5[%arg0, %add3A_185, %dma_start3A_285] : memref<2x10112x128xf32, #tpu.memory_space<hbm>> -> memref<1x32x128xf32, #tpu.memory_space<hbm>>
      %dma_start3A_287 = tpu.memref_squeeze %dma_start3A_286 : memref<1x32x128xf32, #tpu.memory_space<hbm>> -> memref<32x128xf32, #tpu.memory_space<hbm>>
      %dma_start3A_288 = arith.constant 0 : i32
      %dma_start3A_289 = tpu.memref_slice %arg5[%arg0, %add3A_185, %dma_start3A_288] : memref<2x10112x128xf32, #tpu.memory_space<hbm>> -> memref<1x32x128xf32, #tpu.memory_space<hbm>>
      %dma_start3A_290 = tpu.memref_squeeze %dma_start3A_289 : memref<1x32x128xf32, #tpu.memory_space<hbm>> -> memref<32x128xf32, #tpu.memory_space<hbm>>
      %dma_start3A_291 = arith.constant 0 : i32
      %dma_start3A_292 = arith.constant 0 : i32
      %dma_start3A_293 = tpu.memref_slice %arg8[%dma_start3A_291, %dma_start3A_292] : memref<32x128xf32, #tpu.memory_space<vmem>> -> memref<32x128xf32, #tpu.memory_space<vmem>>
      tpu.enqueue_dma source(%dma_start3A_293 : memref<32x128xf32, #tpu.memory_space<vmem>>) target(%dma_start3A_290 : memref<32x128xf32, #tpu.memory_space<hbm>>) target_semaphore(%run_scoped3A : memref<!tpu.dma_semaphore, #tpu.memory_space<semaphore_mem>>)
      %dma_wait3A_294 = arith.constant 0 : i32
      %dma_wait3A_295 = arith.constant 0 : i32
      %dma_wait3A_296 = tpu.memref_slice %arg8[%dma_wait3A_294, %dma_wait3A_295] : memref<32x128xf32, #tpu.memory_space<vmem>> -> memref<32x128xf32, #tpu.memory_space<vmem>>
      %dma_wait3A_297 = arith.constant 0 : i32
      %dma_wait3A_298 = tpu.memref_slice %arg5[%arg0, %add3A_185, %dma_wait3A_297] : memref<2x10112x128xf32, #tpu.memory_space<hbm>> -> memref<1x32x128xf32, #tpu.memory_space<hbm>>
      %dma_wait3A_299 = tpu.memref_squeeze %dma_wait3A_298 : memref<1x32x128xf32, #tpu.memory_space<hbm>> -> memref<32x128xf32, #tpu.memory_space<hbm>>
      %dma_wait3A_300 = arith.constant 0 : i32
      %dma_wait3A_301 = tpu.memref_slice %arg5[%arg0, %add3A_185, %dma_wait3A_300] : memref<2x10112x128xf32, #tpu.memory_space<hbm>> -> memref<1x32x128xf32, #tpu.memory_space<hbm>>
      %dma_wait3A_302 = tpu.memref_squeeze %dma_wait3A_301 : memref<1x32x128xf32, #tpu.memory_space<hbm>> -> memref<32x128xf32, #tpu.memory_space<hbm>>
      %dma_wait3A_303 = arith.constant 0 : i32
      %dma_wait3A_304 = arith.constant 0 : i32
      %dma_wait3A_305 = tpu.memref_slice %arg8[%dma_wait3A_303, %dma_wait3A_304] : memref<32x128xf32, #tpu.memory_space<vmem>> -> memref<32x128xf32, #tpu.memory_space<vmem>>
      tpu.wait_dma2 semaphore(%run_scoped3A : memref<!tpu.dma_semaphore, #tpu.memory_space<semaphore_mem>>) src(%dma_wait3A_305 : memref<32x128xf32, #tpu.memory_space<vmem>>) dst(%dma_wait3A_302 : memref<32x128xf32, #tpu.memory_space<hbm>>)
      tpu.yield
    }) : () -> ()
    %mul3A_186 = arith.constant 632 : i32
    %mul3A_187 = arith.muli %arg1, %mul3A_186 : i32
    %add3A_188 = arith.constant 256 : i32
    %add3A_189 = arith.addi %mul3A_187, %add3A_188 : i32
    "tpu.region"() ({
      %run_scoped3A = tpu.sem_alloc : memref<!tpu.dma_semaphore, #tpu.memory_space<semaphore_mem>>
      %dma_start3A_282 = arith.constant 0 : i32
      %dma_start3A_283 = arith.constant 0 : i32
      %dma_start3A_284 = tpu.memref_slice %arg8[%dma_start3A_282, %dma_start3A_283] : memref<32x128xf32, #tpu.memory_space<vmem>> -> memref<32x128xf32, #tpu.memory_space<vmem>>
      %dma_start3A_285 = arith.constant 0 : i32
      %dma_start3A_286 = tpu.memref_slice %arg20[%add3A_189, %dma_start3A_285] : memref<10112x128xf32, #tpu.memory_space<vmem_shared>> -> memref<32x128xf32, #tpu.memory_space<vmem_shared>>
      %dma_start3A_287 = arith.constant 0 : i32
      %dma_start3A_288 = arith.constant 0 : i32
      %dma_start3A_289 = tpu.memref_slice %arg8[%dma_start3A_287, %dma_start3A_288] : memref<32x128xf32, #tpu.memory_space<vmem>> -> memref<32x128xf32, #tpu.memory_space<vmem>>
      %dma_start3A_290 = arith.constant 0 : i32
      %dma_start3A_291 = tpu.memref_slice %arg20[%add3A_189, %dma_start3A_290] : memref<10112x128xf32, #tpu.memory_space<vmem_shared>> -> memref<32x128xf32, #tpu.memory_space<vmem_shared>>
      tpu.enqueue_dma source(%dma_start3A_291 : memref<32x128xf32, #tpu.memory_space<vmem_shared>>) target(%dma_start3A_289 : memref<32x128xf32, #tpu.memory_space<vmem>>) target_semaphore(%run_scoped3A : memref<!tpu.dma_semaphore, #tpu.memory_space<semaphore_mem>>)
      %dma_wait3A_292 = arith.constant 0 : i32
      %dma_wait3A_293 = arith.constant 0 : i32
      %dma_wait3A_294 = tpu.memref_slice %arg8[%dma_wait3A_292, %dma_wait3A_293] : memref<32x128xf32, #tpu.memory_space<vmem>> -> memref<32x128xf32, #tpu.memory_space<vmem>>
      %dma_wait3A_295 = arith.constant 0 : i32
      %dma_wait3A_296 = tpu.memref_slice %arg20[%add3A_189, %dma_wait3A_295] : memref<10112x128xf32, #tpu.memory_space<vmem_shared>> -> memref<32x128xf32, #tpu.memory_space<vmem_shared>>
      %dma_wait3A_297 = arith.constant 0 : i32
      %dma_wait3A_298 = arith.constant 0 : i32
      %dma_wait3A_299 = tpu.memref_slice %arg8[%dma_wait3A_297, %dma_wait3A_298] : memref<32x128xf32, #tpu.memory_space<vmem>> -> memref<32x128xf32, #tpu.memory_space<vmem>>
      %dma_wait3A_300 = arith.constant 0 : i32
      %dma_wait3A_301 = tpu.memref_slice %arg20[%add3A_189, %dma_wait3A_300] : memref<10112x128xf32, #tpu.memory_space<vmem_shared>> -> memref<32x128xf32, #tpu.memory_space<vmem_shared>>
      tpu.wait_dma2 semaphore(%run_scoped3A : memref<!tpu.dma_semaphore, #tpu.memory_space<semaphore_mem>>) src(%dma_wait3A_301 : memref<32x128xf32, #tpu.memory_space<vmem_shared>>) dst(%dma_wait3A_299 : memref<32x128xf32, #tpu.memory_space<vmem>>)
      tpu.yield
    }) : () -> ()
    %mul3A_190 = arith.constant 632 : i32
    %mul3A_191 = arith.muli %arg1, %mul3A_190 : i32
    %add3A_192 = arith.constant 256 : i32
    %add3A_193 = arith.addi %mul3A_191, %add3A_192 : i32
    "tpu.region"() ({
      %run_scoped3A = tpu.sem_alloc : memref<!tpu.dma_semaphore, #tpu.memory_space<semaphore_mem>>
      %dma_start3A_282 = arith.constant 0 : i32
      %dma_start3A_283 = arith.constant 0 : i32
      %dma_start3A_284 = tpu.memref_slice %arg8[%dma_start3A_282, %dma_start3A_283] : memref<32x128xf32, #tpu.memory_space<vmem>> -> memref<32x128xf32, #tpu.memory_space<vmem>>
      %dma_start3A_285 = arith.constant 0 : i32
      %dma_start3A_286 = tpu.memref_slice %arg5[%arg0, %add3A_193, %dma_start3A_285] : memref<2x10112x128xf32, #tpu.memory_space<hbm>> -> memref<1x32x128xf32, #tpu.memory_space<hbm>>
      %dma_start3A_287 = tpu.memref_squeeze %dma_start3A_286 : memref<1x32x128xf32, #tpu.memory_space<hbm>> -> memref<32x128xf32, #tpu.memory_space<hbm>>
      %dma_start3A_288 = arith.constant 0 : i32
      %dma_start3A_289 = tpu.memref_slice %arg5[%arg0, %add3A_193, %dma_start3A_288] : memref<2x10112x128xf32, #tpu.memory_space<hbm>> -> memref<1x32x128xf32, #tpu.memory_space<hbm>>
      %dma_start3A_290 = tpu.memref_squeeze %dma_start3A_289 : memref<1x32x128xf32, #tpu.memory_space<hbm>> -> memref<32x128xf32, #tpu.memory_space<hbm>>
      %dma_start3A_291 = arith.constant 0 : i32
      %dma_start3A_292 = arith.constant 0 : i32
      %dma_start3A_293 = tpu.memref_slice %arg8[%dma_start3A_291, %dma_start3A_292] : memref<32x128xf32, #tpu.memory_space<vmem>> -> memref<32x128xf32, #tpu.memory_space<vmem>>
      tpu.enqueue_dma source(%dma_start3A_293 : memref<32x128xf32, #tpu.memory_space<vmem>>) target(%dma_start3A_290 : memref<32x128xf32, #tpu.memory_space<hbm>>) target_semaphore(%run_scoped3A : memref<!tpu.dma_semaphore, #tpu.memory_space<semaphore_mem>>)
      %dma_wait3A_294 = arith.constant 0 : i32
      %dma_wait3A_295 = arith.constant 0 : i32
      %dma_wait3A_296 = tpu.memref_slice %arg8[%dma_wait3A_294, %dma_wait3A_295] : memref<32x128xf32, #tpu.memory_space<vmem>> -> memref<32x128xf32, #tpu.memory_space<vmem>>
      %dma_wait3A_297 = arith.constant 0 : i32
      %dma_wait3A_298 = tpu.memref_slice %arg5[%arg0, %add3A_193, %dma_wait3A_297] : memref<2x10112x128xf32, #tpu.memory_space<hbm>> -> memref<1x32x128xf32, #tpu.memory_space<hbm>>
      %dma_wait3A_299 = tpu.memref_squeeze %dma_wait3A_298 : memref<1x32x128xf32, #tpu.memory_space<hbm>> -> memref<32x128xf32, #tpu.memory_space<hbm>>
      %dma_wait3A_300 = arith.constant 0 : i32
      %dma_wait3A_301 = tpu.memref_slice %arg5[%arg0, %add3A_193, %dma_wait3A_300] : memref<2x10112x128xf32, #tpu.memory_space<hbm>> -> memref<1x32x128xf32, #tpu.memory_space<hbm>>
      %dma_wait3A_302 = tpu.memref_squeeze %dma_wait3A_301 : memref<1x32x128xf32, #tpu.memory_space<hbm>> -> memref<32x128xf32, #tpu.memory_space<hbm>>
      %dma_wait3A_303 = arith.constant 0 : i32
      %dma_wait3A_304 = arith.constant 0 : i32
      %dma_wait3A_305 = tpu.memref_slice %arg8[%dma_wait3A_303, %dma_wait3A_304] : memref<32x128xf32, #tpu.memory_space<vmem>> -> memref<32x128xf32, #tpu.memory_space<vmem>>
      tpu.wait_dma2 semaphore(%run_scoped3A : memref<!tpu.dma_semaphore, #tpu.memory_space<semaphore_mem>>) src(%dma_wait3A_305 : memref<32x128xf32, #tpu.memory_space<vmem>>) dst(%dma_wait3A_302 : memref<32x128xf32, #tpu.memory_space<hbm>>)
      tpu.yield
    }) : () -> ()
    %mul3A_194 = arith.constant 632 : i32
    %mul3A_195 = arith.muli %arg1, %mul3A_194 : i32
    %add3A_196 = arith.constant 288 : i32
    %add3A_197 = arith.addi %mul3A_195, %add3A_196 : i32
    "tpu.region"() ({
      %run_scoped3A = tpu.sem_alloc : memref<!tpu.dma_semaphore, #tpu.memory_space<semaphore_mem>>
      %dma_start3A_282 = arith.constant 0 : i32
      %dma_start3A_283 = arith.constant 0 : i32
      %dma_start3A_284 = tpu.memref_slice %arg8[%dma_start3A_282, %dma_start3A_283] : memref<32x128xf32, #tpu.memory_space<vmem>> -> memref<32x128xf32, #tpu.memory_space<vmem>>
      %dma_start3A_285 = arith.constant 0 : i32
      %dma_start3A_286 = tpu.memref_slice %arg20[%add3A_197, %dma_start3A_285] : memref<10112x128xf32, #tpu.memory_space<vmem_shared>> -> memref<32x128xf32, #tpu.memory_space<vmem_shared>>
      %dma_start3A_287 = arith.constant 0 : i32
      %dma_start3A_288 = arith.constant 0 : i32
      %dma_start3A_289 = tpu.memref_slice %arg8[%dma_start3A_287, %dma_start3A_288] : memref<32x128xf32, #tpu.memory_space<vmem>> -> memref<32x128xf32, #tpu.memory_space<vmem>>
      %dma_start3A_290 = arith.constant 0 : i32
      %dma_start3A_291 = tpu.memref_slice %arg20[%add3A_197, %dma_start3A_290] : memref<10112x128xf32, #tpu.memory_space<vmem_shared>> -> memref<32x128xf32, #tpu.memory_space<vmem_shared>>
      tpu.enqueue_dma source(%dma_start3A_291 : memref<32x128xf32, #tpu.memory_space<vmem_shared>>) target(%dma_start3A_289 : memref<32x128xf32, #tpu.memory_space<vmem>>) target_semaphore(%run_scoped3A : memref<!tpu.dma_semaphore, #tpu.memory_space<semaphore_mem>>)
      %dma_wait3A_292 = arith.constant 0 : i32
      %dma_wait3A_293 = arith.constant 0 : i32
      %dma_wait3A_294 = tpu.memref_slice %arg8[%dma_wait3A_292, %dma_wait3A_293] : memref<32x128xf32, #tpu.memory_space<vmem>> -> memref<32x128xf32, #tpu.memory_space<vmem>>
      %dma_wait3A_295 = arith.constant 0 : i32
      %dma_wait3A_296 = tpu.memref_slice %arg20[%add3A_197, %dma_wait3A_295] : memref<10112x128xf32, #tpu.memory_space<vmem_shared>> -> memref<32x128xf32, #tpu.memory_space<vmem_shared>>
      %dma_wait3A_297 = arith.constant 0 : i32
      %dma_wait3A_298 = arith.constant 0 : i32
      %dma_wait3A_299 = tpu.memref_slice %arg8[%dma_wait3A_297, %dma_wait3A_298] : memref<32x128xf32, #tpu.memory_space<vmem>> -> memref<32x128xf32, #tpu.memory_space<vmem>>
      %dma_wait3A_300 = arith.constant 0 : i32
      %dma_wait3A_301 = tpu.memref_slice %arg20[%add3A_197, %dma_wait3A_300] : memref<10112x128xf32, #tpu.memory_space<vmem_shared>> -> memref<32x128xf32, #tpu.memory_space<vmem_shared>>
      tpu.wait_dma2 semaphore(%run_scoped3A : memref<!tpu.dma_semaphore, #tpu.memory_space<semaphore_mem>>) src(%dma_wait3A_301 : memref<32x128xf32, #tpu.memory_space<vmem_shared>>) dst(%dma_wait3A_299 : memref<32x128xf32, #tpu.memory_space<vmem>>)
      tpu.yield
    }) : () -> ()
    %mul3A_198 = arith.constant 632 : i32
    %mul3A_199 = arith.muli %arg1, %mul3A_198 : i32
    %add3A_200 = arith.constant 288 : i32
    %add3A_201 = arith.addi %mul3A_199, %add3A_200 : i32
    "tpu.region"() ({
      %run_scoped3A = tpu.sem_alloc : memref<!tpu.dma_semaphore, #tpu.memory_space<semaphore_mem>>
      %dma_start3A_282 = arith.constant 0 : i32
      %dma_start3A_283 = arith.constant 0 : i32
      %dma_start3A_284 = tpu.memref_slice %arg8[%dma_start3A_282, %dma_start3A_283] : memref<32x128xf32, #tpu.memory_space<vmem>> -> memref<32x128xf32, #tpu.memory_space<vmem>>
      %dma_start3A_285 = arith.constant 0 : i32
      %dma_start3A_286 = tpu.memref_slice %arg5[%arg0, %add3A_201, %dma_start3A_285] : memref<2x10112x128xf32, #tpu.memory_space<hbm>> -> memref<1x32x128xf32, #tpu.memory_space<hbm>>
      %dma_start3A_287 = tpu.memref_squeeze %dma_start3A_286 : memref<1x32x128xf32, #tpu.memory_space<hbm>> -> memref<32x128xf32, #tpu.memory_space<hbm>>
      %dma_start3A_288 = arith.constant 0 : i32
      %dma_start3A_289 = tpu.memref_slice %arg5[%arg0, %add3A_201, %dma_start3A_288] : memref<2x10112x128xf32, #tpu.memory_space<hbm>> -> memref<1x32x128xf32, #tpu.memory_space<hbm>>
      %dma_start3A_290 = tpu.memref_squeeze %dma_start3A_289 : memref<1x32x128xf32, #tpu.memory_space<hbm>> -> memref<32x128xf32, #tpu.memory_space<hbm>>
      %dma_start3A_291 = arith.constant 0 : i32
      %dma_start3A_292 = arith.constant 0 : i32
      %dma_start3A_293 = tpu.memref_slice %arg8[%dma_start3A_291, %dma_start3A_292] : memref<32x128xf32, #tpu.memory_space<vmem>> -> memref<32x128xf32, #tpu.memory_space<vmem>>
      tpu.enqueue_dma source(%dma_start3A_293 : memref<32x128xf32, #tpu.memory_space<vmem>>) target(%dma_start3A_290 : memref<32x128xf32, #tpu.memory_space<hbm>>) target_semaphore(%run_scoped3A : memref<!tpu.dma_semaphore, #tpu.memory_space<semaphore_mem>>)
      %dma_wait3A_294 = arith.constant 0 : i32
      %dma_wait3A_295 = arith.constant 0 : i32
      %dma_wait3A_296 = tpu.memref_slice %arg8[%dma_wait3A_294, %dma_wait3A_295] : memref<32x128xf32, #tpu.memory_space<vmem>> -> memref<32x128xf32, #tpu.memory_space<vmem>>
      %dma_wait3A_297 = arith.constant 0 : i32
      %dma_wait3A_298 = tpu.memref_slice %arg5[%arg0, %add3A_201, %dma_wait3A_297] : memref<2x10112x128xf32, #tpu.memory_space<hbm>> -> memref<1x32x128xf32, #tpu.memory_space<hbm>>
      %dma_wait3A_299 = tpu.memref_squeeze %dma_wait3A_298 : memref<1x32x128xf32, #tpu.memory_space<hbm>> -> memref<32x128xf32, #tpu.memory_space<hbm>>
      %dma_wait3A_300 = arith.constant 0 : i32
      %dma_wait3A_301 = tpu.memref_slice %arg5[%arg0, %add3A_201, %dma_wait3A_300] : memref<2x10112x128xf32, #tpu.memory_space<hbm>> -> memref<1x32x128xf32, #tpu.memory_space<hbm>>
      %dma_wait3A_302 = tpu.memref_squeeze %dma_wait3A_301 : memref<1x32x128xf32, #tpu.memory_space<hbm>> -> memref<32x128xf32, #tpu.memory_space<hbm>>
      %dma_wait3A_303 = arith.constant 0 : i32
      %dma_wait3A_304 = arith.constant 0 : i32
      %dma_wait3A_305 = tpu.memref_slice %arg8[%dma_wait3A_303, %dma_wait3A_304] : memref<32x128xf32, #tpu.memory_space<vmem>> -> memref<32x128xf32, #tpu.memory_space<vmem>>
      tpu.wait_dma2 semaphore(%run_scoped3A : memref<!tpu.dma_semaphore, #tpu.memory_space<semaphore_mem>>) src(%dma_wait3A_305 : memref<32x128xf32, #tpu.memory_space<vmem>>) dst(%dma_wait3A_302 : memref<32x128xf32, #tpu.memory_space<hbm>>)
      tpu.yield
    }) : () -> ()
    %mul3A_202 = arith.constant 632 : i32
    %mul3A_203 = arith.muli %arg1, %mul3A_202 : i32
    %add3A_204 = arith.constant 320 : i32
    %add3A_205 = arith.addi %mul3A_203, %add3A_204 : i32
    "tpu.region"() ({
      %run_scoped3A = tpu.sem_alloc : memref<!tpu.dma_semaphore, #tpu.memory_space<semaphore_mem>>
      %dma_start3A_282 = arith.constant 0 : i32
      %dma_start3A_283 = arith.constant 0 : i32
      %dma_start3A_284 = tpu.memref_slice %arg8[%dma_start3A_282, %dma_start3A_283] : memref<32x128xf32, #tpu.memory_space<vmem>> -> memref<32x128xf32, #tpu.memory_space<vmem>>
      %dma_start3A_285 = arith.constant 0 : i32
      %dma_start3A_286 = tpu.memref_slice %arg20[%add3A_205, %dma_start3A_285] : memref<10112x128xf32, #tpu.memory_space<vmem_shared>> -> memref<32x128xf32, #tpu.memory_space<vmem_shared>>
      %dma_start3A_287 = arith.constant 0 : i32
      %dma_start3A_288 = arith.constant 0 : i32
      %dma_start3A_289 = tpu.memref_slice %arg8[%dma_start3A_287, %dma_start3A_288] : memref<32x128xf32, #tpu.memory_space<vmem>> -> memref<32x128xf32, #tpu.memory_space<vmem>>
      %dma_start3A_290 = arith.constant 0 : i32
      %dma_start3A_291 = tpu.memref_slice %arg20[%add3A_205, %dma_start3A_290] : memref<10112x128xf32, #tpu.memory_space<vmem_shared>> -> memref<32x128xf32, #tpu.memory_space<vmem_shared>>
      tpu.enqueue_dma source(%dma_start3A_291 : memref<32x128xf32, #tpu.memory_space<vmem_shared>>) target(%dma_start3A_289 : memref<32x128xf32, #tpu.memory_space<vmem>>) target_semaphore(%run_scoped3A : memref<!tpu.dma_semaphore, #tpu.memory_space<semaphore_mem>>)
      %dma_wait3A_292 = arith.constant 0 : i32
      %dma_wait3A_293 = arith.constant 0 : i32
      %dma_wait3A_294 = tpu.memref_slice %arg8[%dma_wait3A_292, %dma_wait3A_293] : memref<32x128xf32, #tpu.memory_space<vmem>> -> memref<32x128xf32, #tpu.memory_space<vmem>>
      %dma_wait3A_295 = arith.constant 0 : i32
      %dma_wait3A_296 = tpu.memref_slice %arg20[%add3A_205, %dma_wait3A_295] : memref<10112x128xf32, #tpu.memory_space<vmem_shared>> -> memref<32x128xf32, #tpu.memory_space<vmem_shared>>
      %dma_wait3A_297 = arith.constant 0 : i32
      %dma_wait3A_298 = arith.constant 0 : i32
      %dma_wait3A_299 = tpu.memref_slice %arg8[%dma_wait3A_297, %dma_wait3A_298] : memref<32x128xf32, #tpu.memory_space<vmem>> -> memref<32x128xf32, #tpu.memory_space<vmem>>
      %dma_wait3A_300 = arith.constant 0 : i32
      %dma_wait3A_301 = tpu.memref_slice %arg20[%add3A_205, %dma_wait3A_300] : memref<10112x128xf32, #tpu.memory_space<vmem_shared>> -> memref<32x128xf32, #tpu.memory_space<vmem_shared>>
      tpu.wait_dma2 semaphore(%run_scoped3A : memref<!tpu.dma_semaphore, #tpu.memory_space<semaphore_mem>>) src(%dma_wait3A_301 : memref<32x128xf32, #tpu.memory_space<vmem_shared>>) dst(%dma_wait3A_299 : memref<32x128xf32, #tpu.memory_space<vmem>>)
      tpu.yield
    }) : () -> ()
    %mul3A_206 = arith.constant 632 : i32
    %mul3A_207 = arith.muli %arg1, %mul3A_206 : i32
    %add3A_208 = arith.constant 320 : i32
    %add3A_209 = arith.addi %mul3A_207, %add3A_208 : i32
    "tpu.region"() ({
      %run_scoped3A = tpu.sem_alloc : memref<!tpu.dma_semaphore, #tpu.memory_space<semaphore_mem>>
      %dma_start3A_282 = arith.constant 0 : i32
      %dma_start3A_283 = arith.constant 0 : i32
      %dma_start3A_284 = tpu.memref_slice %arg8[%dma_start3A_282, %dma_start3A_283] : memref<32x128xf32, #tpu.memory_space<vmem>> -> memref<32x128xf32, #tpu.memory_space<vmem>>
      %dma_start3A_285 = arith.constant 0 : i32
      %dma_start3A_286 = tpu.memref_slice %arg5[%arg0, %add3A_209, %dma_start3A_285] : memref<2x10112x128xf32, #tpu.memory_space<hbm>> -> memref<1x32x128xf32, #tpu.memory_space<hbm>>
      %dma_start3A_287 = tpu.memref_squeeze %dma_start3A_286 : memref<1x32x128xf32, #tpu.memory_space<hbm>> -> memref<32x128xf32, #tpu.memory_space<hbm>>
      %dma_start3A_288 = arith.constant 0 : i32
      %dma_start3A_289 = tpu.memref_slice %arg5[%arg0, %add3A_209, %dma_start3A_288] : memref<2x10112x128xf32, #tpu.memory_space<hbm>> -> memref<1x32x128xf32, #tpu.memory_space<hbm>>
      %dma_start3A_290 = tpu.memref_squeeze %dma_start3A_289 : memref<1x32x128xf32, #tpu.memory_space<hbm>> -> memref<32x128xf32, #tpu.memory_space<hbm>>
      %dma_start3A_291 = arith.constant 0 : i32
      %dma_start3A_292 = arith.constant 0 : i32
      %dma_start3A_293 = tpu.memref_slice %arg8[%dma_start3A_291, %dma_start3A_292] : memref<32x128xf32, #tpu.memory_space<vmem>> -> memref<32x128xf32, #tpu.memory_space<vmem>>
      tpu.enqueue_dma source(%dma_start3A_293 : memref<32x128xf32, #tpu.memory_space<vmem>>) target(%dma_start3A_290 : memref<32x128xf32, #tpu.memory_space<hbm>>) target_semaphore(%run_scoped3A : memref<!tpu.dma_semaphore, #tpu.memory_space<semaphore_mem>>)
      %dma_wait3A_294 = arith.constant 0 : i32
      %dma_wait3A_295 = arith.constant 0 : i32
      %dma_wait3A_296 = tpu.memref_slice %arg8[%dma_wait3A_294, %dma_wait3A_295] : memref<32x128xf32, #tpu.memory_space<vmem>> -> memref<32x128xf32, #tpu.memory_space<vmem>>
      %dma_wait3A_297 = arith.constant 0 : i32
      %dma_wait3A_298 = tpu.memref_slice %arg5[%arg0, %add3A_209, %dma_wait3A_297] : memref<2x10112x128xf32, #tpu.memory_space<hbm>> -> memref<1x32x128xf32, #tpu.memory_space<hbm>>
      %dma_wait3A_299 = tpu.memref_squeeze %dma_wait3A_298 : memref<1x32x128xf32, #tpu.memory_space<hbm>> -> memref<32x128xf32, #tpu.memory_space<hbm>>
      %dma_wait3A_300 = arith.constant 0 : i32
      %dma_wait3A_301 = tpu.memref_slice %arg5[%arg0, %add3A_209, %dma_wait3A_300] : memref<2x10112x128xf32, #tpu.memory_space<hbm>> -> memref<1x32x128xf32, #tpu.memory_space<hbm>>
      %dma_wait3A_302 = tpu.memref_squeeze %dma_wait3A_301 : memref<1x32x128xf32, #tpu.memory_space<hbm>> -> memref<32x128xf32, #tpu.memory_space<hbm>>
      %dma_wait3A_303 = arith.constant 0 : i32
      %dma_wait3A_304 = arith.constant 0 : i32
      %dma_wait3A_305 = tpu.memref_slice %arg8[%dma_wait3A_303, %dma_wait3A_304] : memref<32x128xf32, #tpu.memory_space<vmem>> -> memref<32x128xf32, #tpu.memory_space<vmem>>
      tpu.wait_dma2 semaphore(%run_scoped3A : memref<!tpu.dma_semaphore, #tpu.memory_space<semaphore_mem>>) src(%dma_wait3A_305 : memref<32x128xf32, #tpu.memory_space<vmem>>) dst(%dma_wait3A_302 : memref<32x128xf32, #tpu.memory_space<hbm>>)
      tpu.yield
    }) : () -> ()
    %mul3A_210 = arith.constant 632 : i32
    %mul3A_211 = arith.muli %arg1, %mul3A_210 : i32
    %add3A_212 = arith.constant 352 : i32
    %add3A_213 = arith.addi %mul3A_211, %add3A_212 : i32
    "tpu.region"() ({
      %run_scoped3A = tpu.sem_alloc : memref<!tpu.dma_semaphore, #tpu.memory_space<semaphore_mem>>
      %dma_start3A_282 = arith.constant 0 : i32
      %dma_start3A_283 = arith.constant 0 : i32
      %dma_start3A_284 = tpu.memref_slice %arg8[%dma_start3A_282, %dma_start3A_283] : memref<32x128xf32, #tpu.memory_space<vmem>> -> memref<32x128xf32, #tpu.memory_space<vmem>>
      %dma_start3A_285 = arith.constant 0 : i32
      %dma_start3A_286 = tpu.memref_slice %arg20[%add3A_213, %dma_start3A_285] : memref<10112x128xf32, #tpu.memory_space<vmem_shared>> -> memref<32x128xf32, #tpu.memory_space<vmem_shared>>
      %dma_start3A_287 = arith.constant 0 : i32
      %dma_start3A_288 = arith.constant 0 : i32
      %dma_start3A_289 = tpu.memref_slice %arg8[%dma_start3A_287, %dma_start3A_288] : memref<32x128xf32, #tpu.memory_space<vmem>> -> memref<32x128xf32, #tpu.memory_space<vmem>>
      %dma_start3A_290 = arith.constant 0 : i32
      %dma_start3A_291 = tpu.memref_slice %arg20[%add3A_213, %dma_start3A_290] : memref<10112x128xf32, #tpu.memory_space<vmem_shared>> -> memref<32x128xf32, #tpu.memory_space<vmem_shared>>
      tpu.enqueue_dma source(%dma_start3A_291 : memref<32x128xf32, #tpu.memory_space<vmem_shared>>) target(%dma_start3A_289 : memref<32x128xf32, #tpu.memory_space<vmem>>) target_semaphore(%run_scoped3A : memref<!tpu.dma_semaphore, #tpu.memory_space<semaphore_mem>>)
      %dma_wait3A_292 = arith.constant 0 : i32
      %dma_wait3A_293 = arith.constant 0 : i32
      %dma_wait3A_294 = tpu.memref_slice %arg8[%dma_wait3A_292, %dma_wait3A_293] : memref<32x128xf32, #tpu.memory_space<vmem>> -> memref<32x128xf32, #tpu.memory_space<vmem>>
      %dma_wait3A_295 = arith.constant 0 : i32
      %dma_wait3A_296 = tpu.memref_slice %arg20[%add3A_213, %dma_wait3A_295] : memref<10112x128xf32, #tpu.memory_space<vmem_shared>> -> memref<32x128xf32, #tpu.memory_space<vmem_shared>>
      %dma_wait3A_297 = arith.constant 0 : i32
      %dma_wait3A_298 = arith.constant 0 : i32
      %dma_wait3A_299 = tpu.memref_slice %arg8[%dma_wait3A_297, %dma_wait3A_298] : memref<32x128xf32, #tpu.memory_space<vmem>> -> memref<32x128xf32, #tpu.memory_space<vmem>>
      %dma_wait3A_300 = arith.constant 0 : i32
      %dma_wait3A_301 = tpu.memref_slice %arg20[%add3A_213, %dma_wait3A_300] : memref<10112x128xf32, #tpu.memory_space<vmem_shared>> -> memref<32x128xf32, #tpu.memory_space<vmem_shared>>
      tpu.wait_dma2 semaphore(%run_scoped3A : memref<!tpu.dma_semaphore, #tpu.memory_space<semaphore_mem>>) src(%dma_wait3A_301 : memref<32x128xf32, #tpu.memory_space<vmem_shared>>) dst(%dma_wait3A_299 : memref<32x128xf32, #tpu.memory_space<vmem>>)
      tpu.yield
    }) : () -> ()
    %mul3A_214 = arith.constant 632 : i32
    %mul3A_215 = arith.muli %arg1, %mul3A_214 : i32
    %add3A_216 = arith.constant 352 : i32
    %add3A_217 = arith.addi %mul3A_215, %add3A_216 : i32
    "tpu.region"() ({
      %run_scoped3A = tpu.sem_alloc : memref<!tpu.dma_semaphore, #tpu.memory_space<semaphore_mem>>
      %dma_start3A_282 = arith.constant 0 : i32
      %dma_start3A_283 = arith.constant 0 : i32
      %dma_start3A_284 = tpu.memref_slice %arg8[%dma_start3A_282, %dma_start3A_283] : memref<32x128xf32, #tpu.memory_space<vmem>> -> memref<32x128xf32, #tpu.memory_space<vmem>>
      %dma_start3A_285 = arith.constant 0 : i32
      %dma_start3A_286 = tpu.memref_slice %arg5[%arg0, %add3A_217, %dma_start3A_285] : memref<2x10112x128xf32, #tpu.memory_space<hbm>> -> memref<1x32x128xf32, #tpu.memory_space<hbm>>
      %dma_start3A_287 = tpu.memref_squeeze %dma_start3A_286 : memref<1x32x128xf32, #tpu.memory_space<hbm>> -> memref<32x128xf32, #tpu.memory_space<hbm>>
      %dma_start3A_288 = arith.constant 0 : i32
      %dma_start3A_289 = tpu.memref_slice %arg5[%arg0, %add3A_217, %dma_start3A_288] : memref<2x10112x128xf32, #tpu.memory_space<hbm>> -> memref<1x32x128xf32, #tpu.memory_space<hbm>>
      %dma_start3A_290 = tpu.memref_squeeze %dma_start3A_289 : memref<1x32x128xf32, #tpu.memory_space<hbm>> -> memref<32x128xf32, #tpu.memory_space<hbm>>
      %dma_start3A_291 = arith.constant 0 : i32
      %dma_start3A_292 = arith.constant 0 : i32
      %dma_start3A_293 = tpu.memref_slice %arg8[%dma_start3A_291, %dma_start3A_292] : memref<32x128xf32, #tpu.memory_space<vmem>> -> memref<32x128xf32, #tpu.memory_space<vmem>>
      tpu.enqueue_dma source(%dma_start3A_293 : memref<32x128xf32, #tpu.memory_space<vmem>>) target(%dma_start3A_290 : memref<32x128xf32, #tpu.memory_space<hbm>>) target_semaphore(%run_scoped3A : memref<!tpu.dma_semaphore, #tpu.memory_space<semaphore_mem>>)
      %dma_wait3A_294 = arith.constant 0 : i32
      %dma_wait3A_295 = arith.constant 0 : i32
      %dma_wait3A_296 = tpu.memref_slice %arg8[%dma_wait3A_294, %dma_wait3A_295] : memref<32x128xf32, #tpu.memory_space<vmem>> -> memref<32x128xf32, #tpu.memory_space<vmem>>
      %dma_wait3A_297 = arith.constant 0 : i32
      %dma_wait3A_298 = tpu.memref_slice %arg5[%arg0, %add3A_217, %dma_wait3A_297] : memref<2x10112x128xf32, #tpu.memory_space<hbm>> -> memref<1x32x128xf32, #tpu.memory_space<hbm>>
      %dma_wait3A_299 = tpu.memref_squeeze %dma_wait3A_298 : memref<1x32x128xf32, #tpu.memory_space<hbm>> -> memref<32x128xf32, #tpu.memory_space<hbm>>
      %dma_wait3A_300 = arith.constant 0 : i32
      %dma_wait3A_301 = tpu.memref_slice %arg5[%arg0, %add3A_217, %dma_wait3A_300] : memref<2x10112x128xf32, #tpu.memory_space<hbm>> -> memref<1x32x128xf32, #tpu.memory_space<hbm>>
      %dma_wait3A_302 = tpu.memref_squeeze %dma_wait3A_301 : memref<1x32x128xf32, #tpu.memory_space<hbm>> -> memref<32x128xf32, #tpu.memory_space<hbm>>
      %dma_wait3A_303 = arith.constant 0 : i32
      %dma_wait3A_304 = arith.constant 0 : i32
      %dma_wait3A_305 = tpu.memref_slice %arg8[%dma_wait3A_303, %dma_wait3A_304] : memref<32x128xf32, #tpu.memory_space<vmem>> -> memref<32x128xf32, #tpu.memory_space<vmem>>
      tpu.wait_dma2 semaphore(%run_scoped3A : memref<!tpu.dma_semaphore, #tpu.memory_space<semaphore_mem>>) src(%dma_wait3A_305 : memref<32x128xf32, #tpu.memory_space<vmem>>) dst(%dma_wait3A_302 : memref<32x128xf32, #tpu.memory_space<hbm>>)
      tpu.yield
    }) : () -> ()
    %mul3A_218 = arith.constant 632 : i32
    %mul3A_219 = arith.muli %arg1, %mul3A_218 : i32
    %add3A_220 = arith.constant 384 : i32
    %add3A_221 = arith.addi %mul3A_219, %add3A_220 : i32
    "tpu.region"() ({
      %run_scoped3A = tpu.sem_alloc : memref<!tpu.dma_semaphore, #tpu.memory_space<semaphore_mem>>
      %dma_start3A_282 = arith.constant 0 : i32
      %dma_start3A_283 = arith.constant 0 : i32
      %dma_start3A_284 = tpu.memref_slice %arg8[%dma_start3A_282, %dma_start3A_283] : memref<32x128xf32, #tpu.memory_space<vmem>> -> memref<32x128xf32, #tpu.memory_space<vmem>>
      %dma_start3A_285 = arith.constant 0 : i32
      %dma_start3A_286 = tpu.memref_slice %arg20[%add3A_221, %dma_start3A_285] : memref<10112x128xf32, #tpu.memory_space<vmem_shared>> -> memref<32x128xf32, #tpu.memory_space<vmem_shared>>
      %dma_start3A_287 = arith.constant 0 : i32
      %dma_start3A_288 = arith.constant 0 : i32
      %dma_start3A_289 = tpu.memref_slice %arg8[%dma_start3A_287, %dma_start3A_288] : memref<32x128xf32, #tpu.memory_space<vmem>> -> memref<32x128xf32, #tpu.memory_space<vmem>>
      %dma_start3A_290 = arith.constant 0 : i32
      %dma_start3A_291 = tpu.memref_slice %arg20[%add3A_221, %dma_start3A_290] : memref<10112x128xf32, #tpu.memory_space<vmem_shared>> -> memref<32x128xf32, #tpu.memory_space<vmem_shared>>
      tpu.enqueue_dma source(%dma_start3A_291 : memref<32x128xf32, #tpu.memory_space<vmem_shared>>) target(%dma_start3A_289 : memref<32x128xf32, #tpu.memory_space<vmem>>) target_semaphore(%run_scoped3A : memref<!tpu.dma_semaphore, #tpu.memory_space<semaphore_mem>>)
      %dma_wait3A_292 = arith.constant 0 : i32
      %dma_wait3A_293 = arith.constant 0 : i32
      %dma_wait3A_294 = tpu.memref_slice %arg8[%dma_wait3A_292, %dma_wait3A_293] : memref<32x128xf32, #tpu.memory_space<vmem>> -> memref<32x128xf32, #tpu.memory_space<vmem>>
      %dma_wait3A_295 = arith.constant 0 : i32
      %dma_wait3A_296 = tpu.memref_slice %arg20[%add3A_221, %dma_wait3A_295] : memref<10112x128xf32, #tpu.memory_space<vmem_shared>> -> memref<32x128xf32, #tpu.memory_space<vmem_shared>>
      %dma_wait3A_297 = arith.constant 0 : i32
      %dma_wait3A_298 = arith.constant 0 : i32
      %dma_wait3A_299 = tpu.memref_slice %arg8[%dma_wait3A_297, %dma_wait3A_298] : memref<32x128xf32, #tpu.memory_space<vmem>> -> memref<32x128xf32, #tpu.memory_space<vmem>>
      %dma_wait3A_300 = arith.constant 0 : i32
      %dma_wait3A_301 = tpu.memref_slice %arg20[%add3A_221, %dma_wait3A_300] : memref<10112x128xf32, #tpu.memory_space<vmem_shared>> -> memref<32x128xf32, #tpu.memory_space<vmem_shared>>
      tpu.wait_dma2 semaphore(%run_scoped3A : memref<!tpu.dma_semaphore, #tpu.memory_space<semaphore_mem>>) src(%dma_wait3A_301 : memref<32x128xf32, #tpu.memory_space<vmem_shared>>) dst(%dma_wait3A_299 : memref<32x128xf32, #tpu.memory_space<vmem>>)
      tpu.yield
    }) : () -> ()
    %mul3A_222 = arith.constant 632 : i32
    %mul3A_223 = arith.muli %arg1, %mul3A_222 : i32
    %add3A_224 = arith.constant 384 : i32
    %add3A_225 = arith.addi %mul3A_223, %add3A_224 : i32
    "tpu.region"() ({
      %run_scoped3A = tpu.sem_alloc : memref<!tpu.dma_semaphore, #tpu.memory_space<semaphore_mem>>
      %dma_start3A_282 = arith.constant 0 : i32
      %dma_start3A_283 = arith.constant 0 : i32
      %dma_start3A_284 = tpu.memref_slice %arg8[%dma_start3A_282, %dma_start3A_283] : memref<32x128xf32, #tpu.memory_space<vmem>> -> memref<32x128xf32, #tpu.memory_space<vmem>>
      %dma_start3A_285 = arith.constant 0 : i32
      %dma_start3A_286 = tpu.memref_slice %arg5[%arg0, %add3A_225, %dma_start3A_285] : memref<2x10112x128xf32, #tpu.memory_space<hbm>> -> memref<1x32x128xf32, #tpu.memory_space<hbm>>
      %dma_start3A_287 = tpu.memref_squeeze %dma_start3A_286 : memref<1x32x128xf32, #tpu.memory_space<hbm>> -> memref<32x128xf32, #tpu.memory_space<hbm>>
      %dma_start3A_288 = arith.constant 0 : i32
      %dma_start3A_289 = tpu.memref_slice %arg5[%arg0, %add3A_225, %dma_start3A_288] : memref<2x10112x128xf32, #tpu.memory_space<hbm>> -> memref<1x32x128xf32, #tpu.memory_space<hbm>>
      %dma_start3A_290 = tpu.memref_squeeze %dma_start3A_289 : memref<1x32x128xf32, #tpu.memory_space<hbm>> -> memref<32x128xf32, #tpu.memory_space<hbm>>
      %dma_start3A_291 = arith.constant 0 : i32
      %dma_start3A_292 = arith.constant 0 : i32
      %dma_start3A_293 = tpu.memref_slice %arg8[%dma_start3A_291, %dma_start3A_292] : memref<32x128xf32, #tpu.memory_space<vmem>> -> memref<32x128xf32, #tpu.memory_space<vmem>>
      tpu.enqueue_dma source(%dma_start3A_293 : memref<32x128xf32, #tpu.memory_space<vmem>>) target(%dma_start3A_290 : memref<32x128xf32, #tpu.memory_space<hbm>>) target_semaphore(%run_scoped3A : memref<!tpu.dma_semaphore, #tpu.memory_space<semaphore_mem>>)
      %dma_wait3A_294 = arith.constant 0 : i32
      %dma_wait3A_295 = arith.constant 0 : i32
      %dma_wait3A_296 = tpu.memref_slice %arg8[%dma_wait3A_294, %dma_wait3A_295] : memref<32x128xf32, #tpu.memory_space<vmem>> -> memref<32x128xf32, #tpu.memory_space<vmem>>
      %dma_wait3A_297 = arith.constant 0 : i32
      %dma_wait3A_298 = tpu.memref_slice %arg5[%arg0, %add3A_225, %dma_wait3A_297] : memref<2x10112x128xf32, #tpu.memory_space<hbm>> -> memref<1x32x128xf32, #tpu.memory_space<hbm>>
      %dma_wait3A_299 = tpu.memref_squeeze %dma_wait3A_298 : memref<1x32x128xf32, #tpu.memory_space<hbm>> -> memref<32x128xf32, #tpu.memory_space<hbm>>
      %dma_wait3A_300 = arith.constant 0 : i32
      %dma_wait3A_301 = tpu.memref_slice %arg5[%arg0, %add3A_225, %dma_wait3A_300] : memref<2x10112x128xf32, #tpu.memory_space<hbm>> -> memref<1x32x128xf32, #tpu.memory_space<hbm>>
      %dma_wait3A_302 = tpu.memref_squeeze %dma_wait3A_301 : memref<1x32x128xf32, #tpu.memory_space<hbm>> -> memref<32x128xf32, #tpu.memory_space<hbm>>
      %dma_wait3A_303 = arith.constant 0 : i32
      %dma_wait3A_304 = arith.constant 0 : i32
      %dma_wait3A_305 = tpu.memref_slice %arg8[%dma_wait3A_303, %dma_wait3A_304] : memref<32x128xf32, #tpu.memory_space<vmem>> -> memref<32x128xf32, #tpu.memory_space<vmem>>
      tpu.wait_dma2 semaphore(%run_scoped3A : memref<!tpu.dma_semaphore, #tpu.memory_space<semaphore_mem>>) src(%dma_wait3A_305 : memref<32x128xf32, #tpu.memory_space<vmem>>) dst(%dma_wait3A_302 : memref<32x128xf32, #tpu.memory_space<hbm>>)
      tpu.yield
    }) : () -> ()
    %mul3A_226 = arith.constant 632 : i32
    %mul3A_227 = arith.muli %arg1, %mul3A_226 : i32
    %add3A_228 = arith.constant 416 : i32
    %add3A_229 = arith.addi %mul3A_227, %add3A_228 : i32
    "tpu.region"() ({
      %run_scoped3A = tpu.sem_alloc : memref<!tpu.dma_semaphore, #tpu.memory_space<semaphore_mem>>
      %dma_start3A_282 = arith.constant 0 : i32
      %dma_start3A_283 = arith.constant 0 : i32
      %dma_start3A_284 = tpu.memref_slice %arg8[%dma_start3A_282, %dma_start3A_283] : memref<32x128xf32, #tpu.memory_space<vmem>> -> memref<32x128xf32, #tpu.memory_space<vmem>>
      %dma_start3A_285 = arith.constant 0 : i32
      %dma_start3A_286 = tpu.memref_slice %arg20[%add3A_229, %dma_start3A_285] : memref<10112x128xf32, #tpu.memory_space<vmem_shared>> -> memref<32x128xf32, #tpu.memory_space<vmem_shared>>
      %dma_start3A_287 = arith.constant 0 : i32
      %dma_start3A_288 = arith.constant 0 : i32
      %dma_start3A_289 = tpu.memref_slice %arg8[%dma_start3A_287, %dma_start3A_288] : memref<32x128xf32, #tpu.memory_space<vmem>> -> memref<32x128xf32, #tpu.memory_space<vmem>>
      %dma_start3A_290 = arith.constant 0 : i32
      %dma_start3A_291 = tpu.memref_slice %arg20[%add3A_229, %dma_start3A_290] : memref<10112x128xf32, #tpu.memory_space<vmem_shared>> -> memref<32x128xf32, #tpu.memory_space<vmem_shared>>
      tpu.enqueue_dma source(%dma_start3A_291 : memref<32x128xf32, #tpu.memory_space<vmem_shared>>) target(%dma_start3A_289 : memref<32x128xf32, #tpu.memory_space<vmem>>) target_semaphore(%run_scoped3A : memref<!tpu.dma_semaphore, #tpu.memory_space<semaphore_mem>>)
      %dma_wait3A_292 = arith.constant 0 : i32
      %dma_wait3A_293 = arith.constant 0 : i32
      %dma_wait3A_294 = tpu.memref_slice %arg8[%dma_wait3A_292, %dma_wait3A_293] : memref<32x128xf32, #tpu.memory_space<vmem>> -> memref<32x128xf32, #tpu.memory_space<vmem>>
      %dma_wait3A_295 = arith.constant 0 : i32
      %dma_wait3A_296 = tpu.memref_slice %arg20[%add3A_229, %dma_wait3A_295] : memref<10112x128xf32, #tpu.memory_space<vmem_shared>> -> memref<32x128xf32, #tpu.memory_space<vmem_shared>>
      %dma_wait3A_297 = arith.constant 0 : i32
      %dma_wait3A_298 = arith.constant 0 : i32
      %dma_wait3A_299 = tpu.memref_slice %arg8[%dma_wait3A_297, %dma_wait3A_298] : memref<32x128xf32, #tpu.memory_space<vmem>> -> memref<32x128xf32, #tpu.memory_space<vmem>>
      %dma_wait3A_300 = arith.constant 0 : i32
      %dma_wait3A_301 = tpu.memref_slice %arg20[%add3A_229, %dma_wait3A_300] : memref<10112x128xf32, #tpu.memory_space<vmem_shared>> -> memref<32x128xf32, #tpu.memory_space<vmem_shared>>
      tpu.wait_dma2 semaphore(%run_scoped3A : memref<!tpu.dma_semaphore, #tpu.memory_space<semaphore_mem>>) src(%dma_wait3A_301 : memref<32x128xf32, #tpu.memory_space<vmem_shared>>) dst(%dma_wait3A_299 : memref<32x128xf32, #tpu.memory_space<vmem>>)
      tpu.yield
    }) : () -> ()
    %mul3A_230 = arith.constant 632 : i32
    %mul3A_231 = arith.muli %arg1, %mul3A_230 : i32
    %add3A_232 = arith.constant 416 : i32
    %add3A_233 = arith.addi %mul3A_231, %add3A_232 : i32
    "tpu.region"() ({
      %run_scoped3A = tpu.sem_alloc : memref<!tpu.dma_semaphore, #tpu.memory_space<semaphore_mem>>
      %dma_start3A_282 = arith.constant 0 : i32
      %dma_start3A_283 = arith.constant 0 : i32
      %dma_start3A_284 = tpu.memref_slice %arg8[%dma_start3A_282, %dma_start3A_283] : memref<32x128xf32, #tpu.memory_space<vmem>> -> memref<32x128xf32, #tpu.memory_space<vmem>>
      %dma_start3A_285 = arith.constant 0 : i32
      %dma_start3A_286 = tpu.memref_slice %arg5[%arg0, %add3A_233, %dma_start3A_285] : memref<2x10112x128xf32, #tpu.memory_space<hbm>> -> memref<1x32x128xf32, #tpu.memory_space<hbm>>
      %dma_start3A_287 = tpu.memref_squeeze %dma_start3A_286 : memref<1x32x128xf32, #tpu.memory_space<hbm>> -> memref<32x128xf32, #tpu.memory_space<hbm>>
      %dma_start3A_288 = arith.constant 0 : i32
      %dma_start3A_289 = tpu.memref_slice %arg5[%arg0, %add3A_233, %dma_start3A_288] : memref<2x10112x128xf32, #tpu.memory_space<hbm>> -> memref<1x32x128xf32, #tpu.memory_space<hbm>>
      %dma_start3A_290 = tpu.memref_squeeze %dma_start3A_289 : memref<1x32x128xf32, #tpu.memory_space<hbm>> -> memref<32x128xf32, #tpu.memory_space<hbm>>
      %dma_start3A_291 = arith.constant 0 : i32
      %dma_start3A_292 = arith.constant 0 : i32
      %dma_start3A_293 = tpu.memref_slice %arg8[%dma_start3A_291, %dma_start3A_292] : memref<32x128xf32, #tpu.memory_space<vmem>> -> memref<32x128xf32, #tpu.memory_space<vmem>>
      tpu.enqueue_dma source(%dma_start3A_293 : memref<32x128xf32, #tpu.memory_space<vmem>>) target(%dma_start3A_290 : memref<32x128xf32, #tpu.memory_space<hbm>>) target_semaphore(%run_scoped3A : memref<!tpu.dma_semaphore, #tpu.memory_space<semaphore_mem>>)
      %dma_wait3A_294 = arith.constant 0 : i32
      %dma_wait3A_295 = arith.constant 0 : i32
      %dma_wait3A_296 = tpu.memref_slice %arg8[%dma_wait3A_294, %dma_wait3A_295] : memref<32x128xf32, #tpu.memory_space<vmem>> -> memref<32x128xf32, #tpu.memory_space<vmem>>
      %dma_wait3A_297 = arith.constant 0 : i32
      %dma_wait3A_298 = tpu.memref_slice %arg5[%arg0, %add3A_233, %dma_wait3A_297] : memref<2x10112x128xf32, #tpu.memory_space<hbm>> -> memref<1x32x128xf32, #tpu.memory_space<hbm>>
      %dma_wait3A_299 = tpu.memref_squeeze %dma_wait3A_298 : memref<1x32x128xf32, #tpu.memory_space<hbm>> -> memref<32x128xf32, #tpu.memory_space<hbm>>
      %dma_wait3A_300 = arith.constant 0 : i32
      %dma_wait3A_301 = tpu.memref_slice %arg5[%arg0, %add3A_233, %dma_wait3A_300] : memref<2x10112x128xf32, #tpu.memory_space<hbm>> -> memref<1x32x128xf32, #tpu.memory_space<hbm>>
      %dma_wait3A_302 = tpu.memref_squeeze %dma_wait3A_301 : memref<1x32x128xf32, #tpu.memory_space<hbm>> -> memref<32x128xf32, #tpu.memory_space<hbm>>
      %dma_wait3A_303 = arith.constant 0 : i32
      %dma_wait3A_304 = arith.constant 0 : i32
      %dma_wait3A_305 = tpu.memref_slice %arg8[%dma_wait3A_303, %dma_wait3A_304] : memref<32x128xf32, #tpu.memory_space<vmem>> -> memref<32x128xf32, #tpu.memory_space<vmem>>
      tpu.wait_dma2 semaphore(%run_scoped3A : memref<!tpu.dma_semaphore, #tpu.memory_space<semaphore_mem>>) src(%dma_wait3A_305 : memref<32x128xf32, #tpu.memory_space<vmem>>) dst(%dma_wait3A_302 : memref<32x128xf32, #tpu.memory_space<hbm>>)
      tpu.yield
    }) : () -> ()
    %mul3A_234 = arith.constant 632 : i32
    %mul3A_235 = arith.muli %arg1, %mul3A_234 : i32
    %add3A_236 = arith.constant 448 : i32
    %add3A_237 = arith.addi %mul3A_235, %add3A_236 : i32
    "tpu.region"() ({
      %run_scoped3A = tpu.sem_alloc : memref<!tpu.dma_semaphore, #tpu.memory_space<semaphore_mem>>
      %dma_start3A_282 = arith.constant 0 : i32
      %dma_start3A_283 = arith.constant 0 : i32
      %dma_start3A_284 = tpu.memref_slice %arg8[%dma_start3A_282, %dma_start3A_283] : memref<32x128xf32, #tpu.memory_space<vmem>> -> memref<32x128xf32, #tpu.memory_space<vmem>>
      %dma_start3A_285 = arith.constant 0 : i32
      %dma_start3A_286 = tpu.memref_slice %arg20[%add3A_237, %dma_start3A_285] : memref<10112x128xf32, #tpu.memory_space<vmem_shared>> -> memref<32x128xf32, #tpu.memory_space<vmem_shared>>
      %dma_start3A_287 = arith.constant 0 : i32
      %dma_start3A_288 = arith.constant 0 : i32
      %dma_start3A_289 = tpu.memref_slice %arg8[%dma_start3A_287, %dma_start3A_288] : memref<32x128xf32, #tpu.memory_space<vmem>> -> memref<32x128xf32, #tpu.memory_space<vmem>>
      %dma_start3A_290 = arith.constant 0 : i32
      %dma_start3A_291 = tpu.memref_slice %arg20[%add3A_237, %dma_start3A_290] : memref<10112x128xf32, #tpu.memory_space<vmem_shared>> -> memref<32x128xf32, #tpu.memory_space<vmem_shared>>
      tpu.enqueue_dma source(%dma_start3A_291 : memref<32x128xf32, #tpu.memory_space<vmem_shared>>) target(%dma_start3A_289 : memref<32x128xf32, #tpu.memory_space<vmem>>) target_semaphore(%run_scoped3A : memref<!tpu.dma_semaphore, #tpu.memory_space<semaphore_mem>>)
      %dma_wait3A_292 = arith.constant 0 : i32
      %dma_wait3A_293 = arith.constant 0 : i32
      %dma_wait3A_294 = tpu.memref_slice %arg8[%dma_wait3A_292, %dma_wait3A_293] : memref<32x128xf32, #tpu.memory_space<vmem>> -> memref<32x128xf32, #tpu.memory_space<vmem>>
      %dma_wait3A_295 = arith.constant 0 : i32
      %dma_wait3A_296 = tpu.memref_slice %arg20[%add3A_237, %dma_wait3A_295] : memref<10112x128xf32, #tpu.memory_space<vmem_shared>> -> memref<32x128xf32, #tpu.memory_space<vmem_shared>>
      %dma_wait3A_297 = arith.constant 0 : i32
      %dma_wait3A_298 = arith.constant 0 : i32
      %dma_wait3A_299 = tpu.memref_slice %arg8[%dma_wait3A_297, %dma_wait3A_298] : memref<32x128xf32, #tpu.memory_space<vmem>> -> memref<32x128xf32, #tpu.memory_space<vmem>>
      %dma_wait3A_300 = arith.constant 0 : i32
      %dma_wait3A_301 = tpu.memref_slice %arg20[%add3A_237, %dma_wait3A_300] : memref<10112x128xf32, #tpu.memory_space<vmem_shared>> -> memref<32x128xf32, #tpu.memory_space<vmem_shared>>
      tpu.wait_dma2 semaphore(%run_scoped3A : memref<!tpu.dma_semaphore, #tpu.memory_space<semaphore_mem>>) src(%dma_wait3A_301 : memref<32x128xf32, #tpu.memory_space<vmem_shared>>) dst(%dma_wait3A_299 : memref<32x128xf32, #tpu.memory_space<vmem>>)
      tpu.yield
    }) : () -> ()
    %mul3A_238 = arith.constant 632 : i32
    %mul3A_239 = arith.muli %arg1, %mul3A_238 : i32
    %add3A_240 = arith.constant 448 : i32
    %add3A_241 = arith.addi %mul3A_239, %add3A_240 : i32
    "tpu.region"() ({
      %run_scoped3A = tpu.sem_alloc : memref<!tpu.dma_semaphore, #tpu.memory_space<semaphore_mem>>
      %dma_start3A_282 = arith.constant 0 : i32
      %dma_start3A_283 = arith.constant 0 : i32
      %dma_start3A_284 = tpu.memref_slice %arg8[%dma_start3A_282, %dma_start3A_283] : memref<32x128xf32, #tpu.memory_space<vmem>> -> memref<32x128xf32, #tpu.memory_space<vmem>>
      %dma_start3A_285 = arith.constant 0 : i32
      %dma_start3A_286 = tpu.memref_slice %arg5[%arg0, %add3A_241, %dma_start3A_285] : memref<2x10112x128xf32, #tpu.memory_space<hbm>> -> memref<1x32x128xf32, #tpu.memory_space<hbm>>
      %dma_start3A_287 = tpu.memref_squeeze %dma_start3A_286 : memref<1x32x128xf32, #tpu.memory_space<hbm>> -> memref<32x128xf32, #tpu.memory_space<hbm>>
      %dma_start3A_288 = arith.constant 0 : i32
      %dma_start3A_289 = tpu.memref_slice %arg5[%arg0, %add3A_241, %dma_start3A_288] : memref<2x10112x128xf32, #tpu.memory_space<hbm>> -> memref<1x32x128xf32, #tpu.memory_space<hbm>>
      %dma_start3A_290 = tpu.memref_squeeze %dma_start3A_289 : memref<1x32x128xf32, #tpu.memory_space<hbm>> -> memref<32x128xf32, #tpu.memory_space<hbm>>
      %dma_start3A_291 = arith.constant 0 : i32
      %dma_start3A_292 = arith.constant 0 : i32
      %dma_start3A_293 = tpu.memref_slice %arg8[%dma_start3A_291, %dma_start3A_292] : memref<32x128xf32, #tpu.memory_space<vmem>> -> memref<32x128xf32, #tpu.memory_space<vmem>>
      tpu.enqueue_dma source(%dma_start3A_293 : memref<32x128xf32, #tpu.memory_space<vmem>>) target(%dma_start3A_290 : memref<32x128xf32, #tpu.memory_space<hbm>>) target_semaphore(%run_scoped3A : memref<!tpu.dma_semaphore, #tpu.memory_space<semaphore_mem>>)
      %dma_wait3A_294 = arith.constant 0 : i32
      %dma_wait3A_295 = arith.constant 0 : i32
      %dma_wait3A_296 = tpu.memref_slice %arg8[%dma_wait3A_294, %dma_wait3A_295] : memref<32x128xf32, #tpu.memory_space<vmem>> -> memref<32x128xf32, #tpu.memory_space<vmem>>
      %dma_wait3A_297 = arith.constant 0 : i32
      %dma_wait3A_298 = tpu.memref_slice %arg5[%arg0, %add3A_241, %dma_wait3A_297] : memref<2x10112x128xf32, #tpu.memory_space<hbm>> -> memref<1x32x128xf32, #tpu.memory_space<hbm>>
      %dma_wait3A_299 = tpu.memref_squeeze %dma_wait3A_298 : memref<1x32x128xf32, #tpu.memory_space<hbm>> -> memref<32x128xf32, #tpu.memory_space<hbm>>
      %dma_wait3A_300 = arith.constant 0 : i32
      %dma_wait3A_301 = tpu.memref_slice %arg5[%arg0, %add3A_241, %dma_wait3A_300] : memref<2x10112x128xf32, #tpu.memory_space<hbm>> -> memref<1x32x128xf32, #tpu.memory_space<hbm>>
      %dma_wait3A_302 = tpu.memref_squeeze %dma_wait3A_301 : memref<1x32x128xf32, #tpu.memory_space<hbm>> -> memref<32x128xf32, #tpu.memory_space<hbm>>
      %dma_wait3A_303 = arith.constant 0 : i32
      %dma_wait3A_304 = arith.constant 0 : i32
      %dma_wait3A_305 = tpu.memref_slice %arg8[%dma_wait3A_303, %dma_wait3A_304] : memref<32x128xf32, #tpu.memory_space<vmem>> -> memref<32x128xf32, #tpu.memory_space<vmem>>
      tpu.wait_dma2 semaphore(%run_scoped3A : memref<!tpu.dma_semaphore, #tpu.memory_space<semaphore_mem>>) src(%dma_wait3A_305 : memref<32x128xf32, #tpu.memory_space<vmem>>) dst(%dma_wait3A_302 : memref<32x128xf32, #tpu.memory_space<hbm>>)
      tpu.yield
    }) : () -> ()
    %mul3A_242 = arith.constant 632 : i32
    %mul3A_243 = arith.muli %arg1, %mul3A_242 : i32
    %add3A_244 = arith.constant 480 : i32
    %add3A_245 = arith.addi %mul3A_243, %add3A_244 : i32
    "tpu.region"() ({
      %run_scoped3A = tpu.sem_alloc : memref<!tpu.dma_semaphore, #tpu.memory_space<semaphore_mem>>
      %dma_start3A_282 = arith.constant 0 : i32
      %dma_start3A_283 = arith.constant 0 : i32
      %dma_start3A_284 = tpu.memref_slice %arg8[%dma_start3A_282, %dma_start3A_283] : memref<32x128xf32, #tpu.memory_space<vmem>> -> memref<32x128xf32, #tpu.memory_space<vmem>>
      %dma_start3A_285 = arith.constant 0 : i32
      %dma_start3A_286 = tpu.memref_slice %arg20[%add3A_245, %dma_start3A_285] : memref<10112x128xf32, #tpu.memory_space<vmem_shared>> -> memref<32x128xf32, #tpu.memory_space<vmem_shared>>
      %dma_start3A_287 = arith.constant 0 : i32
      %dma_start3A_288 = arith.constant 0 : i32
      %dma_start3A_289 = tpu.memref_slice %arg8[%dma_start3A_287, %dma_start3A_288] : memref<32x128xf32, #tpu.memory_space<vmem>> -> memref<32x128xf32, #tpu.memory_space<vmem>>
      %dma_start3A_290 = arith.constant 0 : i32
      %dma_start3A_291 = tpu.memref_slice %arg20[%add3A_245, %dma_start3A_290] : memref<10112x128xf32, #tpu.memory_space<vmem_shared>> -> memref<32x128xf32, #tpu.memory_space<vmem_shared>>
      tpu.enqueue_dma source(%dma_start3A_291 : memref<32x128xf32, #tpu.memory_space<vmem_shared>>) target(%dma_start3A_289 : memref<32x128xf32, #tpu.memory_space<vmem>>) target_semaphore(%run_scoped3A : memref<!tpu.dma_semaphore, #tpu.memory_space<semaphore_mem>>)
      %dma_wait3A_292 = arith.constant 0 : i32
      %dma_wait3A_293 = arith.constant 0 : i32
      %dma_wait3A_294 = tpu.memref_slice %arg8[%dma_wait3A_292, %dma_wait3A_293] : memref<32x128xf32, #tpu.memory_space<vmem>> -> memref<32x128xf32, #tpu.memory_space<vmem>>
      %dma_wait3A_295 = arith.constant 0 : i32
      %dma_wait3A_296 = tpu.memref_slice %arg20[%add3A_245, %dma_wait3A_295] : memref<10112x128xf32, #tpu.memory_space<vmem_shared>> -> memref<32x128xf32, #tpu.memory_space<vmem_shared>>
      %dma_wait3A_297 = arith.constant 0 : i32
      %dma_wait3A_298 = arith.constant 0 : i32
      %dma_wait3A_299 = tpu.memref_slice %arg8[%dma_wait3A_297, %dma_wait3A_298] : memref<32x128xf32, #tpu.memory_space<vmem>> -> memref<32x128xf32, #tpu.memory_space<vmem>>
      %dma_wait3A_300 = arith.constant 0 : i32
      %dma_wait3A_301 = tpu.memref_slice %arg20[%add3A_245, %dma_wait3A_300] : memref<10112x128xf32, #tpu.memory_space<vmem_shared>> -> memref<32x128xf32, #tpu.memory_space<vmem_shared>>
      tpu.wait_dma2 semaphore(%run_scoped3A : memref<!tpu.dma_semaphore, #tpu.memory_space<semaphore_mem>>) src(%dma_wait3A_301 : memref<32x128xf32, #tpu.memory_space<vmem_shared>>) dst(%dma_wait3A_299 : memref<32x128xf32, #tpu.memory_space<vmem>>)
      tpu.yield
    }) : () -> ()
    %mul3A_246 = arith.constant 632 : i32
    %mul3A_247 = arith.muli %arg1, %mul3A_246 : i32
    %add3A_248 = arith.constant 480 : i32
    %add3A_249 = arith.addi %mul3A_247, %add3A_248 : i32
    "tpu.region"() ({
      %run_scoped3A = tpu.sem_alloc : memref<!tpu.dma_semaphore, #tpu.memory_space<semaphore_mem>>
      %dma_start3A_282 = arith.constant 0 : i32
      %dma_start3A_283 = arith.constant 0 : i32
      %dma_start3A_284 = tpu.memref_slice %arg8[%dma_start3A_282, %dma_start3A_283] : memref<32x128xf32, #tpu.memory_space<vmem>> -> memref<32x128xf32, #tpu.memory_space<vmem>>
      %dma_start3A_285 = arith.constant 0 : i32
      %dma_start3A_286 = tpu.memref_slice %arg5[%arg0, %add3A_249, %dma_start3A_285] : memref<2x10112x128xf32, #tpu.memory_space<hbm>> -> memref<1x32x128xf32, #tpu.memory_space<hbm>>
      %dma_start3A_287 = tpu.memref_squeeze %dma_start3A_286 : memref<1x32x128xf32, #tpu.memory_space<hbm>> -> memref<32x128xf32, #tpu.memory_space<hbm>>
      %dma_start3A_288 = arith.constant 0 : i32
      %dma_start3A_289 = tpu.memref_slice %arg5[%arg0, %add3A_249, %dma_start3A_288] : memref<2x10112x128xf32, #tpu.memory_space<hbm>> -> memref<1x32x128xf32, #tpu.memory_space<hbm>>
      %dma_start3A_290 = tpu.memref_squeeze %dma_start3A_289 : memref<1x32x128xf32, #tpu.memory_space<hbm>> -> memref<32x128xf32, #tpu.memory_space<hbm>>
      %dma_start3A_291 = arith.constant 0 : i32
      %dma_start3A_292 = arith.constant 0 : i32
      %dma_start3A_293 = tpu.memref_slice %arg8[%dma_start3A_291, %dma_start3A_292] : memref<32x128xf32, #tpu.memory_space<vmem>> -> memref<32x128xf32, #tpu.memory_space<vmem>>
      tpu.enqueue_dma source(%dma_start3A_293 : memref<32x128xf32, #tpu.memory_space<vmem>>) target(%dma_start3A_290 : memref<32x128xf32, #tpu.memory_space<hbm>>) target_semaphore(%run_scoped3A : memref<!tpu.dma_semaphore, #tpu.memory_space<semaphore_mem>>)
      %dma_wait3A_294 = arith.constant 0 : i32
      %dma_wait3A_295 = arith.constant 0 : i32
      %dma_wait3A_296 = tpu.memref_slice %arg8[%dma_wait3A_294, %dma_wait3A_295] : memref<32x128xf32, #tpu.memory_space<vmem>> -> memref<32x128xf32, #tpu.memory_space<vmem>>
      %dma_wait3A_297 = arith.constant 0 : i32
      %dma_wait3A_298 = tpu.memref_slice %arg5[%arg0, %add3A_249, %dma_wait3A_297] : memref<2x10112x128xf32, #tpu.memory_space<hbm>> -> memref<1x32x128xf32, #tpu.memory_space<hbm>>
      %dma_wait3A_299 = tpu.memref_squeeze %dma_wait3A_298 : memref<1x32x128xf32, #tpu.memory_space<hbm>> -> memref<32x128xf32, #tpu.memory_space<hbm>>
      %dma_wait3A_300 = arith.constant 0 : i32
      %dma_wait3A_301 = tpu.memref_slice %arg5[%arg0, %add3A_249, %dma_wait3A_300] : memref<2x10112x128xf32, #tpu.memory_space<hbm>> -> memref<1x32x128xf32, #tpu.memory_space<hbm>>
      %dma_wait3A_302 = tpu.memref_squeeze %dma_wait3A_301 : memref<1x32x128xf32, #tpu.memory_space<hbm>> -> memref<32x128xf32, #tpu.memory_space<hbm>>
      %dma_wait3A_303 = arith.constant 0 : i32
      %dma_wait3A_304 = arith.constant 0 : i32
      %dma_wait3A_305 = tpu.memref_slice %arg8[%dma_wait3A_303, %dma_wait3A_304] : memref<32x128xf32, #tpu.memory_space<vmem>> -> memref<32x128xf32, #tpu.memory_space<vmem>>
      tpu.wait_dma2 semaphore(%run_scoped3A : memref<!tpu.dma_semaphore, #tpu.memory_space<semaphore_mem>>) src(%dma_wait3A_305 : memref<32x128xf32, #tpu.memory_space<vmem>>) dst(%dma_wait3A_302 : memref<32x128xf32, #tpu.memory_space<hbm>>)
      tpu.yield
    }) : () -> ()
    %mul3A_250 = arith.constant 632 : i32
    %mul3A_251 = arith.muli %arg1, %mul3A_250 : i32
    %add3A_252 = arith.constant 512 : i32
    %add3A_253 = arith.addi %mul3A_251, %add3A_252 : i32
    "tpu.region"() ({
      %run_scoped3A = tpu.sem_alloc : memref<!tpu.dma_semaphore, #tpu.memory_space<semaphore_mem>>
      %dma_start3A_282 = arith.constant 0 : i32
      %dma_start3A_283 = arith.constant 0 : i32
      %dma_start3A_284 = tpu.memref_slice %arg8[%dma_start3A_282, %dma_start3A_283] : memref<32x128xf32, #tpu.memory_space<vmem>> -> memref<32x128xf32, #tpu.memory_space<vmem>>
      %dma_start3A_285 = arith.constant 0 : i32
      %dma_start3A_286 = tpu.memref_slice %arg20[%add3A_253, %dma_start3A_285] : memref<10112x128xf32, #tpu.memory_space<vmem_shared>> -> memref<32x128xf32, #tpu.memory_space<vmem_shared>>
      %dma_start3A_287 = arith.constant 0 : i32
      %dma_start3A_288 = arith.constant 0 : i32
      %dma_start3A_289 = tpu.memref_slice %arg8[%dma_start3A_287, %dma_start3A_288] : memref<32x128xf32, #tpu.memory_space<vmem>> -> memref<32x128xf32, #tpu.memory_space<vmem>>
      %dma_start3A_290 = arith.constant 0 : i32
      %dma_start3A_291 = tpu.memref_slice %arg20[%add3A_253, %dma_start3A_290] : memref<10112x128xf32, #tpu.memory_space<vmem_shared>> -> memref<32x128xf32, #tpu.memory_space<vmem_shared>>
      tpu.enqueue_dma source(%dma_start3A_291 : memref<32x128xf32, #tpu.memory_space<vmem_shared>>) target(%dma_start3A_289 : memref<32x128xf32, #tpu.memory_space<vmem>>) target_semaphore(%run_scoped3A : memref<!tpu.dma_semaphore, #tpu.memory_space<semaphore_mem>>)
      %dma_wait3A_292 = arith.constant 0 : i32
      %dma_wait3A_293 = arith.constant 0 : i32
      %dma_wait3A_294 = tpu.memref_slice %arg8[%dma_wait3A_292, %dma_wait3A_293] : memref<32x128xf32, #tpu.memory_space<vmem>> -> memref<32x128xf32, #tpu.memory_space<vmem>>
      %dma_wait3A_295 = arith.constant 0 : i32
      %dma_wait3A_296 = tpu.memref_slice %arg20[%add3A_253, %dma_wait3A_295] : memref<10112x128xf32, #tpu.memory_space<vmem_shared>> -> memref<32x128xf32, #tpu.memory_space<vmem_shared>>
      %dma_wait3A_297 = arith.constant 0 : i32
      %dma_wait3A_298 = arith.constant 0 : i32
      %dma_wait3A_299 = tpu.memref_slice %arg8[%dma_wait3A_297, %dma_wait3A_298] : memref<32x128xf32, #tpu.memory_space<vmem>> -> memref<32x128xf32, #tpu.memory_space<vmem>>
      %dma_wait3A_300 = arith.constant 0 : i32
      %dma_wait3A_301 = tpu.memref_slice %arg20[%add3A_253, %dma_wait3A_300] : memref<10112x128xf32, #tpu.memory_space<vmem_shared>> -> memref<32x128xf32, #tpu.memory_space<vmem_shared>>
      tpu.wait_dma2 semaphore(%run_scoped3A : memref<!tpu.dma_semaphore, #tpu.memory_space<semaphore_mem>>) src(%dma_wait3A_301 : memref<32x128xf32, #tpu.memory_space<vmem_shared>>) dst(%dma_wait3A_299 : memref<32x128xf32, #tpu.memory_space<vmem>>)
      tpu.yield
    }) : () -> ()
    %mul3A_254 = arith.constant 632 : i32
    %mul3A_255 = arith.muli %arg1, %mul3A_254 : i32
    %add3A_256 = arith.constant 512 : i32
    %add3A_257 = arith.addi %mul3A_255, %add3A_256 : i32
    "tpu.region"() ({
      %run_scoped3A = tpu.sem_alloc : memref<!tpu.dma_semaphore, #tpu.memory_space<semaphore_mem>>
      %dma_start3A_282 = arith.constant 0 : i32
      %dma_start3A_283 = arith.constant 0 : i32
      %dma_start3A_284 = tpu.memref_slice %arg8[%dma_start3A_282, %dma_start3A_283] : memref<32x128xf32, #tpu.memory_space<vmem>> -> memref<32x128xf32, #tpu.memory_space<vmem>>
      %dma_start3A_285 = arith.constant 0 : i32
      %dma_start3A_286 = tpu.memref_slice %arg5[%arg0, %add3A_257, %dma_start3A_285] : memref<2x10112x128xf32, #tpu.memory_space<hbm>> -> memref<1x32x128xf32, #tpu.memory_space<hbm>>
      %dma_start3A_287 = tpu.memref_squeeze %dma_start3A_286 : memref<1x32x128xf32, #tpu.memory_space<hbm>> -> memref<32x128xf32, #tpu.memory_space<hbm>>
      %dma_start3A_288 = arith.constant 0 : i32
      %dma_start3A_289 = tpu.memref_slice %arg5[%arg0, %add3A_257, %dma_start3A_288] : memref<2x10112x128xf32, #tpu.memory_space<hbm>> -> memref<1x32x128xf32, #tpu.memory_space<hbm>>
      %dma_start3A_290 = tpu.memref_squeeze %dma_start3A_289 : memref<1x32x128xf32, #tpu.memory_space<hbm>> -> memref<32x128xf32, #tpu.memory_space<hbm>>
      %dma_start3A_291 = arith.constant 0 : i32
      %dma_start3A_292 = arith.constant 0 : i32
      %dma_start3A_293 = tpu.memref_slice %arg8[%dma_start3A_291, %dma_start3A_292] : memref<32x128xf32, #tpu.memory_space<vmem>> -> memref<32x128xf32, #tpu.memory_space<vmem>>
      tpu.enqueue_dma source(%dma_start3A_293 : memref<32x128xf32, #tpu.memory_space<vmem>>) target(%dma_start3A_290 : memref<32x128xf32, #tpu.memory_space<hbm>>) target_semaphore(%run_scoped3A : memref<!tpu.dma_semaphore, #tpu.memory_space<semaphore_mem>>)
      %dma_wait3A_294 = arith.constant 0 : i32
      %dma_wait3A_295 = arith.constant 0 : i32
      %dma_wait3A_296 = tpu.memref_slice %arg8[%dma_wait3A_294, %dma_wait3A_295] : memref<32x128xf32, #tpu.memory_space<vmem>> -> memref<32x128xf32, #tpu.memory_space<vmem>>
      %dma_wait3A_297 = arith.constant 0 : i32
      %dma_wait3A_298 = tpu.memref_slice %arg5[%arg0, %add3A_257, %dma_wait3A_297] : memref<2x10112x128xf32, #tpu.memory_space<hbm>> -> memref<1x32x128xf32, #tpu.memory_space<hbm>>
      %dma_wait3A_299 = tpu.memref_squeeze %dma_wait3A_298 : memref<1x32x128xf32, #tpu.memory_space<hbm>> -> memref<32x128xf32, #tpu.memory_space<hbm>>
      %dma_wait3A_300 = arith.constant 0 : i32
      %dma_wait3A_301 = tpu.memref_slice %arg5[%arg0, %add3A_257, %dma_wait3A_300] : memref<2x10112x128xf32, #tpu.memory_space<hbm>> -> memref<1x32x128xf32, #tpu.memory_space<hbm>>
      %dma_wait3A_302 = tpu.memref_squeeze %dma_wait3A_301 : memref<1x32x128xf32, #tpu.memory_space<hbm>> -> memref<32x128xf32, #tpu.memory_space<hbm>>
      %dma_wait3A_303 = arith.constant 0 : i32
      %dma_wait3A_304 = arith.constant 0 : i32
      %dma_wait3A_305 = tpu.memref_slice %arg8[%dma_wait3A_303, %dma_wait3A_304] : memref<32x128xf32, #tpu.memory_space<vmem>> -> memref<32x128xf32, #tpu.memory_space<vmem>>
      tpu.wait_dma2 semaphore(%run_scoped3A : memref<!tpu.dma_semaphore, #tpu.memory_space<semaphore_mem>>) src(%dma_wait3A_305 : memref<32x128xf32, #tpu.memory_space<vmem>>) dst(%dma_wait3A_302 : memref<32x128xf32, #tpu.memory_space<hbm>>)
      tpu.yield
    }) : () -> ()
    %mul3A_258 = arith.constant 632 : i32
    %mul3A_259 = arith.muli %arg1, %mul3A_258 : i32
    %add3A_260 = arith.constant 544 : i32
    %add3A_261 = arith.addi %mul3A_259, %add3A_260 : i32
    "tpu.region"() ({
      %run_scoped3A = tpu.sem_alloc : memref<!tpu.dma_semaphore, #tpu.memory_space<semaphore_mem>>
      %dma_start3A_282 = arith.constant 0 : i32
      %dma_start3A_283 = arith.constant 0 : i32
      %dma_start3A_284 = tpu.memref_slice %arg8[%dma_start3A_282, %dma_start3A_283] : memref<32x128xf32, #tpu.memory_space<vmem>> -> memref<32x128xf32, #tpu.memory_space<vmem>>
      %dma_start3A_285 = arith.constant 0 : i32
      %dma_start3A_286 = tpu.memref_slice %arg20[%add3A_261, %dma_start3A_285] : memref<10112x128xf32, #tpu.memory_space<vmem_shared>> -> memref<32x128xf32, #tpu.memory_space<vmem_shared>>
      %dma_start3A_287 = arith.constant 0 : i32
      %dma_start3A_288 = arith.constant 0 : i32
      %dma_start3A_289 = tpu.memref_slice %arg8[%dma_start3A_287, %dma_start3A_288] : memref<32x128xf32, #tpu.memory_space<vmem>> -> memref<32x128xf32, #tpu.memory_space<vmem>>
      %dma_start3A_290 = arith.constant 0 : i32
      %dma_start3A_291 = tpu.memref_slice %arg20[%add3A_261, %dma_start3A_290] : memref<10112x128xf32, #tpu.memory_space<vmem_shared>> -> memref<32x128xf32, #tpu.memory_space<vmem_shared>>
      tpu.enqueue_dma source(%dma_start3A_291 : memref<32x128xf32, #tpu.memory_space<vmem_shared>>) target(%dma_start3A_289 : memref<32x128xf32, #tpu.memory_space<vmem>>) target_semaphore(%run_scoped3A : memref<!tpu.dma_semaphore, #tpu.memory_space<semaphore_mem>>)
      %dma_wait3A_292 = arith.constant 0 : i32
      %dma_wait3A_293 = arith.constant 0 : i32
      %dma_wait3A_294 = tpu.memref_slice %arg8[%dma_wait3A_292, %dma_wait3A_293] : memref<32x128xf32, #tpu.memory_space<vmem>> -> memref<32x128xf32, #tpu.memory_space<vmem>>
      %dma_wait3A_295 = arith.constant 0 : i32
      %dma_wait3A_296 = tpu.memref_slice %arg20[%add3A_261, %dma_wait3A_295] : memref<10112x128xf32, #tpu.memory_space<vmem_shared>> -> memref<32x128xf32, #tpu.memory_space<vmem_shared>>
      %dma_wait3A_297 = arith.constant 0 : i32
      %dma_wait3A_298 = arith.constant 0 : i32
      %dma_wait3A_299 = tpu.memref_slice %arg8[%dma_wait3A_297, %dma_wait3A_298] : memref<32x128xf32, #tpu.memory_space<vmem>> -> memref<32x128xf32, #tpu.memory_space<vmem>>
      %dma_wait3A_300 = arith.constant 0 : i32
      %dma_wait3A_301 = tpu.memref_slice %arg20[%add3A_261, %dma_wait3A_300] : memref<10112x128xf32, #tpu.memory_space<vmem_shared>> -> memref<32x128xf32, #tpu.memory_space<vmem_shared>>
      tpu.wait_dma2 semaphore(%run_scoped3A : memref<!tpu.dma_semaphore, #tpu.memory_space<semaphore_mem>>) src(%dma_wait3A_301 : memref<32x128xf32, #tpu.memory_space<vmem_shared>>) dst(%dma_wait3A_299 : memref<32x128xf32, #tpu.memory_space<vmem>>)
      tpu.yield
    }) : () -> ()
    %mul3A_262 = arith.constant 632 : i32
    %mul3A_263 = arith.muli %arg1, %mul3A_262 : i32
    %add3A_264 = arith.constant 544 : i32
    %add3A_265 = arith.addi %mul3A_263, %add3A_264 : i32
    "tpu.region"() ({
      %run_scoped3A = tpu.sem_alloc : memref<!tpu.dma_semaphore, #tpu.memory_space<semaphore_mem>>
      %dma_start3A_282 = arith.constant 0 : i32
      %dma_start3A_283 = arith.constant 0 : i32
      %dma_start3A_284 = tpu.memref_slice %arg8[%dma_start3A_282, %dma_start3A_283] : memref<32x128xf32, #tpu.memory_space<vmem>> -> memref<32x128xf32, #tpu.memory_space<vmem>>
      %dma_start3A_285 = arith.constant 0 : i32
      %dma_start3A_286 = tpu.memref_slice %arg5[%arg0, %add3A_265, %dma_start3A_285] : memref<2x10112x128xf32, #tpu.memory_space<hbm>> -> memref<1x32x128xf32, #tpu.memory_space<hbm>>
      %dma_start3A_287 = tpu.memref_squeeze %dma_start3A_286 : memref<1x32x128xf32, #tpu.memory_space<hbm>> -> memref<32x128xf32, #tpu.memory_space<hbm>>
      %dma_start3A_288 = arith.constant 0 : i32
      %dma_start3A_289 = tpu.memref_slice %arg5[%arg0, %add3A_265, %dma_start3A_288] : memref<2x10112x128xf32, #tpu.memory_space<hbm>> -> memref<1x32x128xf32, #tpu.memory_space<hbm>>
      %dma_start3A_290 = tpu.memref_squeeze %dma_start3A_289 : memref<1x32x128xf32, #tpu.memory_space<hbm>> -> memref<32x128xf32, #tpu.memory_space<hbm>>
      %dma_start3A_291 = arith.constant 0 : i32
      %dma_start3A_292 = arith.constant 0 : i32
      %dma_start3A_293 = tpu.memref_slice %arg8[%dma_start3A_291, %dma_start3A_292] : memref<32x128xf32, #tpu.memory_space<vmem>> -> memref<32x128xf32, #tpu.memory_space<vmem>>
      tpu.enqueue_dma source(%dma_start3A_293 : memref<32x128xf32, #tpu.memory_space<vmem>>) target(%dma_start3A_290 : memref<32x128xf32, #tpu.memory_space<hbm>>) target_semaphore(%run_scoped3A : memref<!tpu.dma_semaphore, #tpu.memory_space<semaphore_mem>>)
      %dma_wait3A_294 = arith.constant 0 : i32
      %dma_wait3A_295 = arith.constant 0 : i32
      %dma_wait3A_296 = tpu.memref_slice %arg8[%dma_wait3A_294, %dma_wait3A_295] : memref<32x128xf32, #tpu.memory_space<vmem>> -> memref<32x128xf32, #tpu.memory_space<vmem>>
      %dma_wait3A_297 = arith.constant 0 : i32
      %dma_wait3A_298 = tpu.memref_slice %arg5[%arg0, %add3A_265, %dma_wait3A_297] : memref<2x10112x128xf32, #tpu.memory_space<hbm>> -> memref<1x32x128xf32, #tpu.memory_space<hbm>>
      %dma_wait3A_299 = tpu.memref_squeeze %dma_wait3A_298 : memref<1x32x128xf32, #tpu.memory_space<hbm>> -> memref<32x128xf32, #tpu.memory_space<hbm>>
      %dma_wait3A_300 = arith.constant 0 : i32
      %dma_wait3A_301 = tpu.memref_slice %arg5[%arg0, %add3A_265, %dma_wait3A_300] : memref<2x10112x128xf32, #tpu.memory_space<hbm>> -> memref<1x32x128xf32, #tpu.memory_space<hbm>>
      %dma_wait3A_302 = tpu.memref_squeeze %dma_wait3A_301 : memref<1x32x128xf32, #tpu.memory_space<hbm>> -> memref<32x128xf32, #tpu.memory_space<hbm>>
      %dma_wait3A_303 = arith.constant 0 : i32
      %dma_wait3A_304 = arith.constant 0 : i32
      %dma_wait3A_305 = tpu.memref_slice %arg8[%dma_wait3A_303, %dma_wait3A_304] : memref<32x128xf32, #tpu.memory_space<vmem>> -> memref<32x128xf32, #tpu.memory_space<vmem>>
      tpu.wait_dma2 semaphore(%run_scoped3A : memref<!tpu.dma_semaphore, #tpu.memory_space<semaphore_mem>>) src(%dma_wait3A_305 : memref<32x128xf32, #tpu.memory_space<vmem>>) dst(%dma_wait3A_302 : memref<32x128xf32, #tpu.memory_space<hbm>>)
      tpu.yield
    }) : () -> ()
    %mul3A_266 = arith.constant 632 : i32
    %mul3A_267 = arith.muli %arg1, %mul3A_266 : i32
    %add3A_268 = arith.constant 576 : i32
    %add3A_269 = arith.addi %mul3A_267, %add3A_268 : i32
    "tpu.region"() ({
      %run_scoped3A = tpu.sem_alloc : memref<!tpu.dma_semaphore, #tpu.memory_space<semaphore_mem>>
      %dma_start3A_282 = arith.constant 0 : i32
      %dma_start3A_283 = arith.constant 0 : i32
      %dma_start3A_284 = tpu.memref_slice %arg8[%dma_start3A_282, %dma_start3A_283] : memref<32x128xf32, #tpu.memory_space<vmem>> -> memref<32x128xf32, #tpu.memory_space<vmem>>
      %dma_start3A_285 = arith.constant 0 : i32
      %dma_start3A_286 = tpu.memref_slice %arg20[%add3A_269, %dma_start3A_285] : memref<10112x128xf32, #tpu.memory_space<vmem_shared>> -> memref<32x128xf32, #tpu.memory_space<vmem_shared>>
      %dma_start3A_287 = arith.constant 0 : i32
      %dma_start3A_288 = arith.constant 0 : i32
      %dma_start3A_289 = tpu.memref_slice %arg8[%dma_start3A_287, %dma_start3A_288] : memref<32x128xf32, #tpu.memory_space<vmem>> -> memref<32x128xf32, #tpu.memory_space<vmem>>
      %dma_start3A_290 = arith.constant 0 : i32
      %dma_start3A_291 = tpu.memref_slice %arg20[%add3A_269, %dma_start3A_290] : memref<10112x128xf32, #tpu.memory_space<vmem_shared>> -> memref<32x128xf32, #tpu.memory_space<vmem_shared>>
      tpu.enqueue_dma source(%dma_start3A_291 : memref<32x128xf32, #tpu.memory_space<vmem_shared>>) target(%dma_start3A_289 : memref<32x128xf32, #tpu.memory_space<vmem>>) target_semaphore(%run_scoped3A : memref<!tpu.dma_semaphore, #tpu.memory_space<semaphore_mem>>)
      %dma_wait3A_292 = arith.constant 0 : i32
      %dma_wait3A_293 = arith.constant 0 : i32
      %dma_wait3A_294 = tpu.memref_slice %arg8[%dma_wait3A_292, %dma_wait3A_293] : memref<32x128xf32, #tpu.memory_space<vmem>> -> memref<32x128xf32, #tpu.memory_space<vmem>>
      %dma_wait3A_295 = arith.constant 0 : i32
      %dma_wait3A_296 = tpu.memref_slice %arg20[%add3A_269, %dma_wait3A_295] : memref<10112x128xf32, #tpu.memory_space<vmem_shared>> -> memref<32x128xf32, #tpu.memory_space<vmem_shared>>
      %dma_wait3A_297 = arith.constant 0 : i32
      %dma_wait3A_298 = arith.constant 0 : i32
      %dma_wait3A_299 = tpu.memref_slice %arg8[%dma_wait3A_297, %dma_wait3A_298] : memref<32x128xf32, #tpu.memory_space<vmem>> -> memref<32x128xf32, #tpu.memory_space<vmem>>
      %dma_wait3A_300 = arith.constant 0 : i32
      %dma_wait3A_301 = tpu.memref_slice %arg20[%add3A_269, %dma_wait3A_300] : memref<10112x128xf32, #tpu.memory_space<vmem_shared>> -> memref<32x128xf32, #tpu.memory_space<vmem_shared>>
      tpu.wait_dma2 semaphore(%run_scoped3A : memref<!tpu.dma_semaphore, #tpu.memory_space<semaphore_mem>>) src(%dma_wait3A_301 : memref<32x128xf32, #tpu.memory_space<vmem_shared>>) dst(%dma_wait3A_299 : memref<32x128xf32, #tpu.memory_space<vmem>>)
      tpu.yield
    }) : () -> ()
    %mul3A_270 = arith.constant 632 : i32
    %mul3A_271 = arith.muli %arg1, %mul3A_270 : i32
    %add3A_272 = arith.constant 576 : i32
    %add3A_273 = arith.addi %mul3A_271, %add3A_272 : i32
    "tpu.region"() ({
      %run_scoped3A = tpu.sem_alloc : memref<!tpu.dma_semaphore, #tpu.memory_space<semaphore_mem>>
      %dma_start3A_282 = arith.constant 0 : i32
      %dma_start3A_283 = arith.constant 0 : i32
      %dma_start3A_284 = tpu.memref_slice %arg8[%dma_start3A_282, %dma_start3A_283] : memref<32x128xf32, #tpu.memory_space<vmem>> -> memref<32x128xf32, #tpu.memory_space<vmem>>
      %dma_start3A_285 = arith.constant 0 : i32
      %dma_start3A_286 = tpu.memref_slice %arg5[%arg0, %add3A_273, %dma_start3A_285] : memref<2x10112x128xf32, #tpu.memory_space<hbm>> -> memref<1x32x128xf32, #tpu.memory_space<hbm>>
      %dma_start3A_287 = tpu.memref_squeeze %dma_start3A_286 : memref<1x32x128xf32, #tpu.memory_space<hbm>> -> memref<32x128xf32, #tpu.memory_space<hbm>>
      %dma_start3A_288 = arith.constant 0 : i32
      %dma_start3A_289 = tpu.memref_slice %arg5[%arg0, %add3A_273, %dma_start3A_288] : memref<2x10112x128xf32, #tpu.memory_space<hbm>> -> memref<1x32x128xf32, #tpu.memory_space<hbm>>
      %dma_start3A_290 = tpu.memref_squeeze %dma_start3A_289 : memref<1x32x128xf32, #tpu.memory_space<hbm>> -> memref<32x128xf32, #tpu.memory_space<hbm>>
      %dma_start3A_291 = arith.constant 0 : i32
      %dma_start3A_292 = arith.constant 0 : i32
      %dma_start3A_293 = tpu.memref_slice %arg8[%dma_start3A_291, %dma_start3A_292] : memref<32x128xf32, #tpu.memory_space<vmem>> -> memref<32x128xf32, #tpu.memory_space<vmem>>
      tpu.enqueue_dma source(%dma_start3A_293 : memref<32x128xf32, #tpu.memory_space<vmem>>) target(%dma_start3A_290 : memref<32x128xf32, #tpu.memory_space<hbm>>) target_semaphore(%run_scoped3A : memref<!tpu.dma_semaphore, #tpu.memory_space<semaphore_mem>>)
      %dma_wait3A_294 = arith.constant 0 : i32
      %dma_wait3A_295 = arith.constant 0 : i32
      %dma_wait3A_296 = tpu.memref_slice %arg8[%dma_wait3A_294, %dma_wait3A_295] : memref<32x128xf32, #tpu.memory_space<vmem>> -> memref<32x128xf32, #tpu.memory_space<vmem>>
      %dma_wait3A_297 = arith.constant 0 : i32
      %dma_wait3A_298 = tpu.memref_slice %arg5[%arg0, %add3A_273, %dma_wait3A_297] : memref<2x10112x128xf32, #tpu.memory_space<hbm>> -> memref<1x32x128xf32, #tpu.memory_space<hbm>>
      %dma_wait3A_299 = tpu.memref_squeeze %dma_wait3A_298 : memref<1x32x128xf32, #tpu.memory_space<hbm>> -> memref<32x128xf32, #tpu.memory_space<hbm>>
      %dma_wait3A_300 = arith.constant 0 : i32
      %dma_wait3A_301 = tpu.memref_slice %arg5[%arg0, %add3A_273, %dma_wait3A_300] : memref<2x10112x128xf32, #tpu.memory_space<hbm>> -> memref<1x32x128xf32, #tpu.memory_space<hbm>>
      %dma_wait3A_302 = tpu.memref_squeeze %dma_wait3A_301 : memref<1x32x128xf32, #tpu.memory_space<hbm>> -> memref<32x128xf32, #tpu.memory_space<hbm>>
      %dma_wait3A_303 = arith.constant 0 : i32
      %dma_wait3A_304 = arith.constant 0 : i32
      %dma_wait3A_305 = tpu.memref_slice %arg8[%dma_wait3A_303, %dma_wait3A_304] : memref<32x128xf32, #tpu.memory_space<vmem>> -> memref<32x128xf32, #tpu.memory_space<vmem>>
      tpu.wait_dma2 semaphore(%run_scoped3A : memref<!tpu.dma_semaphore, #tpu.memory_space<semaphore_mem>>) src(%dma_wait3A_305 : memref<32x128xf32, #tpu.memory_space<vmem>>) dst(%dma_wait3A_302 : memref<32x128xf32, #tpu.memory_space<hbm>>)
      tpu.yield
    }) : () -> ()
    %mul3A_274 = arith.constant 632 : i32
    %mul3A_275 = arith.muli %arg1, %mul3A_274 : i32
    %add3A_276 = arith.constant 608 : i32
    %add3A_277 = arith.addi %mul3A_275, %add3A_276 : i32
    "tpu.region"() ({
      %run_scoped3A = tpu.sem_alloc : memref<!tpu.dma_semaphore, #tpu.memory_space<semaphore_mem>>
      %dma_start3A_282 = arith.constant 0 : i32
      %dma_start3A_283 = arith.constant 0 : i32
      %dma_start3A_284 = tpu.memref_slice %arg8[%dma_start3A_282, %dma_start3A_283] : memref<32x128xf32, #tpu.memory_space<vmem>> -> memref<24x128xf32, #tpu.memory_space<vmem>>
      %dma_start3A_285 = arith.constant 0 : i32
      %dma_start3A_286 = tpu.memref_slice %arg20[%add3A_277, %dma_start3A_285] : memref<10112x128xf32, #tpu.memory_space<vmem_shared>> -> memref<24x128xf32, #tpu.memory_space<vmem_shared>>
      %dma_start3A_287 = arith.constant 0 : i32
      %dma_start3A_288 = arith.constant 0 : i32
      %dma_start3A_289 = tpu.memref_slice %arg8[%dma_start3A_287, %dma_start3A_288] : memref<32x128xf32, #tpu.memory_space<vmem>> -> memref<24x128xf32, #tpu.memory_space<vmem>>
      %dma_start3A_290 = arith.constant 0 : i32
      %dma_start3A_291 = tpu.memref_slice %arg20[%add3A_277, %dma_start3A_290] : memref<10112x128xf32, #tpu.memory_space<vmem_shared>> -> memref<24x128xf32, #tpu.memory_space<vmem_shared>>
      tpu.enqueue_dma source(%dma_start3A_291 : memref<24x128xf32, #tpu.memory_space<vmem_shared>>) target(%dma_start3A_289 : memref<24x128xf32, #tpu.memory_space<vmem>>) target_semaphore(%run_scoped3A : memref<!tpu.dma_semaphore, #tpu.memory_space<semaphore_mem>>)
      %dma_wait3A_292 = arith.constant 0 : i32
      %dma_wait3A_293 = arith.constant 0 : i32
      %dma_wait3A_294 = tpu.memref_slice %arg8[%dma_wait3A_292, %dma_wait3A_293] : memref<32x128xf32, #tpu.memory_space<vmem>> -> memref<24x128xf32, #tpu.memory_space<vmem>>
      %dma_wait3A_295 = arith.constant 0 : i32
      %dma_wait3A_296 = tpu.memref_slice %arg20[%add3A_277, %dma_wait3A_295] : memref<10112x128xf32, #tpu.memory_space<vmem_shared>> -> memref<24x128xf32, #tpu.memory_space<vmem_shared>>
      %dma_wait3A_297 = arith.constant 0 : i32
      %dma_wait3A_298 = arith.constant 0 : i32
      %dma_wait3A_299 = tpu.memref_slice %arg8[%dma_wait3A_297, %dma_wait3A_298] : memref<32x128xf32, #tpu.memory_space<vmem>> -> memref<24x128xf32, #tpu.memory_space<vmem>>
      %dma_wait3A_300 = arith.constant 0 : i32
      %dma_wait3A_301 = tpu.memref_slice %arg20[%add3A_277, %dma_wait3A_300] : memref<10112x128xf32, #tpu.memory_space<vmem_shared>> -> memref<24x128xf32, #tpu.memory_space<vmem_shared>>
      tpu.wait_dma2 semaphore(%run_scoped3A : memref<!tpu.dma_semaphore, #tpu.memory_space<semaphore_mem>>) src(%dma_wait3A_301 : memref<24x128xf32, #tpu.memory_space<vmem_shared>>) dst(%dma_wait3A_299 : memref<24x128xf32, #tpu.memory_space<vmem>>)
      tpu.yield
    }) : () -> ()
    %mul3A_278 = arith.constant 632 : i32
    %mul3A_279 = arith.muli %arg1, %mul3A_278 : i32
    %add3A_280 = arith.constant 608 : i32
    %add3A_281 = arith.addi %mul3A_279, %add3A_280 : i32
    "tpu.region"() ({
      %run_scoped3A = tpu.sem_alloc : memref<!tpu.dma_semaphore, #tpu.memory_space<semaphore_mem>>
      %dma_start3A_282 = arith.constant 0 : i32
      %dma_start3A_283 = arith.constant 0 : i32
      %dma_start3A_284 = tpu.memref_slice %arg8[%dma_start3A_282, %dma_start3A_283] : memref<32x128xf32, #tpu.memory_space<vmem>> -> memref<24x128xf32, #tpu.memory_space<vmem>>
      %dma_start3A_285 = arith.constant 0 : i32
      %dma_start3A_286 = tpu.memref_slice %arg5[%arg0, %add3A_281, %dma_start3A_285] : memref<2x10112x128xf32, #tpu.memory_space<hbm>> -> memref<1x24x128xf32, #tpu.memory_space<hbm>>
      %dma_start3A_287 = tpu.memref_squeeze %dma_start3A_286 : memref<1x24x128xf32, #tpu.memory_space<hbm>> -> memref<24x128xf32, #tpu.memory_space<hbm>>
      %dma_start3A_288 = arith.constant 0 : i32
      %dma_start3A_289 = tpu.memref_slice %arg5[%arg0, %add3A_281, %dma_start3A_288] : memref<2x10112x128xf32, #tpu.memory_space<hbm>> -> memref<1x24x128xf32, #tpu.memory_space<hbm>>
      %dma_start3A_290 = tpu.memref_squeeze %dma_start3A_289 : memref<1x24x128xf32, #tpu.memory_space<hbm>> -> memref<24x128xf32, #tpu.memory_space<hbm>>
      %dma_start3A_291 = arith.constant 0 : i32
      %dma_start3A_292 = arith.constant 0 : i32
      %dma_start3A_293 = tpu.memref_slice %arg8[%dma_start3A_291, %dma_start3A_292] : memref<32x128xf32, #tpu.memory_space<vmem>> -> memref<24x128xf32, #tpu.memory_space<vmem>>
      tpu.enqueue_dma source(%dma_start3A_293 : memref<24x128xf32, #tpu.memory_space<vmem>>) target(%dma_start3A_290 : memref<24x128xf32, #tpu.memory_space<hbm>>) target_semaphore(%run_scoped3A : memref<!tpu.dma_semaphore, #tpu.memory_space<semaphore_mem>>)
      %dma_wait3A_294 = arith.constant 0 : i32
      %dma_wait3A_295 = arith.constant 0 : i32
      %dma_wait3A_296 = tpu.memref_slice %arg8[%dma_wait3A_294, %dma_wait3A_295] : memref<32x128xf32, #tpu.memory_space<vmem>> -> memref<24x128xf32, #tpu.memory_space<vmem>>
      %dma_wait3A_297 = arith.constant 0 : i32
      %dma_wait3A_298 = tpu.memref_slice %arg5[%arg0, %add3A_281, %dma_wait3A_297] : memref<2x10112x128xf32, #tpu.memory_space<hbm>> -> memref<1x24x128xf32, #tpu.memory_space<hbm>>
      %dma_wait3A_299 = tpu.memref_squeeze %dma_wait3A_298 : memref<1x24x128xf32, #tpu.memory_space<hbm>> -> memref<24x128xf32, #tpu.memory_space<hbm>>
      %dma_wait3A_300 = arith.constant 0 : i32
      %dma_wait3A_301 = tpu.memref_slice %arg5[%arg0, %add3A_281, %dma_wait3A_300] : memref<2x10112x128xf32, #tpu.memory_space<hbm>> -> memref<1x24x128xf32, #tpu.memory_space<hbm>>
      %dma_wait3A_302 = tpu.memref_squeeze %dma_wait3A_301 : memref<1x24x128xf32, #tpu.memory_space<hbm>> -> memref<24x128xf32, #tpu.memory_space<hbm>>
      %dma_wait3A_303 = arith.constant 0 : i32
      %dma_wait3A_304 = arith.constant 0 : i32
      %dma_wait3A_305 = tpu.memref_slice %arg8[%dma_wait3A_303, %dma_wait3A_304] : memref<32x128xf32, #tpu.memory_space<vmem>> -> memref<24x128xf32, #tpu.memory_space<vmem>>
      tpu.wait_dma2 semaphore(%run_scoped3A : memref<!tpu.dma_semaphore, #tpu.memory_space<semaphore_mem>>) src(%dma_wait3A_305 : memref<24x128xf32, #tpu.memory_space<vmem>>) dst(%dma_wait3A_302 : memref<24x128xf32, #tpu.memory_space<hbm>>)
      tpu.yield
    }) : () -> ()
    return
  }
}

module attributes {stable_mosaic.version = 14 : i64} {
  func.func @body(%arg0: i32, %arg1: memref<1000x2xf32, #tpu.memory_space<vmem>>, %arg2: memref<1000x256xf32, #tpu.memory_space<vmem>>, %arg3: memref<2x1000x128xf32, #tpu.memory_space<vmem>>) attributes {dimension_semantics = [#tpu.dimension_semantics<arbitrary>], iteration_bounds = array<i64: 10>, scalar_prefetch = 0 : i64, scratch_operands = 0 : i64, tpu.core_type = #tpu.core_type<tc>, window_params = [{transform_indices = @transform_0, window_bounds = array<i64: 1000, 2>}, {transform_indices = @transform_1, window_bounds = array<i64: 1000, 256>}, {transform_indices = @transform_2, window_bounds = array<i64: 2, 1000, 128>}]} {
    %get3A = arith.constant 0 : index
    %get3A_0 = arith.constant 0 : index
    %get3A_1 = vector.load %arg1[%get3A, %get3A_0] : memref<1000x2xf32, #tpu.memory_space<vmem>>, vector<1000x1xf32>
    %get3A_2 = arith.constant 0 : index
    %get3A_3 = arith.constant 1 : index
    %get3A_4 = vector.load %arg1[%get3A_2, %get3A_3] : memref<1000x2xf32, #tpu.memory_space<vmem>>, vector<1000x1xf32>
    %add3A = arith.addf %get3A_1, %get3A_4 : vector<1000x1xf32>
    %gt3A = arith.constant 0.000000e+00 : f32
    %gt3A_5 = vector.broadcast %gt3A : f32 to vector<1000x1xf32>
    %gt3A_6 = arith.cmpf ogt, %add3A, %gt3A_5 : vector<1000x1xf32>
    %rsqrt3A = math.rsqrt %add3A : vector<1000x1xf32>
    %jit3A = arith.constant 0.000000e+00 : f32
    %broadcast_in_dim3A = vector.broadcast %jit3A : f32 to vector<1000x1xf32>
    %select_n3A = arith.select %gt3A_6, %rsqrt3A, %broadcast_in_dim3A : vector<1000x1xi1>, vector<1000x1xf32>
    %get3A_7 = arith.constant 0 : index
    %get3A_8 = arith.constant 0 : index
    %get3A_9 = vector.load %arg2[%get3A_7, %get3A_8] : memref<1000x256xf32, #tpu.memory_space<vmem>>, vector<1000x256xf32>
    %mul3A = vector.broadcast %select_n3A : vector<1000x1xf32> to vector<1000x256xf32>
    %mul3A_10 = arith.mulf %get3A_9, %mul3A : vector<1000x256xf32>
    %slice3A = vector.extract_strided_slice %mul3A_10 {offsets = [0, 0], sizes = [1000, 128], strides = [1, 1]} : vector<1000x256xf32> to vector<1000x128xf32>
    %swap3A = arith.constant 0 : index
    %swap3A_11 = arith.constant 0 : index
    %swap3A_12 = arith.constant 0 : index
    %swap3A_13 = vector.load %arg3[%swap3A, %swap3A_11, %swap3A_12] : memref<2x1000x128xf32, #tpu.memory_space<vmem>>, vector<1x1000x128xf32>
    %swap3A_14 = vector.shape_cast %swap3A_13 : vector<1x1000x128xf32> to vector<1000x128xf32>
    %swap3A_15 = vector.shape_cast %slice3A : vector<1000x128xf32> to vector<1x1000x128xf32>
    tpu.vector_store %arg3[%swap3A, %swap3A_11, %swap3A_12], %swap3A_15 {strides = array<i32>} : memref<2x1000x128xf32, #tpu.memory_space<vmem>>, vector<1x1000x128xf32>,
    %slice3A_16 = vector.extract_strided_slice %mul3A_10 {offsets = [0, 128], sizes = [1000, 128], strides = [1, 1]} : vector<1000x256xf32> to vector<1000x128xf32>
    %swap3A_17 = arith.constant 1 : index
    %swap3A_18 = arith.constant 0 : index
    %swap3A_19 = arith.constant 0 : index
    %swap3A_20 = vector.load %arg3[%swap3A_17, %swap3A_18, %swap3A_19] : memref<2x1000x128xf32, #tpu.memory_space<vmem>>, vector<1x1000x128xf32>
    %swap3A_21 = vector.shape_cast %swap3A_20 : vector<1x1000x128xf32> to vector<1000x128xf32>
    %swap3A_22 = vector.shape_cast %slice3A_16 : vector<1000x128xf32> to vector<1x1000x128xf32>
    tpu.vector_store %arg3[%swap3A_17, %swap3A_18, %swap3A_19], %swap3A_22 {strides = array<i32>} : memref<2x1000x128xf32, #tpu.memory_space<vmem>>, vector<1x1000x128xf32>,
    return
  }
  func.func @transform_0(%arg0: i32) -> (i32, i32) {
    %c0_i32 = arith.constant 0 : i32
    %c0_i32_0 = arith.constant 0 : i32
    return %arg0, %c0_i32 : i32, i32
  }
  func.func @transform_1(%arg0: i32) -> (i32, i32) {
    %c0_i32 = arith.constant 0 : i32
    %c0_i32_0 = arith.constant 0 : i32
    return %arg0, %c0_i32 : i32, i32
  }
  func.func @transform_2(%arg0: i32) -> (i32, i32, i32) {
    %c0_i32 = arith.constant 0 : i32
    %c0_i32_0 = arith.constant 0 : i32
    %c0_i32_1 = arith.constant 0 : i32
    return %c0_i32, %arg0, %c0_i32_0 : i32, i32, i32
  }
}

module attributes {stable_mosaic.version = 14 : i64} {
  func.func @body(%arg0: i32, %arg1: memref<1000x2xf32, #tpu.memory_space<vmem>>, %arg2: memref<1000x256xf32, #tpu.memory_space<vmem>>, %arg3: memref<1000x256xf32, #tpu.memory_space<vmem>>, %arg4: memref<1000x256xf32, #tpu.memory_space<vmem>>, %arg5: memref<2x1000x128xf32, #tpu.memory_space<vmem>>, %arg6: memref<256x1024xf32, #tpu.memory_space<vmem>>, %arg7: memref<256x1024xf32, #tpu.memory_space<vmem>>, %arg8: memref<256x1024xf32, #tpu.memory_space<vmem>>, %arg9: memref<1x1024xf32, #tpu.memory_space<vmem>>, %arg10: memref<3x256xf32, #tpu.memory_space<vmem>>, %arg11: memref<256x256xf32, #tpu.memory_space<vmem>>, %arg12: memref<1x256xf32, #tpu.memory_space<vmem>>, %arg13: memref<1000x256xf32, #tpu.memory_space<vmem>>, %arg14: memref<1000x256xf32, #tpu.memory_space<vmem>>, %arg15: memref<1000x256xf32, #tpu.memory_space<vmem>>) attributes {dimension_semantics = [#tpu.dimension_semantics<arbitrary>], iteration_bounds = array<i64: 10>, scalar_prefetch = 0 : i64, scratch_operands = 0 : i64, tpu.core_type = #tpu.core_type<tc>, window_params = [{transform_indices = @transform_0, window_bounds = array<i64: 1000, 2>}, {transform_indices = @transform_1, window_bounds = array<i64: 1000, 256>}, {transform_indices = @transform_2, window_bounds = array<i64: 1000, 256>}, {transform_indices = @transform_3, window_bounds = array<i64: 1000, 256>}, {transform_indices = @transform_4, window_bounds = array<i64: 2, 1000, 128>}, {pipeline_mode = #tpu.pipeline_mode<synchronous>, transform_indices = @transform_5, window_bounds = array<i64: 256, 1024>}, {pipeline_mode = #tpu.pipeline_mode<synchronous>, transform_indices = @transform_6, window_bounds = array<i64: 256, 1024>}, {pipeline_mode = #tpu.pipeline_mode<synchronous>, transform_indices = @transform_7, window_bounds = array<i64: 256, 1024>}, {pipeline_mode = #tpu.pipeline_mode<synchronous>, transform_indices = @transform_8, window_bounds = array<i64: 1, 1024>}, {pipeline_mode = #tpu.pipeline_mode<synchronous>, transform_indices = @transform_9, window_bounds = array<i64: 3, 256>}, {pipeline_mode = #tpu.pipeline_mode<synchronous>, transform_indices = @transform_10, window_bounds = array<i64: 256, 256>}, {pipeline_mode = #tpu.pipeline_mode<synchronous>, transform_indices = @transform_11, window_bounds = array<i64: 1, 256>}, {transform_indices = @transform_12, window_bounds = array<i64: 1000, 256>}, {transform_indices = @transform_13, window_bounds = array<i64: 1000, 256>}, {transform_indices = @transform_14, window_bounds = array<i64: 1000, 256>}]} {
    %get3A = arith.constant 0 : index
    %get3A_0 = arith.constant 0 : index
    %get3A_1 = vector.load %arg1[%get3A, %get3A_0] : memref<1000x2xf32, #tpu.memory_space<vmem>>, vector<1000x1xf32>
    %get3A_2 = arith.constant 0 : index
    %get3A_3 = arith.constant 1 : index
    %get3A_4 = vector.load %arg1[%get3A_2, %get3A_3] : memref<1000x2xf32, #tpu.memory_space<vmem>>, vector<1000x1xf32>
    %add3A = arith.addf %get3A_1, %get3A_4 : vector<1000x1xf32>
    %gt3A = arith.constant 0.000000e+00 : f32
    %gt3A_5 = vector.broadcast %gt3A : f32 to vector<1000x1xf32>
    %gt3A_6 = arith.cmpf ogt, %add3A, %gt3A_5 : vector<1000x1xf32>
    %rsqrt3A = math.rsqrt %add3A : vector<1000x1xf32>
    %jit3A = arith.constant 0.000000e+00 : f32
    %broadcast_in_dim3A = vector.broadcast %jit3A : f32 to vector<1000x1xf32>
    %select_n3A = arith.select %gt3A_6, %rsqrt3A, %broadcast_in_dim3A : vector<1000x1xi1>, vector<1000x1xf32>
    %get3A_7 = arith.constant 0 : index
    %get3A_8 = arith.constant 0 : index
    %get3A_9 = arith.constant 0 : index
    %get3A_10 = vector.load %arg5[%get3A_7, %get3A_8, %get3A_9] : memref<2x1000x128xf32, #tpu.memory_space<vmem>>, vector<1x1000x128xf32>
    %get3A_11 = vector.shape_cast %get3A_10 : vector<1x1000x128xf32> to vector<1000x128xf32>
    %get3A_12 = arith.constant 1 : index
    %get3A_13 = arith.constant 0 : index
    %get3A_14 = arith.constant 0 : index
    %get3A_15 = vector.load %arg5[%get3A_12, %get3A_13, %get3A_14] : memref<2x1000x128xf32, #tpu.memory_space<vmem>>, vector<1x1000x128xf32>
    %get3A_16 = vector.shape_cast %get3A_15 : vector<1x1000x128xf32> to vector<1000x128xf32>
    %concatenate3A = tpu.concatenate %get3A_11, %get3A_16 in 1 : vector<1000x128xf32>, vector<1000x128xf32> -> vector<1000x256xf32>
    %neg3A = arith.constant 0.000000e+00 : f32
    %neg3A_17 = vector.broadcast %neg3A : f32 to vector<1000x1xf32>
    %neg3A_18 = arith.subf %neg3A_17, %select_n3A : vector<1000x1xf32>
    %mul3A = vector.broadcast %neg3A_18 : vector<1000x1xf32> to vector<1000x256xf32>
    %mul3A_19 = arith.mulf %concatenate3A, %mul3A : vector<1000x256xf32>
    %get3A_20 = arith.constant 0 : index
    %get3A_21 = arith.constant 0 : index
    %get3A_22 = vector.load %arg2[%get3A_20, %get3A_21] : memref<1000x256xf32, #tpu.memory_space<vmem>>, vector<1000x256xf32>
    %get3A_23 = arith.constant 0 : index
    %get3A_24 = arith.constant 0 : index
    %get3A_25 = vector.load %arg6[%get3A_23, %get3A_24] : memref<256x1024xf32, #tpu.memory_space<vmem>>, vector<256x1024xf32>
    %dot_general3A = arith.constant dense<0.000000e+00> : vector<1000x1024xf32>
    %dot_general3A_26 = tpu.matmul %get3A_22, %get3A_25, %dot_general3A {dimension_numbers = #tpu.dot_dimension_numbers<[1], [0], [0], [1], [0, 0, 1, 1], [], []>, transpose_lhs_hint = false} : vector<1000x256xf32>, vector<256x1024xf32>, vector<1000x1024xf32> -> vector<1000x1024xf32>
    %get3A_27 = arith.constant 0 : index
    %get3A_28 = arith.constant 0 : index
    %get3A_29 = vector.load %arg3[%get3A_27, %get3A_28] : memref<1000x256xf32, #tpu.memory_space<vmem>>, vector<1000x256xf32>
    %get3A_30 = arith.constant 0 : index
    %get3A_31 = arith.constant 0 : index
    %get3A_32 = vector.load %arg7[%get3A_30, %get3A_31] : memref<256x1024xf32, #tpu.memory_space<vmem>>, vector<256x1024xf32>
    %dot_general3A_33 = arith.constant dense<0.000000e+00> : vector<1000x1024xf32>
    %dot_general3A_34 = tpu.matmul %get3A_29, %get3A_32, %dot_general3A_33 {dimension_numbers = #tpu.dot_dimension_numbers<[1], [0], [0], [1], [0, 0, 1, 1], [], []>, transpose_lhs_hint = false} : vector<1000x256xf32>, vector<256x1024xf32>, vector<1000x1024xf32> -> vector<1000x1024xf32>
    %add3A_35 = arith.addf %dot_general3A_26, %dot_general3A_34 : vector<1000x1024xf32>
    %get3A_36 = arith.constant 0 : index
    %get3A_37 = arith.constant 0 : index
    %get3A_38 = vector.load %arg8[%get3A_36, %get3A_37] : memref<256x1024xf32, #tpu.memory_space<vmem>>, vector<256x1024xf32>
    %dot_general3A_39 = arith.constant dense<0.000000e+00> : vector<1000x1024xf32>
    %dot_general3A_40 = tpu.matmul %mul3A_19, %get3A_38, %dot_general3A_39 {dimension_numbers = #tpu.dot_dimension_numbers<[1], [0], [0], [1], [0, 0, 1, 1], [], []>, transpose_lhs_hint = false} : vector<1000x256xf32>, vector<256x1024xf32>, vector<1000x1024xf32> -> vector<1000x1024xf32>
    %add3A_41 = arith.addf %add3A_35, %dot_general3A_40 : vector<1000x1024xf32>
    %get3A_42 = arith.constant 0 : index
    %get3A_43 = arith.constant 0 : index
    %get3A_44 = vector.load %arg9[%get3A_42, %get3A_43] : memref<1x1024xf32, #tpu.memory_space<vmem>>, vector<1x1024xf32>
    %add3A_45 = vector.broadcast %get3A_44 : vector<1x1024xf32> to vector<1000x1024xf32>
    %add3A_46 = arith.addf %add3A_41, %add3A_45 : vector<1000x1024xf32>
    %get3A_47 = arith.constant 0 : index
    %get3A_48 = arith.constant 0 : index
    %get3A_49 = vector.load %arg4[%get3A_47, %get3A_48] : memref<1000x256xf32, #tpu.memory_space<vmem>>, vector<1000x256xf32>
    %slice3A = vector.extract_strided_slice %add3A_46 {offsets = [0, 0], sizes = [1000, 256], strides = [1, 1]} : vector<1000x1024xf32> to vector<1000x256xf32>
    %get3A_50 = arith.constant 0 : index
    %get3A_51 = arith.constant 0 : index
    %get3A_52 = vector.load %arg10[%get3A_50, %get3A_51] : memref<3x256xf32, #tpu.memory_space<vmem>>, vector<1x256xf32>
    %mul3A_53 = vector.broadcast %get3A_52 : vector<1x256xf32> to vector<1000x256xf32>
    %mul3A_54 = arith.mulf %mul3A_53, %get3A_49 : vector<1000x256xf32>
    %add3A_55 = arith.addf %slice3A, %mul3A_54 : vector<1000x256xf32>
    %logistic3A = arith.negf %add3A_55 : vector<1000x256xf32>
    %logistic3A_56 = math.exp %logistic3A : vector<1000x256xf32>
    %logistic3A_57 = arith.constant 1.000000e+00 : f32
    %logistic3A_58 = vector.broadcast %logistic3A_57 : f32 to vector<1000x256xf32>
    %logistic3A_59 = arith.addf %logistic3A_58, %logistic3A_56 : vector<1000x256xf32>
    %logistic3A_60 = arith.divf %logistic3A_58, %logistic3A_59 : vector<1000x256xf32>
    %slice3A_61 = vector.extract_strided_slice %add3A_46 {offsets = [0, 256], sizes = [1000, 256], strides = [1, 1]} : vector<1000x1024xf32> to vector<1000x256xf32>
    %get3A_62 = arith.constant 1 : index
    %get3A_63 = arith.constant 0 : index
    %get3A_64 = vector.load %arg10[%get3A_62, %get3A_63] : memref<3x256xf32, #tpu.memory_space<vmem>>, vector<1x256xf32>
    %mul3A_65 = vector.broadcast %get3A_64 : vector<1x256xf32> to vector<1000x256xf32>
    %mul3A_66 = arith.mulf %mul3A_65, %get3A_49 : vector<1000x256xf32>
    %add3A_67 = arith.addf %slice3A_61, %mul3A_66 : vector<1000x256xf32>
    %logistic3A_68 = arith.negf %add3A_67 : vector<1000x256xf32>
    %logistic3A_69 = math.exp %logistic3A_68 : vector<1000x256xf32>
    %logistic3A_70 = arith.constant 1.000000e+00 : f32
    %logistic3A_71 = vector.broadcast %logistic3A_70 : f32 to vector<1000x256xf32>
    %logistic3A_72 = arith.addf %logistic3A_71, %logistic3A_69 : vector<1000x256xf32>
    %logistic3A_73 = arith.divf %logistic3A_71, %logistic3A_72 : vector<1000x256xf32>
    %slice3A_74 = vector.extract_strided_slice %add3A_46 {offsets = [0, 512], sizes = [1000, 256], strides = [1, 1]} : vector<1000x1024xf32> to vector<1000x256xf32>
    %tanh3A = math.tanh %slice3A_74 : vector<1000x256xf32>
    %mul3A_75 = arith.mulf %logistic3A_73, %get3A_49 : vector<1000x256xf32>
    %mul3A_76 = arith.mulf %logistic3A_60, %tanh3A : vector<1000x256xf32>
    %add3A_77 = arith.addf %mul3A_75, %mul3A_76 : vector<1000x256xf32>
    %slice3A_78 = vector.extract_strided_slice %add3A_46 {offsets = [0, 768], sizes = [1000, 256], strides = [1, 1]} : vector<1000x1024xf32> to vector<1000x256xf32>
    %get3A_79 = arith.constant 2 : index
    %get3A_80 = arith.constant 0 : index
    %get3A_81 = vector.load %arg10[%get3A_79, %get3A_80] : memref<3x256xf32, #tpu.memory_space<vmem>>, vector<1x256xf32>
    %mul3A_82 = vector.broadcast %get3A_81 : vector<1x256xf32> to vector<1000x256xf32>
    %mul3A_83 = arith.mulf %mul3A_82, %add3A_77 : vector<1000x256xf32>
    %add3A_84 = arith.addf %slice3A_78, %mul3A_83 : vector<1000x256xf32>
    %logistic3A_85 = arith.negf %add3A_84 : vector<1000x256xf32>
    %logistic3A_86 = math.exp %logistic3A_85 : vector<1000x256xf32>
    %logistic3A_87 = arith.constant 1.000000e+00 : f32
    %logistic3A_88 = vector.broadcast %logistic3A_87 : f32 to vector<1000x256xf32>
    %logistic3A_89 = arith.addf %logistic3A_88, %logistic3A_86 : vector<1000x256xf32>
    %logistic3A_90 = arith.divf %logistic3A_88, %logistic3A_89 : vector<1000x256xf32>
    %tanh3A_91 = math.tanh %add3A_77 : vector<1000x256xf32>
    %mul3A_92 = arith.mulf %logistic3A_90, %tanh3A_91 : vector<1000x256xf32>
    %max3A = arith.constant 0.000000e+00 : f32
    %max3A_93 = vector.broadcast %max3A : f32 to vector<1000x256xf32>
    %max3A_94 = arith.maximumf %mul3A_92, %max3A_93 : vector<1000x256xf32>
    %get3A_95 = arith.constant 0 : index
    %get3A_96 = arith.constant 0 : index
    %get3A_97 = vector.load %arg11[%get3A_95, %get3A_96] : memref<256x256xf32, #tpu.memory_space<vmem>>, vector<256x256xf32>
    %dot_general3A_98 = arith.constant dense<0.000000e+00> : vector<1000x256xf32>
    %dot_general3A_99 = tpu.matmul %max3A_94, %get3A_97, %dot_general3A_98 {dimension_numbers = #tpu.dot_dimension_numbers<[1], [0], [0], [1], [0, 0, 1, 1], [], []>, transpose_lhs_hint = false} : vector<1000x256xf32>, vector<256x256xf32>, vector<1000x256xf32> -> vector<1000x256xf32>
    %get3A_100 = arith.constant 0 : index
    %get3A_101 = arith.constant 0 : index
    %get3A_102 = vector.load %arg12[%get3A_100, %get3A_101] : memref<1x256xf32, #tpu.memory_space<vmem>>, vector<1x256xf32>
    %add3A_103 = vector.broadcast %get3A_102 : vector<1x256xf32> to vector<1000x256xf32>
    %add3A_104 = arith.addf %dot_general3A_99, %add3A_103 : vector<1000x256xf32>
    %swap3A = arith.constant 0 : index
    %swap3A_105 = arith.constant 0 : index
    %swap3A_106 = vector.load %arg13[%swap3A, %swap3A_105] : memref<1000x256xf32, #tpu.memory_space<vmem>>, vector<1000x256xf32>
    tpu.vector_store %arg13[%swap3A, %swap3A_105], %add3A_104 {strides = array<i32>} : memref<1000x256xf32, #tpu.memory_space<vmem>>, vector<1000x256xf32>,
    %swap3A_107 = arith.constant 0 : index
    %swap3A_108 = arith.constant 0 : index
    %swap3A_109 = vector.load %arg14[%swap3A_107, %swap3A_108] : memref<1000x256xf32, #tpu.memory_space<vmem>>, vector<1000x256xf32>
    tpu.vector_store %arg14[%swap3A_107, %swap3A_108], %mul3A_92 {strides = array<i32>} : memref<1000x256xf32, #tpu.memory_space<vmem>>, vector<1000x256xf32>,
    %swap3A_110 = arith.constant 0 : index
    %swap3A_111 = arith.constant 0 : index
    %swap3A_112 = vector.load %arg15[%swap3A_110, %swap3A_111] : memref<1000x256xf32, #tpu.memory_space<vmem>>, vector<1000x256xf32>
    tpu.vector_store %arg15[%swap3A_110, %swap3A_111], %add3A_77 {strides = array<i32>} : memref<1000x256xf32, #tpu.memory_space<vmem>>, vector<1000x256xf32>,
    return
  }
  func.func @transform_0(%arg0: i32) -> (i32, i32) {
    %c0_i32 = arith.constant 0 : i32
    %c0_i32_0 = arith.constant 0 : i32
    return %arg0, %c0_i32 : i32, i32
  }
  func.func @transform_1(%arg0: i32) -> (i32, i32) {
    %c0_i32 = arith.constant 0 : i32
    %c0_i32_0 = arith.constant 0 : i32
    return %arg0, %c0_i32 : i32, i32
  }
  func.func @transform_2(%arg0: i32) -> (i32, i32) {
    %c0_i32 = arith.constant 0 : i32
    %c0_i32_0 = arith.constant 0 : i32
    return %arg0, %c0_i32 : i32, i32
  }
  func.func @transform_3(%arg0: i32) -> (i32, i32) {
    %c0_i32 = arith.constant 0 : i32
    %c0_i32_0 = arith.constant 0 : i32
    return %arg0, %c0_i32 : i32, i32
  }
  func.func @transform_4(%arg0: i32) -> (i32, i32, i32) {
    %c0_i32 = arith.constant 0 : i32
    %c0_i32_0 = arith.constant 0 : i32
    %c0_i32_1 = arith.constant 0 : i32
    return %c0_i32, %arg0, %c0_i32_0 : i32, i32, i32
  }
  func.func @transform_5(%arg0: i32) -> (i32, i32) {
    %c0_i32 = arith.constant 0 : i32
    %c0_i32_0 = arith.constant 0 : i32
    %c0_i32_1 = arith.constant 0 : i32
    return %c0_i32, %c0_i32_0 : i32, i32
  }
  func.func @transform_6(%arg0: i32) -> (i32, i32) {
    %c0_i32 = arith.constant 0 : i32
    %c0_i32_0 = arith.constant 0 : i32
    %c0_i32_1 = arith.constant 0 : i32
    return %c0_i32, %c0_i32_0 : i32, i32
  }
  func.func @transform_7(%arg0: i32) -> (i32, i32) {
    %c0_i32 = arith.constant 0 : i32
    %c0_i32_0 = arith.constant 0 : i32
    %c0_i32_1 = arith.constant 0 : i32
    return %c0_i32, %c0_i32_0 : i32, i32
  }
  func.func @transform_8(%arg0: i32) -> (i32, i32) {
    %c0_i32 = arith.constant 0 : i32
    %c0_i32_0 = arith.constant 0 : i32
    %c0_i32_1 = arith.constant 0 : i32
    return %c0_i32, %c0_i32_0 : i32, i32
  }
  func.func @transform_9(%arg0: i32) -> (i32, i32) {
    %c0_i32 = arith.constant 0 : i32
    %c0_i32_0 = arith.constant 0 : i32
    %c0_i32_1 = arith.constant 0 : i32
    return %c0_i32, %c0_i32_0 : i32, i32
  }
  func.func @transform_10(%arg0: i32) -> (i32, i32) {
    %c0_i32 = arith.constant 0 : i32
    %c0_i32_0 = arith.constant 0 : i32
    %c0_i32_1 = arith.constant 0 : i32
    return %c0_i32, %c0_i32_0 : i32, i32
  }
  func.func @transform_11(%arg0: i32) -> (i32, i32) {
    %c0_i32 = arith.constant 0 : i32
    %c0_i32_0 = arith.constant 0 : i32
    %c0_i32_1 = arith.constant 0 : i32
    return %c0_i32, %c0_i32_0 : i32, i32
  }
  func.func @transform_12(%arg0: i32) -> (i32, i32) {
    %c0_i32 = arith.constant 0 : i32
    %c0_i32_0 = arith.constant 0 : i32
    return %arg0, %c0_i32 : i32, i32
  }
  func.func @transform_13(%arg0: i32) -> (i32, i32) {
    %c0_i32 = arith.constant 0 : i32
    %c0_i32_0 = arith.constant 0 : i32
    return %arg0, %c0_i32 : i32, i32
  }
  func.func @transform_14(%arg0: i32) -> (i32, i32) {
    %c0_i32 = arith.constant 0 : i32
    %c0_i32_0 = arith.constant 0 : i32
    return %arg0, %c0_i32 : i32, i32
  }
}

</mosaic_0001>

<sc_bundles>
// kernel: kernel.6.cloned.1.call-start
scs
__scs_entry_jumppad:
0x0: {  	(pc) =	sbr.rel $0x88, $3  }
0x1: {  	(tag) =	ssettag $0x0;
	lr =	simm.s32 $0x1  }
0x2: {  	[smem:$0x3F83] =	sst lr;
	_ =	strace $0xD0000000  }
0x3: {  	_ = 	snop  }
0x4: {  	_ = 	snop  }
0x5: {  	_ = 	snop  }
0x6: {  	_ = 	snop  }
0x7: {  	_ = 	snop  }
__scs_overlays_trampoline_lowered:
0x8: {  	[smem:$0x3F92] =	sst s0  }
0x9: {  	[smem:$0x3F93] =	sst s1  }
0xa: {  	[smem:$0x3F94] =	sst s2  }
0xb: {  	[smem:$0x3F95] =	sst s3  }
0xc: {  	[smem:$0x3F96] =	sst s4  }
0xd: {  	[smem:$0x3F97] =	sst s5  }
0xe: {  	[smem:$0x3F98] =	sst s6  }
0xf: {  	[smem:$0x3F99] =	sst s7  }
0x10: {  	[smem:$0x3F9A] =	sst s8  }
0x11: {  	[smem:$0x3F9B] =	sst s9;
	s0 =	simm.s32 @!p0 $0x0  }
0x12: {  	s1 =	sld [smem:$0x3F81];
	s0 =	simm.s32 @p0 $0x1  }
0x13: {  	[smem:$0x3F9C] =	sst s0;
	s0 =	simm.s32 @!p1 $0x0  }
0x14: {  	s2 =	sld [smem:$0x3F80];
	s0 =	simm.s32 @p1 $0x1  }
0x15: {  	[smem:$0x3F9D] =	sst s0;
	s0 =	simm.s32 @!p2 $0x0  }
0x16: {  	s3 =	sld [smem:$0x3FDB];
	s0 =	simm.s32 @p2 $0x1  }
0x17: {  	s4 =	simm.s32 $0x1BF5;
	[smem:$0x3F9F] =	sst s0  }
0x18: {  	s0 =	sld [smem:$0x3F82];
	_ =	swait.ge [sflag:s4], $0x0  }
0x19: {  	s7 =	sld [smem:$0x3F83]  }
0x1a: {  	s8 =	sadd.s32 $0xFFFFE003, lr  }
0x1b: {  	s9 =	sadd.s32 $0xFFFFFEF7, lr;
	s5 =	simm.s32 $0xFFFFFFFF;
	p2 =	slt.u32 s8, $0xFFFFF086  }
0x1c: {  	p1 =	slt.u32 s9, $0xF7A;
	s5 =	simm.s32 @!p2 $0x0  }
0x1d: {  	s5 =	simm.s32 @p1 $0x1;
	p0 =	seq.s32 s7, s2  }
0x1e: {  	s7 =	smul.u32 @!p0 $0xF7A, s2;
	p2 =	seq.s32 @!p0 s5, $0x0  }
0x1f: {  	s9 =	smul.u32 $0xF7A, s1;
	s8 =	simm.s32 @!p0 $0x1BF5;
	p2 =	por !p2, p0  }
0x20: {  	[sflag:s8] =	ssyncset.s32 @!p0 $0xFFFFF086;
	s6 =	sadd.s32 @!p0 s3, s7;
	s7 =	simm.s32 @!p0 $0x108  }
0x21: {  	s3 =	sadd.s32 s3, s9;
	s6 =	sadd.s32 @!p0 $0x88, s6;
	s7 =	simm.s32 @p2 $0x1082  }
0x22: {  	[simem:s7], [sflag:s8] =	dma.local @!p0 [hbm:s6], $0xF7A  }
0x23: {  	s9 =	sor.u32 $0xD0000000, s2;
	s6 =	simm.s32 $0x108;
	_ =	swait.ge @!p0 [sflag:s8], $0x0  }
0x24: {  	s3 =	sadd.s32 $0x88, s3;
	s6 =	simm.s32 @!p1 $0x1082;
	[sflag:s4] =	ssyncset.s32 $0xFFFFF086  }
0x25: {  	[simem:s6], [sflag:s4] =	dma.local [hbm:s3], $0xF7A  }
0x26: {  	[smem:$0x3F83] =	sst s1;
	(tag) =	ssettag s2;
	_ =	strace s9  }
0x27: {  	s1 =	sld [smem:$0x3F93]  }
0x28: {  	s2 =	sld [smem:$0x3F94]  }
0x29: {  	s4 =	sld [smem:$0x3F96]  }
0x2a: {  	p0 =	seq.s32 s5, $0x0;
	s5 =	sld [smem:$0x3F97]  }
0x2b: {  	s6 =	sld [smem:$0x3F98]  }
0x2c: {  	s7 =	sld [smem:$0x3F99]  }
0x2d: {  	s3 =	simm.s32 $0x108;
	s8 =	sld [smem:$0x3F9A]  }
0x2e: {  	s3 =	simm.s32 @!p0 $0x1082;
	s9 =	sld [smem:$0x3F9B]  }
0x2f: {  	lr =	sadd.s32 s0, s3;
	s0 =	sld [smem:$0x3F92]  }
0x30: {  	s3 =	sld [smem:$0x3F95]  }
0x31: {  	[smem:$0x3F9E] =	sst s10  }
0x32: {  	s10 =	sld [smem:$0x3F9C];
	_ =	sdelay $0x3  }
0x33: {  	p0 =	seq.s32 s10, $0x1;
	s10 =	sld [smem:$0x3F9E];
	_ =	sdelay $0x3  }
0x34: {  	[smem:$0x3F9E] =	sst s10  }
0x35: {  	s10 =	sld [smem:$0x3F9D];
	_ =	sdelay $0x3  }
0x36: {  	p1 =	seq.s32 s10, $0x1;
	s10 =	sld [smem:$0x3F9E];
	_ =	sdelay $0x3  }
0x37: {  	[smem:$0x3F9E] =	sst s10  }
0x38: {  	s10 =	sld [smem:$0x3F9F]  }
0x39: {  	_ = 	snop;
	(pc) =	sbr.ind lr, $3  }
0x3a: {  	_ = 	snop  }
0x3b: {  	_ = 	snop  }
0x3c: {  	p2 =	seq.s32 s10, $0x1;
	s10 =	sld [smem:$0x3F9E]  }
0x3d: {  	_ =	shalt  }
0x3e: {  	_ =	shalt  }
0x3f: {  	_ =	shalt  }
0x40: {  	_ =	shalt  }
0x41: {  	_ =	shalt  }
0x42: {  	_ =	shalt  }
0x43: {  	_ =	shalt  }
0x44: {  	_ =	shalt  }
0x45: {  	_ =	shalt  }
0x46: {  	_ =	shalt  }
0x47: {  	_ =	shalt  }
0x48: {  	_ =	shalt  }
0x49: {  	_ =	shalt  }
0x4a: {  	_ =	shalt  }
0x4b: {  	_ =	shalt  }
0x4c: {  	_ =	shalt  }
0x4d: {  	_ =	shalt  }
0x4e: {  	_ =	shalt  }
0x4f: {  	_ =	shalt  }
0x50: {  	_ =	shalt  }
0x51: {  	_ =	shalt  }
0x52: {  	_ =	shalt  }
0x53: {  	_ =	shalt  }
0x54: {  	_ =	shalt  }
0x55: {  	_ =	shalt  }
0x56: {  	_ =	shalt  }
0x57: {  	_ =	shalt  }
0x58: {  	_ =	shalt  }
0x59: {  	_ =	shalt  }
0x5a: {  	_ =	shalt  }
0x5b: {  	_ =	shalt  }
0x5c: {  	_ =	shalt  }
0x5d: {  	_ =	shalt  }
0x5e: {  	_ =	shalt  }
0x5f: {  	_ =	shalt  }
0x60: {  	_ =	shalt  }
0x61: {  	_ =	shalt  }
0x62: {  	_ =	shalt  }
0x63: {  	_ =	shalt  }
0x64: {  	_ =	shalt  }
0x65: {  	_ =	shalt  }
0x66: {  	_ =	shalt  }
0x67: {  	_ =	shalt  }
0x68: {  	_ =	shalt  }
0x69: {  	_ =	shalt  }
0x6a: {  	_ =	shalt  }
0x6b: {  	_ =	shalt  }
0x6c: {  	_ =	shalt  }
0x6d: {  	_ =	shalt  }
0x6e: {  	_ =	shalt  }
0x6f: {  	_ =	shalt  }
0x70: {  	_ =	shalt  }
0x71: {  	_ =	shalt  }
0x72: {  	_ =	shalt  }
0x73: {  	_ =	shalt  }
0x74: {  	_ =	shalt  }
0x75: {  	_ =	shalt  }
0x76: {  	_ =	shalt  }
0x77: {  	_ =	shalt  }
0x78: {  	_ =	shalt  }
0x79: {  	_ =	shalt  }
0x7a: {  	_ =	shalt  }
0x7b: {  	_ =	shalt  }
0x7c: {  	_ =	shalt  }
0x7d: {  	_ =	shalt  }
0x7e: {  	_ =	shalt  }
0x7f: {  	_ =	shalt  }
0x80: {  	_ =	shalt  }
0x81: {  	_ =	shalt  }
0x82: {  	_ =	shalt  }
0x83: {  	_ =	shalt  }
0x84: {  	_ =	shalt  }
0x85: {  	_ =	shalt  }
0x86: {  	_ =	shalt  }
0x87: {  	_ =	shalt  }
.Lfunc_end0:
.L_simem_size_0:
called_computation_lowered:
.L_overlay_start_0:
0x88: {  	s2 =	sld [smem:$0x3FD9]  }
0x89: {  	s3 =	sld [smem:$0x3FFE];
	_ =	sdelay $0x1  }
0x8a: {  	s1 =	srdreg.scid  }
0x8b: {  	s0 =	sand.u32 $0x1, s1  }
0x8c: {  	s14 =	sshll.u32 s0, $0xA;
	s2 =	sadd.s32 s3, s2  }
0x8d: {  	s2 =	sadd.s32 s2, s14  }
0x8e: {  	[smem:$0x3FAA] =	sst s2  }
0x8f: {  	_ = 	snop  }
0x90: {  	s2 =	sld [smem:$0x3FD0];
	_ =	sdelay $0x2  }
0x91: {  	s15 =	simm.s32 $0xA;
	s4 =	simm.s32 $0x10  }
0x92: {  	[smem:s4], [sflag:s15] =	dma.local [hbm:s2], $0x1  }
0x93: {  	_ =	swait.eq [sflag:s15], $0x1  }
0x94: {  	s16 =	sld [smem:$0x10];
	[sflag:s15] =	ssyncset.done $0x0  }
0x95: {  	s17 =	sld [smem:$0x11];
	[sflag:s15] =	ssyncadd.s32 $0xFFFFFFFF  }
0x96: {  	s18 =	sld [smem:$0x12];
	(tm) =	ssettm $0x1  }
0x97: {  	s5 =	sld [smem:$0x3FFB];
	_ =	sdelay $0x3  }
0x98: {  	_ =	strace s5  }
0x99: {  	s5 =	sld [smem:$0x3FFC];
	_ =	sdelay $0x3  }
0x9a: {  	_ =	strace s5  }
0x9b: {  	s5 =	sld [smem:$0x3FFD];
	_ =	sdelay $0x3  }
0x9c: {  	_ =	strace s5  }
0x9d: {  	_ =	strace $0x8FFFFFFF  }
0x9e: {  	s19 =	sld [smem:$0x3FDB];
	_ =	sdelay $0x1  }
0x9f: {  	s6 =	simm.s32 $_scs_section_size  }
0xa0: {  	s7 =	simm.s32 $_size__tile_overlayer_lowered;
	s8 =	simm.s32 $_tile_overlayer_lowered  }
0xa1: {  	s22 =	simm.s32 $0x1BFF;
	s21 =	sshll.u32 s8, $0x1;
	s5 =	sadd.s32 s6, s19  }
0xa2: {  	s9 =	simm.s32 $0x0;
	s20 =	sshll.u32 s7, $0x1;
	s7 =	sadd.s32 s21, s5  }
0xa3: {  	[timem:s9], [sflag:s22] =	dma.local [hbm:s7], s20  }
0xa4: {  	_ =	swait.ge [sflag:s22], s20  }
0xa5: {  	s6 =	ssub.s32 $0x0, s20;
	[sflag:s22] =	ssyncset.done $0x0  }
0xa6: {  	[sflag:s22] =	ssyncadd.s32 s6;
	_ =	sdelay $0x1  }
0xa7: {  	s23 =	simm.s32 $0x1B8B  }
0xa8: {  	_ =	swait.ge [sflag:s23], $0x1  }
0xa9: {  	[sflag:s23] =	ssyncset.done $0x0  }
0xaa: {  	s25 =	simm.s32 $0x1B8E;
	s24 =	sld [smem:$0x3FFE];
	[sflag:s23] =	ssyncadd.s32 $0xFFFFFFFF  }
0xab: {  	s26 =	simm.s32 $execute0_lowered;
	[smem:$0x3FD2] =	sst s25  }
0xac: {  	s7 =	sshll.u32 s26, $0x1;
	_ =	strace $0x80000046;
	[dreg:$0x1] =	wrdreg $0xFFFFFFFF  }
0xad: {  	s28 =	simm.s32 $_size_execute0_lowered;
	s5 =	sadd.s32 s5, s7;
	[dreg:$0x0] =	wrdreg $0x0  }
0xae: {  	s7 =	sshll.u32 s28, $0x1;
	[dreg:$0x2] =	wrdreg s5  }
0xaf: {  	[dreg:$0x3] =	wrdreg s7  }
0xb0: {  	[dreg:$0x4] =	wrdreg $0xC0  }
0xb1: {  	_ =	task [dreg:s9], $0x5FFFF  }
0xb2: {  	[dreg:$0x1] =	wrdreg $0xFFFFFFFF  }
0xb3: {  	[dreg:$0x0] =	wrdreg $0x60  }
0xb4: {  	[dreg:$0x2] =	wrdreg s18  }
0xb5: {  	[dreg:$0x3] =	wrdreg s17  }
0xb6: {  	[dreg:$0x4] =	wrdreg s24  }
0xb7: {  	[dreg:$0x5] =	wrdreg s16  }
0xb8: {  	[dreg:$0x6] =	wrdreg $0xA2800  }
0xb9: {  	[dreg:$0x7] =	wrdreg $0x9  }
0xba: {  	_ =	task.clear_ibuf [dreg:s9], $0x8FFFF;
	_ =	strace $0x90000046  }
0xbb: {  	s29 =	simm.s32 $0x9;
	_ =	strace $0x80000048  }
0xbc: {  	_ =	swait.ge [sflag:s29], $0x1  }
0xbd: {  	[sflag:s29] =	ssyncadd.s32 $0xFFFFFFFF  }
0xbe: {  	_ =	strace $0x90000048  }
0xbf: {  	_ =	sfence  }
0xc0: {  	s30 =	sld [smem:$0x0];
	_ =	sdelay $0x2  }
0xc1: {  	s31 =	sshll.u32 s1, $0xD;
	s1 =	sshrl.u32 s1, $0x2  }
0xc2: {  	s3 =	sand.u32 $0x4000, s31;
	s1 =	sadd.s32 s1, s30  }
0xc3: {  	s0 =	sor.u32 s3, s0;
	s1 =	sshll.u32 s1, $0x11  }
0xc4: {  	s0 =	sor.u32 s1, s0  }
0xc5: {  	s0 =	sadd.s32 $0x8F2B, s0  }
0xc6: {  	[sflag:s0] =	ssyncadd.remote.s32 $0x1  }
0xc7: {  	_ =	sfence.sel $0xFFFF  }
0xc8: {  	[dreg:$0x0] =	wrdreg $0xFFFFFFFF;
	(pc) =	sbr.abs _section_cstart, $3  }
0xc9: {  	[dreg:$0x1] =	wrdreg $0xFFFFFFFF  }
0xca: {  	_ =	task.clear_ibuf [dreg:s9], $0x2FFFF;
	_ =	strace $0x9FFFFFFF  }
0xcb: {  	(tm) =	ssettm $0x7FFFFFFF  }
tec
execute0_lowered:
.L_overlay_start_1:
0x0: {  	(tag) =	ssettag $0x1  }
0x1: {  	s4 =	rddreg [dreg:$0x0]  }
0x2: {  	s5 =	rddreg [dreg:$0x1]  }
0x3: {  	s6 =	rddreg [dreg:$0x2]  }
0x4: {  	s7 =	rddreg [dreg:$0x3]  }
0x5: {  	s2 =	rddreg [dreg:$0x4]  }
0x6: {  	s0 =	rddreg [dreg:$0x5];
	s8 =	srdreg.scid  }
0x7: {  	s1 =	stileid.u32;
	s3 =	simm.s32 $0x0;
	s13 =	simm.s32 $0x40  }
0x8: {  	s14 =	simm.s32 $0x1;
	s15 =	simm.s32 $0x7800;
	s16 =	simm.s32 $0x80  }
0x9: {  	s17 =	simm.s32 $0x100;
	s18 =	simm.s32 $0x0;
	s9 =	smul.u32 $0x500, s1  }
0xa: {  	s8 =	sand.u32 $0x1, s8;
	[smem:$0x7FF] =	sst s3;
	s11 =	smul.u32 $0xA00, s1  }
0xb: {  	s10 =	sshll.u32 s8, $0x7;
	_ =	strace $0x80000047;
	s30 =	sshll.u32 s8, $0x4  }
0xc: {  	s8 =	ssub.s32 $0x2, s8;
	s9 =	sor.u32 s10, s9;
	s10 =	sor.u32 s1, s30  }
0xd: {  	s12 =	sshrl.u32 s8, $0x1;
	s31 =	sshrl.u32 s11, $0x2;
	s10 =	smul.u32 $0x500, s10  }
0xe: {  	s11 =	simm.s32 $0x2800;
	s9 =	sshrl.u32 s9, $0x3;
	s12 =	ssub.s32 s8, s12  }
0xf: {  	s9 =	sadd.s32 s9, s6;
	s6 =	sadd.s32 s31, s2;
	s4 =	sadd.s32 s4, s10  }
0x10: {  	s5 =	sadd.s32 s5, s10;
	s7 =	sadd.s32 s7, s10;
	s8 =	sadd.s32 $0x4E00, s9  }
0x11: {  	v0 =	vimm.f32 $0.0e+00;
	v1 =	vimm.f32 $1.000000000e+00;
	s9 =	smax.u32 s12, $0x1;
	s10 =	simm.s32 $0x2;
	s12 =	simm.s32 $0xA000  }
.LBB2_1:
0x12: {  	[tilespmem:s3], [sflag:$0x2] =	stream.linear.gather [hbm4b:s4+s3], $0x2780, $0x38;
	[tilespmem:$0xA500] =	vst v63  }
0x13: {  	_ =	swait.ge [sflag:s10], $0x2780  }
0x14: {  	[sflag:s10] =	ssyncset.done $0x0  }
0x15: {  	[sflag:s10] =	ssyncadd.s32 $0xFFFFD880  }
0x16: {  	[tilespmem:s11], [sflag:$0x2] =	stream.linear.gather [hbm4b:s5+s3], $0x2780, $0x38;
	[tilespmem:$0xA500] =	vst v63  }
0x17: {  	_ =	swait.ge [sflag:s10], $0x2780  }
0x18: {  	[sflag:s10] =	ssyncset.done $0x0  }
0x19: {  	[sflag:s10] =	ssyncadd.s32 $0xFFFFD880  }
0x1a: {  	[tilespmem:$0xA000] =	vst v0  }
0x1b: {  	[tilespmem:$0xA010] =	vst v0  }
0x1c: {  	[tilespmem:$0xA020] =	vst v0  }
0x1d: {  	[tilespmem:$0xA030] =	vst v0  }
0x1e: {  	[tilespmem:$0xA040] =	vst v0  }
0x1f: {  	[tilespmem:$0xA050] =	vst v0  }
0x20: {  	[tilespmem:$0xA060] =	vst v0  }
0x21: {  	[tilespmem:$0xA070] =	vst v0  }
0x22: {  	[tilespmem:$0xA080] =	vst v0  }
0x23: {  	[tilespmem:$0xA090] =	vst v0  }
0x24: {  	[tilespmem:$0xA0A0] =	vst v0  }
0x25: {  	[tilespmem:$0xA0B0] =	vst v0  }
0x26: {  	[tilespmem:$0xA0C0] =	vst v0  }
0x27: {  	[tilespmem:$0xA0D0] =	vst v0  }
0x28: {  	[tilespmem:$0xA0E0] =	vst v0  }
0x29: {  	[tilespmem:$0xA0F0] =	vst v0  }
0x2a: {  	[tilespmem:$0xA100] =	vst v0  }
0x2b: {  	[tilespmem:$0xA110] =	vst v0  }
0x2c: {  	[tilespmem:$0xA120] =	vst v0  }
0x2d: {  	[tilespmem:$0xA130] =	vst v0  }
0x2e: {  	[tilespmem:$0xA140] =	vst v0  }
0x2f: {  	[tilespmem:$0xA150] =	vst v0  }
0x30: {  	[tilespmem:$0xA160] =	vst v0  }
0x31: {  	[tilespmem:$0xA170] =	vst v0  }
0x32: {  	[tilespmem:$0xA180] =	vst v0  }
0x33: {  	[tilespmem:$0xA190] =	vst v0  }
0x34: {  	[tilespmem:$0xA1A0] =	vst v0  }
0x35: {  	[tilespmem:$0xA1B0] =	vst v0  }
0x36: {  	[tilespmem:$0xA1C0] =	vst v0  }
0x37: {  	[tilespmem:$0xA1D0] =	vst v0  }
0x38: {  	[tilespmem:$0xA1E0] =	vst v0  }
0x39: {  	[tilespmem:$0xA1F0] =	vst v0  }
0x3a: {  	[tilespmem:$0xA200] =	vst v0  }
0x3b: {  	[tilespmem:$0xA210] =	vst v0  }
0x3c: {  	[tilespmem:$0xA220] =	vst v0  }
0x3d: {  	[tilespmem:$0xA230] =	vst v0  }
0x3e: {  	[tilespmem:$0xA240] =	vst v0  }
0x3f: {  	[tilespmem:$0xA250] =	vst v0  }
0x40: {  	[tilespmem:$0xA260] =	vst v0  }
0x41: {  	[tilespmem:$0xA270] =	vst v0  }
0x42: {  	[spmem:s6] =	stream.linear.scatter [tilespmem:s12], [sflag:$0x2], $0x280, $0x38;
	[tilespmem:$0xA500] =	vst v63  }
0x43: {  	_ =	swait.ge [sflag:s10], $0x280  }
0x44: {  	[sflag:s10] =	ssyncset.done $0x0  }
0x45: {  	[sflag:s10] =	ssyncadd.s32 $0xFFFFFD80  }
0x46: {  	s20 =	simm.s32 $0x0;
	[bflag:$0x0] =	sbarrier.arrive $0xFFFF  }
0x47: {  	v2 =	vld [tilespmem:s20+$0x30]  }
0x48: {  	v5 =	vld [tilespmem:s20+$0x2830]  }
0x49: {  	v9 =	vld [tilespmem:s20+$0x0]  }
0x4a: {  	v7 =	vld [tilespmem:s20+$0x2800]  }
0x4b: {  	v6 =	vld [tilespmem:s20+$0x10]  }
0x4c: {  	v3 =	vld [tilespmem:s20+$0x2810]  }
0x4d: {  	v4 =	vld [tilespmem:s20+$0x20];
	vm0 =	veq.s32 v2, v5  }
0x4e: {  	s19 =	simm.s32 $0x80;
	v2 =	vld [tilespmem:s20+$0x2820];
	v10 =	vsel vm0, $0x2710, v5  }
0x4f: {  	s21 =	simm.s32 $0x400;
	v5 =	vld [tilespmem:s19+$0x30];
	v8 =	vsel vm0, $0x0, v1;
	vm0 =	veq.s32 v9, v7;
	[tilespmem:s20+$0x7830] =	vst v10  }
.LBB2_2:
0x50: {  	p0 =	sne.s32 s21, $0x9C00;
	v9 =	vld [tilespmem:s19+$0x2830];
	v10 =	vsel vm0, $0x0, v1;
	v11 =	vsel vm0, $0x2710, v7;
	[tilespmem:s20+$0x5030] =	vst v8  }
0x51: {  	v12 =	vld [tilespmem:s19+$0x0];
	[tilespmem:s20+$0x5000] =	vst v10;
	vm0 =	veq.s32 v6, v3  }
0x52: {  	v7 =	vld [tilespmem:s19+$0x2800];
	[tilespmem:s20+$0x7800] =	vst v11;
	v8 =	vsel vm0, $0x0, v1;
	v10 =	vsel vm0, $0x2710, v3  }
.Ltmp0:
0x53: {  	v6 =	vld [tilespmem:s19+$0x10];
	[tilespmem:s20+$0x5010] =	vst v8;
	vm0 =	veq.s32 v4, v2;
	(pc) =	sbr.rel @p0 .LBB2_2-.Ltmp0, $4  }
0x54: {  	v3 =	vld [tilespmem:s19+$0x2810];
	[tilespmem:s20+$0x7810] =	vst v10;
	v8 =	vsel vm0, $0x0, v1;
	v10 =	vsel vm0, $0x2710, v2  }
0x55: {  	v4 =	vld [tilespmem:s19+$0x20];
	vm0 =	veq.s32 v5, v9;
	[tilespmem:s20+$0x5020] =	vst v8  }
0x56: {  	v2 =	vld [tilespmem:s19+$0x2820];
	v8 =	vsel vm0, $0x0, v1;
	v9 =	vsel vm0, $0x2710, v9;
	[tilespmem:s20+$0x7820] =	vst v10;
	s20 =	smov.u32 s19;
	s19 =	sshra.s32 s21, $0x2  }
0x57: {  	s21 =	sadd.s32 $0x200, s21;
	v5 =	vld [tilespmem:s19+$0x30];
	vm0 =	veq.s32 v12, v7;
	[tilespmem:s20+$0x7830] =	vst v9  }
0x58: {  	v9 =	vld [tilespmem:s19+$0x2830];
	[tilespmem:s20+$0x5030] =	vst v8;
	v60 =	vsel vm0, $0x0, v1  }
0x59: {  	v7 =	vsel vm0, $0x2710, v7;
	v10 =	vld [tilespmem:s19+$0x0];
	[tilespmem:s20+$0x5000] =	vst v60;
	vm10 =	veq.s32 v6, v3  }
0x5a: {  	v8 =	vld [tilespmem:s19+$0x2800];
	[tilespmem:s20+$0x7800] =	vst v7;
	v6 =	vsel vm10, $0x0, v1  }
0x5b: {  	v3 =	vsel vm10, $0x2710, v3;
	v7 =	vld [tilespmem:s19+$0x10];
	[tilespmem:s20+$0x5010] =	vst v6;
	vm11 =	veq.s32 v4, v2  }
0x5c: {  	v6 =	vld [tilespmem:s19+$0x2810];
	[tilespmem:s20+$0x7810] =	vst v3;
	v3 =	vsel vm11, $0x0, v1  }
0x5d: {  	v2 =	vsel vm11, $0x2710, v2;
	v61 =	vld [tilespmem:s19+$0x20];
	[tilespmem:s20+$0x5020] =	vst v3;
	vm12 =	veq.s32 v5, v9  }
0x5e: {  	v3 =	vld [tilespmem:s19+$0x2820];
	v5 =	vsel vm12, $0x2710, v9;
	[tilespmem:s20+$0x7820] =	vst v2  }
0x5f: {  	v2 =	vsel vm12, $0x0, v1;
	vm13 =	veq.s32 v10, v8;
	[tilespmem:s19+$0x7830] =	vst v5  }
0x60: {  	[tilespmem:s19+$0x5030] =	vst v2;
	v62 =	vsel vm13, $0x0, v1  }
0x61: {  	v2 =	vsel vm13, $0x2710, v8;
	[tilespmem:s19+$0x5000] =	vst v62;
	vm14 =	veq.s32 v7, v6  }
0x62: {  	[tilespmem:s19+$0x7800] =	vst v2;
	v2 =	vsel vm14, $0x0, v1  }
0x63: {  	v63 =	vsel vm14, $0x2710, v6;
	[tilespmem:s19+$0x5010] =	vst v2;
	vm15 =	veq.s32 v61, v3  }
0x64: {  	[tilespmem:s19+$0x7810] =	vst v63;
	v2 =	vsel vm15, $0x0, v1  }
0x65: {  	v3 =	vsel vm15, $0x2710, v3;
	[tilespmem:s19+$0x5020] =	vst v2  }
0x66: {  	[tilespmem:s19+$0x7820] =	vst v3;
	s19 =	simm.s32 $0x0  }
.LBB2_4:
0x67: {  	p0 =	sne.s32 s19, $0x9C00  }
.Ltmp1:
0x68: {  	_ = 	snop;
	(pc) =	sbr.rel @p0 .LBB2_4-.Ltmp1, $4  }
0x69: {  	_ = 	snop  }
0x6a: {  	s20 =	sshra.s32 s19, $0x2  }
0x6b: {  	s19 =	sadd.s32 $0x200, s19;
	s21 =	sadd.s32 $0x5000, s20  }
0x6c: {  	[spmem:s2] =	stream.indirect.scatter.add.f32 [tilespmem:s21], [sflag:$0x1], $0x1, s20, s13, $0xb8;
	[tilespmem:$0xA500] =	vst v63  }
0x6d: {  	_ =	swait.ge [sflag:s14], $0x40  }
0x6e: {  	s19 =	simm.s32 $0x4E;
	[sflag:s14] =	ssyncset.done $0x0  }
.LBB2_6:
0x6f: {  	p0 =	sne.s32 s19, $0x1;
	s19 =	sadd.s32 $0xFFFFFFFF, s19;
	[sflag:s14] =	ssyncadd.s32 $0xFFFFFFC0  }
.Ltmp2:
0x70: {  	(pc) =	sbr.rel @p0 .LBB2_6-.Ltmp2, $3  }
0x71: {  	_ =	sdelay $0x1  }
0x72: {  	_ =	swait.ge [sflag:s14], $0x40  }
0x73: {  	[sflag:s14] =	ssyncset.done $0x0  }
0x74: {  	[sflag:s14] =	ssyncadd.s32 $0xFFFFFFC0  }
0x75: {  	[bflag:$0x0] =	sbarrier.arrive $0xFFFF  }
0x76: {  	[hbm4b:s7+s3] =	stream.linear.scatter [tilespmem:s15], [sflag:$0x2], $0x2780, $0x38;
	[tilespmem:$0xA500] =	vst v63  }
0x77: {  	_ =	swait.ge [sflag:s10], $0x2780  }
0x78: {  	[sflag:s10] =	ssyncset.done $0x0  }
0x79: {  	[sflag:s10] =	ssyncadd.s32 $0xFFFFD880  }
0x7a: {  	[tilespmem:s12], [sflag:$0x2] =	stream.linear.gather [spmem:s6], $0x280, $0x38;
	[tilespmem:$0xA500] =	vst v63  }
0x7b: {  	s18 =	sadd.s32 $0x1, s18;
	_ =	swait.ge [sflag:s10], $0x280  }
0x7c: {  	p0 =	sne.s32 s18, s9;
	[sflag:s10] =	ssyncset.done $0x0  }
.Ltmp3:
0x7d: {  	[sflag:s10] =	ssyncadd.s32 $0xFFFFFD80;
	(pc) =	sbr.rel @p0 .LBB2_1-.Ltmp3, $4  }
0x7e: {  	[hbm4b:s8+s16] =	stream.strided.scatter [tilespmem:s12], [sflag:$0x2], $0x280, s17, s16, $0x38;
	[tilespmem:$0xA500] =	vst v63  }
0x7f: {  	_ =	swait.ge [sflag:s10], $0x280  }
0x80: {  	[sflag:s10] =	ssyncset.done $0x0  }
0x81: {  	[sflag:s10] =	ssyncadd.s32 $0xFFFFFD80  }
0x82: {  	_ =	sfence.sel $0x180000  }
0x83: {  	[bflag:$0x0] =	sbarrier.arrive $0xFFFF  }
0x84: {  	p0 =	sne.s32 s1, $0x0;
	_ =	strace $0x90000047  }
0x85: {  	s0 =	sadd.s32 @!p0 $0x100000, s0;
	[bflag:$0x2] =	sbarrier.arrive $0xFFFF  }
0x86: {  	[sflag:s0] =	ssyncadd.tile.s32 @!p0 $0x1;
	_ =	shalt  }
.Lfunc_end2:
_tile_overlayer_lowered:
.L_overlay_start_2:
0x87: {  	(tag) =	ssettag $0x2  }
0x88: {  	s0 =	rddreg [dreg:$0x0];
	s2 =	stileid.u32  }
0x89: {  	s1 =	rddreg [dreg:$0x1];
	p0 =	sne.s32 s2, $0x0  }
0x8a: {  	s3 =	rddreg [dreg:$0x2];
	[bflag:$0x3] =	sbarrier.arrive $0xFFFF;
	s2 =	simm.s32 @!p0 $0x1C02  }
0x8b: {  	[timem:s3], [sflag:s2] =	dma.local @!p0 [hbm:s0], s1  }
0x8c: {  	s0 =	simm.s32 @!p0 $0x2  }
0x8d: {  	_ =	swait.ge @!p0 [sflag:s0], s1  }
0x8e: {  	s1 =	ssub.s32 @!p0 $0x0, s1;
	[sflag:s0] =	ssyncset.done @!p0 $0x0  }
0x8f: {  	[sflag:s0] =	ssyncadd.s32 @!p0 s1  }
0x90: {  	[bflag:$0x3] =	sbarrier.arrive $0xFFFF  }
0x91: {  	_ =	shalt  }

// kernel: kernel.9.cloned.1.call-start
scs
__scs_entry_jumppad:
0x0: {  	(pc) =	sbr.rel $0x88, $3  }
0x1: {  	(tag) =	ssettag $0x0;
	lr =	simm.s32 $0x1  }
0x2: {  	[smem:$0x3F83] =	sst lr;
	_ =	strace $0xD0000000  }
0x3: {  	_ = 	snop  }
0x4: {  	_ = 	snop  }
0x5: {  	_ = 	snop  }
0x6: {  	_ = 	snop  }
0x7: {  	_ = 	snop  }
__scs_overlays_trampoline_lowered:
0x8: {  	[smem:$0x3F92] =	sst s0  }
0x9: {  	[smem:$0x3F93] =	sst s1  }
0xa: {  	[smem:$0x3F94] =	sst s2  }
0xb: {  	[smem:$0x3F95] =	sst s3  }
0xc: {  	[smem:$0x3F96] =	sst s4  }
0xd: {  	[smem:$0x3F97] =	sst s5  }
0xe: {  	[smem:$0x3F98] =	sst s6  }
0xf: {  	[smem:$0x3F99] =	sst s7  }
0x10: {  	[smem:$0x3F9A] =	sst s8  }
0x11: {  	[smem:$0x3F9B] =	sst s9;
	s0 =	simm.s32 @!p0 $0x0  }
0x12: {  	s1 =	sld [smem:$0x3F81];
	s0 =	simm.s32 @p0 $0x1  }
0x13: {  	[smem:$0x3F9C] =	sst s0;
	s0 =	simm.s32 @!p1 $0x0  }
0x14: {  	s2 =	sld [smem:$0x3F80];
	s0 =	simm.s32 @p1 $0x1  }
0x15: {  	[smem:$0x3F9D] =	sst s0;
	s0 =	simm.s32 @!p2 $0x0  }
0x16: {  	s3 =	sld [smem:$0x3FDB];
	s0 =	simm.s32 @p2 $0x1  }
0x17: {  	s4 =	simm.s32 $0x1BF5;
	[smem:$0x3F9F] =	sst s0  }
0x18: {  	s0 =	sld [smem:$0x3F82];
	_ =	swait.ge [sflag:s4], $0x0  }
0x19: {  	s7 =	sld [smem:$0x3F83]  }
0x1a: {  	s8 =	sadd.s32 $0xFFFFE003, lr  }
0x1b: {  	s9 =	sadd.s32 $0xFFFFFEF7, lr;
	s5 =	simm.s32 $0xFFFFFFFF;
	p2 =	slt.u32 s8, $0xFFFFF086  }
0x1c: {  	p1 =	slt.u32 s9, $0xF7A;
	s5 =	simm.s32 @!p2 $0x0  }
0x1d: {  	s5 =	simm.s32 @p1 $0x1;
	p0 =	seq.s32 s7, s2  }
0x1e: {  	s7 =	smul.u32 @!p0 $0xF7A, s2;
	p2 =	seq.s32 @!p0 s5, $0x0  }
0x1f: {  	s9 =	smul.u32 $0xF7A, s1;
	s8 =	simm.s32 @!p0 $0x1BF5;
	p2 =	por !p2, p0  }
0x20: {  	[sflag:s8] =	ssyncset.s32 @!p0 $0xFFFFF086;
	s6 =	sadd.s32 @!p0 s3, s7;
	s7 =	simm.s32 @!p0 $0x108  }
0x21: {  	s3 =	sadd.s32 s3, s9;
	s6 =	sadd.s32 @!p0 $0x88, s6;
	s7 =	simm.s32 @p2 $0x1082  }
0x22: {  	[simem:s7], [sflag:s8] =	dma.local @!p0 [hbm:s6], $0xF7A  }
0x23: {  	s9 =	sor.u32 $0xD0000000, s2;
	s6 =	simm.s32 $0x108;
	_ =	swait.ge @!p0 [sflag:s8], $0x0  }
0x24: {  	s3 =	sadd.s32 $0x88, s3;
	s6 =	simm.s32 @!p1 $0x1082;
	[sflag:s4] =	ssyncset.s32 $0xFFFFF086  }
0x25: {  	[simem:s6], [sflag:s4] =	dma.local [hbm:s3], $0xF7A  }
0x26: {  	[smem:$0x3F83] =	sst s1;
	(tag) =	ssettag s2;
	_ =	strace s9  }
0x27: {  	s1 =	sld [smem:$0x3F93]  }
0x28: {  	s2 =	sld [smem:$0x3F94]  }
0x29: {  	s4 =	sld [smem:$0x3F96]  }
0x2a: {  	p0 =	seq.s32 s5, $0x0;
	s5 =	sld [smem:$0x3F97]  }
0x2b: {  	s6 =	sld [smem:$0x3F98]  }
0x2c: {  	s7 =	sld [smem:$0x3F99]  }
0x2d: {  	s3 =	simm.s32 $0x108;
	s8 =	sld [smem:$0x3F9A]  }
0x2e: {  	s3 =	simm.s32 @!p0 $0x1082;
	s9 =	sld [smem:$0x3F9B]  }
0x2f: {  	lr =	sadd.s32 s0, s3;
	s0 =	sld [smem:$0x3F92]  }
0x30: {  	s3 =	sld [smem:$0x3F95]  }
0x31: {  	[smem:$0x3F9E] =	sst s10  }
0x32: {  	s10 =	sld [smem:$0x3F9C];
	_ =	sdelay $0x3  }
0x33: {  	p0 =	seq.s32 s10, $0x1;
	s10 =	sld [smem:$0x3F9E];
	_ =	sdelay $0x3  }
0x34: {  	[smem:$0x3F9E] =	sst s10  }
0x35: {  	s10 =	sld [smem:$0x3F9D];
	_ =	sdelay $0x3  }
0x36: {  	p1 =	seq.s32 s10, $0x1;
	s10 =	sld [smem:$0x3F9E];
	_ =	sdelay $0x3  }
0x37: {  	[smem:$0x3F9E] =	sst s10  }
0x38: {  	s10 =	sld [smem:$0x3F9F]  }
0x39: {  	_ = 	snop;
	(pc) =	sbr.ind lr, $3  }
0x3a: {  	_ = 	snop  }
0x3b: {  	_ = 	snop  }
0x3c: {  	p2 =	seq.s32 s10, $0x1;
	s10 =	sld [smem:$0x3F9E]  }
0x3d: {  	_ =	shalt  }
0x3e: {  	_ =	shalt  }
0x3f: {  	_ =	shalt  }
0x40: {  	_ =	shalt  }
0x41: {  	_ =	shalt  }
0x42: {  	_ =	shalt  }
0x43: {  	_ =	shalt  }
0x44: {  	_ =	shalt  }
0x45: {  	_ =	shalt  }
0x46: {  	_ =	shalt  }
0x47: {  	_ =	shalt  }
0x48: {  	_ =	shalt  }
0x49: {  	_ =	shalt  }
0x4a: {  	_ =	shalt  }
0x4b: {  	_ =	shalt  }
0x4c: {  	_ =	shalt  }
0x4d: {  	_ =	shalt  }
0x4e: {  	_ =	shalt  }
0x4f: {  	_ =	shalt  }
0x50: {  	_ =	shalt  }
0x51: {  	_ =	shalt  }
0x52: {  	_ =	shalt  }
0x53: {  	_ =	shalt  }
0x54: {  	_ =	shalt  }
0x55: {  	_ =	shalt  }
0x56: {  	_ =	shalt  }
0x57: {  	_ =	shalt  }
0x58: {  	_ =	shalt  }
0x59: {  	_ =	shalt  }
0x5a: {  	_ =	shalt  }
0x5b: {  	_ =	shalt  }
0x5c: {  	_ =	shalt  }
0x5d: {  	_ =	shalt  }
0x5e: {  	_ =	shalt  }
0x5f: {  	_ =	shalt  }
0x60: {  	_ =	shalt  }
0x61: {  	_ =	shalt  }
0x62: {  	_ =	shalt  }
0x63: {  	_ =	shalt  }
0x64: {  	_ =	shalt  }
0x65: {  	_ =	shalt  }
0x66: {  	_ =	shalt  }
0x67: {  	_ =	shalt  }
0x68: {  	_ =	shalt  }
0x69: {  	_ =	shalt  }
0x6a: {  	_ =	shalt  }
0x6b: {  	_ =	shalt  }
0x6c: {  	_ =	shalt  }
0x6d: {  	_ =	shalt  }
0x6e: {  	_ =	shalt  }
0x6f: {  	_ =	shalt  }
0x70: {  	_ =	shalt  }
0x71: {  	_ =	shalt  }
0x72: {  	_ =	shalt  }
0x73: {  	_ =	shalt  }
0x74: {  	_ =	shalt  }
0x75: {  	_ =	shalt  }
0x76: {  	_ =	shalt  }
0x77: {  	_ =	shalt  }
0x78: {  	_ =	shalt  }
0x79: {  	_ =	shalt  }
0x7a: {  	_ =	shalt  }
0x7b: {  	_ =	shalt  }
0x7c: {  	_ =	shalt  }
0x7d: {  	_ =	shalt  }
0x7e: {  	_ =	shalt  }
0x7f: {  	_ =	shalt  }
0x80: {  	_ =	shalt  }
0x81: {  	_ =	shalt  }
0x82: {  	_ =	shalt  }
0x83: {  	_ =	shalt  }
0x84: {  	_ =	shalt  }
0x85: {  	_ =	shalt  }
0x86: {  	_ =	shalt  }
0x87: {  	_ =	shalt  }
.Lfunc_end0:
.L_simem_size_0:
called_computation.1_lowered:
.L_overlay_start_0:
0x88: {  	s2 =	sld [smem:$0x3FD9]  }
0x89: {  	s3 =	sld [smem:$0x3FFE];
	_ =	sdelay $0x1  }
0x8a: {  	s1 =	srdreg.scid  }
0x8b: {  	s0 =	sand.u32 $0x1, s1  }
0x8c: {  	s14 =	sshll.u32 s0, $0xA;
	s2 =	sadd.s32 s3, s2  }
0x8d: {  	s2 =	sadd.s32 s2, s14  }
0x8e: {  	[smem:$0x3FAA] =	sst s2  }
0x8f: {  	_ = 	snop  }
0x90: {  	s2 =	sld [smem:$0x3FD0];
	_ =	sdelay $0x2  }
0x91: {  	s15 =	simm.s32 $0xA;
	s4 =	simm.s32 $0x10  }
0x92: {  	[smem:s4], [sflag:s15] =	dma.local [hbm:s2], $0x1  }
0x93: {  	_ =	swait.eq [sflag:s15], $0x1  }
0x94: {  	[sflag:s15] =	ssyncset.done $0x0  }
0x95: {  	s16 =	sld [smem:$0x11];
	[sflag:s15] =	ssyncadd.s32 $0xFFFFFFFF  }
0x96: {  	s17 =	sld [smem:$0x12];
	(tm) =	ssettm $0x1  }
0x97: {  	s18 =	sld [smem:$0x3FFB];
	_ =	sdelay $0x3  }
0x98: {  	_ =	strace s18  }
0x99: {  	s4 =	sld [smem:$0x3FFC];
	_ =	sdelay $0x3  }
0x9a: {  	_ =	strace s4  }
0x9b: {  	s4 =	sld [smem:$0x3FFD];
	_ =	sdelay $0x3  }
0x9c: {  	_ =	strace s4  }
0x9d: {  	_ =	strace $0x8FFFFFFF  }
0x9e: {  	s19 =	sld [smem:$0x3FDB];
	_ =	sdelay $0x1  }
0x9f: {  	s5 =	simm.s32 $_scs_section_size  }
0xa0: {  	s6 =	simm.s32 $_size__tile_overlayer_lowered;
	s7 =	simm.s32 $_tile_overlayer_lowered  }
0xa1: {  	s22 =	simm.s32 $0x1BFF;
	s21 =	sshll.u32 s7, $0x1;
	s4 =	sadd.s32 s5, s19  }
0xa2: {  	s8 =	simm.s32 $0x0;
	s20 =	sshll.u32 s6, $0x1;
	s6 =	sadd.s32 s21, s4  }
0xa3: {  	[timem:s8], [sflag:s22] =	dma.local [hbm:s6], s20  }
0xa4: {  	_ =	swait.ge [sflag:s22], s20  }
0xa5: {  	s5 =	ssub.s32 $0x0, s20;
	[sflag:s22] =	ssyncset.done $0x0  }
0xa6: {  	[sflag:s22] =	ssyncadd.s32 s5;
	_ =	sdelay $0x1  }
0xa7: {  	s23 =	simm.s32 $0x1B8B  }
0xa8: {  	_ =	swait.ge [sflag:s23], $0x1  }
0xa9: {  	[sflag:s23] =	ssyncset.done $0x0  }
0xaa: {  	s25 =	simm.s32 $0x1B8E;
	s24 =	sld [smem:$0x3FFE];
	[sflag:s23] =	ssyncadd.s32 $0xFFFFFFFF  }
0xab: {  	s26 =	simm.s32 $execute0_lowered;
	[smem:$0x3FD2] =	sst s25  }
0xac: {  	s6 =	sshll.u32 s26, $0x1;
	_ =	strace $0x80000049;
	[dreg:$0x1] =	wrdreg $0xFFFFFFFF  }
0xad: {  	s28 =	simm.s32 $_size_execute0_lowered;
	s4 =	sadd.s32 s4, s6;
	[dreg:$0x0] =	wrdreg $0x0  }
0xae: {  	s6 =	sshll.u32 s28, $0x1;
	[dreg:$0x2] =	wrdreg s4  }
0xaf: {  	[dreg:$0x3] =	wrdreg s6  }
0xb0: {  	[dreg:$0x4] =	wrdreg $0xC0  }
0xb1: {  	_ =	task [dreg:s8], $0x5FFFF  }
0xb2: {  	[dreg:$0x1] =	wrdreg $0xFFFFFFFF  }
0xb3: {  	[dreg:$0x0] =	wrdreg $0x60  }
0xb4: {  	[dreg:$0x2] =	wrdreg s17  }
0xb5: {  	[dreg:$0x3] =	wrdreg s24  }
0xb6: {  	[dreg:$0x4] =	wrdreg s16  }
0xb7: {  	[dreg:$0x5] =	wrdreg $0x8F000  }
0xb8: {  	[dreg:$0x6] =	wrdreg $0x9  }
0xb9: {  	_ =	task.clear_ibuf [dreg:s8], $0x7FFFF;
	_ =	strace $0x90000049  }
0xba: {  	s29 =	simm.s32 $0x9;
	_ =	strace $0x8000004B  }
0xbb: {  	_ =	swait.ge [sflag:s29], $0x1  }
0xbc: {  	[sflag:s29] =	ssyncadd.s32 $0xFFFFFFFF  }
0xbd: {  	_ =	strace $0x9000004B  }
0xbe: {  	_ =	sfence  }
0xbf: {  	s30 =	sld [smem:$0x0];
	_ =	sdelay $0x2  }
0xc0: {  	s31 =	sshll.u32 s1, $0xD;
	s1 =	sshrl.u32 s1, $0x2  }
0xc1: {  	s3 =	sand.u32 $0x4000, s31;
	s1 =	sadd.s32 s1, s30  }
0xc2: {  	s0 =	sor.u32 s3, s0;
	s1 =	sshll.u32 s1, $0x11  }
0xc3: {  	s0 =	sor.u32 s1, s0  }
0xc4: {  	s0 =	sadd.s32 $0x8F2B, s0  }
0xc5: {  	[sflag:s0] =	ssyncadd.remote.s32 $0x1  }
0xc6: {  	_ =	sfence.sel $0xFFFF  }
0xc7: {  	[dreg:$0x0] =	wrdreg $0xFFFFFFFF;
	(pc) =	sbr.abs _section_cstart, $3  }
0xc8: {  	[dreg:$0x1] =	wrdreg $0xFFFFFFFF  }
0xc9: {  	_ =	task.clear_ibuf [dreg:s8], $0x2FFFF;
	_ =	strace $0x9FFFFFFF  }
0xca: {  	(tm) =	ssettm $0x7FFFFFFF  }
0xcb: {  	_ =	shalt  }
tec
execute0_lowered:
.L_overlay_start_1:
0x0: {  	(tag) =	ssettag $0x1  }
0x1: {  	s3 =	rddreg [dreg:$0x0]  }
0x2: {  	s2 =	rddreg [dreg:$0x1]  }
0x3: {  	s29 =	stileid.u32;
	s4 =	rddreg [dreg:$0x2]  }
0x4: {  	s6 =	srdreg.scid;
	s0 =	sshrl.u32 s29, $0x3;
	s5 =	sshll.u32 s29, $0x7  }
0x5: {  	s19 =	sand.u32 $0x1, s6;
	s24 =	smul.u32 $0x13C00, s29;
	s20 =	sadd.s32 $0xA800, s2  }
0x6: {  	s0 =	smul.u32 $0x13C00, s0;
	s5 =	sand.u32 $0x380, s5;
	s22 =	ssub.s32 $0x2, s19  }
0x7: {  	s21 =	smul.u32 $0x27100, s19;
	s7 =	sshrl.u32 s22, $0x1;
	s6 =	sadd.s32 $0x4000, s24  }
0x8: {  	s8 =	sadd.s32 $0x6000, s24;
	s9 =	sadd.s32 $0x7000, s24;
	s10 =	sadd.s32 $0x8000, s24  }
0x9: {  	s11 =	sadd.s32 $0x9000, s24;
	s12 =	sadd.s32 $0xA000, s24;
	s13 =	sadd.s32 $0xB000, s24  }
0xa: {  	s14 =	sadd.s32 $0xC000, s24;
	s15 =	sadd.s32 $0xD000, s24;
	s16 =	sadd.s32 $0xE000, s24  }
0xb: {  	s18 =	sadd.s32 $0xF000, s24;
	s0 =	sor.u32 s5, s0;
	s17 =	ssub.s32 s22, s7  }
0xc: {  	s5 =	sadd.s32 $0x3000, s24;
	s7 =	sadd.s32 $0x5000, s24;
	s23 =	sshrl.u32 s0, $0x3  }
0xd: {  	s3 =	sadd.s32 s3, s21;
	s21 =	sadd.s32 $0x11000, s24;
	s25 =	sadd.s32 s4, s23  }
0xe: {  	s22 =	sadd.s32 $0x12000, s24;
	[dreg:$0x5] =	wrdreg s25;
	s25 =	smul.u32 $0x13C000, s19  }
0xf: {  	s0 =	sadd.s32 s23, s2;
	s2 =	sadd.s32 $0x1000, s24;
	s4 =	sadd.s32 $0x2000, s24  }
0x10: {  	s23 =	sadd.s32 $0x13000, s24;
	s19 =	sadd.s32 $0x10000, s24;
	s24 =	sadd.s32 s24, s25  }
0x11: {  	s24 =	sshrl.u32 s24, $0x3  }
0x12: {  	s26 =	sadd.s32 s25, s2;
	s28 =	sadd.s32 s25, s4;
	s24 =	sadd.s32 s20, s24  }
0x13: {  	[dreg:$0x6] =	wrdreg s24;
	s24 =	sshrl.u32 s26, $0x3;
	s26 =	sshrl.u32 s28, $0x3  }
0x14: {  	s26 =	sadd.s32 s20, s26  }
0x15: {  	s24 =	sadd.s32 s20, s24;
	[dreg:$0x8] =	wrdreg s26;
	s26 =	sadd.s32 s25, s5  }
0x16: {  	[dreg:$0x7] =	wrdreg s24;
	s24 =	sshrl.u32 s26, $0x3  }
0x17: {  	s28 =	sadd.s32 s25, s7;
	s26 =	sadd.s32 s25, s6;
	s24 =	sadd.s32 s20, s24  }
0x18: {  	[dreg:$0x9] =	wrdreg s24;
	s24 =	sshrl.u32 s26, $0x3;
	s26 =	sshrl.u32 s28, $0x3  }
0x19: {  	s26 =	sadd.s32 s20, s26  }
0x1a: {  	s24 =	sadd.s32 s20, s24;
	[dreg:$0xb] =	wrdreg s26;
	s26 =	sadd.s32 s25, s8  }
0x1b: {  	[dreg:$0xa] =	wrdreg s24;
	s24 =	sshrl.u32 s26, $0x3  }
0x1c: {  	s28 =	sadd.s32 s25, s10;
	s26 =	sadd.s32 s25, s9;
	s24 =	sadd.s32 s20, s24  }
0x1d: {  	[dreg:$0xc] =	wrdreg s24;
	s24 =	sshrl.u32 s26, $0x3;
	s26 =	sshrl.u32 s28, $0x3  }
0x1e: {  	s26 =	sadd.s32 s20, s26  }
0x1f: {  	s24 =	sadd.s32 s20, s24;
	[dreg:$0xe] =	wrdreg s26;
	s26 =	sadd.s32 s25, s11  }
0x20: {  	[dreg:$0xd] =	wrdreg s24;
	s24 =	sshrl.u32 s26, $0x3  }
0x21: {  	s28 =	sadd.s32 s25, s13;
	s26 =	sadd.s32 s25, s12;
	s24 =	sadd.s32 s20, s24  }
0x22: {  	[dreg:$0xf] =	wrdreg s24;
	s24 =	sshrl.u32 s26, $0x3;
	s26 =	sshrl.u32 s28, $0x3  }
0x23: {  	s26 =	sadd.s32 s20, s26  }
0x24: {  	s24 =	sadd.s32 s20, s24;
	[dreg:$0x11] =	wrdreg s26;
	s26 =	sadd.s32 s25, s14  }
0x25: {  	[dreg:$0x10] =	wrdreg s24;
	s24 =	sshrl.u32 s26, $0x3  }
0x26: {  	s28 =	sadd.s32 s25, s16;
	s26 =	sadd.s32 s25, s15;
	s24 =	sadd.s32 s20, s24  }
0x27: {  	[dreg:$0x12] =	wrdreg s24;
	s24 =	sshrl.u32 s26, $0x3;
	s26 =	sshrl.u32 s28, $0x3  }
0x28: {  	s26 =	sadd.s32 s20, s26  }
0x29: {  	s24 =	sadd.s32 s20, s24;
	[dreg:$0x14] =	wrdreg s26;
	s26 =	sadd.s32 s25, s18  }
0x2a: {  	[dreg:$0x13] =	wrdreg s24;
	s24 =	sshrl.u32 s26, $0x3  }
0x2b: {  	s28 =	sadd.s32 s25, s21;
	s26 =	sadd.s32 s25, s19;
	s24 =	sadd.s32 s20, s24  }
0x2c: {  	[dreg:$0x15] =	wrdreg s24;
	s24 =	sshrl.u32 s26, $0x3;
	s26 =	sshrl.u32 s28, $0x3  }
0x2d: {  	s26 =	sadd.s32 s20, s26  }
0x2e: {  	s24 =	sadd.s32 s20, s24;
	[dreg:$0x17] =	wrdreg s26;
	s26 =	sadd.s32 s25, s22  }
0x2f: {  	s1 =	simm.s32 $0x0;
	[dreg:$0x16] =	wrdreg s24;
	s24 =	sshrl.u32 s26, $0x3  }
0x30: {  	[smem:$0x7FF] =	sst s1;
	s25 =	sadd.s32 s25, s23;
	s24 =	sadd.s32 s20, s24  }
0x31: {  	s26 =	smul.u32 $0x4F000, s29;
	s25 =	sshrl.u32 s25, $0x3;
	[dreg:$0x18] =	wrdreg s24  }
0x32: {  	s20 =	sadd.s32 s20, s25;
	s24 =	rddreg [dreg:$0x3]  }
0x33: {  	s0 =	sadd.s32 $0x5800, s0;
	[dreg:$0x19] =	wrdreg s20;
	s25 =	sshrl.u32 s26, $0x2  }
0x34: {  	_ =	strace $0x8000004A;
	[dreg:$0x1a] =	wrdreg s0;
	s26 =	sadd.s32 s25, s24  }
0x35: {  	s30 =	simm.s32 $0x7;
	s2 =	sadd.s32 s2, s24;
	[dreg:$0x1b] =	wrdreg s26  }
0x36: {  	s31 =	simm.s32 $0x8;
	s8 =	sadd.s32 s8, s24;
	[dreg:$0x1c] =	wrdreg s2  }
0x37: {  	s28 =	simm.s32 $0x5;
	s9 =	sadd.s32 s9, s24;
	[dreg:$0x1d] =	wrdreg s8  }
0x38: {  	s29 =	simm.s32 $0x4;
	s10 =	sadd.s32 s10, s24;
	[dreg:$0x1e] =	wrdreg s9  }
0x39: {  	s4 =	sadd.s32 s4, s24;
	s11 =	sadd.s32 s11, s24;
	[dreg:$0x1f] =	wrdreg s10  }
0x3a: {  	s5 =	sadd.s32 s5, s24;
	s12 =	sadd.s32 s12, s24;
	[smem:$0x7F6] =	sst s11  }
0x3b: {  	s6 =	sadd.s32 s6, s24;
	s13 =	sadd.s32 s13, s24;
	[smem:$0x7F7] =	sst s12  }
0x3c: {  	s7 =	sadd.s32 s7, s24;
	s14 =	sadd.s32 s14, s24;
	[smem:$0x7F8] =	sst s13  }
0x3d: {  	s15 =	sadd.s32 s15, s24;
	s20 =	sadd.s32 s16, s24;
	[smem:$0x7F9] =	sst s14  }
0x3e: {  	s25 =	sadd.s32 s18, s24;
	s16 =	sadd.s32 s23, s24;
	[smem:$0x7FA] =	sst s15  }
0x3f: {  	s23 =	simm.s32 $0x4F00;
	s18 =	simm.s32 $0x2;
	[smem:$0x7FB] =	sst s20  }
.Ltmp0:
0x40: {  	[smem:$0x7FC] =	sst s25;
	s13 =	sadd.s32 s19, s24;
	(pc) =	sbr.rel .LBB2_1-.Ltmp0, $4  }
0x41: {  	s14 =	sadd.s32 s21, s24;
	s15 =	sadd.s32 s22, s24;
	s26 =	smax.u32 s17, $0x1  }
0x42: {  	s20 =	simm.s32 $0x9;
	s25 =	simm.s32 $0x20;
	s19 =	simm.s32 $0x6F00  }
0x43: {  	s21 =	simm.s32 $0x1;
	s17 =	simm.s32 $0x7F00;
	s22 =	simm.s32 $0x0  }
0x44: {  	v0 =	vimm.f32 $0.0e+00;
	s12 =	simm.s32 $0x80;
	[smem:$0x7FD] =	sst s26;
	s26 =	simm.s32 $0x5F00  }
.LBB2_6:
0x45: {  	_ =	swait.ge [sflag:s31], $0x1000  }
0x46: {  	[sflag:s31] =	ssyncset.done $0x0  }
0x47: {  	[sflag:s31] =	ssyncadd.s32 $0xFFFFF000  }
0x48: {  	[bflag:$0x0] =	sbarrier.arrive $0xFFFF  }
0x49: {  	s0 =	rddreg [dreg:$0x1b]  }
0x4a: {  	[tilespmem:s23], [sflag:$0x9] =	stream.linear.gather [spmem:s0], $0x1000, $0x38;
	[tilespmem:$0x1CB00] =	vst v63  }
0x4b: {  	_ =	swait.ge [sflag:s20], $0x1000  }
0x4c: {  	[sflag:s20] =	ssyncset.done $0x0  }
0x4d: {  	s5 =	rddreg [dreg:$0x6];
	[sflag:s20] =	ssyncadd.s32 $0xFFFFF000  }
0x4e: {  	[hbm4b:s5+s1] =	stream.linear.scatter [tilespmem:s23], [sflag:$0x9], $0x1000, $0x38;
	[tilespmem:$0x1CB00] =	vst v63  }
0x4f: {  	_ =	swait.ge [sflag:s20], $0x1000  }
0x50: {  	[sflag:s20] =	ssyncset.done $0x0  }
0x51: {  	s6 =	rddreg [dreg:$0x1c];
	[sflag:s20] =	ssyncadd.s32 $0xFFFFF000  }
0x52: {  	[tilespmem:s23], [sflag:$0x9] =	stream.linear.gather [spmem:s6], $0x1000, $0x38;
	[tilespmem:$0x1CB00] =	vst v63  }
0x53: {  	_ =	swait.ge [sflag:s20], $0x1000  }
0x54: {  	[sflag:s20] =	ssyncset.done $0x0  }
0x55: {  	s7 =	rddreg [dreg:$0x7];
	[sflag:s20] =	ssyncadd.s32 $0xFFFFF000  }
0x56: {  	[hbm4b:s7+s1] =	stream.linear.scatter [tilespmem:s23], [sflag:$0x9], $0x1000, $0x38;
	[tilespmem:$0x1CB00] =	vst v63  }
0x57: {  	_ =	swait.ge [sflag:s20], $0x1000  }
0x58: {  	[sflag:s20] =	ssyncset.done $0x0  }
0x59: {  	[sflag:s20] =	ssyncadd.s32 $0xFFFFF000  }
0x5a: {  	[tilespmem:s23], [sflag:$0x9] =	stream.linear.gather [spmem:s8], $0x1000, $0x38;
	[tilespmem:$0x1CB00] =	vst v63  }
0x5b: {  	_ =	swait.ge [sflag:s20], $0x1000  }
0x5c: {  	[sflag:s20] =	ssyncset.done $0x0  }
0x5d: {  	s4 =	smov.u32 s8;
	s8 =	rddreg [dreg:$0x8];
	[sflag:s20] =	ssyncadd.s32 $0xFFFFF000  }
0x5e: {  	[hbm4b:s8+s1] =	stream.linear.scatter [tilespmem:s23], [sflag:$0x9], $0x1000, $0x38;
	[tilespmem:$0x1CB00] =	vst v63  }
0x5f: {  	_ =	swait.ge [sflag:s20], $0x1000  }
0x60: {  	[sflag:s20] =	ssyncset.done $0x0  }
0x61: {  	[sflag:s20] =	ssyncadd.s32 $0xFFFFF000  }
0x62: {  	[tilespmem:s23], [sflag:$0x9] =	stream.linear.gather [spmem:s9], $0x1000, $0x38;
	[tilespmem:$0x1CB00] =	vst v63  }
0x63: {  	_ =	swait.ge [sflag:s20], $0x1000  }
0x64: {  	[sflag:s20] =	ssyncset.done $0x0  }
0x65: {  	s5 =	smov.u32 s9;
	s9 =	rddreg [dreg:$0x9];
	[sflag:s20] =	ssyncadd.s32 $0xFFFFF000  }
0x66: {  	[hbm4b:s9+s1] =	stream.linear.scatter [tilespmem:s23], [sflag:$0x9], $0x1000, $0x38;
	[tilespmem:$0x1CB00] =	vst v63  }
0x67: {  	_ =	swait.ge [sflag:s20], $0x1000  }
0x68: {  	[sflag:s20] =	ssyncset.done $0x0  }
0x69: {  	[sflag:s20] =	ssyncadd.s32 $0xFFFFF000  }
0x6a: {  	[tilespmem:s23], [sflag:$0x9] =	stream.linear.gather [spmem:s10], $0x1000, $0x38;
	[tilespmem:$0x1CB00] =	vst v63  }
0x6b: {  	_ =	swait.ge [sflag:s20], $0x1000  }
0x6c: {  	[sflag:s20] =	ssyncset.done $0x0  }
0x6d: {  	s6 =	smov.u32 s10;
	s10 =	rddreg [dreg:$0xa];
	[sflag:s20] =	ssyncadd.s32 $0xFFFFF000  }
0x6e: {  	[hbm4b:s10+s1] =	stream.linear.scatter [tilespmem:s23], [sflag:$0x9], $0x1000, $0x38;
	[tilespmem:$0x1CB00] =	vst v63  }
0x6f: {  	_ =	swait.ge [sflag:s20], $0x1000  }
0x70: {  	[sflag:s20] =	ssyncset.done $0x0  }
0x71: {  	[sflag:s20] =	ssyncadd.s32 $0xFFFFF000  }
0x72: {  	[tilespmem:s23], [sflag:$0x9] =	stream.linear.gather [spmem:s11], $0x1000, $0x38;
	[tilespmem:$0x1CB00] =	vst v63  }
0x73: {  	_ =	swait.ge [sflag:s20], $0x1000  }
0x74: {  	[sflag:s20] =	ssyncset.done $0x0  }
0x75: {  	s7 =	smov.u32 s11;
	s11 =	rddreg [dreg:$0xb];
	[sflag:s20] =	ssyncadd.s32 $0xFFFFF000  }
0x76: {  	[hbm4b:s11+s1] =	stream.linear.scatter [tilespmem:s23], [sflag:$0x9], $0x1000, $0x38;
	[tilespmem:$0x1CB00] =	vst v63  }
0x77: {  	_ =	swait.ge [sflag:s20], $0x1000  }
0x78: {  	[sflag:s20] =	ssyncset.done $0x0  }
0x79: {  	s2 =	rddreg [dreg:$0x1d];
	[sflag:s20] =	ssyncadd.s32 $0xFFFFF000  }
0x7a: {  	[tilespmem:s23], [sflag:$0x9] =	stream.linear.gather [spmem:s2], $0x1000, $0x38;
	[tilespmem:$0x1CB00] =	vst v63  }
0x7b: {  	_ =	swait.ge [sflag:s20], $0x1000  }
0x7c: {  	[sflag:s20] =	ssyncset.done $0x0  }
0x7d: {  	s8 =	rddreg [dreg:$0xc];
	[sflag:s20] =	ssyncadd.s32 $0xFFFFF000  }
0x7e: {  	[hbm4b:s8+s1] =	stream.linear.scatter [tilespmem:s23], [sflag:$0x9], $0x1000, $0x38;
	[tilespmem:$0x1CB00] =	vst v63  }
0x7f: {  	_ =	swait.ge [sflag:s20], $0x1000  }
0x80: {  	[sflag:s20] =	ssyncset.done $0x0  }
0x81: {  	s9 =	rddreg [dreg:$0x1e];
	[sflag:s20] =	ssyncadd.s32 $0xFFFFF000  }
0x82: {  	[tilespmem:s23], [sflag:$0x9] =	stream.linear.gather [spmem:s9], $0x1000, $0x38;
	[tilespmem:$0x1CB00] =	vst v63  }
0x83: {  	_ =	swait.ge [sflag:s20], $0x1000  }
0x84: {  	[sflag:s20] =	ssyncset.done $0x0  }
0x85: {  	s10 =	rddreg [dreg:$0xd];
	[sflag:s20] =	ssyncadd.s32 $0xFFFFF000  }
0x86: {  	[hbm4b:s10+s1] =	stream.linear.scatter [tilespmem:s23], [sflag:$0x9], $0x1000, $0x38;
	[tilespmem:$0x1CB00] =	vst v63  }
0x87: {  	_ =	swait.ge [sflag:s20], $0x1000  }
0x88: {  	[sflag:s20] =	ssyncset.done $0x0  }
0x89: {  	s11 =	rddreg [dreg:$0x1f];
	[sflag:s20] =	ssyncadd.s32 $0xFFFFF000  }
0x8a: {  	[tilespmem:s23], [sflag:$0x9] =	stream.linear.gather [spmem:s11], $0x1000, $0x38;
	[tilespmem:$0x1CB00] =	vst v63  }
0x8b: {  	_ =	swait.ge [sflag:s20], $0x1000  }
0x8c: {  	[sflag:s20] =	ssyncset.done $0x0  }
0x8d: {  	s2 =	rddreg [dreg:$0xe];
	[sflag:s20] =	ssyncadd.s32 $0xFFFFF000  }
0x8e: {  	[hbm4b:s2+s1] =	stream.linear.scatter [tilespmem:s23], [sflag:$0x9], $0x1000, $0x38;
	[tilespmem:$0x1CB00] =	vst v63  }
0x8f: {  	_ =	swait.ge [sflag:s20], $0x1000  }
0x90: {  	s8 =	sld [smem:$0x7F6]  }
0x91: {  	[sflag:s20] =	ssyncset.done $0x0  }
0x92: {  	[sflag:s20] =	ssyncadd.s32 $0xFFFFF000  }
0x93: {  	[tilespmem:s23], [sflag:$0x9] =	stream.linear.gather [spmem:s8], $0x1000, $0x38;
	[tilespmem:$0x1CB00] =	vst v63  }
0x94: {  	_ =	swait.ge [sflag:s20], $0x1000  }
0x95: {  	[sflag:s20] =	ssyncset.done $0x0  }
0x96: {  	s9 =	rddreg [dreg:$0xf];
	[sflag:s20] =	ssyncadd.s32 $0xFFFFF000  }
0x97: {  	[hbm4b:s9+s1] =	stream.linear.scatter [tilespmem:s23], [sflag:$0x9], $0x1000, $0x38;
	[tilespmem:$0x1CB00] =	vst v63  }
0x98: {  	_ =	swait.ge [sflag:s20], $0x1000  }
0x99: {  	s10 =	sld [smem:$0x7F7]  }
0x9a: {  	[sflag:s20] =	ssyncset.done $0x0  }
0x9b: {  	[sflag:s20] =	ssyncadd.s32 $0xFFFFF000  }
0x9c: {  	[tilespmem:s23], [sflag:$0x9] =	stream.linear.gather [spmem:s10], $0x1000, $0x38;
	[tilespmem:$0x1CB00] =	vst v63  }
0x9d: {  	_ =	swait.ge [sflag:s20], $0x1000  }
0x9e: {  	[sflag:s20] =	ssyncset.done $0x0  }
0x9f: {  	s11 =	rddreg [dreg:$0x10];
	[sflag:s20] =	ssyncadd.s32 $0xFFFFF000  }
0xa0: {  	[hbm4b:s11+s1] =	stream.linear.scatter [tilespmem:s23], [sflag:$0x9], $0x1000, $0x38;
	[tilespmem:$0x1CB00] =	vst v63  }
0xa1: {  	_ =	swait.ge [sflag:s20], $0x1000  }
0xa2: {  	s2 =	sld [smem:$0x7F8]  }
0xa3: {  	[sflag:s20] =	ssyncset.done $0x0  }
0xa4: {  	[sflag:s20] =	ssyncadd.s32 $0xFFFFF000  }
0xa5: {  	[tilespmem:s23], [sflag:$0x9] =	stream.linear.gather [spmem:s2], $0x1000, $0x38;
	[tilespmem:$0x1CB00] =	vst v63  }
0xa6: {  	_ =	swait.ge [sflag:s20], $0x1000  }
0xa7: {  	[sflag:s20] =	ssyncset.done $0x0  }
0xa8: {  	s8 =	rddreg [dreg:$0x11];
	[sflag:s20] =	ssyncadd.s32 $0xFFFFF000  }
0xa9: {  	[hbm4b:s8+s1] =	stream.linear.scatter [tilespmem:s23], [sflag:$0x9], $0x1000, $0x38;
	[tilespmem:$0x1CB00] =	vst v63  }
0xaa: {  	_ =	swait.ge [sflag:s20], $0x1000  }
0xab: {  	s9 =	sld [smem:$0x7F9]  }
0xac: {  	[sflag:s20] =	ssyncset.done $0x0  }
0xad: {  	[sflag:s20] =	ssyncadd.s32 $0xFFFFF000  }
0xae: {  	[tilespmem:s23], [sflag:$0x9] =	stream.linear.gather [spmem:s9], $0x1000, $0x38;
	[tilespmem:$0x1CB00] =	vst v63  }
0xaf: {  	_ =	swait.ge [sflag:s20], $0x1000  }
0xb0: {  	[sflag:s20] =	ssyncset.done $0x0  }
0xb1: {  	s10 =	rddreg [dreg:$0x12];
	[sflag:s20] =	ssyncadd.s32 $0xFFFFF000  }
0xb2: {  	[hbm4b:s10+s1] =	stream.linear.scatter [tilespmem:s23], [sflag:$0x9], $0x1000, $0x38;
	[tilespmem:$0x1CB00] =	vst v63  }
0xb3: {  	_ =	swait.ge [sflag:s20], $0x1000  }
0xb4: {  	s11 =	sld [smem:$0x7FA]  }
0xb5: {  	[sflag:s20] =	ssyncset.done $0x0  }
0xb6: {  	[sflag:s20] =	ssyncadd.s32 $0xFFFFF000  }
0xb7: {  	[tilespmem:s23], [sflag:$0x9] =	stream.linear.gather [spmem:s11], $0x1000, $0x38;
	[tilespmem:$0x1CB00] =	vst v63  }
0xb8: {  	_ =	swait.ge [sflag:s20], $0x1000  }
0xb9: {  	[sflag:s20] =	ssyncset.done $0x0  }
0xba: {  	s2 =	rddreg [dreg:$0x13];
	[sflag:s20] =	ssyncadd.s32 $0xFFFFF000  }
0xbb: {  	[hbm4b:s2+s1] =	stream.linear.scatter [tilespmem:s23], [sflag:$0x9], $0x1000, $0x38;
	[tilespmem:$0x1CB00] =	vst v63  }
0xbc: {  	_ =	swait.ge [sflag:s20], $0x1000  }
0xbd: {  	s8 =	sld [smem:$0x7FB]  }
0xbe: {  	[sflag:s20] =	ssyncset.done $0x0  }
0xbf: {  	[sflag:s20] =	ssyncadd.s32 $0xFFFFF000  }
0xc0: {  	[tilespmem:s23], [sflag:$0x9] =	stream.linear.gather [spmem:s8], $0x1000, $0x38;
	[tilespmem:$0x1CB00] =	vst v63  }
0xc1: {  	_ =	swait.ge [sflag:s20], $0x1000  }
0xc2: {  	[sflag:s20] =	ssyncset.done $0x0  }
0xc3: {  	s9 =	rddreg [dreg:$0x14];
	[sflag:s20] =	ssyncadd.s32 $0xFFFFF000  }
0xc4: {  	[hbm4b:s9+s1] =	stream.linear.scatter [tilespmem:s23], [sflag:$0x9], $0x1000, $0x38;
	[tilespmem:$0x1CB00] =	vst v63  }
0xc5: {  	_ =	swait.ge [sflag:s20], $0x1000  }
0xc6: {  	s10 =	sld [smem:$0x7FC]  }
0xc7: {  	[sflag:s20] =	ssyncset.done $0x0  }
0xc8: {  	[sflag:s20] =	ssyncadd.s32 $0xFFFFF000  }
0xc9: {  	[tilespmem:s23], [sflag:$0x9] =	stream.linear.gather [spmem:s10], $0x1000, $0x38;
	[tilespmem:$0x1CB00] =	vst v63  }
0xca: {  	_ =	swait.ge [sflag:s20], $0x1000  }
0xcb: {  	[sflag:s20] =	ssyncset.done $0x0  }
0xcc: {  	s11 =	rddreg [dreg:$0x15];
	[sflag:s20] =	ssyncadd.s32 $0xFFFFF000  }
0xcd: {  	[hbm4b:s11+s1] =	stream.linear.scatter [tilespmem:s23], [sflag:$0x9], $0x1000, $0x38;
	[tilespmem:$0x1CB00] =	vst v63  }
0xce: {  	_ =	swait.ge [sflag:s20], $0x1000  }
0xcf: {  	[sflag:s20] =	ssyncset.done $0x0  }
0xd0: {  	[sflag:s20] =	ssyncadd.s32 $0xFFFFF000  }
0xd1: {  	[tilespmem:s23], [sflag:$0x9] =	stream.linear.gather [spmem:s13], $0x1000, $0x38;
	[tilespmem:$0x1CB00] =	vst v63  }
0xd2: {  	_ =	swait.ge [sflag:s20], $0x1000  }
0xd3: {  	[sflag:s20] =	ssyncset.done $0x0  }
0xd4: {  	s2 =	rddreg [dreg:$0x16];
	[sflag:s20] =	ssyncadd.s32 $0xFFFFF000  }
0xd5: {  	[hbm4b:s2+s1] =	stream.linear.scatter [tilespmem:s23], [sflag:$0x9], $0x1000, $0x38;
	[tilespmem:$0x1CB00] =	vst v63  }
0xd6: {  	_ =	swait.ge [sflag:s20], $0x1000  }
0xd7: {  	[sflag:s20] =	ssyncset.done $0x0  }
0xd8: {  	[sflag:s20] =	ssyncadd.s32 $0xFFFFF000  }
0xd9: {  	[tilespmem:s23], [sflag:$0x9] =	stream.linear.gather [spmem:s14], $0x1000, $0x38;
	[tilespmem:$0x1CB00] =	vst v63  }
0xda: {  	_ =	swait.ge [sflag:s20], $0x1000  }
0xdb: {  	[sflag:s20] =	ssyncset.done $0x0  }
0xdc: {  	s8 =	rddreg [dreg:$0x17];
	[sflag:s20] =	ssyncadd.s32 $0xFFFFF000  }
0xdd: {  	[hbm4b:s8+s1] =	stream.linear.scatter [tilespmem:s23], [sflag:$0x9], $0x1000, $0x38;
	[tilespmem:$0x1CB00] =	vst v63  }
0xde: {  	_ =	swait.ge [sflag:s20], $0x1000  }
0xdf: {  	[sflag:s20] =	ssyncset.done $0x0  }
0xe0: {  	[sflag:s20] =	ssyncadd.s32 $0xFFFFF000  }
0xe1: {  	[tilespmem:s23], [sflag:$0x9] =	stream.linear.gather [spmem:s15], $0x1000, $0x38;
	[tilespmem:$0x1CB00] =	vst v63  }
0xe2: {  	_ =	swait.ge [sflag:s20], $0x1000  }
0xe3: {  	[sflag:s20] =	ssyncset.done $0x0  }
0xe4: {  	s9 =	rddreg [dreg:$0x18];
	[sflag:s20] =	ssyncadd.s32 $0xFFFFF000  }
0xe5: {  	[hbm4b:s9+s1] =	stream.linear.scatter [tilespmem:s23], [sflag:$0x9], $0x1000, $0x38;
	[tilespmem:$0x1CB00] =	vst v63  }
0xe6: {  	_ =	swait.ge [sflag:s20], $0x1000  }
0xe7: {  	[sflag:s20] =	ssyncset.done $0x0  }
0xe8: {  	[sflag:s20] =	ssyncadd.s32 $0xFFFFF000  }
0xe9: {  	[tilespmem:s23], [sflag:$0x9] =	stream.linear.gather [spmem:s16], $0xC00, $0x38;
	[tilespmem:$0x1CB00] =	vst v63  }
0xea: {  	_ =	swait.ge [sflag:s20], $0xC00  }
0xeb: {  	[sflag:s20] =	ssyncset.done $0x0  }
0xec: {  	s10 =	rddreg [dreg:$0x19];
	[sflag:s20] =	ssyncadd.s32 $0xFFFFF400  }
0xed: {  	[hbm4b:s10+s1] =	stream.linear.scatter [tilespmem:s23], [sflag:$0x9], $0xC00, $0x38;
	[tilespmem:$0x1CB00] =	vst v63  }
0xee: {  	_ =	swait.ge [sflag:s20], $0xC00  }
0xef: {  	s11 =	sld [smem:$0x7FD];
	_ =	sdelay $0x1  }
0xf0: {  	s22 =	sadd.s32 $0x1, s22  }
0xf1: {  	p0 =	sne.s32 s22, s11  }
.Ltmp1:
0xf2: {  	_ = 	snop;
	(pc) =	sbr.rel @!p0 .LBB2_7-.Ltmp1, $3  }
0xf3: {  	_ =	sdelay $0x1  }
0xf4: {  	[sflag:s20] =	ssyncset.done $0x0  }
0xf5: {  	[sflag:s20] =	ssyncadd.s32 $0xFFFFF400  }
.LBB2_1:
0xf6: {  	s0 =	rddreg [dreg:$0x1a];
	s2 =	simm.s32 $0x80;
	s8 =	simm.s32 $0x400  }
0xf7: {  	[tilespmem:s1], [sflag:$0x9] =	stream.strided.gather [hbm4b:s0+s2], $0x2780, s8, s2, $0x38;
	[tilespmem:$0x1CB00] =	vst v63  }
0xf8: {  	_ =	swait.ge [sflag:s20], $0x2780  }
0xf9: {  	[sflag:s20] =	ssyncset.done $0x0  }
0xfa: {  	s9 =	simm.s32 $0x2780;
	s11 =	rddreg [dreg:$0x5];
	[sflag:s20] =	ssyncadd.s32 $0xFFFFD880  }
0xfb: {  	[tilespmem:s9], [sflag:$0x9] =	stream.strided.gather [hbm4b:s11+s2], $0x2780, s8, s2, $0x38;
	[tilespmem:$0x1CB00] =	vst v63  }
0xfc: {  	_ =	swait.ge [sflag:s20], $0x2780  }
0xfd: {  	[sflag:s20] =	ssyncset.done $0x0  }
0xfe: {  	s0 =	simm.s32 $0x0;
	s2 =	simm.s32 $0x200;
	[sflag:s20] =	ssyncadd.s32 $0xFFFFD880  }
.LBB2_2:
0xff: {  	p0 =	sne.s32 s2, $0x3E00;
	[tilespmem:s0+$0x4F70] =	vst v0  }
0x100: {  	[tilespmem:s0+$0x4F00] =	vst v0  }
0x101: {  	[tilespmem:s0+$0x4F10] =	vst v0  }
.Ltmp2:
0x102: {  	[tilespmem:s0+$0x4F20] =	vst v0;
	(pc) =	sbr.rel @p0 .LBB2_2-.Ltmp2, $4  }
0x103: {  	[tilespmem:s0+$0x4F30] =	vst v0  }
0x104: {  	[tilespmem:s0+$0x4F40] =	vst v0  }
0x105: {  	[tilespmem:s0+$0x4F50] =	vst v0  }
0x106: {  	[tilespmem:s0+$0x4F60] =	vst v0;
	s0 =	sshra.s32 s2, $0x2;
	s2 =	sadd.s32 $0x200, s2  }
0x107: {  	[tilespmem:s0+$0x4F70] =	vst v0  }
0x108: {  	[tilespmem:s0+$0x4F00] =	vst v0  }
0x109: {  	[tilespmem:s0+$0x4F10] =	vst v0  }
0x10a: {  	[tilespmem:s0+$0x4F20] =	vst v0  }
0x10b: {  	[tilespmem:s0+$0x4F30] =	vst v0  }
0x10c: {  	[tilespmem:s0+$0x4F40] =	vst v0  }
0x10d: {  	[tilespmem:s0+$0x4F50] =	vst v0  }
0x10e: {  	[tilespmem:s0+$0x4F60] =	vst v0;
	s11 =	rddreg [dreg:$0x1b]  }
0x10f: {  	[spmem:s11] =	stream.linear.scatter [tilespmem:s23], [sflag:$0x9], $0x1000, $0x38;
	[tilespmem:$0x1CB00] =	vst v63  }
0x110: {  	_ =	swait.ge [sflag:s20], $0x1000  }
0x111: {  	[sflag:s20] =	ssyncset.done $0x0  }
0x112: {  	s2 =	rddreg [dreg:$0x1c];
	[sflag:s20] =	ssyncadd.s32 $0xFFFFF000  }
0x113: {  	[spmem:s2] =	stream.linear.scatter [tilespmem:s23], [sflag:$0x9], $0x1000, $0x38;
	[tilespmem:$0x1CB00] =	vst v63  }
0x114: {  	_ =	swait.ge [sflag:s20], $0x1000  }
0x115: {  	[sflag:s20] =	ssyncset.done $0x0  }
0x116: {  	[sflag:s20] =	ssyncadd.s32 $0xFFFFF000  }
0x117: {  	[spmem:s4] =	stream.linear.scatter [tilespmem:s23], [sflag:$0x9], $0x1000, $0x38;
	[tilespmem:$0x1CB00] =	vst v63  }
0x118: {  	_ =	swait.ge [sflag:s20], $0x1000  }
0x119: {  	[sflag:s20] =	ssyncset.done $0x0  }
0x11a: {  	[sflag:s20] =	ssyncadd.s32 $0xFFFFF000  }
0x11b: {  	[spmem:s5] =	stream.linear.scatter [tilespmem:s23], [sflag:$0x9], $0x1000, $0x38;
	[tilespmem:$0x1CB00] =	vst v63  }
0x11c: {  	_ =	swait.ge [sflag:s20], $0x1000  }
0x11d: {  	[sflag:s20] =	ssyncset.done $0x0  }
0x11e: {  	[sflag:s20] =	ssyncadd.s32 $0xFFFFF000  }
0x11f: {  	[spmem:s6] =	stream.linear.scatter [tilespmem:s23], [sflag:$0x9], $0x1000, $0x38;
	[tilespmem:$0x1CB00] =	vst v63  }
0x120: {  	_ =	swait.ge [sflag:s20], $0x1000  }
0x121: {  	[sflag:s20] =	ssyncset.done $0x0  }
0x122: {  	[sflag:s20] =	ssyncadd.s32 $0xFFFFF000  }
0x123: {  	[spmem:s7] =	stream.linear.scatter [tilespmem:s23], [sflag:$0x9], $0x1000, $0x38;
	[tilespmem:$0x1CB00] =	vst v63  }
0x124: {  	_ =	swait.ge [sflag:s20], $0x1000  }
0x125: {  	[sflag:s20] =	ssyncset.done $0x0  }
0x126: {  	s11 =	smov.u32 s7;
	s7 =	rddreg [dreg:$0x1d];
	[sflag:s20] =	ssyncadd.s32 $0xFFFFF000  }
0x127: {  	[spmem:s7] =	stream.linear.scatter [tilespmem:s23], [sflag:$0x9], $0x1000, $0x38;
	[tilespmem:$0x1CB00] =	vst v63  }
0x128: {  	_ =	swait.ge [sflag:s20], $0x1000  }
0x129: {  	[sflag:s20] =	ssyncset.done $0x0  }
0x12a: {  	s2 =	rddreg [dreg:$0x1e];
	[sflag:s20] =	ssyncadd.s32 $0xFFFFF000  }
0x12b: {  	[spmem:s2] =	stream.linear.scatter [tilespmem:s23], [sflag:$0x9], $0x1000, $0x38;
	[tilespmem:$0x1CB00] =	vst v63  }
0x12c: {  	_ =	swait.ge [sflag:s20], $0x1000  }
0x12d: {  	[sflag:s20] =	ssyncset.done $0x0  }
0x12e: {  	s8 =	smov.u32 s4;
	s4 =	rddreg [dreg:$0x1f];
	[sflag:s20] =	ssyncadd.s32 $0xFFFFF000  }
0x12f: {  	[spmem:s4] =	stream.linear.scatter [tilespmem:s23], [sflag:$0x9], $0x1000, $0x38;
	[tilespmem:$0x1CB00] =	vst v63  }
0x130: {  	_ =	swait.ge [sflag:s20], $0x1000  }
0x131: {  	s9 =	smov.u32 s5;
	s5 =	sld [smem:$0x7F6]  }
0x132: {  	[sflag:s20] =	ssyncset.done $0x0  }
0x133: {  	[sflag:s20] =	ssyncadd.s32 $0xFFFFF000  }
0x134: {  	[spmem:s5] =	stream.linear.scatter [tilespmem:s23], [sflag:$0x9], $0x1000, $0x38;
	[tilespmem:$0x1CB00] =	vst v63  }
0x135: {  	_ =	swait.ge [sflag:s20], $0x1000  }
0x136: {  	s10 =	smov.u32 s6;
	s6 =	sld [smem:$0x7F7]  }
0x137: {  	[sflag:s20] =	ssyncset.done $0x0  }
0x138: {  	[sflag:s20] =	ssyncadd.s32 $0xFFFFF000  }
0x139: {  	[spmem:s6] =	stream.linear.scatter [tilespmem:s23], [sflag:$0x9], $0x1000, $0x38;
	[tilespmem:$0x1CB00] =	vst v63  }
0x13a: {  	_ =	swait.ge [sflag:s20], $0x1000  }
0x13b: {  	s7 =	sld [smem:$0x7F8]  }
0x13c: {  	[sflag:s20] =	ssyncset.done $0x0  }
0x13d: {  	[sflag:s20] =	ssyncadd.s32 $0xFFFFF000  }
0x13e: {  	[spmem:s7] =	stream.linear.scatter [tilespmem:s23], [sflag:$0x9], $0x1000, $0x38;
	[tilespmem:$0x1CB00] =	vst v63  }
0x13f: {  	_ =	swait.ge [sflag:s20], $0x1000  }
0x140: {  	s2 =	sld [smem:$0x7F9]  }
0x141: {  	[sflag:s20] =	ssyncset.done $0x0  }
0x142: {  	[sflag:s20] =	ssyncadd.s32 $0xFFFFF000  }
0x143: {  	[spmem:s2] =	stream.linear.scatter [tilespmem:s23], [sflag:$0x9], $0x1000, $0x38;
	[tilespmem:$0x1CB00] =	vst v63  }
0x144: {  	_ =	swait.ge [sflag:s20], $0x1000  }
0x145: {  	s4 =	sld [smem:$0x7FA]  }
0x146: {  	[sflag:s20] =	ssyncset.done $0x0  }
0x147: {  	[sflag:s20] =	ssyncadd.s32 $0xFFFFF000  }
0x148: {  	[spmem:s4] =	stream.linear.scatter [tilespmem:s23], [sflag:$0x9], $0x1000, $0x38;
	[tilespmem:$0x1CB00] =	vst v63  }
0x149: {  	_ =	swait.ge [sflag:s20], $0x1000  }
0x14a: {  	s5 =	sld [smem:$0x7FB]  }
0x14b: {  	[sflag:s20] =	ssyncset.done $0x0  }
0x14c: {  	[sflag:s20] =	ssyncadd.s32 $0xFFFFF000  }
0x14d: {  	[spmem:s5] =	stream.linear.scatter [tilespmem:s23], [sflag:$0x9], $0x1000, $0x38;
	[tilespmem:$0x1CB00] =	vst v63  }
0x14e: {  	_ =	swait.ge [sflag:s20], $0x1000  }
0x14f: {  	s6 =	sld [smem:$0x7FC]  }
0x150: {  	[sflag:s20] =	ssyncset.done $0x0  }
0x151: {  	[sflag:s20] =	ssyncadd.s32 $0xFFFFF000  }
0x152: {  	[spmem:s6] =	stream.linear.scatter [tilespmem:s23], [sflag:$0x9], $0x1000, $0x38;
	[tilespmem:$0x1CB00] =	vst v63  }
0x153: {  	_ =	swait.ge [sflag:s20], $0x1000  }
0x154: {  	[sflag:s20] =	ssyncset.done $0x0  }
0x155: {  	[sflag:s20] =	ssyncadd.s32 $0xFFFFF000  }
0x156: {  	[spmem:s13] =	stream.linear.scatter [tilespmem:s23], [sflag:$0x9], $0x1000, $0x38;
	[tilespmem:$0x1CB00] =	vst v63  }
0x157: {  	_ =	swait.ge [sflag:s20], $0x1000  }
0x158: {  	[sflag:s20] =	ssyncset.done $0x0  }
0x159: {  	[sflag:s20] =	ssyncadd.s32 $0xFFFFF000  }
0x15a: {  	[spmem:s14] =	stream.linear.scatter [tilespmem:s23], [sflag:$0x9], $0x1000, $0x38;
	[tilespmem:$0x1CB00] =	vst v63  }
0x15b: {  	_ =	swait.ge [sflag:s20], $0x1000  }
0x15c: {  	[sflag:s20] =	ssyncset.done $0x0  }
0x15d: {  	[sflag:s20] =	ssyncadd.s32 $0xFFFFF000  }
0x15e: {  	[spmem:s15] =	stream.linear.scatter [tilespmem:s23], [sflag:$0x9], $0x1000, $0x38;
	[tilespmem:$0x1CB00] =	vst v63  }
0x15f: {  	_ =	swait.ge [sflag:s20], $0x1000  }
0x160: {  	[sflag:s20] =	ssyncset.done $0x0  }
0x161: {  	[sflag:s20] =	ssyncadd.s32 $0xFFFFF000  }
0x162: {  	[spmem:s16] =	stream.linear.scatter [tilespmem:s23], [sflag:$0x9], $0xC00, $0x38;
	[tilespmem:$0x1CB00] =	vst v63  }
0x163: {  	_ =	swait.ge [sflag:s20], $0xC00  }
0x164: {  	[sflag:s20] =	ssyncset.done $0x0  }
0x165: {  	[sflag:s20] =	ssyncadd.s32 $0xFFFFF400  }
0x166: {  	s0 =	simm.s32 $0x0;
	[bflag:$0x0] =	sbarrier.arrive $0xFFFF  }
0x167: {  	[tilespmem:s23], [sflag:$0x1] =	stream.indirect.gather [hbm4b:s3+s25], $0x80, s0, s25, $0xb8;
	[tilespmem:$0x1CB00] =	vst v63  }
0x168: {  	_ = 	snop  }
0x169: {  	[tilespmem:s26], [sflag:$0x2] =	stream.indirect.gather [hbm4b:s3+s25], $0x80, s25, s25, $0xb8;
	[tilespmem:$0x1CB00] =	vst v63  }
0x16a: {  	s2 =	simm.s32 $0x40  }
0x16b: {  	[tilespmem:s19], [sflag:$0x3] =	stream.indirect.gather [hbm4b:s3+s25], $0x80, s2, s25, $0xb8;
	[tilespmem:$0x1CB00] =	vst v63  }
0x16c: {  	_ =	swait.ge [sflag:s21], $0x1000  }
0x16d: {  	[sflag:s21] =	ssyncset.done $0x0  }
0x16e: {  	s7 =	simm.s32 $0x2780;
	[sflag:s21] =	ssyncadd.s32 $0xFFFFF000  }
0x16f: {  	[spmem:s24] =	stream.indirect.scatter.add.f32 [tilespmem:s23], [sflag:$0x5], $0x80, s7, s25, $0xb8;
	[tilespmem:$0x1CB00] =	vst v63  }
0x170: {  	s4 =	simm.s32 $0x60  }
0x171: {  	[tilespmem:s17], [sflag:$0x4] =	stream.indirect.gather [hbm4b:s3+s25], $0x80, s4, s25, $0xb8;
	[tilespmem:$0x1CB00] =	vst v63  }
0x172: {  	_ =	swait.ge [sflag:s18], $0x1000  }
0x173: {  	[sflag:s18] =	ssyncset.done $0x0  }
0x174: {  	s5 =	simm.s32 $0x27A0;
	[sflag:s18] =	ssyncadd.s32 $0xFFFFF000  }
0x175: {  	[spmem:s24] =	stream.indirect.scatter.add.f32 [tilespmem:s26], [sflag:$0x6], $0x80, s5, s25, $0xb8;
	[tilespmem:$0x1CB00] =	vst v63  }
0x176: {  	_ =	swait.ge [sflag:s28], $0x1000  }
0x177: {  	[sflag:s28] =	ssyncset.done $0x0  }
0x178: {  	s6 =	simm.s32 $0x3;
	[sflag:s28] =	ssyncadd.s32 $0xFFFFF000  }
0x179: {  	[tilespmem:s23], [sflag:$0x1] =	stream.indirect.gather [hbm4b:s3+s25], $0x80, s12, s25, $0xb8;
	[tilespmem:$0x1CB00] =	vst v63  }
0x17a: {  	_ =	swait.ge [sflag:s6], $0x1000  }
0x17b: {  	[sflag:s6] =	ssyncset.done $0x0  }
0x17c: {  	s7 =	simm.s32 $0x27C0;
	s4 =	simm.s32 $0x6;
	[sflag:s6] =	ssyncadd.s32 $0xFFFFF000  }
0x17d: {  	[spmem:s24] =	stream.indirect.scatter.add.f32 [tilespmem:s19], [sflag:$0x7], $0x80, s7, s25, $0xb8;
	[tilespmem:$0x1CB00] =	vst v63  }
0x17e: {  	_ =	swait.ge [sflag:s4], $0x1000  }
0x17f: {  	[sflag:s4] =	ssyncset.done $0x0  }
0x180: {  	s5 =	simm.s32 $0xA0;
	[sflag:s4] =	ssyncadd.s32 $0xFFFFF000  }
0x181: {  	[tilespmem:s26], [sflag:$0x2] =	stream.indirect.gather [hbm4b:s3+s25], $0x80, s5, s25, $0xb8;
	[tilespmem:$0x1CB00] =	vst v63  }
0x182: {  	_ =	swait.ge [sflag:s29], $0x1000  }
0x183: {  	[sflag:s29] =	ssyncset.done $0x0  }
0x184: {  	s6 =	simm.s32 $0x27E0;
	[sflag:s29] =	ssyncadd.s32 $0xFFFFF000  }
0x185: {  	[spmem:s24] =	stream.indirect.scatter.add.f32 [tilespmem:s17], [sflag:$0x8], $0x80, s6, s25, $0xb8;
	[tilespmem:$0x1CB00] =	vst v63  }
0x186: {  	_ =	swait.ge [sflag:s30], $0x1000  }
0x187: {  	[sflag:s30] =	ssyncset.done $0x0  }
0x188: {  	s7 =	simm.s32 $0xC0;
	[sflag:s30] =	ssyncadd.s32 $0xFFFFF000  }
0x189: {  	[tilespmem:s19], [sflag:$0x3] =	stream.indirect.gather [hbm4b:s3+s25], $0x80, s7, s25, $0xb8;
	[tilespmem:$0x1CB00] =	vst v63  }
.LBB2_4:
0x18a: {  	_ =	swait.ge [sflag:s21], $0x1000  }
0x18b: {  	s2 =	sshra.s32 s0, $0x2;
	[sflag:s21] =	ssyncset.done $0x0  }
0x18c: {  	s4 =	sadd.s32 $0x2800, s2;
	[sflag:s21] =	ssyncadd.s32 $0xFFFFF000  }
0x18d: {  	[spmem:s24] =	stream.indirect.scatter.add.f32 [tilespmem:s23], [sflag:$0x5], $0x80, s4, s25, $0xb8;
	[tilespmem:$0x1CB00] =	vst v63  }
0x18e: {  	_ =	swait.ge [sflag:s31], $0x1000  }
0x18f: {  	[sflag:s31] =	ssyncset.done $0x0  }
0x190: {  	s5 =	sadd.s32 $0xE0, s2;
	[sflag:s31] =	ssyncadd.s32 $0xFFFFF000  }
0x191: {  	[tilespmem:s17], [sflag:$0x4] =	stream.indirect.gather [hbm4b:s3+s25], $0x80, s5, s25, $0xb8;
	[tilespmem:$0x1CB00] =	vst v63  }
0x192: {  	_ =	swait.ge [sflag:s18], $0x1000  }
0x193: {  	[sflag:s18] =	ssyncset.done $0x0  }
0x194: {  	s6 =	sadd.s32 $0x2820, s2;
	[sflag:s18] =	ssyncadd.s32 $0xFFFFF000  }
0x195: {  	[spmem:s24] =	stream.indirect.scatter.add.f32 [tilespmem:s26], [sflag:$0x6], $0x80, s6, s25, $0xb8;
	[tilespmem:$0x1CB00] =	vst v63  }
0x196: {  	_ =	swait.ge [sflag:s28], $0x1000  }
0x197: {  	p0 =	seq.s32 s0, $0x9A00;
	[sflag:s28] =	ssyncset.done $0x0  }
0x198: {  	s4 =	simm.s32 @p0 $0x3;
	[sflag:s28] =	ssyncadd.s32 $0xFFFFF000  }
0x199: {  	_ =	swait.ge @p0 [sflag:s4], $0x1000  }
0x19a: {  	[sflag:s4] =	ssyncset.done @p0 $0x0  }
0x19b: {  	[sflag:s4] =	ssyncadd.s32 @p0 $0xFFFFF000;
	s4 =	sshra.s32 @p0 s0, $0x2  }
0x19c: {  	s5 =	simm.s32 @p0 $0x20;
	s6 =	simm.s32 @p0 $0x6F00;
	s4 =	sadd.s32 @p0 $0x2840, s4  }
0x19d: {  	[spmem:s24] =	stream.indirect.scatter.add.f32 @p0 [tilespmem:s6], [sflag:$0x7], $0x80, s4, s5, $0xb8;
	[tilespmem:$0x1CB00] =	vst v63  }
0x19e: {  	s4 =	simm.s32 @p0 $0x6  }
0x19f: {  	_ =	swait.ge @p0 [sflag:s4], $0x1000  }
0x1a0: {  	[sflag:s4] =	ssyncset.done @p0 $0x0  }
0x1a1: {  	[sflag:s4] =	ssyncadd.s32 @p0 $0xFFFFF000;
	s4 =	sshra.s32 @!p0 s0, $0x2  }
0x1a2: {  	s7 =	simm.s32 @!p0 $0x4F00;
	s6 =	simm.s32 @!p0 $0x20;
	s5 =	sadd.s32 @!p0 $0x100, s4  }
0x1a3: {  	[tilespmem:s7], [sflag:$0x1] =	stream.indirect.gather @!p0 [hbm4b:s3+s6], $0x80, s5, s6, $0xb8;
	[tilespmem:$0x1CB00] =	vst v63  }
0x1a4: {  	s5 =	simm.s32 @!p0 $0x3  }
0x1a5: {  	_ =	swait.ge @!p0 [sflag:s5], $0x1000  }
0x1a6: {  	[sflag:s5] =	ssyncset.done @!p0 $0x0  }
0x1a7: {  	s7 =	simm.s32 @!p0 $0x6F00;
	[sflag:s5] =	ssyncadd.s32 @!p0 $0xFFFFF000;
	s5 =	sadd.s32 @!p0 $0x2840, s4  }
0x1a8: {  	[spmem:s24] =	stream.indirect.scatter.add.f32 @!p0 [tilespmem:s7], [sflag:$0x7], $0x80, s5, s6, $0xb8;
	[tilespmem:$0x1CB00] =	vst v63  }
0x1a9: {  	s5 =	simm.s32 @!p0 $0x6  }
0x1aa: {  	_ =	swait.ge @!p0 [sflag:s5], $0x1000  }
0x1ab: {  	[sflag:s5] =	ssyncset.done @!p0 $0x0  }
0x1ac: {  	s4 =	sadd.s32 @!p0 $0x120, s4;
	[sflag:s5] =	ssyncadd.s32 @!p0 $0xFFFFF000;
	s5 =	simm.s32 @!p0 $0x5F00  }
0x1ad: {  	[tilespmem:s5], [sflag:$0x2] =	stream.indirect.gather @!p0 [hbm4b:s3+s6], $0x80, s4, s6, $0xb8;
	[tilespmem:$0x1CB00] =	vst v63  }
0x1ae: {  	_ =	swait.ge [sflag:s29], $0x1000  }
0x1af: {  	[sflag:s29] =	ssyncset.done $0x0  }
.Ltmp3:
0x1b0: {  	s7 =	sadd.s32 $0x2860, s2;
	[sflag:s29] =	ssyncadd.s32 $0xFFFFF000;
	(pc) =	sbr.rel @p0 .LBB2_6-.Ltmp3, $4  }
0x1b1: {  	[spmem:s24] =	stream.indirect.scatter.add.f32 [tilespmem:s17], [sflag:$0x8], $0x80, s7, s25, $0xb8;
	[tilespmem:$0x1CB00] =	vst v63  }
0x1b2: {  	_ =	swait.ge [sflag:s30], $0x1000  }
0x1b3: {  	[sflag:s30] =	ssyncset.done $0x0  }
0x1b4: {  	[sflag:s30] =	ssyncadd.s32 $0xFFFFF000  }
.Ltmp4:
0x1b5: {  	(pc) =	sbr.rel .LBB2_4-.Ltmp4, $3  }
0x1b6: {  	_ =	sdelay $0x1  }
0x1b7: {  	s2 =	sadd.s32 $0x140, s2;
	s0 =	sadd.s32 $0x200, s0  }
0x1b8: {  	[tilespmem:s19], [sflag:$0x3] =	stream.indirect.gather [hbm4b:s3+s25], $0x80, s2, s25, $0xb8;
	[tilespmem:$0x1CB00] =	vst v63  }
.LBB2_7:
0x1b9: {  	_ =	sfence.sel $0x180000  }
0x1ba: {  	[bflag:$0x0] =	sbarrier.arrive $0xFFFF  }
0x1bb: {  	_ =	strace $0x9000004A  }
0x1bc: {  	s0 =	stileid.u32;
	[bflag:$0x2] =	sbarrier.arrive $0xFFFF  }
0x1bd: {  	p0 =	sne.s32 s0, $0x0;
	s0 =	rddreg [dreg:$0x4]  }
0x1be: {  	s0 =	sadd.s32 @!p0 $0x100000, s0  }
0x1bf: {  	[sflag:s0] =	ssyncadd.tile.s32 @!p0 $0x1;
	_ =	shalt  }
.Lfunc_end2:
_tile_overlayer_lowered:
.L_overlay_start_2:
0x1c0: {  	(tag) =	ssettag $0x2  }
0x1c1: {  	s0 =	rddreg [dreg:$0x0];
	s2 =	stileid.u32  }
0x1c2: {  	s1 =	rddreg [dreg:$0x1];
	p0 =	sne.s32 s2, $0x0  }
0x1c3: {  	s3 =	rddreg [dreg:$0x2];
	[bflag:$0x3] =	sbarrier.arrive $0xFFFF;
	s2 =	simm.s32 @!p0 $0x1C09  }
0x1c4: {  	[timem:s3], [sflag:s2] =	dma.local @!p0 [hbm:s0], s1  }
0x1c5: {  	s0 =	simm.s32 @!p0 $0x9  }
0x1c6: {  	_ =	swait.ge @!p0 [sflag:s0], s1  }
0x1c7: {  	s1 =	ssub.s32 @!p0 $0x0, s1;
	[sflag:s0] =	ssyncset.done @!p0 $0x0  }
0x1c8: {  	[sflag:s0] =	ssyncadd.s32 @!p0 s1  }
0x1c9: {  	[bflag:$0x3] =	sbarrier.arrive $0xFFFF  }
0x1ca: {  	_ =	shalt  }

</sc_bundles>
